<compile_context>
chip_gen: v7x
topology: tpu7x:2x2x1
jax: 0.10.2.dev20260603
libtpu: 0.0.44.dev20260713+nightly
codegen_flags: <defaults>
</compile_context>

<pallas_src>
import functools

import jax
import jax.numpy as jnp
from jax import lax
from jax.experimental import pallas as pl
from jax.experimental.pallas import tpu as pltpu
from jax.experimental.pallas import tpu_sc as plsc

B, S, D = 1, 2048, 1024
E, FF = 64, 704
CAP = 40
THRESH = 0.2
T = B * S
EC = E * CAP
CH = 256
NCH = T // CH
NC, NS = 2, 16
NW = NC * NS
TPW = T // NW


def _router_body(x_ref, wrt_ref, ptr_ref, idx_ref, gatem_ref, perm_ref, nact_ref,
                 ol_ref, novf_ref):
    x = x_ref[...]
    logits = lax.dot_general(x, wrt_ref[...], (((1,), (1,)), ((), ())),
                             preferred_element_type=jnp.float32)
    m = jnp.max(logits, axis=-1, keepdims=True)
    s = jnp.sum(jnp.exp(logits - m), axis=-1, keepdims=True)
    top_val = 1.0 / s
    lane = lax.broadcasted_iota(jnp.int32, (T, E), 1)
    top_idx = jnp.min(jnp.where(logits == m, lane, E), axis=-1, keepdims=True)
    skip = top_val < THRESH
    gate = jnp.where(skip, 0.0, top_val)
    oh = (lane == top_idx).astype(jnp.float32)

    r = lax.broadcasted_iota(jnp.int32, (CH, CH), 0)
    c = lax.broadcasted_iota(jnp.int32, (CH, CH), 1)
    tril = (r >= c).astype(jnp.float32)
    acc = jnp.zeros((1, E), jnp.float32)
    pos_chunks = []
    for k in range(NCH):
        ohk = oh[k * CH:(k + 1) * CH, :]
        cs = jnp.dot(tril, ohk, preferred_element_type=jnp.float32) + acc
        pos_chunks.append(jnp.sum((cs - 1.0) * ohk, axis=-1, keepdims=True))
        acc = acc + jnp.sum(ohk, axis=0, keepdims=True)
    pos = jnp.concatenate(pos_chunks, axis=0)

    validf = jnp.where((pos < CAP) & (~skip), 1.0, 0.0)
    slotf = top_idx.astype(jnp.float32) * CAP + pos
    ptr = jnp.where(skip, -1,
                    jnp.where(validf > 0, slotf.astype(jnp.int32), EC))
    ptr_ref[...] = ptr

    slotv = jnp.where(validf > 0, slotf, -1.0)
    ovf = jnp.where((pos >= CAP) & (~skip), 1.0, 0.0)
    targets = lax.broadcasted_iota(jnp.int32, (1, EC), 1).astype(jnp.float32)
    otargets = lax.broadcasted_iota(jnp.int32, (1, T), 1).astype(jnp.float32)
    idxacc = jnp.zeros((1, EC), jnp.float32)
    gateacc = jnp.zeros((1, EC), jnp.float32)
    occacc = jnp.zeros((1, EC), jnp.float32)
    olacc = jnp.zeros((1, T), jnp.float32)
    oacc = jnp.zeros((1, 1), jnp.float32)
    for k in range(NCH):
        sk = slotv[k * CH:(k + 1) * CH, :]
        gk = gate[k * CH:(k + 1) * CH, :]
        tk = lax.broadcasted_iota(jnp.int32, (CH, 1), 0).astype(jnp.float32) + (k * CH)
        eq = sk == targets
        idxacc = idxacc + jnp.sum(jnp.where(eq, tk, 0.0), axis=0, keepdims=True)
        gateacc = gateacc + jnp.sum(jnp.where(eq, gk, 0.0), axis=0, keepdims=True)
        occacc = occacc + jnp.sum(jnp.where(eq, 1.0, 0.0), axis=0, keepdims=True)
        ok = ovf[k * CH:(k + 1) * CH, :]
        orank = jnp.dot(tril, ok, preferred_element_type=jnp.float32) + oacc
        eqo = (orank == otargets + 1.0) & (ok > 0)
        olacc = olacc + jnp.sum(jnp.where(eqo, tk, 0.0), axis=0, keepdims=True)
        oacc = oacc + jnp.sum(ok, axis=0, keepdims=True)
    idx_ref[...] = jnp.where(occacc > 0, idxacc, float(T)).astype(jnp.int32)
    gatem_ref[...] = gateacc
    ol_ref[...] = olacc.astype(jnp.int32)
    novf_ref[...] = oacc.astype(jnp.int32)

    counts = jnp.sum(oh * validf, axis=0, keepdims=True)
    activef = jnp.where(counts > 0, 1.0, 0.0)
    er = lax.broadcasted_iota(jnp.int32, (E, E), 0)
    ec = lax.broadcasted_iota(jnp.int32, (E, E), 1)
    upper = (er <= ec).astype(jnp.float32)
    rank = jnp.dot(activef, upper, preferred_element_type=jnp.float32)
    nact = jnp.sum(activef, axis=-1, keepdims=True)
    eye = (er == ec).astype(jnp.float32)
    rank_col = jnp.sum(jnp.broadcast_to(rank, (E, E)) * eye, axis=-1, keepdims=True)
    act_col = jnp.sum(jnp.broadcast_to(activef, (E, E)) * eye, axis=-1, keepdims=True)
    j_row = lax.broadcasted_iota(jnp.int32, (1, E), 1).astype(jnp.float32)
    e_col = lax.broadcasted_iota(jnp.int32, (E, 1), 0).astype(jnp.float32)
    hit = (rank_col == j_row + 1.0) & (act_col > 0)
    perm0 = jnp.sum(jnp.where(hit, e_col, 0.0), axis=0, keepdims=True)
    lasth = (rank_col == nact) & (act_col > 0)
    last = jnp.sum(jnp.where(lasth, e_col, 0.0))
    perm = jnp.where(j_row < nact, perm0, last).astype(jnp.int32)
    perm_ref[...] = perm
    nact_ref[...] = nact.astype(jnp.int32)


def _expert_body(perm_s, nact_s, idx_s, ol_s, novf_s,
                 x_hbm, gatem_ref, wg_ref, wu_ref, wd_ref, scout_hbm,
                 out_hbm, xe_s, ye_s, zr_s, sem_r, sem_o):
    del scout_hbm
    i = pl.program_id(0)
    n = nact_s[0]

    @pl.when(i == 0)
    def _():
        zr_s[...] = jnp.zeros_like(zr_s)

        def zbody(k, carry):
            t = ol_s[k]
            co = pltpu.make_async_copy(zr_s.at[0], out_hbm.at[t], sem_o)
            co.start()
            co.wait()
            return carry

        lax.fori_loop(0, novf_s[0], zbody, 0)

    @pl.when(i < n)
    def _():
        e = perm_s[i]
        copies = []
        for cc in range(CAP):
            t = idx_s[e * CAP + cc]
            tg = jnp.where(t < T, t, 0)
            cp = pltpu.make_async_copy(x_hbm.at[tg], xe_s.at[cc], sem_r)
            cp.start()
            copies.append(cp)
        for cp in copies:
            cp.wait()
        xe = xe_s[...]
        g = lax.dot_general(xe, wg_ref[0], (((1,), (1,)), ((), ())),
                            preferred_element_type=jnp.float32)
        u = lax.dot_general(xe, wu_ref[0], (((1,), (1,)), ((), ())),
                            preferred_element_type=jnp.float32)
        h = g * jax.nn.sigmoid(g) * u
        ye = jnp.dot(h, wd_ref[0], preferred_element_type=jnp.float32)
        gcol = gatem_ref[pl.ds(e * CAP, CAP), :]
        ye_s[...] = ye * gcol
        for cc in range(CAP):
            t = idx_s[e * CAP + cc]

            @pl.when(t < T)
            def _():
                co = pltpu.make_async_copy(ye_s.at[cc], out_hbm.at[t], sem_o)
                co.start()
                co.wait()


def _make_sc_copy():
    mesh = plsc.VectorSubcoreMesh(core_axis_name="c", subcore_axis_name="s",
                                  num_cores=NC, num_subcores=NS)

    @functools.partial(
        pl.kernel,
        out_type=jax.ShapeDtypeStruct((T, D), jnp.float32),
        mesh=mesh,
        scratch_types=[pltpu.VMEM((TPW, D), jnp.float32)],
    )
    def sccopy(x_hbm, out_hbm, chunk):
        wid = lax.axis_index("c") * NS + lax.axis_index("s")
        base = wid * TPW
        pltpu.sync_copy(x_hbm.at[pl.ds(base, TPW)], chunk)
        pltpu.sync_copy(chunk, out_hbm.at[pl.ds(base, TPW)])

    return sccopy


def kernel(hidden_states, Wr, Wg, Wu, Wd):
    x = hidden_states.reshape(T, D)

    ptr, idxm, gatem, perm, nact, ol, novf = pl.pallas_call(
        _router_body,
        out_shape=(
            jax.ShapeDtypeStruct((T, 1), jnp.int32),
            jax.ShapeDtypeStruct((1, EC), jnp.int32),
            jax.ShapeDtypeStruct((1, EC), jnp.float32),
            jax.ShapeDtypeStruct((1, E), jnp.int32),
            jax.ShapeDtypeStruct((1, 1), jnp.int32),
            jax.ShapeDtypeStruct((1, T), jnp.int32),
            jax.ShapeDtypeStruct((1, 1), jnp.int32),
        ),
    )(x, Wr.T)
    del ptr

    scout = _make_sc_copy()(x)

    out = pl.pallas_call(
        _expert_body,
        grid_spec=pltpu.PrefetchScalarGridSpec(
            num_scalar_prefetch=5,
            grid=(E,),
            in_specs=[
                pl.BlockSpec(memory_space=pltpu.MemorySpace.HBM),
                pl.BlockSpec((EC, 1), lambda i, *s: (0, 0)),
                pl.BlockSpec((1, FF, D), lambda i, *s: (s[0][i], 0, 0)),
                pl.BlockSpec((1, FF, D), lambda i, *s: (s[0][i], 0, 0)),
                pl.BlockSpec((1, FF, D), lambda i, *s: (s[0][i], 0, 0)),
                pl.BlockSpec(memory_space=pltpu.MemorySpace.HBM),
            ],
            out_specs=pl.BlockSpec(memory_space=pltpu.MemorySpace.HBM),
            scratch_shapes=[
                pltpu.VMEM((CAP, D), jnp.float32),
                pltpu.VMEM((CAP, D), jnp.float32),
                pltpu.VMEM((8, D), jnp.float32),
                pltpu.SemaphoreType.DMA,
                pltpu.SemaphoreType.DMA,
            ],
        ),
        out_shape=jax.ShapeDtypeStruct((T, D), jnp.float32),
        input_output_aliases={10: 0},
        compiler_params=pltpu.CompilerParams(
            dimension_semantics=("arbitrary",)),
    )(perm.reshape(E), nact.reshape(1), idxm.reshape(EC),
      ol.reshape(T), novf.reshape(1),
      x, gatem.reshape(EC, 1),
      jnp.swapaxes(Wg, 1, 2), jnp.swapaxes(Wu, 1, 2), Wd, scout)

    return out.reshape(B, S, D)

# --- scband reference (transcript-rebuilt; emitter-appended) ---
"""Pipeline reference for scband-skip-layer-moe-29635274342468 (READ-ONLY COPY).

The authoritative reference and input builder live on the scoring server;
editing this copy changes nothing except your own understanding.
"""

import jax, jax.numpy as jnp
import numpy as np

B, S, HIDDEN = 1, 2048, 1024
E, TOPK, FF = 64, 1, 704
THRESH = 0.2
T = B * S
CAP = int(T * TOPK / E * 1.25)  # 40


def setup_inputs(seed: int = 0) -> dict:
    key = jax.random.key(seed)
    ks = jax.random.split(key, 5)
    hidden_states = jax.random.normal(ks[0], (B, S, HIDDEN), dtype=jnp.float32)
    Wr = jax.random.normal(ks[1], (HIDDEN, E), dtype=jnp.float32) * 0.02
    Wg = jax.random.normal(ks[2], (E, HIDDEN, FF), dtype=jnp.float32) * 0.02
    Wu = jax.random.normal(ks[3], (E, HIDDEN, FF), dtype=jnp.float32) * 0.02
    Wd = jax.random.normal(ks[4], (E, FF, HIDDEN), dtype=jnp.float32) * 0.02
    return {"hidden_states": hidden_states, "Wr": Wr, "Wg": Wg, "Wu": Wu, "Wd": Wd}


def _moe_forward(x3, Wr, Wg, Wu, Wd):
    b, s, d = x3.shape
    t = b * s
    x = x3.reshape(t, d)
    # SkipRouter: softmax router with skip-if-low-confidence
    logits = x @ Wr                                  # [T, E]
    probs = jax.nn.softmax(logits, axis=-1)
    top_vals, top_idx = jax.lax.top_k(probs, TOPK)   # [T, k]
    skip = top_vals[:, 0] < THRESH                   # [T] tokens that skip the MoE layer
    gate = jnp.where(skip[:, None], 0.0, top_vals)   # [T, k]
    flat_e = top_idx.reshape(-1)                     # [T*k] token-major
    flat_gate = gate.reshape(-1)                     # [T*k]
    x_rep = jnp.repeat(x, TOPK, axis=0)              # [T*k, d] matches token-major order
    skip_rep = jnp.repeat(skip, TOPK)                # [T*k]
    # position within expert buffer via cumulative one-hot
    oh = jax.nn.one_hot(flat_e, E, dtype=jnp.int32)  # [T*k, E]
    pos = jnp.sum((jnp.cumsum(oh, axis=0) - 1) * oh, axis=1)  # [T*k]
    valid = (pos < CAP) & (~skip_rep)
    slot = jnp.where(valid, flat_e * CAP + pos, E * CAP)       # overflow/skip -> dump slot
    # scatter tokens into per-expert buffers (SparseCore scatter)
    buf = jnp.zeros((E * CAP + 1, d), dtype=x.dtype).at[slot].set(
        jnp.where(valid[:, None], x_rep, 0.0))
    xe = buf[:E * CAP].reshape(E, CAP, d)
    # DeepseekMLP (gated SiLU) per expert
    g = jnp.einsum('ecd,edf->ecf', xe, Wg)
    u = jnp.einsum('ecd,edf->ecf', xe, Wu)
    h = jax.nn.silu(g) * u
    ye = jnp.einsum('ecf,efd->ecd', h, Wd).reshape(E * CAP, d)
    ye = jnp.concatenate([ye, jnp.zeros((1, d), dtype=ye.dtype)], axis=0)
    # gather results back (SparseCore gather) and combine with gates
    y = ye[slot] * flat_gate[:, None]                # [T*k, d]
    y = y.reshape(t, TOPK, d).sum(axis=1)            # [T, d]
    # skipped tokens pass through unchanged (skip-layer behavior)
    out = jnp.where(skip[:, None], x, y)
    return out.reshape(b, s, d)


def reference(hidden_states, Wr, Wg, Wu, Wd):
    return _moe_forward(hidden_states, Wr, Wg, Wu, Wd)

if __name__ == "__main__":
    import jax
    _d = setup_inputs()
    print(jax.jit(kernel)(*tuple(_d.values())))

</pallas_src>

<mosaic_0001>
#map = affine_map<(d0, d1) -> (0, 0)>
module attributes {stable_mosaic.version = 14 : i64} {
  func.func @sccopy(%arg0: i32, %arg1: i32, %arg2: memref<2048x1024xf32, #tpu.memory_space<hbm>>, %arg3: memref<2048x1024xf32, #tpu.memory_space<hbm>>, %arg4: memref<64x1024xf32, #tpu.memory_space<vmem>>) attributes {dimension_semantics = [#tpu.dimension_semantics<core_parallel>, #tpu.dimension_semantics<subcore_parallel>], iteration_bounds = array<i64: 2, 16>, scalar_prefetch = 0 : i64, scratch_operands = 1 : i64, tpu.core_type = #tpu.core_type<sc_vector_subcore>, window_params = [{transform_indices = #map}, {transform_indices = #map}]} {
    %mul3A = arith.constant 16 : i32
    %mul3A_0 = arith.muli %arg0, %mul3A : i32
    %add3A = arith.addi %mul3A_0, %arg1 : i32
    %mul3A_1 = arith.constant 64 : i32
    %mul3A_2 = arith.muli %add3A, %mul3A_1 : i32
    "tpu.region"() ({
      %run_scoped3A = tpu.sem_alloc : memref<!tpu.dma_semaphore, #tpu.memory_space<semaphore_mem>>
      %dma_start3A = arith.constant 0 : i32
      %dma_start3A_3 = tpu.memref_slice %arg2[%mul3A_2, %dma_start3A] : memref<2048x1024xf32, #tpu.memory_space<hbm>> -> memref<64x1024xf32, #tpu.memory_space<hbm>>
      %dma_start3A_4 = arith.constant 0 : i32
      %dma_start3A_5 = tpu.memref_slice %arg2[%mul3A_2, %dma_start3A_4] : memref<2048x1024xf32, #tpu.memory_space<hbm>> -> memref<64x1024xf32, #tpu.memory_space<hbm>>
      tpu.enqueue_dma source(%dma_start3A_5 : memref<64x1024xf32, #tpu.memory_space<hbm>>) target(%arg4 : memref<64x1024xf32, #tpu.memory_space<vmem>>) target_semaphore(%run_scoped3A : memref<!tpu.dma_semaphore, #tpu.memory_space<semaphore_mem>>)
      %dma_wait3A = arith.constant 0 : i32
      %dma_wait3A_6 = tpu.memref_slice %arg2[%mul3A_2, %dma_wait3A] : memref<2048x1024xf32, #tpu.memory_space<hbm>> -> memref<64x1024xf32, #tpu.memory_space<hbm>>
      %dma_wait3A_7 = arith.constant 0 : i32
      %dma_wait3A_8 = tpu.memref_slice %arg2[%mul3A_2, %dma_wait3A_7] : memref<2048x1024xf32, #tpu.memory_space<hbm>> -> memref<64x1024xf32, #tpu.memory_space<hbm>>
      tpu.wait_dma2 semaphore(%run_scoped3A : memref<!tpu.dma_semaphore, #tpu.memory_space<semaphore_mem>>) src(%dma_wait3A_8 : memref<64x1024xf32, #tpu.memory_space<hbm>>) dst(%arg4 : memref<64x1024xf32, #tpu.memory_space<vmem>>)
      tpu.yield
    }) : () -> ()
    "tpu.region"() ({
      %run_scoped3A = tpu.sem_alloc : memref<!tpu.dma_semaphore, #tpu.memory_space<semaphore_mem>>
      %dma_start3A = arith.constant 0 : i32
      %dma_start3A_3 = tpu.memref_slice %arg3[%mul3A_2, %dma_start3A] : memref<2048x1024xf32, #tpu.memory_space<hbm>> -> memref<64x1024xf32, #tpu.memory_space<hbm>>
      %dma_start3A_4 = arith.constant 0 : i32
      %dma_start3A_5 = tpu.memref_slice %arg3[%mul3A_2, %dma_start3A_4] : memref<2048x1024xf32, #tpu.memory_space<hbm>> -> memref<64x1024xf32, #tpu.memory_space<hbm>>
      tpu.enqueue_dma source(%arg4 : memref<64x1024xf32, #tpu.memory_space<vmem>>) target(%dma_start3A_5 : memref<64x1024xf32, #tpu.memory_space<hbm>>) target_semaphore(%run_scoped3A : memref<!tpu.dma_semaphore, #tpu.memory_space<semaphore_mem>>)
      %dma_wait3A = arith.constant 0 : i32
      %dma_wait3A_6 = tpu.memref_slice %arg3[%mul3A_2, %dma_wait3A] : memref<2048x1024xf32, #tpu.memory_space<hbm>> -> memref<64x1024xf32, #tpu.memory_space<hbm>>
      %dma_wait3A_7 = arith.constant 0 : i32
      %dma_wait3A_8 = tpu.memref_slice %arg3[%mul3A_2, %dma_wait3A_7] : memref<2048x1024xf32, #tpu.memory_space<hbm>> -> memref<64x1024xf32, #tpu.memory_space<hbm>>
      tpu.wait_dma2 semaphore(%run_scoped3A : memref<!tpu.dma_semaphore, #tpu.memory_space<semaphore_mem>>) src(%arg4 : memref<64x1024xf32, #tpu.memory_space<vmem>>) dst(%dma_wait3A_8 : memref<64x1024xf32, #tpu.memory_space<hbm>>)
      tpu.yield
    }) : () -> ()
    return
  }
}

module attributes {stable_mosaic.version = 14 : i64} {
  func.func @_router_body(%arg0: memref<2048x1024xf32, #tpu.memory_space<vmem>>, %arg1: memref<64x1024xf32, #tpu.memory_space<vmem>>, %arg2: memref<2048x1xi32, #tpu.memory_space<vmem>>, %arg3: memref<1x2560xi32, #tpu.memory_space<vmem>>, %arg4: memref<1x2560xf32, #tpu.memory_space<vmem>>, %arg5: memref<1x64xi32, #tpu.memory_space<vmem>>, %arg6: memref<1x1xi32, #tpu.memory_space<vmem>>, %arg7: memref<1x2048xi32, #tpu.memory_space<vmem>>, %arg8: memref<1x1xi32, #tpu.memory_space<vmem>>) attributes {dimension_semantics = [], scalar_prefetch = 0 : i64, scratch_operands = 0 : i64, tpu.core_type = #tpu.core_type<tc>} {
    %get3A = arith.constant 0 : index
    %get3A_0 = arith.constant 0 : index
    %get3A_1 = vector.load %arg0[%get3A, %get3A_0] : memref<2048x1024xf32, #tpu.memory_space<vmem>>, vector<2048x1024xf32>
    %get3A_2 = arith.constant 0 : index
    %get3A_3 = arith.constant 0 : index
    %get3A_4 = vector.load %arg1[%get3A_2, %get3A_3] : memref<64x1024xf32, #tpu.memory_space<vmem>>, vector<64x1024xf32>
    %dot_general3A = arith.constant dense<0.000000e+00> : vector<2048x64xf32>
    %dot_general3A_5 = tpu.matmul %get3A_1, %get3A_4, %dot_general3A {dimension_numbers = #tpu.dot_dimension_numbers<[1], [1], [0], [0], [0, 0, 1, 0], [], []>, transpose_lhs_hint = false} : vector<2048x1024xf32>, vector<64x1024xf32>, vector<2048x64xf32> -> vector<2048x64xf32>
    %reduce_max3A = arith.constant dense<0xFF800000> : vector<2048xf32>
    %reduce_max3A_6 = vector.multi_reduction <maximumf>, %dot_general3A_5, %reduce_max3A [1] : vector<2048x64xf32> to vector<2048xf32>
    %broadcast_in_dim3A = vector.shape_cast %reduce_max3A_6 : vector<2048xf32> to vector<2048x1xf32>
    %sub3A = vector.broadcast %broadcast_in_dim3A : vector<2048x1xf32> to vector<2048x64xf32>
    %sub3A_7 = arith.subf %dot_general3A_5, %sub3A : vector<2048x64xf32>
    %exp3A = math.exp %sub3A_7 : vector<2048x64xf32>
    %reduce_sum3A = arith.constant dense<0.000000e+00> : vector<2048xf32>
    %reduce_sum3A_8 = vector.multi_reduction <add>, %exp3A, %reduce_sum3A [1] : vector<2048x64xf32> to vector<2048xf32>
    %broadcast_in_dim3A_9 = vector.shape_cast %reduce_sum3A_8 : vector<2048xf32> to vector<2048x1xf32>
    %div3A = arith.constant 1.000000e+00 : f32
    %div3A_10 = vector.broadcast %div3A : f32 to vector<2048x1xf32>
    %div3A_11 = arith.divf %div3A_10, %broadcast_in_dim3A_9 : vector<2048x1xf32>
    %iota3A = tpu.iota {dimensions = array<i32: 1>} : vector<2048x64xi32>
    %eq3A = vector.broadcast %broadcast_in_dim3A : vector<2048x1xf32> to vector<2048x64xf32>
    %eq3A_12 = arith.cmpf oeq, %dot_general3A_5, %eq3A : vector<2048x64xf32>
    %jit3A = arith.constant 64 : i32
    %broadcast_in_dim3A_13 = vector.broadcast %jit3A : i32 to vector<2048x64xi32>
    %select_n3A = arith.select %eq3A_12, %iota3A, %broadcast_in_dim3A_13 : vector<2048x64xi1>, vector<2048x64xi32>
    %reduce_min3A = arith.constant dense<2147483647> : vector<2048xi32>
    %reduce_min3A_14 = vector.multi_reduction <minsi>, %select_n3A, %reduce_min3A [1] : vector<2048x64xi32> to vector<2048xi32>
    %broadcast_in_dim3A_15 = vector.shape_cast %reduce_min3A_14 : vector<2048xi32> to vector<2048x1xi32>
    %lt3A = arith.constant 2.000000e-01 : f32
    %lt3A_16 = vector.broadcast %lt3A : f32 to vector<2048x1xf32>
    %lt3A_17 = arith.cmpf olt, %div3A_11, %lt3A_16 : vector<2048x1xf32>
    %jit3A_18 = arith.constant 0.000000e+00 : f32
    %broadcast_in_dim3A_19 = vector.broadcast %jit3A_18 : f32 to vector<2048x1xf32>
    %select_n3A_20 = arith.select %lt3A_17, %broadcast_in_dim3A_19, %div3A_11 : vector<2048x1xi1>, vector<2048x1xf32>
    %eq3A_21 = vector.broadcast %broadcast_in_dim3A_15 : vector<2048x1xi32> to vector<2048x64xi32>
    %eq3A_22 = arith.cmpi eq, %iota3A, %eq3A_21 : vector<2048x64xi32>
    %convert_element_type3A = arith.extui %eq3A_22 : vector<2048x64xi1> to vector<2048x64xi32>
    %convert_element_type3A_23 = arith.sitofp %convert_element_type3A : vector<2048x64xi32> to vector<2048x64xf32>
    %iota3A_24 = tpu.iota {dimensions = array<i32: 0>} : vector<256x256xi32>
    %iota3A_25 = tpu.iota {dimensions = array<i32: 1>} : vector<256x256xi32>
    %ge3A = arith.cmpi sge, %iota3A_24, %iota3A_25 : vector<256x256xi32>
    %convert_element_type3A_26 = arith.extui %ge3A : vector<256x256xi1> to vector<256x256xi32>
    %convert_element_type3A_27 = arith.sitofp %convert_element_type3A_26 : vector<256x256xi32> to vector<256x256xf32>
    %broadcast_in_dim3A_28 = arith.constant 0.000000e+00 : f32
    %broadcast_in_dim3A_29 = vector.broadcast %broadcast_in_dim3A_28 : f32 to vector<1x64xf32>
    %slice3A = vector.extract_strided_slice %convert_element_type3A_23 {offsets = [0, 0], sizes = [256, 64], strides = [1, 1]} : vector<2048x64xf32> to vector<256x64xf32>
    %dot_general3A_30 = arith.constant dense<0.000000e+00> : vector<256x64xf32>
    %dot_general3A_31 = tpu.matmul %convert_element_type3A_27, %slice3A, %dot_general3A_30 {dimension_numbers = #tpu.dot_dimension_numbers<[1], [0], [0], [1], [0, 0, 1, 1], [], []>, transpose_lhs_hint = false} : vector<256x256xf32>, vector<256x64xf32>, vector<256x64xf32> -> vector<256x64xf32>
    %add3A = vector.broadcast %broadcast_in_dim3A_29 : vector<1x64xf32> to vector<256x64xf32>
    %add3A_32 = arith.addf %dot_general3A_31, %add3A : vector<256x64xf32>
    %sub3A_33 = arith.constant 1.000000e+00 : f32
    %sub3A_34 = vector.broadcast %sub3A_33 : f32 to vector<256x64xf32>
    %sub3A_35 = arith.subf %add3A_32, %sub3A_34 : vector<256x64xf32>
    %mul3A = arith.mulf %sub3A_35, %slice3A : vector<256x64xf32>
    %reduce_sum3A_36 = arith.constant dense<0.000000e+00> : vector<256xf32>
    %reduce_sum3A_37 = vector.multi_reduction <add>, %mul3A, %reduce_sum3A_36 [1] : vector<256x64xf32> to vector<256xf32>
    %broadcast_in_dim3A_38 = vector.shape_cast %reduce_sum3A_37 : vector<256xf32> to vector<256x1xf32>
    %reduce_sum3A_39 = arith.constant dense<0.000000e+00> : vector<64xf32>
    %reduce_sum3A_40 = vector.multi_reduction <add>, %slice3A, %reduce_sum3A_39 [0] : vector<256x64xf32> to vector<64xf32>
    %broadcast_in_dim3A_41 = vector.shape_cast %reduce_sum3A_40 : vector<64xf32> to vector<1x64xf32>
    %add3A_42 = arith.addf %broadcast_in_dim3A_29, %broadcast_in_dim3A_41 : vector<1x64xf32>
    %slice3A_43 = vector.extract_strided_slice %convert_element_type3A_23 {offsets = [256, 0], sizes = [256, 64], strides = [1, 1]} : vector<2048x64xf32> to vector<256x64xf32>
    %dot_general3A_44 = arith.constant dense<0.000000e+00> : vector<256x64xf32>
    %dot_general3A_45 = tpu.matmul %convert_element_type3A_27, %slice3A_43, %dot_general3A_44 {dimension_numbers = #tpu.dot_dimension_numbers<[1], [0], [0], [1], [0, 0, 1, 1], [], []>, transpose_lhs_hint = false} : vector<256x256xf32>, vector<256x64xf32>, vector<256x64xf32> -> vector<256x64xf32>
    %add3A_46 = vector.broadcast %add3A_42 : vector<1x64xf32> to vector<256x64xf32>
    %add3A_47 = arith.addf %dot_general3A_45, %add3A_46 : vector<256x64xf32>
    %sub3A_48 = arith.constant 1.000000e+00 : f32
    %sub3A_49 = vector.broadcast %sub3A_48 : f32 to vector<256x64xf32>
    %sub3A_50 = arith.subf %add3A_47, %sub3A_49 : vector<256x64xf32>
    %mul3A_51 = arith.mulf %sub3A_50, %slice3A_43 : vector<256x64xf32>
    %reduce_sum3A_52 = arith.constant dense<0.000000e+00> : vector<256xf32>
    %reduce_sum3A_53 = vector.multi_reduction <add>, %mul3A_51, %reduce_sum3A_52 [1] : vector<256x64xf32> to vector<256xf32>
    %broadcast_in_dim3A_54 = vector.shape_cast %reduce_sum3A_53 : vector<256xf32> to vector<256x1xf32>
    %reduce_sum3A_55 = arith.constant dense<0.000000e+00> : vector<64xf32>
    %reduce_sum3A_56 = vector.multi_reduction <add>, %slice3A_43, %reduce_sum3A_55 [0] : vector<256x64xf32> to vector<64xf32>
    %broadcast_in_dim3A_57 = vector.shape_cast %reduce_sum3A_56 : vector<64xf32> to vector<1x64xf32>
    %add3A_58 = arith.addf %add3A_42, %broadcast_in_dim3A_57 : vector<1x64xf32>
    %slice3A_59 = vector.extract_strided_slice %convert_element_type3A_23 {offsets = [512, 0], sizes = [256, 64], strides = [1, 1]} : vector<2048x64xf32> to vector<256x64xf32>
    %dot_general3A_60 = arith.constant dense<0.000000e+00> : vector<256x64xf32>
    %dot_general3A_61 = tpu.matmul %convert_element_type3A_27, %slice3A_59, %dot_general3A_60 {dimension_numbers = #tpu.dot_dimension_numbers<[1], [0], [0], [1], [0, 0, 1, 1], [], []>, transpose_lhs_hint = false} : vector<256x256xf32>, vector<256x64xf32>, vector<256x64xf32> -> vector<256x64xf32>
    %add3A_62 = vector.broadcast %add3A_58 : vector<1x64xf32> to vector<256x64xf32>
    %add3A_63 = arith.addf %dot_general3A_61, %add3A_62 : vector<256x64xf32>
    %sub3A_64 = arith.constant 1.000000e+00 : f32
    %sub3A_65 = vector.broadcast %sub3A_64 : f32 to vector<256x64xf32>
    %sub3A_66 = arith.subf %add3A_63, %sub3A_65 : vector<256x64xf32>
    %mul3A_67 = arith.mulf %sub3A_66, %slice3A_59 : vector<256x64xf32>
    %reduce_sum3A_68 = arith.constant dense<0.000000e+00> : vector<256xf32>
    %reduce_sum3A_69 = vector.multi_reduction <add>, %mul3A_67, %reduce_sum3A_68 [1] : vector<256x64xf32> to vector<256xf32>
    %broadcast_in_dim3A_70 = vector.shape_cast %reduce_sum3A_69 : vector<256xf32> to vector<256x1xf32>
    %reduce_sum3A_71 = arith.constant dense<0.000000e+00> : vector<64xf32>
    %reduce_sum3A_72 = vector.multi_reduction <add>, %slice3A_59, %reduce_sum3A_71 [0] : vector<256x64xf32> to vector<64xf32>
    %broadcast_in_dim3A_73 = vector.shape_cast %reduce_sum3A_72 : vector<64xf32> to vector<1x64xf32>
    %add3A_74 = arith.addf %add3A_58, %broadcast_in_dim3A_73 : vector<1x64xf32>
    %slice3A_75 = vector.extract_strided_slice %convert_element_type3A_23 {offsets = [768, 0], sizes = [256, 64], strides = [1, 1]} : vector<2048x64xf32> to vector<256x64xf32>
    %dot_general3A_76 = arith.constant dense<0.000000e+00> : vector<256x64xf32>
    %dot_general3A_77 = tpu.matmul %convert_element_type3A_27, %slice3A_75, %dot_general3A_76 {dimension_numbers = #tpu.dot_dimension_numbers<[1], [0], [0], [1], [0, 0, 1, 1], [], []>, transpose_lhs_hint = false} : vector<256x256xf32>, vector<256x64xf32>, vector<256x64xf32> -> vector<256x64xf32>
    %add3A_78 = vector.broadcast %add3A_74 : vector<1x64xf32> to vector<256x64xf32>
    %add3A_79 = arith.addf %dot_general3A_77, %add3A_78 : vector<256x64xf32>
    %sub3A_80 = arith.constant 1.000000e+00 : f32
    %sub3A_81 = vector.broadcast %sub3A_80 : f32 to vector<256x64xf32>
    %sub3A_82 = arith.subf %add3A_79, %sub3A_81 : vector<256x64xf32>
    %mul3A_83 = arith.mulf %sub3A_82, %slice3A_75 : vector<256x64xf32>
    %reduce_sum3A_84 = arith.constant dense<0.000000e+00> : vector<256xf32>
    %reduce_sum3A_85 = vector.multi_reduction <add>, %mul3A_83, %reduce_sum3A_84 [1] : vector<256x64xf32> to vector<256xf32>
    %broadcast_in_dim3A_86 = vector.shape_cast %reduce_sum3A_85 : vector<256xf32> to vector<256x1xf32>
    %reduce_sum3A_87 = arith.constant dense<0.000000e+00> : vector<64xf32>
    %reduce_sum3A_88 = vector.multi_reduction <add>, %slice3A_75, %reduce_sum3A_87 [0] : vector<256x64xf32> to vector<64xf32>
    %broadcast_in_dim3A_89 = vector.shape_cast %reduce_sum3A_88 : vector<64xf32> to vector<1x64xf32>
    %add3A_90 = arith.addf %add3A_74, %broadcast_in_dim3A_89 : vector<1x64xf32>
    %slice3A_91 = vector.extract_strided_slice %convert_element_type3A_23 {offsets = [1024, 0], sizes = [256, 64], strides = [1, 1]} : vector<2048x64xf32> to vector<256x64xf32>
    %dot_general3A_92 = arith.constant dense<0.000000e+00> : vector<256x64xf32>
    %dot_general3A_93 = tpu.matmul %convert_element_type3A_27, %slice3A_91, %dot_general3A_92 {dimension_numbers = #tpu.dot_dimension_numbers<[1], [0], [0], [1], [0, 0, 1, 1], [], []>, transpose_lhs_hint = false} : vector<256x256xf32>, vector<256x64xf32>, vector<256x64xf32> -> vector<256x64xf32>
    %add3A_94 = vector.broadcast %add3A_90 : vector<1x64xf32> to vector<256x64xf32>
    %add3A_95 = arith.addf %dot_general3A_93, %add3A_94 : vector<256x64xf32>
    %sub3A_96 = arith.constant 1.000000e+00 : f32
    %sub3A_97 = vector.broadcast %sub3A_96 : f32 to vector<256x64xf32>
    %sub3A_98 = arith.subf %add3A_95, %sub3A_97 : vector<256x64xf32>
    %mul3A_99 = arith.mulf %sub3A_98, %slice3A_91 : vector<256x64xf32>
    %reduce_sum3A_100 = arith.constant dense<0.000000e+00> : vector<256xf32>
    %reduce_sum3A_101 = vector.multi_reduction <add>, %mul3A_99, %reduce_sum3A_100 [1] : vector<256x64xf32> to vector<256xf32>
    %broadcast_in_dim3A_102 = vector.shape_cast %reduce_sum3A_101 : vector<256xf32> to vector<256x1xf32>
    %reduce_sum3A_103 = arith.constant dense<0.000000e+00> : vector<64xf32>
    %reduce_sum3A_104 = vector.multi_reduction <add>, %slice3A_91, %reduce_sum3A_103 [0] : vector<256x64xf32> to vector<64xf32>
    %broadcast_in_dim3A_105 = vector.shape_cast %reduce_sum3A_104 : vector<64xf32> to vector<1x64xf32>
    %add3A_106 = arith.addf %add3A_90, %broadcast_in_dim3A_105 : vector<1x64xf32>
    %slice3A_107 = vector.extract_strided_slice %convert_element_type3A_23 {offsets = [1280, 0], sizes = [256, 64], strides = [1, 1]} : vector<2048x64xf32> to vector<256x64xf32>
    %dot_general3A_108 = arith.constant dense<0.000000e+00> : vector<256x64xf32>
    %dot_general3A_109 = tpu.matmul %convert_element_type3A_27, %slice3A_107, %dot_general3A_108 {dimension_numbers = #tpu.dot_dimension_numbers<[1], [0], [0], [1], [0, 0, 1, 1], [], []>, transpose_lhs_hint = false} : vector<256x256xf32>, vector<256x64xf32>, vector<256x64xf32> -> vector<256x64xf32>
    %add3A_110 = vector.broadcast %add3A_106 : vector<1x64xf32> to vector<256x64xf32>
    %add3A_111 = arith.addf %dot_general3A_109, %add3A_110 : vector<256x64xf32>
    %sub3A_112 = arith.constant 1.000000e+00 : f32
    %sub3A_113 = vector.broadcast %sub3A_112 : f32 to vector<256x64xf32>
    %sub3A_114 = arith.subf %add3A_111, %sub3A_113 : vector<256x64xf32>
    %mul3A_115 = arith.mulf %sub3A_114, %slice3A_107 : vector<256x64xf32>
    %reduce_sum3A_116 = arith.constant dense<0.000000e+00> : vector<256xf32>
    %reduce_sum3A_117 = vector.multi_reduction <add>, %mul3A_115, %reduce_sum3A_116 [1] : vector<256x64xf32> to vector<256xf32>
    %broadcast_in_dim3A_118 = vector.shape_cast %reduce_sum3A_117 : vector<256xf32> to vector<256x1xf32>
    %reduce_sum3A_119 = arith.constant dense<0.000000e+00> : vector<64xf32>
    %reduce_sum3A_120 = vector.multi_reduction <add>, %slice3A_107, %reduce_sum3A_119 [0] : vector<256x64xf32> to vector<64xf32>
    %broadcast_in_dim3A_121 = vector.shape_cast %reduce_sum3A_120 : vector<64xf32> to vector<1x64xf32>
    %add3A_122 = arith.addf %add3A_106, %broadcast_in_dim3A_121 : vector<1x64xf32>
    %slice3A_123 = vector.extract_strided_slice %convert_element_type3A_23 {offsets = [1536, 0], sizes = [256, 64], strides = [1, 1]} : vector<2048x64xf32> to vector<256x64xf32>
    %dot_general3A_124 = arith.constant dense<0.000000e+00> : vector<256x64xf32>
    %dot_general3A_125 = tpu.matmul %convert_element_type3A_27, %slice3A_123, %dot_general3A_124 {dimension_numbers = #tpu.dot_dimension_numbers<[1], [0], [0], [1], [0, 0, 1, 1], [], []>, transpose_lhs_hint = false} : vector<256x256xf32>, vector<256x64xf32>, vector<256x64xf32> -> vector<256x64xf32>
    %add3A_126 = vector.broadcast %add3A_122 : vector<1x64xf32> to vector<256x64xf32>
    %add3A_127 = arith.addf %dot_general3A_125, %add3A_126 : vector<256x64xf32>
    %sub3A_128 = arith.constant 1.000000e+00 : f32
    %sub3A_129 = vector.broadcast %sub3A_128 : f32 to vector<256x64xf32>
    %sub3A_130 = arith.subf %add3A_127, %sub3A_129 : vector<256x64xf32>
    %mul3A_131 = arith.mulf %sub3A_130, %slice3A_123 : vector<256x64xf32>
    %reduce_sum3A_132 = arith.constant dense<0.000000e+00> : vector<256xf32>
    %reduce_sum3A_133 = vector.multi_reduction <add>, %mul3A_131, %reduce_sum3A_132 [1] : vector<256x64xf32> to vector<256xf32>
    %broadcast_in_dim3A_134 = vector.shape_cast %reduce_sum3A_133 : vector<256xf32> to vector<256x1xf32>
    %reduce_sum3A_135 = arith.constant dense<0.000000e+00> : vector<64xf32>
    %reduce_sum3A_136 = vector.multi_reduction <add>, %slice3A_123, %reduce_sum3A_135 [0] : vector<256x64xf32> to vector<64xf32>
    %broadcast_in_dim3A_137 = vector.shape_cast %reduce_sum3A_136 : vector<64xf32> to vector<1x64xf32>
    %add3A_138 = arith.addf %add3A_122, %broadcast_in_dim3A_137 : vector<1x64xf32>
    %slice3A_139 = vector.extract_strided_slice %convert_element_type3A_23 {offsets = [1792, 0], sizes = [256, 64], strides = [1, 1]} : vector<2048x64xf32> to vector<256x64xf32>
    %dot_general3A_140 = arith.constant dense<0.000000e+00> : vector<256x64xf32>
    %dot_general3A_141 = tpu.matmul %convert_element_type3A_27, %slice3A_139, %dot_general3A_140 {dimension_numbers = #tpu.dot_dimension_numbers<[1], [0], [0], [1], [0, 0, 1, 1], [], []>, transpose_lhs_hint = false} : vector<256x256xf32>, vector<256x64xf32>, vector<256x64xf32> -> vector<256x64xf32>
    %add3A_142 = vector.broadcast %add3A_138 : vector<1x64xf32> to vector<256x64xf32>
    %add3A_143 = arith.addf %dot_general3A_141, %add3A_142 : vector<256x64xf32>
    %sub3A_144 = arith.constant 1.000000e+00 : f32
    %sub3A_145 = vector.broadcast %sub3A_144 : f32 to vector<256x64xf32>
    %sub3A_146 = arith.subf %add3A_143, %sub3A_145 : vector<256x64xf32>
    %mul3A_147 = arith.mulf %sub3A_146, %slice3A_139 : vector<256x64xf32>
    %reduce_sum3A_148 = arith.constant dense<0.000000e+00> : vector<256xf32>
    %reduce_sum3A_149 = vector.multi_reduction <add>, %mul3A_147, %reduce_sum3A_148 [1] : vector<256x64xf32> to vector<256xf32>
    %broadcast_in_dim3A_150 = vector.shape_cast %reduce_sum3A_149 : vector<256xf32> to vector<256x1xf32>
    %concatenate3A = tpu.concatenate %broadcast_in_dim3A_38, %broadcast_in_dim3A_54, %broadcast_in_dim3A_70, %broadcast_in_dim3A_86, %broadcast_in_dim3A_102, %broadcast_in_dim3A_118, %broadcast_in_dim3A_134, %broadcast_in_dim3A_150 in 0 : vector<256x1xf32>, vector<256x1xf32>, vector<256x1xf32>, vector<256x1xf32>, vector<256x1xf32>, vector<256x1xf32>, vector<256x1xf32>, vector<256x1xf32> -> vector<2048x1xf32>
    %lt3A_151 = arith.constant 4.000000e+01 : f32
    %lt3A_152 = vector.broadcast %lt3A_151 : f32 to vector<2048x1xf32>
    %lt3A_153 = arith.cmpf olt, %concatenate3A, %lt3A_152 : vector<2048x1xf32>
    %not3A = arith.constant dense<true> : vector<2048x1xi1>
    %not3A_154 = arith.xori %lt3A_17, %not3A : vector<2048x1xi1>
    %and3A = arith.andi %lt3A_153, %not3A_154 : vector<2048x1xi1>
    %jit3A_155 = arith.constant 1.000000e+00 : f32
    %jit3A_156 = arith.constant 0.000000e+00 : f32
    %broadcast_in_dim3A_157 = vector.broadcast %jit3A_155 : f32 to vector<2048x1xf32>
    %broadcast_in_dim3A_158 = vector.broadcast %jit3A_156 : f32 to vector<2048x1xf32>
    %select_n3A_159 = arith.select %and3A, %broadcast_in_dim3A_157, %broadcast_in_dim3A_158 : vector<2048x1xi1>, vector<2048x1xf32>
    %convert_element_type3A_160 = arith.sitofp %broadcast_in_dim3A_15 : vector<2048x1xi32> to vector<2048x1xf32>
    %mul3A_161 = arith.constant 4.000000e+01 : f32
    %mul3A_162 = vector.broadcast %mul3A_161 : f32 to vector<2048x1xf32>
    %mul3A_163 = arith.mulf %convert_element_type3A_160, %mul3A_162 : vector<2048x1xf32>
    %add3A_164 = arith.addf %mul3A_163, %concatenate3A : vector<2048x1xf32>
    %gt3A = arith.constant 0.000000e+00 : f32
    %gt3A_165 = vector.broadcast %gt3A : f32 to vector<2048x1xf32>
    %gt3A_166 = arith.cmpf ogt, %select_n3A_159, %gt3A_165 : vector<2048x1xf32>
    %convert_element_type3A_167 = arith.fptosi %add3A_164 : vector<2048x1xf32> to vector<2048x1xi32>
    %jit3A_168 = arith.constant 2560 : i32
    %broadcast_in_dim3A_169 = vector.broadcast %jit3A_168 : i32 to vector<2048x1xi32>
    %select_n3A_170 = arith.select %gt3A_166, %convert_element_type3A_167, %broadcast_in_dim3A_169 : vector<2048x1xi1>, vector<2048x1xi32>
    %jit3A_171 = arith.constant -1 : i32
    %broadcast_in_dim3A_172 = vector.broadcast %jit3A_171 : i32 to vector<2048x1xi32>
    %select_n3A_173 = arith.select %lt3A_17, %broadcast_in_dim3A_172, %select_n3A_170 : vector<2048x1xi1>, vector<2048x1xi32>
    %swap3A = arith.constant 0 : index
    %swap3A_174 = arith.constant 0 : index
    %swap3A_175 = vector.load %arg2[%swap3A, %swap3A_174] : memref<2048x1xi32, #tpu.memory_space<vmem>>, vector<2048x1xi32>
    tpu.vector_store %arg2[%swap3A, %swap3A_174], %select_n3A_173 {strides = array<i32>} : memref<2048x1xi32, #tpu.memory_space<vmem>>, vector<2048x1xi32>,
    %gt3A_176 = arith.constant 0.000000e+00 : f32
    %gt3A_177 = vector.broadcast %gt3A_176 : f32 to vector<2048x1xf32>
    %gt3A_178 = arith.cmpf ogt, %select_n3A_159, %gt3A_177 : vector<2048x1xf32>
    %jit3A_179 = arith.constant -1.000000e+00 : f32
    %broadcast_in_dim3A_180 = vector.broadcast %jit3A_179 : f32 to vector<2048x1xf32>
    %select_n3A_181 = arith.select %gt3A_178, %add3A_164, %broadcast_in_dim3A_180 : vector<2048x1xi1>, vector<2048x1xf32>
    %ge3A_182 = arith.constant 4.000000e+01 : f32
    %ge3A_183 = vector.broadcast %ge3A_182 : f32 to vector<2048x1xf32>
    %ge3A_184 = arith.cmpf oge, %concatenate3A, %ge3A_183 : vector<2048x1xf32>
    %not3A_185 = arith.constant dense<true> : vector<2048x1xi1>
    %not3A_186 = arith.xori %lt3A_17, %not3A_185 : vector<2048x1xi1>
    %and3A_187 = arith.andi %ge3A_184, %not3A_186 : vector<2048x1xi1>
    %jit3A_188 = arith.constant 1.000000e+00 : f32
    %jit3A_189 = arith.constant 0.000000e+00 : f32
    %broadcast_in_dim3A_190 = vector.broadcast %jit3A_188 : f32 to vector<2048x1xf32>
    %broadcast_in_dim3A_191 = vector.broadcast %jit3A_189 : f32 to vector<2048x1xf32>
    %select_n3A_192 = arith.select %and3A_187, %broadcast_in_dim3A_190, %broadcast_in_dim3A_191 : vector<2048x1xi1>, vector<2048x1xf32>
    %iota3A_193 = tpu.iota {dimensions = array<i32: 1>} : vector<1x2560xi32>
    %convert_element_type3A_194 = arith.sitofp %iota3A_193 : vector<1x2560xi32> to vector<1x2560xf32>
    %iota3A_195 = tpu.iota {dimensions = array<i32: 1>} : vector<1x2048xi32>
    %convert_element_type3A_196 = arith.sitofp %iota3A_195 : vector<1x2048xi32> to vector<1x2048xf32>
    %broadcast_in_dim3A_197 = arith.constant 0.000000e+00 : f32
    %broadcast_in_dim3A_198 = vector.broadcast %broadcast_in_dim3A_197 : f32 to vector<1x2560xf32>
    %broadcast_in_dim3A_199 = arith.constant 0.000000e+00 : f32
    %broadcast_in_dim3A_200 = vector.broadcast %broadcast_in_dim3A_199 : f32 to vector<1x2560xf32>
    %broadcast_in_dim3A_201 = arith.constant 0.000000e+00 : f32
    %broadcast_in_dim3A_202 = vector.broadcast %broadcast_in_dim3A_201 : f32 to vector<1x2560xf32>
    %broadcast_in_dim3A_203 = arith.constant 0.000000e+00 : f32
    %broadcast_in_dim3A_204 = vector.broadcast %broadcast_in_dim3A_203 : f32 to vector<1x2048xf32>
    %broadcast_in_dim3A_205 = arith.constant 0.000000e+00 : f32
    %broadcast_in_dim3A_206 = vector.broadcast %broadcast_in_dim3A_205 : f32 to vector<1x1xf32>
    %slice3A_207 = vector.extract_strided_slice %select_n3A_181 {offsets = [0, 0], sizes = [256, 1], strides = [1, 1]} : vector<2048x1xf32> to vector<256x1xf32>
    %slice3A_208 = vector.extract_strided_slice %select_n3A_20 {offsets = [0, 0], sizes = [256, 1], strides = [1, 1]} : vector<2048x1xf32> to vector<256x1xf32>
    %iota3A_209 = tpu.iota {dimensions = array<i32: 0>} : vector<256x1xi32>
    %convert_element_type3A_210 = arith.sitofp %iota3A_209 : vector<256x1xi32> to vector<256x1xf32>
    %add3A_211 = arith.constant 0.000000e+00 : f32
    %add3A_212 = vector.broadcast %add3A_211 : f32 to vector<256x1xf32>
    %add3A_213 = arith.addf %convert_element_type3A_210, %add3A_212 : vector<256x1xf32>
    %eq3A_214 = vector.broadcast %slice3A_207 : vector<256x1xf32> to vector<256x2560xf32>
    %eq3A_215 = vector.broadcast %convert_element_type3A_194 : vector<1x2560xf32> to vector<256x2560xf32>
    %eq3A_216 = arith.cmpf oeq, %eq3A_214, %eq3A_215 : vector<256x2560xf32>
    %jit3A_217 = arith.constant 0.000000e+00 : f32
    %broadcast_in_dim3A_218 = vector.shape_cast %add3A_213 : vector<256x1xf32> to vector<256x1xf32>
    %broadcast_in_dim3A_219 = vector.broadcast %broadcast_in_dim3A_218 : vector<256x1xf32> to vector<256x2560xf32>
    %broadcast_in_dim3A_220 = vector.broadcast %jit3A_217 : f32 to vector<256x2560xf32>
    %select_n3A_221 = arith.select %eq3A_216, %broadcast_in_dim3A_219, %broadcast_in_dim3A_220 : vector<256x2560xi1>, vector<256x2560xf32>
    %reduce_sum3A_222 = arith.constant dense<0.000000e+00> : vector<2560xf32>
    %reduce_sum3A_223 = vector.multi_reduction <add>, %select_n3A_221, %reduce_sum3A_222 [0] : vector<256x2560xf32> to vector<2560xf32>
    %broadcast_in_dim3A_224 = vector.shape_cast %reduce_sum3A_223 : vector<2560xf32> to vector<1x2560xf32>
    %add3A_225 = arith.addf %broadcast_in_dim3A_198, %broadcast_in_dim3A_224 : vector<1x2560xf32>
    %jit3A_226 = arith.constant 0.000000e+00 : f32
    %broadcast_in_dim3A_227 = vector.shape_cast %slice3A_208 : vector<256x1xf32> to vector<256x1xf32>
    %broadcast_in_dim3A_228 = vector.broadcast %broadcast_in_dim3A_227 : vector<256x1xf32> to vector<256x2560xf32>
    %broadcast_in_dim3A_229 = vector.broadcast %jit3A_226 : f32 to vector<256x2560xf32>
    %select_n3A_230 = arith.select %eq3A_216, %broadcast_in_dim3A_228, %broadcast_in_dim3A_229 : vector<256x2560xi1>, vector<256x2560xf32>
    %reduce_sum3A_231 = arith.constant dense<0.000000e+00> : vector<2560xf32>
    %reduce_sum3A_232 = vector.multi_reduction <add>, %select_n3A_230, %reduce_sum3A_231 [0] : vector<256x2560xf32> to vector<2560xf32>
    %broadcast_in_dim3A_233 = vector.shape_cast %reduce_sum3A_232 : vector<2560xf32> to vector<1x2560xf32>
    %add3A_234 = arith.addf %broadcast_in_dim3A_200, %broadcast_in_dim3A_233 : vector<1x2560xf32>
    %jit3A_235 = arith.constant 1.000000e+00 : f32
    %jit3A_236 = arith.constant 0.000000e+00 : f32
    %broadcast_in_dim3A_237 = vector.broadcast %jit3A_235 : f32 to vector<256x2560xf32>
    %broadcast_in_dim3A_238 = vector.broadcast %jit3A_236 : f32 to vector<256x2560xf32>
    %select_n3A_239 = arith.select %eq3A_216, %broadcast_in_dim3A_237, %broadcast_in_dim3A_238 : vector<256x2560xi1>, vector<256x2560xf32>
    %reduce_sum3A_240 = arith.constant dense<0.000000e+00> : vector<2560xf32>
    %reduce_sum3A_241 = vector.multi_reduction <add>, %select_n3A_239, %reduce_sum3A_240 [0] : vector<256x2560xf32> to vector<2560xf32>
    %broadcast_in_dim3A_242 = vector.shape_cast %reduce_sum3A_241 : vector<2560xf32> to vector<1x2560xf32>
    %add3A_243 = arith.addf %broadcast_in_dim3A_202, %broadcast_in_dim3A_242 : vector<1x2560xf32>
    %slice3A_244 = vector.extract_strided_slice %select_n3A_192 {offsets = [0, 0], sizes = [256, 1], strides = [1, 1]} : vector<2048x1xf32> to vector<256x1xf32>
    %dot_general3A_245 = arith.constant dense<0.000000e+00> : vector<256x1xf32>
    %dot_general3A_246 = tpu.matmul %convert_element_type3A_27, %slice3A_244, %dot_general3A_245 {dimension_numbers = #tpu.dot_dimension_numbers<[1], [0], [0], [1], [0, 0, 1, 1], [], []>, transpose_lhs_hint = false} : vector<256x256xf32>, vector<256x1xf32>, vector<256x1xf32> -> vector<256x1xf32>
    %add3A_247 = vector.broadcast %broadcast_in_dim3A_206 : vector<1x1xf32> to vector<256x1xf32>
    %add3A_248 = arith.addf %dot_general3A_246, %add3A_247 : vector<256x1xf32>
    %add3A_249 = arith.constant 1.000000e+00 : f32
    %add3A_250 = vector.broadcast %add3A_249 : f32 to vector<1x2048xf32>
    %add3A_251 = arith.addf %convert_element_type3A_196, %add3A_250 : vector<1x2048xf32>
    %eq3A_252 = vector.broadcast %add3A_248 : vector<256x1xf32> to vector<256x2048xf32>
    %eq3A_253 = vector.broadcast %add3A_251 : vector<1x2048xf32> to vector<256x2048xf32>
    %eq3A_254 = arith.cmpf oeq, %eq3A_252, %eq3A_253 : vector<256x2048xf32>
    %gt3A_255 = arith.constant 0.000000e+00 : f32
    %gt3A_256 = vector.broadcast %gt3A_255 : f32 to vector<256x1xf32>
    %gt3A_257 = arith.cmpf ogt, %slice3A_244, %gt3A_256 : vector<256x1xf32>
    %and3A_258 = vector.broadcast %gt3A_257 : vector<256x1xi1> to vector<256x2048xi1>
    %and3A_259 = arith.andi %eq3A_254, %and3A_258 : vector<256x2048xi1>
    %jit3A_260 = arith.constant 0.000000e+00 : f32
    %broadcast_in_dim3A_261 = vector.shape_cast %add3A_213 : vector<256x1xf32> to vector<256x1xf32>
    %broadcast_in_dim3A_262 = vector.broadcast %broadcast_in_dim3A_261 : vector<256x1xf32> to vector<256x2048xf32>
    %broadcast_in_dim3A_263 = vector.broadcast %jit3A_260 : f32 to vector<256x2048xf32>
    %select_n3A_264 = arith.select %and3A_259, %broadcast_in_dim3A_262, %broadcast_in_dim3A_263 : vector<256x2048xi1>, vector<256x2048xf32>
    %reduce_sum3A_265 = arith.constant dense<0.000000e+00> : vector<2048xf32>
    %reduce_sum3A_266 = vector.multi_reduction <add>, %select_n3A_264, %reduce_sum3A_265 [0] : vector<256x2048xf32> to vector<2048xf32>
    %broadcast_in_dim3A_267 = vector.shape_cast %reduce_sum3A_266 : vector<2048xf32> to vector<1x2048xf32>
    %add3A_268 = arith.addf %broadcast_in_dim3A_204, %broadcast_in_dim3A_267 : vector<1x2048xf32>
    %reduce_sum3A_269 = arith.constant dense<0.000000e+00> : vector<1xf32>
    %reduce_sum3A_270 = vector.multi_reduction <add>, %slice3A_244, %reduce_sum3A_269 [0] : vector<256x1xf32> to vector<1xf32>
    %broadcast_in_dim3A_271 = vector.shape_cast %reduce_sum3A_270 : vector<1xf32> to vector<1x1xf32>
    %add3A_272 = arith.addf %broadcast_in_dim3A_206, %broadcast_in_dim3A_271 : vector<1x1xf32>
    %slice3A_273 = vector.extract_strided_slice %select_n3A_181 {offsets = [256, 0], sizes = [256, 1], strides = [1, 1]} : vector<2048x1xf32> to vector<256x1xf32>
    %slice3A_274 = vector.extract_strided_slice %select_n3A_20 {offsets = [256, 0], sizes = [256, 1], strides = [1, 1]} : vector<2048x1xf32> to vector<256x1xf32>
    %iota3A_275 = tpu.iota {dimensions = array<i32: 0>} : vector<256x1xi32>
    %convert_element_type3A_276 = arith.sitofp %iota3A_275 : vector<256x1xi32> to vector<256x1xf32>
    %add3A_277 = arith.constant 2.560000e+02 : f32
    %add3A_278 = vector.broadcast %add3A_277 : f32 to vector<256x1xf32>
    %add3A_279 = arith.addf %convert_element_type3A_276, %add3A_278 : vector<256x1xf32>
    %eq3A_280 = vector.broadcast %slice3A_273 : vector<256x1xf32> to vector<256x2560xf32>
    %eq3A_281 = vector.broadcast %convert_element_type3A_194 : vector<1x2560xf32> to vector<256x2560xf32>
    %eq3A_282 = arith.cmpf oeq, %eq3A_280, %eq3A_281 : vector<256x2560xf32>
    %jit3A_283 = arith.constant 0.000000e+00 : f32
    %broadcast_in_dim3A_284 = vector.shape_cast %add3A_279 : vector<256x1xf32> to vector<256x1xf32>
    %broadcast_in_dim3A_285 = vector.broadcast %broadcast_in_dim3A_284 : vector<256x1xf32> to vector<256x2560xf32>
    %broadcast_in_dim3A_286 = vector.broadcast %jit3A_283 : f32 to vector<256x2560xf32>
    %select_n3A_287 = arith.select %eq3A_282, %broadcast_in_dim3A_285, %broadcast_in_dim3A_286 : vector<256x2560xi1>, vector<256x2560xf32>
    %reduce_sum3A_288 = arith.constant dense<0.000000e+00> : vector<2560xf32>
    %reduce_sum3A_289 = vector.multi_reduction <add>, %select_n3A_287, %reduce_sum3A_288 [0] : vector<256x2560xf32> to vector<2560xf32>
    %broadcast_in_dim3A_290 = vector.shape_cast %reduce_sum3A_289 : vector<2560xf32> to vector<1x2560xf32>
    %add3A_291 = arith.addf %add3A_225, %broadcast_in_dim3A_290 : vector<1x2560xf32>
    %jit3A_292 = arith.constant 0.000000e+00 : f32
    %broadcast_in_dim3A_293 = vector.shape_cast %slice3A_274 : vector<256x1xf32> to vector<256x1xf32>
    %broadcast_in_dim3A_294 = vector.broadcast %broadcast_in_dim3A_293 : vector<256x1xf32> to vector<256x2560xf32>
    %broadcast_in_dim3A_295 = vector.broadcast %jit3A_292 : f32 to vector<256x2560xf32>
    %select_n3A_296 = arith.select %eq3A_282, %broadcast_in_dim3A_294, %broadcast_in_dim3A_295 : vector<256x2560xi1>, vector<256x2560xf32>
    %reduce_sum3A_297 = arith.constant dense<0.000000e+00> : vector<2560xf32>
    %reduce_sum3A_298 = vector.multi_reduction <add>, %select_n3A_296, %reduce_sum3A_297 [0] : vector<256x2560xf32> to vector<2560xf32>
    %broadcast_in_dim3A_299 = vector.shape_cast %reduce_sum3A_298 : vector<2560xf32> to vector<1x2560xf32>
    %add3A_300 = arith.addf %add3A_234, %broadcast_in_dim3A_299 : vector<1x2560xf32>
    %jit3A_301 = arith.constant 1.000000e+00 : f32
    %jit3A_302 = arith.constant 0.000000e+00 : f32
    %broadcast_in_dim3A_303 = vector.broadcast %jit3A_301 : f32 to vector<256x2560xf32>
    %broadcast_in_dim3A_304 = vector.broadcast %jit3A_302 : f32 to vector<256x2560xf32>
    %select_n3A_305 = arith.select %eq3A_282, %broadcast_in_dim3A_303, %broadcast_in_dim3A_304 : vector<256x2560xi1>, vector<256x2560xf32>
    %reduce_sum3A_306 = arith.constant dense<0.000000e+00> : vector<2560xf32>
    %reduce_sum3A_307 = vector.multi_reduction <add>, %select_n3A_305, %reduce_sum3A_306 [0] : vector<256x2560xf32> to vector<2560xf32>
    %broadcast_in_dim3A_308 = vector.shape_cast %reduce_sum3A_307 : vector<2560xf32> to vector<1x2560xf32>
    %add3A_309 = arith.addf %add3A_243, %broadcast_in_dim3A_308 : vector<1x2560xf32>
    %slice3A_310 = vector.extract_strided_slice %select_n3A_192 {offsets = [256, 0], sizes = [256, 1], strides = [1, 1]} : vector<2048x1xf32> to vector<256x1xf32>
    %dot_general3A_311 = arith.constant dense<0.000000e+00> : vector<256x1xf32>
    %dot_general3A_312 = tpu.matmul %convert_element_type3A_27, %slice3A_310, %dot_general3A_311 {dimension_numbers = #tpu.dot_dimension_numbers<[1], [0], [0], [1], [0, 0, 1, 1], [], []>, transpose_lhs_hint = false} : vector<256x256xf32>, vector<256x1xf32>, vector<256x1xf32> -> vector<256x1xf32>
    %add3A_313 = vector.broadcast %add3A_272 : vector<1x1xf32> to vector<256x1xf32>
    %add3A_314 = arith.addf %dot_general3A_312, %add3A_313 : vector<256x1xf32>
    %add3A_315 = arith.constant 1.000000e+00 : f32
    %add3A_316 = vector.broadcast %add3A_315 : f32 to vector<1x2048xf32>
    %add3A_317 = arith.addf %convert_element_type3A_196, %add3A_316 : vector<1x2048xf32>
    %eq3A_318 = vector.broadcast %add3A_314 : vector<256x1xf32> to vector<256x2048xf32>
    %eq3A_319 = vector.broadcast %add3A_317 : vector<1x2048xf32> to vector<256x2048xf32>
    %eq3A_320 = arith.cmpf oeq, %eq3A_318, %eq3A_319 : vector<256x2048xf32>
    %gt3A_321 = arith.constant 0.000000e+00 : f32
    %gt3A_322 = vector.broadcast %gt3A_321 : f32 to vector<256x1xf32>
    %gt3A_323 = arith.cmpf ogt, %slice3A_310, %gt3A_322 : vector<256x1xf32>
    %and3A_324 = vector.broadcast %gt3A_323 : vector<256x1xi1> to vector<256x2048xi1>
    %and3A_325 = arith.andi %eq3A_320, %and3A_324 : vector<256x2048xi1>
    %jit3A_326 = arith.constant 0.000000e+00 : f32
    %broadcast_in_dim3A_327 = vector.shape_cast %add3A_279 : vector<256x1xf32> to vector<256x1xf32>
    %broadcast_in_dim3A_328 = vector.broadcast %broadcast_in_dim3A_327 : vector<256x1xf32> to vector<256x2048xf32>
    %broadcast_in_dim3A_329 = vector.broadcast %jit3A_326 : f32 to vector<256x2048xf32>
    %select_n3A_330 = arith.select %and3A_325, %broadcast_in_dim3A_328, %broadcast_in_dim3A_329 : vector<256x2048xi1>, vector<256x2048xf32>
    %reduce_sum3A_331 = arith.constant dense<0.000000e+00> : vector<2048xf32>
    %reduce_sum3A_332 = vector.multi_reduction <add>, %select_n3A_330, %reduce_sum3A_331 [0] : vector<256x2048xf32> to vector<2048xf32>
    %broadcast_in_dim3A_333 = vector.shape_cast %reduce_sum3A_332 : vector<2048xf32> to vector<1x2048xf32>
    %add3A_334 = arith.addf %add3A_268, %broadcast_in_dim3A_333 : vector<1x2048xf32>
    %reduce_sum3A_335 = arith.constant dense<0.000000e+00> : vector<1xf32>
    %reduce_sum3A_336 = vector.multi_reduction <add>, %slice3A_310, %reduce_sum3A_335 [0] : vector<256x1xf32> to vector<1xf32>
    %broadcast_in_dim3A_337 = vector.shape_cast %reduce_sum3A_336 : vector<1xf32> to vector<1x1xf32>
    %add3A_338 = arith.addf %add3A_272, %broadcast_in_dim3A_337 : vector<1x1xf32>
    %slice3A_339 = vector.extract_strided_slice %select_n3A_181 {offsets = [512, 0], sizes = [256, 1], strides = [1, 1]} : vector<2048x1xf32> to vector<256x1xf32>
    %slice3A_340 = vector.extract_strided_slice %select_n3A_20 {offsets = [512, 0], sizes = [256, 1], strides = [1, 1]} : vector<2048x1xf32> to vector<256x1xf32>
    %iota3A_341 = tpu.iota {dimensions = array<i32: 0>} : vector<256x1xi32>
    %convert_element_type3A_342 = arith.sitofp %iota3A_341 : vector<256x1xi32> to vector<256x1xf32>
    %add3A_343 = arith.constant 5.120000e+02 : f32
    %add3A_344 = vector.broadcast %add3A_343 : f32 to vector<256x1xf32>
    %add3A_345 = arith.addf %convert_element_type3A_342, %add3A_344 : vector<256x1xf32>
    %eq3A_346 = vector.broadcast %slice3A_339 : vector<256x1xf32> to vector<256x2560xf32>
    %eq3A_347 = vector.broadcast %convert_element_type3A_194 : vector<1x2560xf32> to vector<256x2560xf32>
    %eq3A_348 = arith.cmpf oeq, %eq3A_346, %eq3A_347 : vector<256x2560xf32>
    %jit3A_349 = arith.constant 0.000000e+00 : f32
    %broadcast_in_dim3A_350 = vector.shape_cast %add3A_345 : vector<256x1xf32> to vector<256x1xf32>
    %broadcast_in_dim3A_351 = vector.broadcast %broadcast_in_dim3A_350 : vector<256x1xf32> to vector<256x2560xf32>
    %broadcast_in_dim3A_352 = vector.broadcast %jit3A_349 : f32 to vector<256x2560xf32>
    %select_n3A_353 = arith.select %eq3A_348, %broadcast_in_dim3A_351, %broadcast_in_dim3A_352 : vector<256x2560xi1>, vector<256x2560xf32>
    %reduce_sum3A_354 = arith.constant dense<0.000000e+00> : vector<2560xf32>
    %reduce_sum3A_355 = vector.multi_reduction <add>, %select_n3A_353, %reduce_sum3A_354 [0] : vector<256x2560xf32> to vector<2560xf32>
    %broadcast_in_dim3A_356 = vector.shape_cast %reduce_sum3A_355 : vector<2560xf32> to vector<1x2560xf32>
    %add3A_357 = arith.addf %add3A_291, %broadcast_in_dim3A_356 : vector<1x2560xf32>
    %jit3A_358 = arith.constant 0.000000e+00 : f32
    %broadcast_in_dim3A_359 = vector.shape_cast %slice3A_340 : vector<256x1xf32> to vector<256x1xf32>
    %broadcast_in_dim3A_360 = vector.broadcast %broadcast_in_dim3A_359 : vector<256x1xf32> to vector<256x2560xf32>
    %broadcast_in_dim3A_361 = vector.broadcast %jit3A_358 : f32 to vector<256x2560xf32>
    %select_n3A_362 = arith.select %eq3A_348, %broadcast_in_dim3A_360, %broadcast_in_dim3A_361 : vector<256x2560xi1>, vector<256x2560xf32>
    %reduce_sum3A_363 = arith.constant dense<0.000000e+00> : vector<2560xf32>
    %reduce_sum3A_364 = vector.multi_reduction <add>, %select_n3A_362, %reduce_sum3A_363 [0] : vector<256x2560xf32> to vector<2560xf32>
    %broadcast_in_dim3A_365 = vector.shape_cast %reduce_sum3A_364 : vector<2560xf32> to vector<1x2560xf32>
    %add3A_366 = arith.addf %add3A_300, %broadcast_in_dim3A_365 : vector<1x2560xf32>
    %jit3A_367 = arith.constant 1.000000e+00 : f32
    %jit3A_368 = arith.constant 0.000000e+00 : f32
    %broadcast_in_dim3A_369 = vector.broadcast %jit3A_367 : f32 to vector<256x2560xf32>
    %broadcast_in_dim3A_370 = vector.broadcast %jit3A_368 : f32 to vector<256x2560xf32>
    %select_n3A_371 = arith.select %eq3A_348, %broadcast_in_dim3A_369, %broadcast_in_dim3A_370 : vector<256x2560xi1>, vector<256x2560xf32>
    %reduce_sum3A_372 = arith.constant dense<0.000000e+00> : vector<2560xf32>
    %reduce_sum3A_373 = vector.multi_reduction <add>, %select_n3A_371, %reduce_sum3A_372 [0] : vector<256x2560xf32> to vector<2560xf32>
    %broadcast_in_dim3A_374 = vector.shape_cast %reduce_sum3A_373 : vector<2560xf32> to vector<1x2560xf32>
    %add3A_375 = arith.addf %add3A_309, %broadcast_in_dim3A_374 : vector<1x2560xf32>
    %slice3A_376 = vector.extract_strided_slice %select_n3A_192 {offsets = [512, 0], sizes = [256, 1], strides = [1, 1]} : vector<2048x1xf32> to vector<256x1xf32>
    %dot_general3A_377 = arith.constant dense<0.000000e+00> : vector<256x1xf32>
    %dot_general3A_378 = tpu.matmul %convert_element_type3A_27, %slice3A_376, %dot_general3A_377 {dimension_numbers = #tpu.dot_dimension_numbers<[1], [0], [0], [1], [0, 0, 1, 1], [], []>, transpose_lhs_hint = false} : vector<256x256xf32>, vector<256x1xf32>, vector<256x1xf32> -> vector<256x1xf32>
    %add3A_379 = vector.broadcast %add3A_338 : vector<1x1xf32> to vector<256x1xf32>
    %add3A_380 = arith.addf %dot_general3A_378, %add3A_379 : vector<256x1xf32>
    %add3A_381 = arith.constant 1.000000e+00 : f32
    %add3A_382 = vector.broadcast %add3A_381 : f32 to vector<1x2048xf32>
    %add3A_383 = arith.addf %convert_element_type3A_196, %add3A_382 : vector<1x2048xf32>
    %eq3A_384 = vector.broadcast %add3A_380 : vector<256x1xf32> to vector<256x2048xf32>
    %eq3A_385 = vector.broadcast %add3A_383 : vector<1x2048xf32> to vector<256x2048xf32>
    %eq3A_386 = arith.cmpf oeq, %eq3A_384, %eq3A_385 : vector<256x2048xf32>
    %gt3A_387 = arith.constant 0.000000e+00 : f32
    %gt3A_388 = vector.broadcast %gt3A_387 : f32 to vector<256x1xf32>
    %gt3A_389 = arith.cmpf ogt, %slice3A_376, %gt3A_388 : vector<256x1xf32>
    %and3A_390 = vector.broadcast %gt3A_389 : vector<256x1xi1> to vector<256x2048xi1>
    %and3A_391 = arith.andi %eq3A_386, %and3A_390 : vector<256x2048xi1>
    %jit3A_392 = arith.constant 0.000000e+00 : f32
    %broadcast_in_dim3A_393 = vector.shape_cast %add3A_345 : vector<256x1xf32> to vector<256x1xf32>
    %broadcast_in_dim3A_394 = vector.broadcast %broadcast_in_dim3A_393 : vector<256x1xf32> to vector<256x2048xf32>
    %broadcast_in_dim3A_395 = vector.broadcast %jit3A_392 : f32 to vector<256x2048xf32>
    %select_n3A_396 = arith.select %and3A_391, %broadcast_in_dim3A_394, %broadcast_in_dim3A_395 : vector<256x2048xi1>, vector<256x2048xf32>
    %reduce_sum3A_397 = arith.constant dense<0.000000e+00> : vector<2048xf32>
    %reduce_sum3A_398 = vector.multi_reduction <add>, %select_n3A_396, %reduce_sum3A_397 [0] : vector<256x2048xf32> to vector<2048xf32>
    %broadcast_in_dim3A_399 = vector.shape_cast %reduce_sum3A_398 : vector<2048xf32> to vector<1x2048xf32>
    %add3A_400 = arith.addf %add3A_334, %broadcast_in_dim3A_399 : vector<1x2048xf32>
    %reduce_sum3A_401 = arith.constant dense<0.000000e+00> : vector<1xf32>
    %reduce_sum3A_402 = vector.multi_reduction <add>, %slice3A_376, %reduce_sum3A_401 [0] : vector<256x1xf32> to vector<1xf32>
    %broadcast_in_dim3A_403 = vector.shape_cast %reduce_sum3A_402 : vector<1xf32> to vector<1x1xf32>
    %add3A_404 = arith.addf %add3A_338, %broadcast_in_dim3A_403 : vector<1x1xf32>
    %slice3A_405 = vector.extract_strided_slice %select_n3A_181 {offsets = [768, 0], sizes = [256, 1], strides = [1, 1]} : vector<2048x1xf32> to vector<256x1xf32>
    %slice3A_406 = vector.extract_strided_slice %select_n3A_20 {offsets = [768, 0], sizes = [256, 1], strides = [1, 1]} : vector<2048x1xf32> to vector<256x1xf32>
    %iota3A_407 = tpu.iota {dimensions = array<i32: 0>} : vector<256x1xi32>
    %convert_element_type3A_408 = arith.sitofp %iota3A_407 : vector<256x1xi32> to vector<256x1xf32>
    %add3A_409 = arith.constant 7.680000e+02 : f32
    %add3A_410 = vector.broadcast %add3A_409 : f32 to vector<256x1xf32>
    %add3A_411 = arith.addf %convert_element_type3A_408, %add3A_410 : vector<256x1xf32>
    %eq3A_412 = vector.broadcast %slice3A_405 : vector<256x1xf32> to vector<256x2560xf32>
    %eq3A_413 = vector.broadcast %convert_element_type3A_194 : vector<1x2560xf32> to vector<256x2560xf32>
    %eq3A_414 = arith.cmpf oeq, %eq3A_412, %eq3A_413 : vector<256x2560xf32>
    %jit3A_415 = arith.constant 0.000000e+00 : f32
    %broadcast_in_dim3A_416 = vector.shape_cast %add3A_411 : vector<256x1xf32> to vector<256x1xf32>
    %broadcast_in_dim3A_417 = vector.broadcast %broadcast_in_dim3A_416 : vector<256x1xf32> to vector<256x2560xf32>
    %broadcast_in_dim3A_418 = vector.broadcast %jit3A_415 : f32 to vector<256x2560xf32>
    %select_n3A_419 = arith.select %eq3A_414, %broadcast_in_dim3A_417, %broadcast_in_dim3A_418 : vector<256x2560xi1>, vector<256x2560xf32>
    %reduce_sum3A_420 = arith.constant dense<0.000000e+00> : vector<2560xf32>
    %reduce_sum3A_421 = vector.multi_reduction <add>, %select_n3A_419, %reduce_sum3A_420 [0] : vector<256x2560xf32> to vector<2560xf32>
    %broadcast_in_dim3A_422 = vector.shape_cast %reduce_sum3A_421 : vector<2560xf32> to vector<1x2560xf32>
    %add3A_423 = arith.addf %add3A_357, %broadcast_in_dim3A_422 : vector<1x2560xf32>
    %jit3A_424 = arith.constant 0.000000e+00 : f32
    %broadcast_in_dim3A_425 = vector.shape_cast %slice3A_406 : vector<256x1xf32> to vector<256x1xf32>
    %broadcast_in_dim3A_426 = vector.broadcast %broadcast_in_dim3A_425 : vector<256x1xf32> to vector<256x2560xf32>
    %broadcast_in_dim3A_427 = vector.broadcast %jit3A_424 : f32 to vector<256x2560xf32>
    %select_n3A_428 = arith.select %eq3A_414, %broadcast_in_dim3A_426, %broadcast_in_dim3A_427 : vector<256x2560xi1>, vector<256x2560xf32>
    %reduce_sum3A_429 = arith.constant dense<0.000000e+00> : vector<2560xf32>
    %reduce_sum3A_430 = vector.multi_reduction <add>, %select_n3A_428, %reduce_sum3A_429 [0] : vector<256x2560xf32> to vector<2560xf32>
    %broadcast_in_dim3A_431 = vector.shape_cast %reduce_sum3A_430 : vector<2560xf32> to vector<1x2560xf32>
    %add3A_432 = arith.addf %add3A_366, %broadcast_in_dim3A_431 : vector<1x2560xf32>
    %jit3A_433 = arith.constant 1.000000e+00 : f32
    %jit3A_434 = arith.constant 0.000000e+00 : f32
    %broadcast_in_dim3A_435 = vector.broadcast %jit3A_433 : f32 to vector<256x2560xf32>
    %broadcast_in_dim3A_436 = vector.broadcast %jit3A_434 : f32 to vector<256x2560xf32>
    %select_n3A_437 = arith.select %eq3A_414, %broadcast_in_dim3A_435, %broadcast_in_dim3A_436 : vector<256x2560xi1>, vector<256x2560xf32>
    %reduce_sum3A_438 = arith.constant dense<0.000000e+00> : vector<2560xf32>
    %reduce_sum3A_439 = vector.multi_reduction <add>, %select_n3A_437, %reduce_sum3A_438 [0] : vector<256x2560xf32> to vector<2560xf32>
    %broadcast_in_dim3A_440 = vector.shape_cast %reduce_sum3A_439 : vector<2560xf32> to vector<1x2560xf32>
    %add3A_441 = arith.addf %add3A_375, %broadcast_in_dim3A_440 : vector<1x2560xf32>
    %slice3A_442 = vector.extract_strided_slice %select_n3A_192 {offsets = [768, 0], sizes = [256, 1], strides = [1, 1]} : vector<2048x1xf32> to vector<256x1xf32>
    %dot_general3A_443 = arith.constant dense<0.000000e+00> : vector<256x1xf32>
    %dot_general3A_444 = tpu.matmul %convert_element_type3A_27, %slice3A_442, %dot_general3A_443 {dimension_numbers = #tpu.dot_dimension_numbers<[1], [0], [0], [1], [0, 0, 1, 1], [], []>, transpose_lhs_hint = false} : vector<256x256xf32>, vector<256x1xf32>, vector<256x1xf32> -> vector<256x1xf32>
    %add3A_445 = vector.broadcast %add3A_404 : vector<1x1xf32> to vector<256x1xf32>
    %add3A_446 = arith.addf %dot_general3A_444, %add3A_445 : vector<256x1xf32>
    %add3A_447 = arith.constant 1.000000e+00 : f32
    %add3A_448 = vector.broadcast %add3A_447 : f32 to vector<1x2048xf32>
    %add3A_449 = arith.addf %convert_element_type3A_196, %add3A_448 : vector<1x2048xf32>
    %eq3A_450 = vector.broadcast %add3A_446 : vector<256x1xf32> to vector<256x2048xf32>
    %eq3A_451 = vector.broadcast %add3A_449 : vector<1x2048xf32> to vector<256x2048xf32>
    %eq3A_452 = arith.cmpf oeq, %eq3A_450, %eq3A_451 : vector<256x2048xf32>
    %gt3A_453 = arith.constant 0.000000e+00 : f32
    %gt3A_454 = vector.broadcast %gt3A_453 : f32 to vector<256x1xf32>
    %gt3A_455 = arith.cmpf ogt, %slice3A_442, %gt3A_454 : vector<256x1xf32>
    %and3A_456 = vector.broadcast %gt3A_455 : vector<256x1xi1> to vector<256x2048xi1>
    %and3A_457 = arith.andi %eq3A_452, %and3A_456 : vector<256x2048xi1>
    %jit3A_458 = arith.constant 0.000000e+00 : f32
    %broadcast_in_dim3A_459 = vector.shape_cast %add3A_411 : vector<256x1xf32> to vector<256x1xf32>
    %broadcast_in_dim3A_460 = vector.broadcast %broadcast_in_dim3A_459 : vector<256x1xf32> to vector<256x2048xf32>
    %broadcast_in_dim3A_461 = vector.broadcast %jit3A_458 : f32 to vector<256x2048xf32>
    %select_n3A_462 = arith.select %and3A_457, %broadcast_in_dim3A_460, %broadcast_in_dim3A_461 : vector<256x2048xi1>, vector<256x2048xf32>
    %reduce_sum3A_463 = arith.constant dense<0.000000e+00> : vector<2048xf32>
    %reduce_sum3A_464 = vector.multi_reduction <add>, %select_n3A_462, %reduce_sum3A_463 [0] : vector<256x2048xf32> to vector<2048xf32>
    %broadcast_in_dim3A_465 = vector.shape_cast %reduce_sum3A_464 : vector<2048xf32> to vector<1x2048xf32>
    %add3A_466 = arith.addf %add3A_400, %broadcast_in_dim3A_465 : vector<1x2048xf32>
    %reduce_sum3A_467 = arith.constant dense<0.000000e+00> : vector<1xf32>
    %reduce_sum3A_468 = vector.multi_reduction <add>, %slice3A_442, %reduce_sum3A_467 [0] : vector<256x1xf32> to vector<1xf32>
    %broadcast_in_dim3A_469 = vector.shape_cast %reduce_sum3A_468 : vector<1xf32> to vector<1x1xf32>
    %add3A_470 = arith.addf %add3A_404, %broadcast_in_dim3A_469 : vector<1x1xf32>
    %slice3A_471 = vector.extract_strided_slice %select_n3A_181 {offsets = [1024, 0], sizes = [256, 1], strides = [1, 1]} : vector<2048x1xf32> to vector<256x1xf32>
    %slice3A_472 = vector.extract_strided_slice %select_n3A_20 {offsets = [1024, 0], sizes = [256, 1], strides = [1, 1]} : vector<2048x1xf32> to vector<256x1xf32>
    %iota3A_473 = tpu.iota {dimensions = array<i32: 0>} : vector<256x1xi32>
    %convert_element_type3A_474 = arith.sitofp %iota3A_473 : vector<256x1xi32> to vector<256x1xf32>
    %add3A_475 = arith.constant 1.024000e+03 : f32
    %add3A_476 = vector.broadcast %add3A_475 : f32 to vector<256x1xf32>
    %add3A_477 = arith.addf %convert_element_type3A_474, %add3A_476 : vector<256x1xf32>
    %eq3A_478 = vector.broadcast %slice3A_471 : vector<256x1xf32> to vector<256x2560xf32>
    %eq3A_479 = vector.broadcast %convert_element_type3A_194 : vector<1x2560xf32> to vector<256x2560xf32>
    %eq3A_480 = arith.cmpf oeq, %eq3A_478, %eq3A_479 : vector<256x2560xf32>
    %jit3A_481 = arith.constant 0.000000e+00 : f32
    %broadcast_in_dim3A_482 = vector.shape_cast %add3A_477 : vector<256x1xf32> to vector<256x1xf32>
    %broadcast_in_dim3A_483 = vector.broadcast %broadcast_in_dim3A_482 : vector<256x1xf32> to vector<256x2560xf32>
    %broadcast_in_dim3A_484 = vector.broadcast %jit3A_481 : f32 to vector<256x2560xf32>
    %select_n3A_485 = arith.select %eq3A_480, %broadcast_in_dim3A_483, %broadcast_in_dim3A_484 : vector<256x2560xi1>, vector<256x2560xf32>
    %reduce_sum3A_486 = arith.constant dense<0.000000e+00> : vector<2560xf32>
    %reduce_sum3A_487 = vector.multi_reduction <add>, %select_n3A_485, %reduce_sum3A_486 [0] : vector<256x2560xf32> to vector<2560xf32>
    %broadcast_in_dim3A_488 = vector.shape_cast %reduce_sum3A_487 : vector<2560xf32> to vector<1x2560xf32>
    %add3A_489 = arith.addf %add3A_423, %broadcast_in_dim3A_488 : vector<1x2560xf32>
    %jit3A_490 = arith.constant 0.000000e+00 : f32
    %broadcast_in_dim3A_491 = vector.shape_cast %slice3A_472 : vector<256x1xf32> to vector<256x1xf32>
    %broadcast_in_dim3A_492 = vector.broadcast %broadcast_in_dim3A_491 : vector<256x1xf32> to vector<256x2560xf32>
    %broadcast_in_dim3A_493 = vector.broadcast %jit3A_490 : f32 to vector<256x2560xf32>
    %select_n3A_494 = arith.select %eq3A_480, %broadcast_in_dim3A_492, %broadcast_in_dim3A_493 : vector<256x2560xi1>, vector<256x2560xf32>
    %reduce_sum3A_495 = arith.constant dense<0.000000e+00> : vector<2560xf32>
    %reduce_sum3A_496 = vector.multi_reduction <add>, %select_n3A_494, %reduce_sum3A_495 [0] : vector<256x2560xf32> to vector<2560xf32>
    %broadcast_in_dim3A_497 = vector.shape_cast %reduce_sum3A_496 : vector<2560xf32> to vector<1x2560xf32>
    %add3A_498 = arith.addf %add3A_432, %broadcast_in_dim3A_497 : vector<1x2560xf32>
    %jit3A_499 = arith.constant 1.000000e+00 : f32
    %jit3A_500 = arith.constant 0.000000e+00 : f32
    %broadcast_in_dim3A_501 = vector.broadcast %jit3A_499 : f32 to vector<256x2560xf32>
    %broadcast_in_dim3A_502 = vector.broadcast %jit3A_500 : f32 to vector<256x2560xf32>
    %select_n3A_503 = arith.select %eq3A_480, %broadcast_in_dim3A_501, %broadcast_in_dim3A_502 : vector<256x2560xi1>, vector<256x2560xf32>
    %reduce_sum3A_504 = arith.constant dense<0.000000e+00> : vector<2560xf32>
    %reduce_sum3A_505 = vector.multi_reduction <add>, %select_n3A_503, %reduce_sum3A_504 [0] : vector<256x2560xf32> to vector<2560xf32>
    %broadcast_in_dim3A_506 = vector.shape_cast %reduce_sum3A_505 : vector<2560xf32> to vector<1x2560xf32>
    %add3A_507 = arith.addf %add3A_441, %broadcast_in_dim3A_506 : vector<1x2560xf32>
    %slice3A_508 = vector.extract_strided_slice %select_n3A_192 {offsets = [1024, 0], sizes = [256, 1], strides = [1, 1]} : vector<2048x1xf32> to vector<256x1xf32>
    %dot_general3A_509 = arith.constant dense<0.000000e+00> : vector<256x1xf32>
    %dot_general3A_510 = tpu.matmul %convert_element_type3A_27, %slice3A_508, %dot_general3A_509 {dimension_numbers = #tpu.dot_dimension_numbers<[1], [0], [0], [1], [0, 0, 1, 1], [], []>, transpose_lhs_hint = false} : vector<256x256xf32>, vector<256x1xf32>, vector<256x1xf32> -> vector<256x1xf32>
    %add3A_511 = vector.broadcast %add3A_470 : vector<1x1xf32> to vector<256x1xf32>
    %add3A_512 = arith.addf %dot_general3A_510, %add3A_511 : vector<256x1xf32>
    %add3A_513 = arith.constant 1.000000e+00 : f32
    %add3A_514 = vector.broadcast %add3A_513 : f32 to vector<1x2048xf32>
    %add3A_515 = arith.addf %convert_element_type3A_196, %add3A_514 : vector<1x2048xf32>
    %eq3A_516 = vector.broadcast %add3A_512 : vector<256x1xf32> to vector<256x2048xf32>
    %eq3A_517 = vector.broadcast %add3A_515 : vector<1x2048xf32> to vector<256x2048xf32>
    %eq3A_518 = arith.cmpf oeq, %eq3A_516, %eq3A_517 : vector<256x2048xf32>
    %gt3A_519 = arith.constant 0.000000e+00 : f32
    %gt3A_520 = vector.broadcast %gt3A_519 : f32 to vector<256x1xf32>
    %gt3A_521 = arith.cmpf ogt, %slice3A_508, %gt3A_520 : vector<256x1xf32>
    %and3A_522 = vector.broadcast %gt3A_521 : vector<256x1xi1> to vector<256x2048xi1>
    %and3A_523 = arith.andi %eq3A_518, %and3A_522 : vector<256x2048xi1>
    %jit3A_524 = arith.constant 0.000000e+00 : f32
    %broadcast_in_dim3A_525 = vector.shape_cast %add3A_477 : vector<256x1xf32> to vector<256x1xf32>
    %broadcast_in_dim3A_526 = vector.broadcast %broadcast_in_dim3A_525 : vector<256x1xf32> to vector<256x2048xf32>
    %broadcast_in_dim3A_527 = vector.broadcast %jit3A_524 : f32 to vector<256x2048xf32>
    %select_n3A_528 = arith.select %and3A_523, %broadcast_in_dim3A_526, %broadcast_in_dim3A_527 : vector<256x2048xi1>, vector<256x2048xf32>
    %reduce_sum3A_529 = arith.constant dense<0.000000e+00> : vector<2048xf32>
    %reduce_sum3A_530 = vector.multi_reduction <add>, %select_n3A_528, %reduce_sum3A_529 [0] : vector<256x2048xf32> to vector<2048xf32>
    %broadcast_in_dim3A_531 = vector.shape_cast %reduce_sum3A_530 : vector<2048xf32> to vector<1x2048xf32>
    %add3A_532 = arith.addf %add3A_466, %broadcast_in_dim3A_531 : vector<1x2048xf32>
    %reduce_sum3A_533 = arith.constant dense<0.000000e+00> : vector<1xf32>
    %reduce_sum3A_534 = vector.multi_reduction <add>, %slice3A_508, %reduce_sum3A_533 [0] : vector<256x1xf32> to vector<1xf32>
    %broadcast_in_dim3A_535 = vector.shape_cast %reduce_sum3A_534 : vector<1xf32> to vector<1x1xf32>
    %add3A_536 = arith.addf %add3A_470, %broadcast_in_dim3A_535 : vector<1x1xf32>
    %slice3A_537 = vector.extract_strided_slice %select_n3A_181 {offsets = [1280, 0], sizes = [256, 1], strides = [1, 1]} : vector<2048x1xf32> to vector<256x1xf32>
    %slice3A_538 = vector.extract_strided_slice %select_n3A_20 {offsets = [1280, 0], sizes = [256, 1], strides = [1, 1]} : vector<2048x1xf32> to vector<256x1xf32>
    %iota3A_539 = tpu.iota {dimensions = array<i32: 0>} : vector<256x1xi32>
    %convert_element_type3A_540 = arith.sitofp %iota3A_539 : vector<256x1xi32> to vector<256x1xf32>
    %add3A_541 = arith.constant 1.280000e+03 : f32
    %add3A_542 = vector.broadcast %add3A_541 : f32 to vector<256x1xf32>
    %add3A_543 = arith.addf %convert_element_type3A_540, %add3A_542 : vector<256x1xf32>
    %eq3A_544 = vector.broadcast %slice3A_537 : vector<256x1xf32> to vector<256x2560xf32>
    %eq3A_545 = vector.broadcast %convert_element_type3A_194 : vector<1x2560xf32> to vector<256x2560xf32>
    %eq3A_546 = arith.cmpf oeq, %eq3A_544, %eq3A_545 : vector<256x2560xf32>
    %jit3A_547 = arith.constant 0.000000e+00 : f32
    %broadcast_in_dim3A_548 = vector.shape_cast %add3A_543 : vector<256x1xf32> to vector<256x1xf32>
    %broadcast_in_dim3A_549 = vector.broadcast %broadcast_in_dim3A_548 : vector<256x1xf32> to vector<256x2560xf32>
    %broadcast_in_dim3A_550 = vector.broadcast %jit3A_547 : f32 to vector<256x2560xf32>
    %select_n3A_551 = arith.select %eq3A_546, %broadcast_in_dim3A_549, %broadcast_in_dim3A_550 : vector<256x2560xi1>, vector<256x2560xf32>
    %reduce_sum3A_552 = arith.constant dense<0.000000e+00> : vector<2560xf32>
    %reduce_sum3A_553 = vector.multi_reduction <add>, %select_n3A_551, %reduce_sum3A_552 [0] : vector<256x2560xf32> to vector<2560xf32>
    %broadcast_in_dim3A_554 = vector.shape_cast %reduce_sum3A_553 : vector<2560xf32> to vector<1x2560xf32>
    %add3A_555 = arith.addf %add3A_489, %broadcast_in_dim3A_554 : vector<1x2560xf32>
    %jit3A_556 = arith.constant 0.000000e+00 : f32
    %broadcast_in_dim3A_557 = vector.shape_cast %slice3A_538 : vector<256x1xf32> to vector<256x1xf32>
    %broadcast_in_dim3A_558 = vector.broadcast %broadcast_in_dim3A_557 : vector<256x1xf32> to vector<256x2560xf32>
    %broadcast_in_dim3A_559 = vector.broadcast %jit3A_556 : f32 to vector<256x2560xf32>
    %select_n3A_560 = arith.select %eq3A_546, %broadcast_in_dim3A_558, %broadcast_in_dim3A_559 : vector<256x2560xi1>, vector<256x2560xf32>
    %reduce_sum3A_561 = arith.constant dense<0.000000e+00> : vector<2560xf32>
    %reduce_sum3A_562 = vector.multi_reduction <add>, %select_n3A_560, %reduce_sum3A_561 [0] : vector<256x2560xf32> to vector<2560xf32>
    %broadcast_in_dim3A_563 = vector.shape_cast %reduce_sum3A_562 : vector<2560xf32> to vector<1x2560xf32>
    %add3A_564 = arith.addf %add3A_498, %broadcast_in_dim3A_563 : vector<1x2560xf32>
    %jit3A_565 = arith.constant 1.000000e+00 : f32
    %jit3A_566 = arith.constant 0.000000e+00 : f32
    %broadcast_in_dim3A_567 = vector.broadcast %jit3A_565 : f32 to vector<256x2560xf32>
    %broadcast_in_dim3A_568 = vector.broadcast %jit3A_566 : f32 to vector<256x2560xf32>
    %select_n3A_569 = arith.select %eq3A_546, %broadcast_in_dim3A_567, %broadcast_in_dim3A_568 : vector<256x2560xi1>, vector<256x2560xf32>
    %reduce_sum3A_570 = arith.constant dense<0.000000e+00> : vector<2560xf32>
    %reduce_sum3A_571 = vector.multi_reduction <add>, %select_n3A_569, %reduce_sum3A_570 [0] : vector<256x2560xf32> to vector<2560xf32>
    %broadcast_in_dim3A_572 = vector.shape_cast %reduce_sum3A_571 : vector<2560xf32> to vector<1x2560xf32>
    %add3A_573 = arith.addf %add3A_507, %broadcast_in_dim3A_572 : vector<1x2560xf32>
    %slice3A_574 = vector.extract_strided_slice %select_n3A_192 {offsets = [1280, 0], sizes = [256, 1], strides = [1, 1]} : vector<2048x1xf32> to vector<256x1xf32>
    %dot_general3A_575 = arith.constant dense<0.000000e+00> : vector<256x1xf32>
    %dot_general3A_576 = tpu.matmul %convert_element_type3A_27, %slice3A_574, %dot_general3A_575 {dimension_numbers = #tpu.dot_dimension_numbers<[1], [0], [0], [1], [0, 0, 1, 1], [], []>, transpose_lhs_hint = false} : vector<256x256xf32>, vector<256x1xf32>, vector<256x1xf32> -> vector<256x1xf32>
    %add3A_577 = vector.broadcast %add3A_536 : vector<1x1xf32> to vector<256x1xf32>
    %add3A_578 = arith.addf %dot_general3A_576, %add3A_577 : vector<256x1xf32>
    %add3A_579 = arith.constant 1.000000e+00 : f32
    %add3A_580 = vector.broadcast %add3A_579 : f32 to vector<1x2048xf32>
    %add3A_581 = arith.addf %convert_element_type3A_196, %add3A_580 : vector<1x2048xf32>
    %eq3A_582 = vector.broadcast %add3A_578 : vector<256x1xf32> to vector<256x2048xf32>
    %eq3A_583 = vector.broadcast %add3A_581 : vector<1x2048xf32> to vector<256x2048xf32>
    %eq3A_584 = arith.cmpf oeq, %eq3A_582, %eq3A_583 : vector<256x2048xf32>
    %gt3A_585 = arith.constant 0.000000e+00 : f32
    %gt3A_586 = vector.broadcast %gt3A_585 : f32 to vector<256x1xf32>
    %gt3A_587 = arith.cmpf ogt, %slice3A_574, %gt3A_586 : vector<256x1xf32>
    %and3A_588 = vector.broadcast %gt3A_587 : vector<256x1xi1> to vector<256x2048xi1>
    %and3A_589 = arith.andi %eq3A_584, %and3A_588 : vector<256x2048xi1>
    %jit3A_590 = arith.constant 0.000000e+00 : f32
    %broadcast_in_dim3A_591 = vector.shape_cast %add3A_543 : vector<256x1xf32> to vector<256x1xf32>
    %broadcast_in_dim3A_592 = vector.broadcast %broadcast_in_dim3A_591 : vector<256x1xf32> to vector<256x2048xf32>
    %broadcast_in_dim3A_593 = vector.broadcast %jit3A_590 : f32 to vector<256x2048xf32>
    %select_n3A_594 = arith.select %and3A_589, %broadcast_in_dim3A_592, %broadcast_in_dim3A_593 : vector<256x2048xi1>, vector<256x2048xf32>
    %reduce_sum3A_595 = arith.constant dense<0.000000e+00> : vector<2048xf32>
    %reduce_sum3A_596 = vector.multi_reduction <add>, %select_n3A_594, %reduce_sum3A_595 [0] : vector<256x2048xf32> to vector<2048xf32>
    %broadcast_in_dim3A_597 = vector.shape_cast %reduce_sum3A_596 : vector<2048xf32> to vector<1x2048xf32>
    %add3A_598 = arith.addf %add3A_532, %broadcast_in_dim3A_597 : vector<1x2048xf32>
    %reduce_sum3A_599 = arith.constant dense<0.000000e+00> : vector<1xf32>
    %reduce_sum3A_600 = vector.multi_reduction <add>, %slice3A_574, %reduce_sum3A_599 [0] : vector<256x1xf32> to vector<1xf32>
    %broadcast_in_dim3A_601 = vector.shape_cast %reduce_sum3A_600 : vector<1xf32> to vector<1x1xf32>
    %add3A_602 = arith.addf %add3A_536, %broadcast_in_dim3A_601 : vector<1x1xf32>
    %slice3A_603 = vector.extract_strided_slice %select_n3A_181 {offsets = [1536, 0], sizes = [256, 1], strides = [1, 1]} : vector<2048x1xf32> to vector<256x1xf32>
    %slice3A_604 = vector.extract_strided_slice %select_n3A_20 {offsets = [1536, 0], sizes = [256, 1], strides = [1, 1]} : vector<2048x1xf32> to vector<256x1xf32>
    %iota3A_605 = tpu.iota {dimensions = array<i32: 0>} : vector<256x1xi32>
    %convert_element_type3A_606 = arith.sitofp %iota3A_605 : vector<256x1xi32> to vector<256x1xf32>
    %add3A_607 = arith.constant 1.536000e+03 : f32
    %add3A_608 = vector.broadcast %add3A_607 : f32 to vector<256x1xf32>
    %add3A_609 = arith.addf %convert_element_type3A_606, %add3A_608 : vector<256x1xf32>
    %eq3A_610 = vector.broadcast %slice3A_603 : vector<256x1xf32> to vector<256x2560xf32>
    %eq3A_611 = vector.broadcast %convert_element_type3A_194 : vector<1x2560xf32> to vector<256x2560xf32>
    %eq3A_612 = arith.cmpf oeq, %eq3A_610, %eq3A_611 : vector<256x2560xf32>
    %jit3A_613 = arith.constant 0.000000e+00 : f32
    %broadcast_in_dim3A_614 = vector.shape_cast %add3A_609 : vector<256x1xf32> to vector<256x1xf32>
    %broadcast_in_dim3A_615 = vector.broadcast %broadcast_in_dim3A_614 : vector<256x1xf32> to vector<256x2560xf32>
    %broadcast_in_dim3A_616 = vector.broadcast %jit3A_613 : f32 to vector<256x2560xf32>
    %select_n3A_617 = arith.select %eq3A_612, %broadcast_in_dim3A_615, %broadcast_in_dim3A_616 : vector<256x2560xi1>, vector<256x2560xf32>
    %reduce_sum3A_618 = arith.constant dense<0.000000e+00> : vector<2560xf32>
    %reduce_sum3A_619 = vector.multi_reduction <add>, %select_n3A_617, %reduce_sum3A_618 [0] : vector<256x2560xf32> to vector<2560xf32>
    %broadcast_in_dim3A_620 = vector.shape_cast %reduce_sum3A_619 : vector<2560xf32> to vector<1x2560xf32>
    %add3A_621 = arith.addf %add3A_555, %broadcast_in_dim3A_620 : vector<1x2560xf32>
    %jit3A_622 = arith.constant 0.000000e+00 : f32
    %broadcast_in_dim3A_623 = vector.shape_cast %slice3A_604 : vector<256x1xf32> to vector<256x1xf32>
    %broadcast_in_dim3A_624 = vector.broadcast %broadcast_in_dim3A_623 : vector<256x1xf32> to vector<256x2560xf32>
    %broadcast_in_dim3A_625 = vector.broadcast %jit3A_622 : f32 to vector<256x2560xf32>
    %select_n3A_626 = arith.select %eq3A_612, %broadcast_in_dim3A_624, %broadcast_in_dim3A_625 : vector<256x2560xi1>, vector<256x2560xf32>
    %reduce_sum3A_627 = arith.constant dense<0.000000e+00> : vector<2560xf32>
    %reduce_sum3A_628 = vector.multi_reduction <add>, %select_n3A_626, %reduce_sum3A_627 [0] : vector<256x2560xf32> to vector<2560xf32>
    %broadcast_in_dim3A_629 = vector.shape_cast %reduce_sum3A_628 : vector<2560xf32> to vector<1x2560xf32>
    %add3A_630 = arith.addf %add3A_564, %broadcast_in_dim3A_629 : vector<1x2560xf32>
    %jit3A_631 = arith.constant 1.000000e+00 : f32
    %jit3A_632 = arith.constant 0.000000e+00 : f32
    %broadcast_in_dim3A_633 = vector.broadcast %jit3A_631 : f32 to vector<256x2560xf32>
    %broadcast_in_dim3A_634 = vector.broadcast %jit3A_632 : f32 to vector<256x2560xf32>
    %select_n3A_635 = arith.select %eq3A_612, %broadcast_in_dim3A_633, %broadcast_in_dim3A_634 : vector<256x2560xi1>, vector<256x2560xf32>
    %reduce_sum3A_636 = arith.constant dense<0.000000e+00> : vector<2560xf32>
    %reduce_sum3A_637 = vector.multi_reduction <add>, %select_n3A_635, %reduce_sum3A_636 [0] : vector<256x2560xf32> to vector<2560xf32>
    %broadcast_in_dim3A_638 = vector.shape_cast %reduce_sum3A_637 : vector<2560xf32> to vector<1x2560xf32>
    %add3A_639 = arith.addf %add3A_573, %broadcast_in_dim3A_638 : vector<1x2560xf32>
    %slice3A_640 = vector.extract_strided_slice %select_n3A_192 {offsets = [1536, 0], sizes = [256, 1], strides = [1, 1]} : vector<2048x1xf32> to vector<256x1xf32>
    %dot_general3A_641 = arith.constant dense<0.000000e+00> : vector<256x1xf32>
    %dot_general3A_642 = tpu.matmul %convert_element_type3A_27, %slice3A_640, %dot_general3A_641 {dimension_numbers = #tpu.dot_dimension_numbers<[1], [0], [0], [1], [0, 0, 1, 1], [], []>, transpose_lhs_hint = false} : vector<256x256xf32>, vector<256x1xf32>, vector<256x1xf32> -> vector<256x1xf32>
    %add3A_643 = vector.broadcast %add3A_602 : vector<1x1xf32> to vector<256x1xf32>
    %add3A_644 = arith.addf %dot_general3A_642, %add3A_643 : vector<256x1xf32>
    %add3A_645 = arith.constant 1.000000e+00 : f32
    %add3A_646 = vector.broadcast %add3A_645 : f32 to vector<1x2048xf32>
    %add3A_647 = arith.addf %convert_element_type3A_196, %add3A_646 : vector<1x2048xf32>
    %eq3A_648 = vector.broadcast %add3A_644 : vector<256x1xf32> to vector<256x2048xf32>
    %eq3A_649 = vector.broadcast %add3A_647 : vector<1x2048xf32> to vector<256x2048xf32>
    %eq3A_650 = arith.cmpf oeq, %eq3A_648, %eq3A_649 : vector<256x2048xf32>
    %gt3A_651 = arith.constant 0.000000e+00 : f32
    %gt3A_652 = vector.broadcast %gt3A_651 : f32 to vector<256x1xf32>
    %gt3A_653 = arith.cmpf ogt, %slice3A_640, %gt3A_652 : vector<256x1xf32>
    %and3A_654 = vector.broadcast %gt3A_653 : vector<256x1xi1> to vector<256x2048xi1>
    %and3A_655 = arith.andi %eq3A_650, %and3A_654 : vector<256x2048xi1>
    %jit3A_656 = arith.constant 0.000000e+00 : f32
    %broadcast_in_dim3A_657 = vector.shape_cast %add3A_609 : vector<256x1xf32> to vector<256x1xf32>
    %broadcast_in_dim3A_658 = vector.broadcast %broadcast_in_dim3A_657 : vector<256x1xf32> to vector<256x2048xf32>
    %broadcast_in_dim3A_659 = vector.broadcast %jit3A_656 : f32 to vector<256x2048xf32>
    %select_n3A_660 = arith.select %and3A_655, %broadcast_in_dim3A_658, %broadcast_in_dim3A_659 : vector<256x2048xi1>, vector<256x2048xf32>
    %reduce_sum3A_661 = arith.constant dense<0.000000e+00> : vector<2048xf32>
    %reduce_sum3A_662 = vector.multi_reduction <add>, %select_n3A_660, %reduce_sum3A_661 [0] : vector<256x2048xf32> to vector<2048xf32>
    %broadcast_in_dim3A_663 = vector.shape_cast %reduce_sum3A_662 : vector<2048xf32> to vector<1x2048xf32>
    %add3A_664 = arith.addf %add3A_598, %broadcast_in_dim3A_663 : vector<1x2048xf32>
    %reduce_sum3A_665 = arith.constant dense<0.000000e+00> : vector<1xf32>
    %reduce_sum3A_666 = vector.multi_reduction <add>, %slice3A_640, %reduce_sum3A_665 [0] : vector<256x1xf32> to vector<1xf32>
    %broadcast_in_dim3A_667 = vector.shape_cast %reduce_sum3A_666 : vector<1xf32> to vector<1x1xf32>
    %add3A_668 = arith.addf %add3A_602, %broadcast_in_dim3A_667 : vector<1x1xf32>
    %slice3A_669 = vector.extract_strided_slice %select_n3A_181 {offsets = [1792, 0], sizes = [256, 1], strides = [1, 1]} : vector<2048x1xf32> to vector<256x1xf32>
    %slice3A_670 = vector.extract_strided_slice %select_n3A_20 {offsets = [1792, 0], sizes = [256, 1], strides = [1, 1]} : vector<2048x1xf32> to vector<256x1xf32>
    %iota3A_671 = tpu.iota {dimensions = array<i32: 0>} : vector<256x1xi32>
    %convert_element_type3A_672 = arith.sitofp %iota3A_671 : vector<256x1xi32> to vector<256x1xf32>
    %add3A_673 = arith.constant 1.792000e+03 : f32
    %add3A_674 = vector.broadcast %add3A_673 : f32 to vector<256x1xf32>
    %add3A_675 = arith.addf %convert_element_type3A_672, %add3A_674 : vector<256x1xf32>
    %eq3A_676 = vector.broadcast %slice3A_669 : vector<256x1xf32> to vector<256x2560xf32>
    %eq3A_677 = vector.broadcast %convert_element_type3A_194 : vector<1x2560xf32> to vector<256x2560xf32>
    %eq3A_678 = arith.cmpf oeq, %eq3A_676, %eq3A_677 : vector<256x2560xf32>
    %jit3A_679 = arith.constant 0.000000e+00 : f32
    %broadcast_in_dim3A_680 = vector.shape_cast %add3A_675 : vector<256x1xf32> to vector<256x1xf32>
    %broadcast_in_dim3A_681 = vector.broadcast %broadcast_in_dim3A_680 : vector<256x1xf32> to vector<256x2560xf32>
    %broadcast_in_dim3A_682 = vector.broadcast %jit3A_679 : f32 to vector<256x2560xf32>
    %select_n3A_683 = arith.select %eq3A_678, %broadcast_in_dim3A_681, %broadcast_in_dim3A_682 : vector<256x2560xi1>, vector<256x2560xf32>
    %reduce_sum3A_684 = arith.constant dense<0.000000e+00> : vector<2560xf32>
    %reduce_sum3A_685 = vector.multi_reduction <add>, %select_n3A_683, %reduce_sum3A_684 [0] : vector<256x2560xf32> to vector<2560xf32>
    %broadcast_in_dim3A_686 = vector.shape_cast %reduce_sum3A_685 : vector<2560xf32> to vector<1x2560xf32>
    %add3A_687 = arith.addf %add3A_621, %broadcast_in_dim3A_686 : vector<1x2560xf32>
    %jit3A_688 = arith.constant 0.000000e+00 : f32
    %broadcast_in_dim3A_689 = vector.shape_cast %slice3A_670 : vector<256x1xf32> to vector<256x1xf32>
    %broadcast_in_dim3A_690 = vector.broadcast %broadcast_in_dim3A_689 : vector<256x1xf32> to vector<256x2560xf32>
    %broadcast_in_dim3A_691 = vector.broadcast %jit3A_688 : f32 to vector<256x2560xf32>
    %select_n3A_692 = arith.select %eq3A_678, %broadcast_in_dim3A_690, %broadcast_in_dim3A_691 : vector<256x2560xi1>, vector<256x2560xf32>
    %reduce_sum3A_693 = arith.constant dense<0.000000e+00> : vector<2560xf32>
    %reduce_sum3A_694 = vector.multi_reduction <add>, %select_n3A_692, %reduce_sum3A_693 [0] : vector<256x2560xf32> to vector<2560xf32>
    %broadcast_in_dim3A_695 = vector.shape_cast %reduce_sum3A_694 : vector<2560xf32> to vector<1x2560xf32>
    %add3A_696 = arith.addf %add3A_630, %broadcast_in_dim3A_695 : vector<1x2560xf32>
    %jit3A_697 = arith.constant 1.000000e+00 : f32
    %jit3A_698 = arith.constant 0.000000e+00 : f32
    %broadcast_in_dim3A_699 = vector.broadcast %jit3A_697 : f32 to vector<256x2560xf32>
    %broadcast_in_dim3A_700 = vector.broadcast %jit3A_698 : f32 to vector<256x2560xf32>
    %select_n3A_701 = arith.select %eq3A_678, %broadcast_in_dim3A_699, %broadcast_in_dim3A_700 : vector<256x2560xi1>, vector<256x2560xf32>
    %reduce_sum3A_702 = arith.constant dense<0.000000e+00> : vector<2560xf32>
    %reduce_sum3A_703 = vector.multi_reduction <add>, %select_n3A_701, %reduce_sum3A_702 [0] : vector<256x2560xf32> to vector<2560xf32>
    %broadcast_in_dim3A_704 = vector.shape_cast %reduce_sum3A_703 : vector<2560xf32> to vector<1x2560xf32>
    %add3A_705 = arith.addf %add3A_639, %broadcast_in_dim3A_704 : vector<1x2560xf32>
    %slice3A_706 = vector.extract_strided_slice %select_n3A_192 {offsets = [1792, 0], sizes = [256, 1], strides = [1, 1]} : vector<2048x1xf32> to vector<256x1xf32>
    %dot_general3A_707 = arith.constant dense<0.000000e+00> : vector<256x1xf32>
    %dot_general3A_708 = tpu.matmul %convert_element_type3A_27, %slice3A_706, %dot_general3A_707 {dimension_numbers = #tpu.dot_dimension_numbers<[1], [0], [0], [1], [0, 0, 1, 1], [], []>, transpose_lhs_hint = false} : vector<256x256xf32>, vector<256x1xf32>, vector<256x1xf32> -> vector<256x1xf32>
    %add3A_709 = vector.broadcast %add3A_668 : vector<1x1xf32> to vector<256x1xf32>
    %add3A_710 = arith.addf %dot_general3A_708, %add3A_709 : vector<256x1xf32>
    %add3A_711 = arith.constant 1.000000e+00 : f32
    %add3A_712 = vector.broadcast %add3A_711 : f32 to vector<1x2048xf32>
    %add3A_713 = arith.addf %convert_element_type3A_196, %add3A_712 : vector<1x2048xf32>
    %eq3A_714 = vector.broadcast %add3A_710 : vector<256x1xf32> to vector<256x2048xf32>
    %eq3A_715 = vector.broadcast %add3A_713 : vector<1x2048xf32> to vector<256x2048xf32>
    %eq3A_716 = arith.cmpf oeq, %eq3A_714, %eq3A_715 : vector<256x2048xf32>
    %gt3A_717 = arith.constant 0.000000e+00 : f32
    %gt3A_718 = vector.broadcast %gt3A_717 : f32 to vector<256x1xf32>
    %gt3A_719 = arith.cmpf ogt, %slice3A_706, %gt3A_718 : vector<256x1xf32>
    %and3A_720 = vector.broadcast %gt3A_719 : vector<256x1xi1> to vector<256x2048xi1>
    %and3A_721 = arith.andi %eq3A_716, %and3A_720 : vector<256x2048xi1>
    %jit3A_722 = arith.constant 0.000000e+00 : f32
    %broadcast_in_dim3A_723 = vector.shape_cast %add3A_675 : vector<256x1xf32> to vector<256x1xf32>
    %broadcast_in_dim3A_724 = vector.broadcast %broadcast_in_dim3A_723 : vector<256x1xf32> to vector<256x2048xf32>
    %broadcast_in_dim3A_725 = vector.broadcast %jit3A_722 : f32 to vector<256x2048xf32>
    %select_n3A_726 = arith.select %and3A_721, %broadcast_in_dim3A_724, %broadcast_in_dim3A_725 : vector<256x2048xi1>, vector<256x2048xf32>
    %reduce_sum3A_727 = arith.constant dense<0.000000e+00> : vector<2048xf32>
    %reduce_sum3A_728 = vector.multi_reduction <add>, %select_n3A_726, %reduce_sum3A_727 [0] : vector<256x2048xf32> to vector<2048xf32>
    %broadcast_in_dim3A_729 = vector.shape_cast %reduce_sum3A_728 : vector<2048xf32> to vector<1x2048xf32>
    %add3A_730 = arith.addf %add3A_664, %broadcast_in_dim3A_729 : vector<1x2048xf32>
    %reduce_sum3A_731 = arith.constant dense<0.000000e+00> : vector<1xf32>
    %reduce_sum3A_732 = vector.multi_reduction <add>, %slice3A_706, %reduce_sum3A_731 [0] : vector<256x1xf32> to vector<1xf32>
    %broadcast_in_dim3A_733 = vector.shape_cast %reduce_sum3A_732 : vector<1xf32> to vector<1x1xf32>
    %add3A_734 = arith.addf %add3A_668, %broadcast_in_dim3A_733 : vector<1x1xf32>
    %gt3A_735 = arith.constant 0.000000e+00 : f32
    %gt3A_736 = vector.broadcast %gt3A_735 : f32 to vector<1x2560xf32>
    %gt3A_737 = arith.cmpf ogt, %add3A_705, %gt3A_736 : vector<1x2560xf32>
    %jit3A_738 = arith.constant 2.048000e+03 : f32
    %broadcast_in_dim3A_739 = vector.broadcast %jit3A_738 : f32 to vector<1x2560xf32>
    %select_n3A_740 = arith.select %gt3A_737, %add3A_687, %broadcast_in_dim3A_739 : vector<1x2560xi1>, vector<1x2560xf32>
    %convert_element_type3A_741 = arith.fptosi %select_n3A_740 : vector<1x2560xf32> to vector<1x2560xi32>
    %swap3A_742 = arith.constant 0 : index
    %swap3A_743 = arith.constant 0 : index
    %swap3A_744 = vector.load %arg3[%swap3A_742, %swap3A_743] : memref<1x2560xi32, #tpu.memory_space<vmem>>, vector<1x2560xi32>
    tpu.vector_store %arg3[%swap3A_742, %swap3A_743], %convert_element_type3A_741 {strides = array<i32>} : memref<1x2560xi32, #tpu.memory_space<vmem>>, vector<1x2560xi32>,
    %swap3A_745 = arith.constant 0 : index
    %swap3A_746 = arith.constant 0 : index
    %swap3A_747 = vector.load %arg4[%swap3A_745, %swap3A_746] : memref<1x2560xf32, #tpu.memory_space<vmem>>, vector<1x2560xf32>
    tpu.vector_store %arg4[%swap3A_745, %swap3A_746], %add3A_696 {strides = array<i32>} : memref<1x2560xf32, #tpu.memory_space<vmem>>, vector<1x2560xf32>,
    %convert_element_type3A_748 = arith.fptosi %add3A_730 : vector<1x2048xf32> to vector<1x2048xi32>
    %swap3A_749 = arith.constant 0 : index
    %swap3A_750 = arith.constant 0 : index
    %swap3A_751 = vector.load %arg7[%swap3A_749, %swap3A_750] : memref<1x2048xi32, #tpu.memory_space<vmem>>, vector<1x2048xi32>
    tpu.vector_store %arg7[%swap3A_749, %swap3A_750], %convert_element_type3A_748 {strides = array<i32>} : memref<1x2048xi32, #tpu.memory_space<vmem>>, vector<1x2048xi32>,
    %convert_element_type3A_752 = arith.fptosi %add3A_734 : vector<1x1xf32> to vector<1x1xi32>
    %swap3A_753 = arith.constant 0 : index
    %swap3A_754 = arith.constant 0 : index
    %swap3A_755 = vector.load %arg8[%swap3A_753, %swap3A_754] : memref<1x1xi32, #tpu.memory_space<vmem>>, vector<1x1xi32>
    tpu.vector_store %arg8[%swap3A_753, %swap3A_754], %convert_element_type3A_752 {strides = array<i32>} : memref<1x1xi32, #tpu.memory_space<vmem>>, vector<1x1xi32>,
    %mul3A_756 = vector.broadcast %select_n3A_159 : vector<2048x1xf32> to vector<2048x64xf32>
    %mul3A_757 = arith.mulf %convert_element_type3A_23, %mul3A_756 : vector<2048x64xf32>
    %reduce_sum3A_758 = arith.constant dense<0.000000e+00> : vector<64xf32>
    %reduce_sum3A_759 = vector.multi_reduction <add>, %mul3A_757, %reduce_sum3A_758 [0] : vector<2048x64xf32> to vector<64xf32>
    %broadcast_in_dim3A_760 = vector.shape_cast %reduce_sum3A_759 : vector<64xf32> to vector<1x64xf32>
    %gt3A_761 = arith.constant 0.000000e+00 : f32
    %gt3A_762 = vector.broadcast %gt3A_761 : f32 to vector<1x64xf32>
    %gt3A_763 = arith.cmpf ogt, %broadcast_in_dim3A_760, %gt3A_762 : vector<1x64xf32>
    %jit3A_764 = arith.constant 1.000000e+00 : f32
    %jit3A_765 = arith.constant 0.000000e+00 : f32
    %broadcast_in_dim3A_766 = vector.broadcast %jit3A_764 : f32 to vector<1x64xf32>
    %broadcast_in_dim3A_767 = vector.broadcast %jit3A_765 : f32 to vector<1x64xf32>
    %select_n3A_768 = arith.select %gt3A_763, %broadcast_in_dim3A_766, %broadcast_in_dim3A_767 : vector<1x64xi1>, vector<1x64xf32>
    %iota3A_769 = tpu.iota {dimensions = array<i32: 0>} : vector<64x64xi32>
    %iota3A_770 = tpu.iota {dimensions = array<i32: 1>} : vector<64x64xi32>
    %le3A = arith.cmpi sle, %iota3A_769, %iota3A_770 : vector<64x64xi32>
    %convert_element_type3A_771 = arith.extui %le3A : vector<64x64xi1> to vector<64x64xi32>
    %convert_element_type3A_772 = arith.sitofp %convert_element_type3A_771 : vector<64x64xi32> to vector<64x64xf32>
    %dot_general3A_773 = arith.constant dense<0.000000e+00> : vector<1x64xf32>
    %dot_general3A_774 = tpu.matmul %select_n3A_768, %convert_element_type3A_772, %dot_general3A_773 {dimension_numbers = #tpu.dot_dimension_numbers<[1], [0], [0], [1], [0, 0, 1, 1], [], []>, transpose_lhs_hint = false} : vector<1x64xf32>, vector<64x64xf32>, vector<1x64xf32> -> vector<1x64xf32>
    %reduce_sum3A_775 = arith.constant dense<0.000000e+00> : vector<1xf32>
    %reduce_sum3A_776 = vector.multi_reduction <add>, %select_n3A_768, %reduce_sum3A_775 [1] : vector<1x64xf32> to vector<1xf32>
    %broadcast_in_dim3A_777 = vector.shape_cast %reduce_sum3A_776 : vector<1xf32> to vector<1x1xf32>
    %eq3A_778 = arith.cmpi eq, %iota3A_769, %iota3A_770 : vector<64x64xi32>
    %convert_element_type3A_779 = arith.extui %eq3A_778 : vector<64x64xi1> to vector<64x64xi32>
    %convert_element_type3A_780 = arith.sitofp %convert_element_type3A_779 : vector<64x64xi32> to vector<64x64xf32>
    %broadcast_in_dim3A_781 = vector.shape_cast %dot_general3A_774 : vector<1x64xf32> to vector<1x64xf32>
    %broadcast_in_dim3A_782 = vector.broadcast %broadcast_in_dim3A_781 : vector<1x64xf32> to vector<64x64xf32>
    %mul3A_783 = arith.mulf %broadcast_in_dim3A_782, %convert_element_type3A_780 : vector<64x64xf32>
    %reduce_sum3A_784 = arith.constant dense<0.000000e+00> : vector<64xf32>
    %reduce_sum3A_785 = vector.multi_reduction <add>, %mul3A_783, %reduce_sum3A_784 [1] : vector<64x64xf32> to vector<64xf32>
    %broadcast_in_dim3A_786 = vector.shape_cast %reduce_sum3A_785 : vector<64xf32> to vector<64x1xf32>
    %broadcast_in_dim3A_787 = vector.shape_cast %select_n3A_768 : vector<1x64xf32> to vector<1x64xf32>
    %broadcast_in_dim3A_788 = vector.broadcast %broadcast_in_dim3A_787 : vector<1x64xf32> to vector<64x64xf32>
    %mul3A_789 = arith.mulf %broadcast_in_dim3A_788, %convert_element_type3A_780 : vector<64x64xf32>
    %reduce_sum3A_790 = arith.constant dense<0.000000e+00> : vector<64xf32>
    %reduce_sum3A_791 = vector.multi_reduction <add>, %mul3A_789, %reduce_sum3A_790 [1] : vector<64x64xf32> to vector<64xf32>
    %broadcast_in_dim3A_792 = vector.shape_cast %reduce_sum3A_791 : vector<64xf32> to vector<64x1xf32>
    %iota3A_793 = tpu.iota {dimensions = array<i32: 1>} : vector<1x64xi32>
    %convert_element_type3A_794 = arith.sitofp %iota3A_793 : vector<1x64xi32> to vector<1x64xf32>
    %iota3A_795 = tpu.iota {dimensions = array<i32: 0>} : vector<64x1xi32>
    %convert_element_type3A_796 = arith.sitofp %iota3A_795 : vector<64x1xi32> to vector<64x1xf32>
    %add3A_797 = arith.constant 1.000000e+00 : f32
    %add3A_798 = vector.broadcast %add3A_797 : f32 to vector<1x64xf32>
    %add3A_799 = arith.addf %convert_element_type3A_794, %add3A_798 : vector<1x64xf32>
    %eq3A_800 = vector.broadcast %broadcast_in_dim3A_786 : vector<64x1xf32> to vector<64x64xf32>
    %eq3A_801 = vector.broadcast %add3A_799 : vector<1x64xf32> to vector<64x64xf32>
    %eq3A_802 = arith.cmpf oeq, %eq3A_800, %eq3A_801 : vector<64x64xf32>
    %gt3A_803 = arith.constant 0.000000e+00 : f32
    %gt3A_804 = vector.broadcast %gt3A_803 : f32 to vector<64x1xf32>
    %gt3A_805 = arith.cmpf ogt, %broadcast_in_dim3A_792, %gt3A_804 : vector<64x1xf32>
    %and3A_806 = vector.broadcast %gt3A_805 : vector<64x1xi1> to vector<64x64xi1>
    %and3A_807 = arith.andi %eq3A_802, %and3A_806 : vector<64x64xi1>
    %jit3A_808 = arith.constant 0.000000e+00 : f32
    %broadcast_in_dim3A_809 = vector.shape_cast %convert_element_type3A_796 : vector<64x1xf32> to vector<64x1xf32>
    %broadcast_in_dim3A_810 = vector.broadcast %broadcast_in_dim3A_809 : vector<64x1xf32> to vector<64x64xf32>
    %broadcast_in_dim3A_811 = vector.broadcast %jit3A_808 : f32 to vector<64x64xf32>
    %select_n3A_812 = arith.select %and3A_807, %broadcast_in_dim3A_810, %broadcast_in_dim3A_811 : vector<64x64xi1>, vector<64x64xf32>
    %reduce_sum3A_813 = arith.constant dense<0.000000e+00> : vector<64xf32>
    %reduce_sum3A_814 = vector.multi_reduction <add>, %select_n3A_812, %reduce_sum3A_813 [0] : vector<64x64xf32> to vector<64xf32>
    %broadcast_in_dim3A_815 = vector.shape_cast %reduce_sum3A_814 : vector<64xf32> to vector<1x64xf32>
    %eq3A_816 = vector.broadcast %broadcast_in_dim3A_777 : vector<1x1xf32> to vector<64x1xf32>
    %eq3A_817 = arith.cmpf oeq, %broadcast_in_dim3A_786, %eq3A_816 : vector<64x1xf32>
    %gt3A_818 = arith.constant 0.000000e+00 : f32
    %gt3A_819 = vector.broadcast %gt3A_818 : f32 to vector<64x1xf32>
    %gt3A_820 = arith.cmpf ogt, %broadcast_in_dim3A_792, %gt3A_819 : vector<64x1xf32>
    %and3A_821 = arith.andi %eq3A_817, %gt3A_820 : vector<64x1xi1>
    %jit3A_822 = arith.constant 0.000000e+00 : f32
    %broadcast_in_dim3A_823 = vector.broadcast %jit3A_822 : f32 to vector<64x1xf32>
    %select_n3A_824 = arith.select %and3A_821, %convert_element_type3A_796, %broadcast_in_dim3A_823 : vector<64x1xi1>, vector<64x1xf32>
    %reduce_sum3A_825 = vector.shape_cast %select_n3A_824 : vector<64x1xf32> to vector<1x64x1xf32>
    %reduce_sum3A_826 = arith.constant dense<0.000000e+00> : vector<1xf32>
    %reduce_sum3A_827 = vector.multi_reduction <add>, %reduce_sum3A_825, %reduce_sum3A_826 [1, 2] : vector<1x64x1xf32> to vector<1xf32>
    %reduce_sum3A_828 = vector.shape_cast %reduce_sum3A_827 : vector<1xf32> to vector<1x1x1xf32>
    %reduce_sum3A_829 = vector.extract %reduce_sum3A_828[0, 0, 0] : f32 from vector<1x1x1xf32>
    %lt3A_830 = vector.broadcast %broadcast_in_dim3A_777 : vector<1x1xf32> to vector<1x64xf32>
    %lt3A_831 = arith.cmpf olt, %convert_element_type3A_794, %lt3A_830 : vector<1x64xf32>
    %broadcast_in_dim3A_832 = vector.broadcast %reduce_sum3A_829 : f32 to vector<1x64xf32>
    %select_n3A_833 = arith.select %lt3A_831, %broadcast_in_dim3A_815, %broadcast_in_dim3A_832 : vector<1x64xi1>, vector<1x64xf32>
    %convert_element_type3A_834 = arith.fptosi %select_n3A_833 : vector<1x64xf32> to vector<1x64xi32>
    %swap3A_835 = arith.constant 0 : index
    %swap3A_836 = arith.constant 0 : index
    %swap3A_837 = vector.load %arg5[%swap3A_835, %swap3A_836] : memref<1x64xi32, #tpu.memory_space<vmem>>, vector<1x64xi32>
    tpu.vector_store %arg5[%swap3A_835, %swap3A_836], %convert_element_type3A_834 {strides = array<i32>} : memref<1x64xi32, #tpu.memory_space<vmem>>, vector<1x64xi32>,
    %convert_element_type3A_838 = arith.fptosi %broadcast_in_dim3A_777 : vector<1x1xf32> to vector<1x1xi32>
    %swap3A_839 = arith.constant 0 : index
    %swap3A_840 = arith.constant 0 : index
    %swap3A_841 = vector.load %arg6[%swap3A_839, %swap3A_840] : memref<1x1xi32, #tpu.memory_space<vmem>>, vector<1x1xi32>
    tpu.vector_store %arg6[%swap3A_839, %swap3A_840], %convert_element_type3A_838 {strides = array<i32>} : memref<1x1xi32, #tpu.memory_space<vmem>>, vector<1x1xi32>,
    return
  }
}

module attributes {stable_mosaic.version = 14 : i64} {
  func.func @_expert_body(%arg0: i32, %arg1: memref<64xi32, #tpu.memory_space<smem>>, %arg2: memref<1xi32, #tpu.memory_space<smem>>, %arg3: memref<2560xi32, #tpu.memory_space<smem>>, %arg4: memref<2048xi32, #tpu.memory_space<smem>>, %arg5: memref<1xi32, #tpu.memory_space<smem>>, %arg6: memref<2048x1024xf32, #tpu.memory_space<hbm>>, %arg7: memref<2560x1xf32, #tpu.memory_space<vmem>>, %arg8: memref<1x704x1024xf32, #tpu.memory_space<vmem>>, %arg9: memref<1x704x1024xf32, #tpu.memory_space<vmem>>, %arg10: memref<1x704x1024xf32, #tpu.memory_space<vmem>>, %arg11: memref<2048x1024xf32, #tpu.memory_space<hbm>>, %arg12: memref<2048x1024xf32, #tpu.memory_space<hbm>>, %arg13: memref<40x1024xf32, #tpu.memory_space<vmem>>, %arg14: memref<40x1024xf32, #tpu.memory_space<vmem>>, %arg15: memref<8x1024xf32, #tpu.memory_space<vmem>>, %arg16: memref<!tpu.dma_semaphore, #tpu.memory_space<semaphore_mem>>, %arg17: memref<!tpu.dma_semaphore, #tpu.memory_space<semaphore_mem>>) attributes {dimension_semantics = [#tpu.dimension_semantics<arbitrary>], iteration_bounds = array<i64: 64>, scalar_prefetch = 5 : i64, scratch_operands = 5 : i64, tpu.core_type = #tpu.core_type<tc>, window_params = [{}, {pipeline_mode = #tpu.pipeline_mode<synchronous>, transform_indices = @transform_1, window_bounds = array<i64: 2560, 1>}, {transform_indices = @transform_2, window_bounds = array<i64: 1, 704, 1024>}, {transform_indices = @transform_3, window_bounds = array<i64: 1, 704, 1024>}, {transform_indices = @transform_4, window_bounds = array<i64: 1, 704, 1024>}, {}, {}]} {
    %get3A = arith.constant 0 : index
    %get3A_0 = memref.load %arg2[%get3A] : memref<1xi32, #tpu.memory_space<smem>>
    %eq3A = arith.constant 0 : i32
    %eq3A_1 = arith.cmpi eq, %arg0, %eq3A : i32
    %convert_element_type3A = arith.extui %eq3A_1 : i1 to i32
    %cond3A = arith.constant 0 : i32
    %cond3A_2 = arith.cmpi ne, %convert_element_type3A, %cond3A : i32
    scf.if %cond3A_2 {
      %broadcast_in_dim3A = arith.constant 0.000000e+00 : f32
      %broadcast_in_dim3A_6 = vector.broadcast %broadcast_in_dim3A : f32 to vector<8x1024xf32>
      %swap3A = arith.constant 0 : index
      %swap3A_7 = arith.constant 0 : index
      %swap3A_8 = vector.load %arg15[%swap3A, %swap3A_7] : memref<8x1024xf32, #tpu.memory_space<vmem>>, vector<8x1024xf32>
      tpu.vector_store %arg15[%swap3A, %swap3A_7], %broadcast_in_dim3A_6 {strides = array<i32>} : memref<8x1024xf32, #tpu.memory_space<vmem>>, vector<8x1024xf32>,
      %get3A_9 = arith.constant 0 : index
      %get3A_10 = memref.load %arg5[%get3A_9] : memref<1xi32, #tpu.memory_space<smem>>
      %while3A = arith.constant 0 : i32
      %while3A_11 = arith.constant 0 : i32
      %while3A_12 = arith.subi %get3A_10, %while3A_11 : i32
      %while3A_13 = arith.addi %while3A_11, %while3A_12 : i32
      %while3A_14 = arith.constant 1 : i32
      %while3A_15 = arith.divsi %while3A_12, %while3A_14 : i32
      %while3A_16 = arith.muli %while3A_15, %while3A_14 : i32
      %while3A_17 = arith.addi %while3A_11, %while3A_16 : i32
      %while3A_18 = arith.constant 1 : i32
      scf.for %while3A_20 = %while3A_11 to %while3A_17 step %while3A_18  : i32 {
        %get3A_21 = arith.index_cast %while3A_20 : i32 to index
        %get3A_22 = memref.load %arg4[%get3A_21] : memref<2048xi32, #tpu.memory_space<smem>>
        %dma_start3A = arith.constant 0 : i32
        %dma_start3A_23 = arith.constant 0 : i32
        %dma_start3A_24 = tpu.memref_slice %arg12[%get3A_22, %dma_start3A_23] : memref<2048x1024xf32, #tpu.memory_space<hbm>> -> memref<1x1024xf32, #tpu.memory_space<hbm>>
        %dma_start3A_25 = tpu.memref_squeeze %dma_start3A_24 : memref<1x1024xf32, #tpu.memory_space<hbm>> -> memref<1024xf32, #tpu.memory_space<hbm>>
        %dma_start3A_26 = arith.constant 0 : i32
        %dma_start3A_27 = tpu.memref_slice %arg15[%dma_start3A, %dma_start3A_26] : memref<8x1024xf32, #tpu.memory_space<vmem>> -> memref<1x1024xf32, #tpu.memory_space<vmem>>
        %dma_start3A_28 = tpu.memref_squeeze %dma_start3A_27 : memref<1x1024xf32, #tpu.memory_space<vmem>> -> memref<1024xf32, #tpu.memory_space<vmem>>
        tpu.enqueue_dma source(%dma_start3A_28 : memref<1024xf32, #tpu.memory_space<vmem>>) target(%dma_start3A_25 : memref<1024xf32, #tpu.memory_space<hbm>>) target_semaphore(%arg17 : memref<!tpu.dma_semaphore, #tpu.memory_space<semaphore_mem>>)
        %dma_wait3A = arith.constant 0 : i32
        %dma_wait3A_29 = arith.constant 0 : i32
        %dma_wait3A_30 = tpu.memref_slice %arg12[%get3A_22, %dma_wait3A_29] : memref<2048x1024xf32, #tpu.memory_space<hbm>> -> memref<1x1024xf32, #tpu.memory_space<hbm>>
        %dma_wait3A_31 = tpu.memref_squeeze %dma_wait3A_30 : memref<1x1024xf32, #tpu.memory_space<hbm>> -> memref<1024xf32, #tpu.memory_space<hbm>>
        %dma_wait3A_32 = arith.constant 0 : i32
        %dma_wait3A_33 = tpu.memref_slice %arg15[%dma_wait3A, %dma_wait3A_32] : memref<8x1024xf32, #tpu.memory_space<vmem>> -> memref<1x1024xf32, #tpu.memory_space<vmem>>
        %dma_wait3A_34 = tpu.memref_squeeze %dma_wait3A_33 : memref<1x1024xf32, #tpu.memory_space<vmem>> -> memref<1024xf32, #tpu.memory_space<vmem>>
        tpu.wait_dma2 semaphore(%arg17 : memref<!tpu.dma_semaphore, #tpu.memory_space<semaphore_mem>>) src(%dma_wait3A_34 : memref<1024xf32, #tpu.memory_space<vmem>>) dst(%dma_wait3A_31 : memref<1024xf32, #tpu.memory_space<hbm>>)
      }
      %while3A_19 = arith.constant 1 : i32
      scf.for %while3A_20 = %while3A_17 to %while3A_13 step %while3A_19  : i32 {
        %get3A_21 = arith.index_cast %while3A_20 : i32 to index
        %get3A_22 = memref.load %arg4[%get3A_21] : memref<2048xi32, #tpu.memory_space<smem>>
        %dma_start3A = arith.constant 0 : i32
        %dma_start3A_23 = arith.constant 0 : i32
        %dma_start3A_24 = tpu.memref_slice %arg12[%get3A_22, %dma_start3A_23] : memref<2048x1024xf32, #tpu.memory_space<hbm>> -> memref<1x1024xf32, #tpu.memory_space<hbm>>
        %dma_start3A_25 = tpu.memref_squeeze %dma_start3A_24 : memref<1x1024xf32, #tpu.memory_space<hbm>> -> memref<1024xf32, #tpu.memory_space<hbm>>
        %dma_start3A_26 = arith.constant 0 : i32
        %dma_start3A_27 = tpu.memref_slice %arg15[%dma_start3A, %dma_start3A_26] : memref<8x1024xf32, #tpu.memory_space<vmem>> -> memref<1x1024xf32, #tpu.memory_space<vmem>>
        %dma_start3A_28 = tpu.memref_squeeze %dma_start3A_27 : memref<1x1024xf32, #tpu.memory_space<vmem>> -> memref<1024xf32, #tpu.memory_space<vmem>>
        tpu.enqueue_dma source(%dma_start3A_28 : memref<1024xf32, #tpu.memory_space<vmem>>) target(%dma_start3A_25 : memref<1024xf32, #tpu.memory_space<hbm>>) target_semaphore(%arg17 : memref<!tpu.dma_semaphore, #tpu.memory_space<semaphore_mem>>)
        %dma_wait3A = arith.constant 0 : i32
        %dma_wait3A_29 = arith.constant 0 : i32
        %dma_wait3A_30 = tpu.memref_slice %arg12[%get3A_22, %dma_wait3A_29] : memref<2048x1024xf32, #tpu.memory_space<hbm>> -> memref<1x1024xf32, #tpu.memory_space<hbm>>
        %dma_wait3A_31 = tpu.memref_squeeze %dma_wait3A_30 : memref<1x1024xf32, #tpu.memory_space<hbm>> -> memref<1024xf32, #tpu.memory_space<hbm>>
        %dma_wait3A_32 = arith.constant 0 : i32
        %dma_wait3A_33 = tpu.memref_slice %arg15[%dma_wait3A, %dma_wait3A_32] : memref<8x1024xf32, #tpu.memory_space<vmem>> -> memref<1x1024xf32, #tpu.memory_space<vmem>>
        %dma_wait3A_34 = tpu.memref_squeeze %dma_wait3A_33 : memref<1x1024xf32, #tpu.memory_space<vmem>> -> memref<1024xf32, #tpu.memory_space<vmem>>
        tpu.wait_dma2 semaphore(%arg17 : memref<!tpu.dma_semaphore, #tpu.memory_space<semaphore_mem>>) src(%dma_wait3A_34 : memref<1024xf32, #tpu.memory_space<vmem>>) dst(%dma_wait3A_31 : memref<1024xf32, #tpu.memory_space<hbm>>)
      }
    } else {
    }
    %lt3A = arith.cmpi slt, %arg0, %get3A_0 : i32
    %convert_element_type3A_3 = arith.extui %lt3A : i1 to i32
    %cond3A_4 = arith.constant 0 : i32
    %cond3A_5 = arith.cmpi ne, %convert_element_type3A_3, %cond3A_4 : i32
    scf.if %cond3A_5 {
      %get3A_6 = arith.index_cast %arg0 : i32 to index
      %get3A_7 = memref.load %arg1[%get3A_6] : memref<64xi32, #tpu.memory_space<smem>>
      %mul3A = arith.constant 40 : i32
      %mul3A_8 = arith.muli %get3A_7, %mul3A : i32
      %add3A = arith.constant 0 : i32
      %add3A_9 = arith.addi %mul3A_8, %add3A : i32
      %get3A_10 = arith.index_cast %add3A_9 : i32 to index
      %get3A_11 = memref.load %arg3[%get3A_10] : memref<2560xi32, #tpu.memory_space<smem>>
      %lt3A_12 = arith.constant 2048 : i32
      %lt3A_13 = arith.cmpi slt, %get3A_11, %lt3A_12 : i32
      %jit3A = arith.constant 0 : i32
      %select_n3A = arith.select %lt3A_13, %get3A_11, %jit3A : i32
      %dma_start3A = arith.constant 0 : i32
      %dma_start3A_14 = arith.constant 0 : i32
      %dma_start3A_15 = tpu.memref_slice %arg13[%dma_start3A, %dma_start3A_14] : memref<40x1024xf32, #tpu.memory_space<vmem>> -> memref<1x1024xf32, #tpu.memory_space<vmem>>
      %dma_start3A_16 = tpu.memref_squeeze %dma_start3A_15 : memref<1x1024xf32, #tpu.memory_space<vmem>> -> memref<1024xf32, #tpu.memory_space<vmem>>
      %dma_start3A_17 = arith.constant 0 : i32
      %dma_start3A_18 = tpu.memref_slice %arg6[%select_n3A, %dma_start3A_17] : memref<2048x1024xf32, #tpu.memory_space<hbm>> -> memref<1x1024xf32, #tpu.memory_space<hbm>>
      %dma_start3A_19 = tpu.memref_squeeze %dma_start3A_18 : memref<1x1024xf32, #tpu.memory_space<hbm>> -> memref<1024xf32, #tpu.memory_space<hbm>>
      tpu.enqueue_dma source(%dma_start3A_19 : memref<1024xf32, #tpu.memory_space<hbm>>) target(%dma_start3A_16 : memref<1024xf32, #tpu.memory_space<vmem>>) target_semaphore(%arg16 : memref<!tpu.dma_semaphore, #tpu.memory_space<semaphore_mem>>)
      %mul3A_20 = arith.constant 40 : i32
      %mul3A_21 = arith.muli %get3A_7, %mul3A_20 : i32
      %add3A_22 = arith.constant 1 : i32
      %add3A_23 = arith.addi %mul3A_21, %add3A_22 : i32
      %get3A_24 = arith.index_cast %add3A_23 : i32 to index
      %get3A_25 = memref.load %arg3[%get3A_24] : memref<2560xi32, #tpu.memory_space<smem>>
      %lt3A_26 = arith.constant 2048 : i32
      %lt3A_27 = arith.cmpi slt, %get3A_25, %lt3A_26 : i32
      %jit3A_28 = arith.constant 0 : i32
      %select_n3A_29 = arith.select %lt3A_27, %get3A_25, %jit3A_28 : i32
      %dma_start3A_30 = arith.constant 1 : i32
      %dma_start3A_31 = arith.constant 0 : i32
      %dma_start3A_32 = tpu.memref_slice %arg13[%dma_start3A_30, %dma_start3A_31] : memref<40x1024xf32, #tpu.memory_space<vmem>> -> memref<1x1024xf32, #tpu.memory_space<vmem>>
      %dma_start3A_33 = tpu.memref_squeeze %dma_start3A_32 : memref<1x1024xf32, #tpu.memory_space<vmem>> -> memref<1024xf32, #tpu.memory_space<vmem>>
      %dma_start3A_34 = arith.constant 0 : i32
      %dma_start3A_35 = tpu.memref_slice %arg6[%select_n3A_29, %dma_start3A_34] : memref<2048x1024xf32, #tpu.memory_space<hbm>> -> memref<1x1024xf32, #tpu.memory_space<hbm>>
      %dma_start3A_36 = tpu.memref_squeeze %dma_start3A_35 : memref<1x1024xf32, #tpu.memory_space<hbm>> -> memref<1024xf32, #tpu.memory_space<hbm>>
      tpu.enqueue_dma source(%dma_start3A_36 : memref<1024xf32, #tpu.memory_space<hbm>>) target(%dma_start3A_33 : memref<1024xf32, #tpu.memory_space<vmem>>) target_semaphore(%arg16 : memref<!tpu.dma_semaphore, #tpu.memory_space<semaphore_mem>>)
      %mul3A_37 = arith.constant 40 : i32
      %mul3A_38 = arith.muli %get3A_7, %mul3A_37 : i32
      %add3A_39 = arith.constant 2 : i32
      %add3A_40 = arith.addi %mul3A_38, %add3A_39 : i32
      %get3A_41 = arith.index_cast %add3A_40 : i32 to index
      %get3A_42 = memref.load %arg3[%get3A_41] : memref<2560xi32, #tpu.memory_space<smem>>
      %lt3A_43 = arith.constant 2048 : i32
      %lt3A_44 = arith.cmpi slt, %get3A_42, %lt3A_43 : i32
      %jit3A_45 = arith.constant 0 : i32
      %select_n3A_46 = arith.select %lt3A_44, %get3A_42, %jit3A_45 : i32
      %dma_start3A_47 = arith.constant 2 : i32
      %dma_start3A_48 = arith.constant 0 : i32
      %dma_start3A_49 = tpu.memref_slice %arg13[%dma_start3A_47, %dma_start3A_48] : memref<40x1024xf32, #tpu.memory_space<vmem>> -> memref<1x1024xf32, #tpu.memory_space<vmem>>
      %dma_start3A_50 = tpu.memref_squeeze %dma_start3A_49 : memref<1x1024xf32, #tpu.memory_space<vmem>> -> memref<1024xf32, #tpu.memory_space<vmem>>
      %dma_start3A_51 = arith.constant 0 : i32
      %dma_start3A_52 = tpu.memref_slice %arg6[%select_n3A_46, %dma_start3A_51] : memref<2048x1024xf32, #tpu.memory_space<hbm>> -> memref<1x1024xf32, #tpu.memory_space<hbm>>
      %dma_start3A_53 = tpu.memref_squeeze %dma_start3A_52 : memref<1x1024xf32, #tpu.memory_space<hbm>> -> memref<1024xf32, #tpu.memory_space<hbm>>
      tpu.enqueue_dma source(%dma_start3A_53 : memref<1024xf32, #tpu.memory_space<hbm>>) target(%dma_start3A_50 : memref<1024xf32, #tpu.memory_space<vmem>>) target_semaphore(%arg16 : memref<!tpu.dma_semaphore, #tpu.memory_space<semaphore_mem>>)
      %mul3A_54 = arith.constant 40 : i32
      %mul3A_55 = arith.muli %get3A_7, %mul3A_54 : i32
      %add3A_56 = arith.constant 3 : i32
      %add3A_57 = arith.addi %mul3A_55, %add3A_56 : i32
      %get3A_58 = arith.index_cast %add3A_57 : i32 to index
      %get3A_59 = memref.load %arg3[%get3A_58] : memref<2560xi32, #tpu.memory_space<smem>>
      %lt3A_60 = arith.constant 2048 : i32
      %lt3A_61 = arith.cmpi slt, %get3A_59, %lt3A_60 : i32
      %jit3A_62 = arith.constant 0 : i32
      %select_n3A_63 = arith.select %lt3A_61, %get3A_59, %jit3A_62 : i32
      %dma_start3A_64 = arith.constant 3 : i32
      %dma_start3A_65 = arith.constant 0 : i32
      %dma_start3A_66 = tpu.memref_slice %arg13[%dma_start3A_64, %dma_start3A_65] : memref<40x1024xf32, #tpu.memory_space<vmem>> -> memref<1x1024xf32, #tpu.memory_space<vmem>>
      %dma_start3A_67 = tpu.memref_squeeze %dma_start3A_66 : memref<1x1024xf32, #tpu.memory_space<vmem>> -> memref<1024xf32, #tpu.memory_space<vmem>>
      %dma_start3A_68 = arith.constant 0 : i32
      %dma_start3A_69 = tpu.memref_slice %arg6[%select_n3A_63, %dma_start3A_68] : memref<2048x1024xf32, #tpu.memory_space<hbm>> -> memref<1x1024xf32, #tpu.memory_space<hbm>>
      %dma_start3A_70 = tpu.memref_squeeze %dma_start3A_69 : memref<1x1024xf32, #tpu.memory_space<hbm>> -> memref<1024xf32, #tpu.memory_space<hbm>>
      tpu.enqueue_dma source(%dma_start3A_70 : memref<1024xf32, #tpu.memory_space<hbm>>) target(%dma_start3A_67 : memref<1024xf32, #tpu.memory_space<vmem>>) target_semaphore(%arg16 : memref<!tpu.dma_semaphore, #tpu.memory_space<semaphore_mem>>)
      %mul3A_71 = arith.constant 40 : i32
      %mul3A_72 = arith.muli %get3A_7, %mul3A_71 : i32
      %add3A_73 = arith.constant 4 : i32
      %add3A_74 = arith.addi %mul3A_72, %add3A_73 : i32
      %get3A_75 = arith.index_cast %add3A_74 : i32 to index
      %get3A_76 = memref.load %arg3[%get3A_75] : memref<2560xi32, #tpu.memory_space<smem>>
      %lt3A_77 = arith.constant 2048 : i32
      %lt3A_78 = arith.cmpi slt, %get3A_76, %lt3A_77 : i32
      %jit3A_79 = arith.constant 0 : i32
      %select_n3A_80 = arith.select %lt3A_78, %get3A_76, %jit3A_79 : i32
      %dma_start3A_81 = arith.constant 4 : i32
      %dma_start3A_82 = arith.constant 0 : i32
      %dma_start3A_83 = tpu.memref_slice %arg13[%dma_start3A_81, %dma_start3A_82] : memref<40x1024xf32, #tpu.memory_space<vmem>> -> memref<1x1024xf32, #tpu.memory_space<vmem>>
      %dma_start3A_84 = tpu.memref_squeeze %dma_start3A_83 : memref<1x1024xf32, #tpu.memory_space<vmem>> -> memref<1024xf32, #tpu.memory_space<vmem>>
      %dma_start3A_85 = arith.constant 0 : i32
      %dma_start3A_86 = tpu.memref_slice %arg6[%select_n3A_80, %dma_start3A_85] : memref<2048x1024xf32, #tpu.memory_space<hbm>> -> memref<1x1024xf32, #tpu.memory_space<hbm>>
      %dma_start3A_87 = tpu.memref_squeeze %dma_start3A_86 : memref<1x1024xf32, #tpu.memory_space<hbm>> -> memref<1024xf32, #tpu.memory_space<hbm>>
      tpu.enqueue_dma source(%dma_start3A_87 : memref<1024xf32, #tpu.memory_space<hbm>>) target(%dma_start3A_84 : memref<1024xf32, #tpu.memory_space<vmem>>) target_semaphore(%arg16 : memref<!tpu.dma_semaphore, #tpu.memory_space<semaphore_mem>>)
      %mul3A_88 = arith.constant 40 : i32
      %mul3A_89 = arith.muli %get3A_7, %mul3A_88 : i32
      %add3A_90 = arith.constant 5 : i32
      %add3A_91 = arith.addi %mul3A_89, %add3A_90 : i32
      %get3A_92 = arith.index_cast %add3A_91 : i32 to index
      %get3A_93 = memref.load %arg3[%get3A_92] : memref<2560xi32, #tpu.memory_space<smem>>
      %lt3A_94 = arith.constant 2048 : i32
      %lt3A_95 = arith.cmpi slt, %get3A_93, %lt3A_94 : i32
      %jit3A_96 = arith.constant 0 : i32
      %select_n3A_97 = arith.select %lt3A_95, %get3A_93, %jit3A_96 : i32
      %dma_start3A_98 = arith.constant 5 : i32
      %dma_start3A_99 = arith.constant 0 : i32
      %dma_start3A_100 = tpu.memref_slice %arg13[%dma_start3A_98, %dma_start3A_99] : memref<40x1024xf32, #tpu.memory_space<vmem>> -> memref<1x1024xf32, #tpu.memory_space<vmem>>
      %dma_start3A_101 = tpu.memref_squeeze %dma_start3A_100 : memref<1x1024xf32, #tpu.memory_space<vmem>> -> memref<1024xf32, #tpu.memory_space<vmem>>
      %dma_start3A_102 = arith.constant 0 : i32
      %dma_start3A_103 = tpu.memref_slice %arg6[%select_n3A_97, %dma_start3A_102] : memref<2048x1024xf32, #tpu.memory_space<hbm>> -> memref<1x1024xf32, #tpu.memory_space<hbm>>
      %dma_start3A_104 = tpu.memref_squeeze %dma_start3A_103 : memref<1x1024xf32, #tpu.memory_space<hbm>> -> memref<1024xf32, #tpu.memory_space<hbm>>
      tpu.enqueue_dma source(%dma_start3A_104 : memref<1024xf32, #tpu.memory_space<hbm>>) target(%dma_start3A_101 : memref<1024xf32, #tpu.memory_space<vmem>>) target_semaphore(%arg16 : memref<!tpu.dma_semaphore, #tpu.memory_space<semaphore_mem>>)
      %mul3A_105 = arith.constant 40 : i32
      %mul3A_106 = arith.muli %get3A_7, %mul3A_105 : i32
      %add3A_107 = arith.constant 6 : i32
      %add3A_108 = arith.addi %mul3A_106, %add3A_107 : i32
      %get3A_109 = arith.index_cast %add3A_108 : i32 to index
      %get3A_110 = memref.load %arg3[%get3A_109] : memref<2560xi32, #tpu.memory_space<smem>>
      %lt3A_111 = arith.constant 2048 : i32
      %lt3A_112 = arith.cmpi slt, %get3A_110, %lt3A_111 : i32
      %jit3A_113 = arith.constant 0 : i32
      %select_n3A_114 = arith.select %lt3A_112, %get3A_110, %jit3A_113 : i32
      %dma_start3A_115 = arith.constant 6 : i32
      %dma_start3A_116 = arith.constant 0 : i32
      %dma_start3A_117 = tpu.memref_slice %arg13[%dma_start3A_115, %dma_start3A_116] : memref<40x1024xf32, #tpu.memory_space<vmem>> -> memref<1x1024xf32, #tpu.memory_space<vmem>>
      %dma_start3A_118 = tpu.memref_squeeze %dma_start3A_117 : memref<1x1024xf32, #tpu.memory_space<vmem>> -> memref<1024xf32, #tpu.memory_space<vmem>>
      %dma_start3A_119 = arith.constant 0 : i32
      %dma_start3A_120 = tpu.memref_slice %arg6[%select_n3A_114, %dma_start3A_119] : memref<2048x1024xf32, #tpu.memory_space<hbm>> -> memref<1x1024xf32, #tpu.memory_space<hbm>>
      %dma_start3A_121 = tpu.memref_squeeze %dma_start3A_120 : memref<1x1024xf32, #tpu.memory_space<hbm>> -> memref<1024xf32, #tpu.memory_space<hbm>>
      tpu.enqueue_dma source(%dma_start3A_121 : memref<1024xf32, #tpu.memory_space<hbm>>) target(%dma_start3A_118 : memref<1024xf32, #tpu.memory_space<vmem>>) target_semaphore(%arg16 : memref<!tpu.dma_semaphore, #tpu.memory_space<semaphore_mem>>)
      %mul3A_122 = arith.constant 40 : i32
      %mul3A_123 = arith.muli %get3A_7, %mul3A_122 : i32
      %add3A_124 = arith.constant 7 : i32
      %add3A_125 = arith.addi %mul3A_123, %add3A_124 : i32
      %get3A_126 = arith.index_cast %add3A_125 : i32 to index
      %get3A_127 = memref.load %arg3[%get3A_126] : memref<2560xi32, #tpu.memory_space<smem>>
      %lt3A_128 = arith.constant 2048 : i32
      %lt3A_129 = arith.cmpi slt, %get3A_127, %lt3A_128 : i32
      %jit3A_130 = arith.constant 0 : i32
      %select_n3A_131 = arith.select %lt3A_129, %get3A_127, %jit3A_130 : i32
      %dma_start3A_132 = arith.constant 7 : i32
      %dma_start3A_133 = arith.constant 0 : i32
      %dma_start3A_134 = tpu.memref_slice %arg13[%dma_start3A_132, %dma_start3A_133] : memref<40x1024xf32, #tpu.memory_space<vmem>> -> memref<1x1024xf32, #tpu.memory_space<vmem>>
      %dma_start3A_135 = tpu.memref_squeeze %dma_start3A_134 : memref<1x1024xf32, #tpu.memory_space<vmem>> -> memref<1024xf32, #tpu.memory_space<vmem>>
      %dma_start3A_136 = arith.constant 0 : i32
      %dma_start3A_137 = tpu.memref_slice %arg6[%select_n3A_131, %dma_start3A_136] : memref<2048x1024xf32, #tpu.memory_space<hbm>> -> memref<1x1024xf32, #tpu.memory_space<hbm>>
      %dma_start3A_138 = tpu.memref_squeeze %dma_start3A_137 : memref<1x1024xf32, #tpu.memory_space<hbm>> -> memref<1024xf32, #tpu.memory_space<hbm>>
      tpu.enqueue_dma source(%dma_start3A_138 : memref<1024xf32, #tpu.memory_space<hbm>>) target(%dma_start3A_135 : memref<1024xf32, #tpu.memory_space<vmem>>) target_semaphore(%arg16 : memref<!tpu.dma_semaphore, #tpu.memory_space<semaphore_mem>>)
      %mul3A_139 = arith.constant 40 : i32
      %mul3A_140 = arith.muli %get3A_7, %mul3A_139 : i32
      %add3A_141 = arith.constant 8 : i32
      %add3A_142 = arith.addi %mul3A_140, %add3A_141 : i32
      %get3A_143 = arith.index_cast %add3A_142 : i32 to index
      %get3A_144 = memref.load %arg3[%get3A_143] : memref<2560xi32, #tpu.memory_space<smem>>
      %lt3A_145 = arith.constant 2048 : i32
      %lt3A_146 = arith.cmpi slt, %get3A_144, %lt3A_145 : i32
      %jit3A_147 = arith.constant 0 : i32
      %select_n3A_148 = arith.select %lt3A_146, %get3A_144, %jit3A_147 : i32
      %dma_start3A_149 = arith.constant 8 : i32
      %dma_start3A_150 = arith.constant 0 : i32
      %dma_start3A_151 = tpu.memref_slice %arg13[%dma_start3A_149, %dma_start3A_150] : memref<40x1024xf32, #tpu.memory_space<vmem>> -> memref<1x1024xf32, #tpu.memory_space<vmem>>
      %dma_start3A_152 = tpu.memref_squeeze %dma_start3A_151 : memref<1x1024xf32, #tpu.memory_space<vmem>> -> memref<1024xf32, #tpu.memory_space<vmem>>
      %dma_start3A_153 = arith.constant 0 : i32
      %dma_start3A_154 = tpu.memref_slice %arg6[%select_n3A_148, %dma_start3A_153] : memref<2048x1024xf32, #tpu.memory_space<hbm>> -> memref<1x1024xf32, #tpu.memory_space<hbm>>
      %dma_start3A_155 = tpu.memref_squeeze %dma_start3A_154 : memref<1x1024xf32, #tpu.memory_space<hbm>> -> memref<1024xf32, #tpu.memory_space<hbm>>
      tpu.enqueue_dma source(%dma_start3A_155 : memref<1024xf32, #tpu.memory_space<hbm>>) target(%dma_start3A_152 : memref<1024xf32, #tpu.memory_space<vmem>>) target_semaphore(%arg16 : memref<!tpu.dma_semaphore, #tpu.memory_space<semaphore_mem>>)
      %mul3A_156 = arith.constant 40 : i32
      %mul3A_157 = arith.muli %get3A_7, %mul3A_156 : i32
      %add3A_158 = arith.constant 9 : i32
      %add3A_159 = arith.addi %mul3A_157, %add3A_158 : i32
      %get3A_160 = arith.index_cast %add3A_159 : i32 to index
      %get3A_161 = memref.load %arg3[%get3A_160] : memref<2560xi32, #tpu.memory_space<smem>>
      %lt3A_162 = arith.constant 2048 : i32
      %lt3A_163 = arith.cmpi slt, %get3A_161, %lt3A_162 : i32
      %jit3A_164 = arith.constant 0 : i32
      %select_n3A_165 = arith.select %lt3A_163, %get3A_161, %jit3A_164 : i32
      %dma_start3A_166 = arith.constant 9 : i32
      %dma_start3A_167 = arith.constant 0 : i32
      %dma_start3A_168 = tpu.memref_slice %arg13[%dma_start3A_166, %dma_start3A_167] : memref<40x1024xf32, #tpu.memory_space<vmem>> -> memref<1x1024xf32, #tpu.memory_space<vmem>>
      %dma_start3A_169 = tpu.memref_squeeze %dma_start3A_168 : memref<1x1024xf32, #tpu.memory_space<vmem>> -> memref<1024xf32, #tpu.memory_space<vmem>>
      %dma_start3A_170 = arith.constant 0 : i32
      %dma_start3A_171 = tpu.memref_slice %arg6[%select_n3A_165, %dma_start3A_170] : memref<2048x1024xf32, #tpu.memory_space<hbm>> -> memref<1x1024xf32, #tpu.memory_space<hbm>>
      %dma_start3A_172 = tpu.memref_squeeze %dma_start3A_171 : memref<1x1024xf32, #tpu.memory_space<hbm>> -> memref<1024xf32, #tpu.memory_space<hbm>>
      tpu.enqueue_dma source(%dma_start3A_172 : memref<1024xf32, #tpu.memory_space<hbm>>) target(%dma_start3A_169 : memref<1024xf32, #tpu.memory_space<vmem>>) target_semaphore(%arg16 : memref<!tpu.dma_semaphore, #tpu.memory_space<semaphore_mem>>)
      %mul3A_173 = arith.constant 40 : i32
      %mul3A_174 = arith.muli %get3A_7, %mul3A_173 : i32
      %add3A_175 = arith.constant 10 : i32
      %add3A_176 = arith.addi %mul3A_174, %add3A_175 : i32
      %get3A_177 = arith.index_cast %add3A_176 : i32 to index
      %get3A_178 = memref.load %arg3[%get3A_177] : memref<2560xi32, #tpu.memory_space<smem>>
      %lt3A_179 = arith.constant 2048 : i32
      %lt3A_180 = arith.cmpi slt, %get3A_178, %lt3A_179 : i32
      %jit3A_181 = arith.constant 0 : i32
      %select_n3A_182 = arith.select %lt3A_180, %get3A_178, %jit3A_181 : i32
      %dma_start3A_183 = arith.constant 10 : i32
      %dma_start3A_184 = arith.constant 0 : i32
      %dma_start3A_185 = tpu.memref_slice %arg13[%dma_start3A_183, %dma_start3A_184] : memref<40x1024xf32, #tpu.memory_space<vmem>> -> memref<1x1024xf32, #tpu.memory_space<vmem>>
      %dma_start3A_186 = tpu.memref_squeeze %dma_start3A_185 : memref<1x1024xf32, #tpu.memory_space<vmem>> -> memref<1024xf32, #tpu.memory_space<vmem>>
      %dma_start3A_187 = arith.constant 0 : i32
      %dma_start3A_188 = tpu.memref_slice %arg6[%select_n3A_182, %dma_start3A_187] : memref<2048x1024xf32, #tpu.memory_space<hbm>> -> memref<1x1024xf32, #tpu.memory_space<hbm>>
      %dma_start3A_189 = tpu.memref_squeeze %dma_start3A_188 : memref<1x1024xf32, #tpu.memory_space<hbm>> -> memref<1024xf32, #tpu.memory_space<hbm>>
      tpu.enqueue_dma source(%dma_start3A_189 : memref<1024xf32, #tpu.memory_space<hbm>>) target(%dma_start3A_186 : memref<1024xf32, #tpu.memory_space<vmem>>) target_semaphore(%arg16 : memref<!tpu.dma_semaphore, #tpu.memory_space<semaphore_mem>>)
      %mul3A_190 = arith.constant 40 : i32
      %mul3A_191 = arith.muli %get3A_7, %mul3A_190 : i32
      %add3A_192 = arith.constant 11 : i32
      %add3A_193 = arith.addi %mul3A_191, %add3A_192 : i32
      %get3A_194 = arith.index_cast %add3A_193 : i32 to index
      %get3A_195 = memref.load %arg3[%get3A_194] : memref<2560xi32, #tpu.memory_space<smem>>
      %lt3A_196 = arith.constant 2048 : i32
      %lt3A_197 = arith.cmpi slt, %get3A_195, %lt3A_196 : i32
      %jit3A_198 = arith.constant 0 : i32
      %select_n3A_199 = arith.select %lt3A_197, %get3A_195, %jit3A_198 : i32
      %dma_start3A_200 = arith.constant 11 : i32
      %dma_start3A_201 = arith.constant 0 : i32
      %dma_start3A_202 = tpu.memref_slice %arg13[%dma_start3A_200, %dma_start3A_201] : memref<40x1024xf32, #tpu.memory_space<vmem>> -> memref<1x1024xf32, #tpu.memory_space<vmem>>
      %dma_start3A_203 = tpu.memref_squeeze %dma_start3A_202 : memref<1x1024xf32, #tpu.memory_space<vmem>> -> memref<1024xf32, #tpu.memory_space<vmem>>
      %dma_start3A_204 = arith.constant 0 : i32
      %dma_start3A_205 = tpu.memref_slice %arg6[%select_n3A_199, %dma_start3A_204] : memref<2048x1024xf32, #tpu.memory_space<hbm>> -> memref<1x1024xf32, #tpu.memory_space<hbm>>
      %dma_start3A_206 = tpu.memref_squeeze %dma_start3A_205 : memref<1x1024xf32, #tpu.memory_space<hbm>> -> memref<1024xf32, #tpu.memory_space<hbm>>
      tpu.enqueue_dma source(%dma_start3A_206 : memref<1024xf32, #tpu.memory_space<hbm>>) target(%dma_start3A_203 : memref<1024xf32, #tpu.memory_space<vmem>>) target_semaphore(%arg16 : memref<!tpu.dma_semaphore, #tpu.memory_space<semaphore_mem>>)
      %mul3A_207 = arith.constant 40 : i32
      %mul3A_208 = arith.muli %get3A_7, %mul3A_207 : i32
      %add3A_209 = arith.constant 12 : i32
      %add3A_210 = arith.addi %mul3A_208, %add3A_209 : i32
      %get3A_211 = arith.index_cast %add3A_210 : i32 to index
      %get3A_212 = memref.load %arg3[%get3A_211] : memref<2560xi32, #tpu.memory_space<smem>>
      %lt3A_213 = arith.constant 2048 : i32
      %lt3A_214 = arith.cmpi slt, %get3A_212, %lt3A_213 : i32
      %jit3A_215 = arith.constant 0 : i32
      %select_n3A_216 = arith.select %lt3A_214, %get3A_212, %jit3A_215 : i32
      %dma_start3A_217 = arith.constant 12 : i32
      %dma_start3A_218 = arith.constant 0 : i32
      %dma_start3A_219 = tpu.memref_slice %arg13[%dma_start3A_217, %dma_start3A_218] : memref<40x1024xf32, #tpu.memory_space<vmem>> -> memref<1x1024xf32, #tpu.memory_space<vmem>>
      %dma_start3A_220 = tpu.memref_squeeze %dma_start3A_219 : memref<1x1024xf32, #tpu.memory_space<vmem>> -> memref<1024xf32, #tpu.memory_space<vmem>>
      %dma_start3A_221 = arith.constant 0 : i32
      %dma_start3A_222 = tpu.memref_slice %arg6[%select_n3A_216, %dma_start3A_221] : memref<2048x1024xf32, #tpu.memory_space<hbm>> -> memref<1x1024xf32, #tpu.memory_space<hbm>>
      %dma_start3A_223 = tpu.memref_squeeze %dma_start3A_222 : memref<1x1024xf32, #tpu.memory_space<hbm>> -> memref<1024xf32, #tpu.memory_space<hbm>>
      tpu.enqueue_dma source(%dma_start3A_223 : memref<1024xf32, #tpu.memory_space<hbm>>) target(%dma_start3A_220 : memref<1024xf32, #tpu.memory_space<vmem>>) target_semaphore(%arg16 : memref<!tpu.dma_semaphore, #tpu.memory_space<semaphore_mem>>)
      %mul3A_224 = arith.constant 40 : i32
      %mul3A_225 = arith.muli %get3A_7, %mul3A_224 : i32
      %add3A_226 = arith.constant 13 : i32
      %add3A_227 = arith.addi %mul3A_225, %add3A_226 : i32
      %get3A_228 = arith.index_cast %add3A_227 : i32 to index
      %get3A_229 = memref.load %arg3[%get3A_228] : memref<2560xi32, #tpu.memory_space<smem>>
      %lt3A_230 = arith.constant 2048 : i32
      %lt3A_231 = arith.cmpi slt, %get3A_229, %lt3A_230 : i32
      %jit3A_232 = arith.constant 0 : i32
      %select_n3A_233 = arith.select %lt3A_231, %get3A_229, %jit3A_232 : i32
      %dma_start3A_234 = arith.constant 13 : i32
      %dma_start3A_235 = arith.constant 0 : i32
      %dma_start3A_236 = tpu.memref_slice %arg13[%dma_start3A_234, %dma_start3A_235] : memref<40x1024xf32, #tpu.memory_space<vmem>> -> memref<1x1024xf32, #tpu.memory_space<vmem>>
      %dma_start3A_237 = tpu.memref_squeeze %dma_start3A_236 : memref<1x1024xf32, #tpu.memory_space<vmem>> -> memref<1024xf32, #tpu.memory_space<vmem>>
      %dma_start3A_238 = arith.constant 0 : i32
      %dma_start3A_239 = tpu.memref_slice %arg6[%select_n3A_233, %dma_start3A_238] : memref<2048x1024xf32, #tpu.memory_space<hbm>> -> memref<1x1024xf32, #tpu.memory_space<hbm>>
      %dma_start3A_240 = tpu.memref_squeeze %dma_start3A_239 : memref<1x1024xf32, #tpu.memory_space<hbm>> -> memref<1024xf32, #tpu.memory_space<hbm>>
      tpu.enqueue_dma source(%dma_start3A_240 : memref<1024xf32, #tpu.memory_space<hbm>>) target(%dma_start3A_237 : memref<1024xf32, #tpu.memory_space<vmem>>) target_semaphore(%arg16 : memref<!tpu.dma_semaphore, #tpu.memory_space<semaphore_mem>>)
      %mul3A_241 = arith.constant 40 : i32
      %mul3A_242 = arith.muli %get3A_7, %mul3A_241 : i32
      %add3A_243 = arith.constant 14 : i32
      %add3A_244 = arith.addi %mul3A_242, %add3A_243 : i32
      %get3A_245 = arith.index_cast %add3A_244 : i32 to index
      %get3A_246 = memref.load %arg3[%get3A_245] : memref<2560xi32, #tpu.memory_space<smem>>
      %lt3A_247 = arith.constant 2048 : i32
      %lt3A_248 = arith.cmpi slt, %get3A_246, %lt3A_247 : i32
      %jit3A_249 = arith.constant 0 : i32
      %select_n3A_250 = arith.select %lt3A_248, %get3A_246, %jit3A_249 : i32
      %dma_start3A_251 = arith.constant 14 : i32
      %dma_start3A_252 = arith.constant 0 : i32
      %dma_start3A_253 = tpu.memref_slice %arg13[%dma_start3A_251, %dma_start3A_252] : memref<40x1024xf32, #tpu.memory_space<vmem>> -> memref<1x1024xf32, #tpu.memory_space<vmem>>
      %dma_start3A_254 = tpu.memref_squeeze %dma_start3A_253 : memref<1x1024xf32, #tpu.memory_space<vmem>> -> memref<1024xf32, #tpu.memory_space<vmem>>
      %dma_start3A_255 = arith.constant 0 : i32
      %dma_start3A_256 = tpu.memref_slice %arg6[%select_n3A_250, %dma_start3A_255] : memref<2048x1024xf32, #tpu.memory_space<hbm>> -> memref<1x1024xf32, #tpu.memory_space<hbm>>
      %dma_start3A_257 = tpu.memref_squeeze %dma_start3A_256 : memref<1x1024xf32, #tpu.memory_space<hbm>> -> memref<1024xf32, #tpu.memory_space<hbm>>
      tpu.enqueue_dma source(%dma_start3A_257 : memref<1024xf32, #tpu.memory_space<hbm>>) target(%dma_start3A_254 : memref<1024xf32, #tpu.memory_space<vmem>>) target_semaphore(%arg16 : memref<!tpu.dma_semaphore, #tpu.memory_space<semaphore_mem>>)
      %mul3A_258 = arith.constant 40 : i32
      %mul3A_259 = arith.muli %get3A_7, %mul3A_258 : i32
      %add3A_260 = arith.constant 15 : i32
      %add3A_261 = arith.addi %mul3A_259, %add3A_260 : i32
      %get3A_262 = arith.index_cast %add3A_261 : i32 to index
      %get3A_263 = memref.load %arg3[%get3A_262] : memref<2560xi32, #tpu.memory_space<smem>>
      %lt3A_264 = arith.constant 2048 : i32
      %lt3A_265 = arith.cmpi slt, %get3A_263, %lt3A_264 : i32
      %jit3A_266 = arith.constant 0 : i32
      %select_n3A_267 = arith.select %lt3A_265, %get3A_263, %jit3A_266 : i32
      %dma_start3A_268 = arith.constant 15 : i32
      %dma_start3A_269 = arith.constant 0 : i32
      %dma_start3A_270 = tpu.memref_slice %arg13[%dma_start3A_268, %dma_start3A_269] : memref<40x1024xf32, #tpu.memory_space<vmem>> -> memref<1x1024xf32, #tpu.memory_space<vmem>>
      %dma_start3A_271 = tpu.memref_squeeze %dma_start3A_270 : memref<1x1024xf32, #tpu.memory_space<vmem>> -> memref<1024xf32, #tpu.memory_space<vmem>>
      %dma_start3A_272 = arith.constant 0 : i32
      %dma_start3A_273 = tpu.memref_slice %arg6[%select_n3A_267, %dma_start3A_272] : memref<2048x1024xf32, #tpu.memory_space<hbm>> -> memref<1x1024xf32, #tpu.memory_space<hbm>>
      %dma_start3A_274 = tpu.memref_squeeze %dma_start3A_273 : memref<1x1024xf32, #tpu.memory_space<hbm>> -> memref<1024xf32, #tpu.memory_space<hbm>>
      tpu.enqueue_dma source(%dma_start3A_274 : memref<1024xf32, #tpu.memory_space<hbm>>) target(%dma_start3A_271 : memref<1024xf32, #tpu.memory_space<vmem>>) target_semaphore(%arg16 : memref<!tpu.dma_semaphore, #tpu.memory_space<semaphore_mem>>)
      %mul3A_275 = arith.constant 40 : i32
      %mul3A_276 = arith.muli %get3A_7, %mul3A_275 : i32
      %add3A_277 = arith.constant 16 : i32
      %add3A_278 = arith.addi %mul3A_276, %add3A_277 : i32
      %get3A_279 = arith.index_cast %add3A_278 : i32 to index
      %get3A_280 = memref.load %arg3[%get3A_279] : memref<2560xi32, #tpu.memory_space<smem>>
      %lt3A_281 = arith.constant 2048 : i32
      %lt3A_282 = arith.cmpi slt, %get3A_280, %lt3A_281 : i32
      %jit3A_283 = arith.constant 0 : i32
      %select_n3A_284 = arith.select %lt3A_282, %get3A_280, %jit3A_283 : i32
      %dma_start3A_285 = arith.constant 16 : i32
      %dma_start3A_286 = arith.constant 0 : i32
      %dma_start3A_287 = tpu.memref_slice %arg13[%dma_start3A_285, %dma_start3A_286] : memref<40x1024xf32, #tpu.memory_space<vmem>> -> memref<1x1024xf32, #tpu.memory_space<vmem>>
      %dma_start3A_288 = tpu.memref_squeeze %dma_start3A_287 : memref<1x1024xf32, #tpu.memory_space<vmem>> -> memref<1024xf32, #tpu.memory_space<vmem>>
      %dma_start3A_289 = arith.constant 0 : i32
      %dma_start3A_290 = tpu.memref_slice %arg6[%select_n3A_284, %dma_start3A_289] : memref<2048x1024xf32, #tpu.memory_space<hbm>> -> memref<1x1024xf32, #tpu.memory_space<hbm>>
      %dma_start3A_291 = tpu.memref_squeeze %dma_start3A_290 : memref<1x1024xf32, #tpu.memory_space<hbm>> -> memref<1024xf32, #tpu.memory_space<hbm>>
      tpu.enqueue_dma source(%dma_start3A_291 : memref<1024xf32, #tpu.memory_space<hbm>>) target(%dma_start3A_288 : memref<1024xf32, #tpu.memory_space<vmem>>) target_semaphore(%arg16 : memref<!tpu.dma_semaphore, #tpu.memory_space<semaphore_mem>>)
      %mul3A_292 = arith.constant 40 : i32
      %mul3A_293 = arith.muli %get3A_7, %mul3A_292 : i32
      %add3A_294 = arith.constant 17 : i32
      %add3A_295 = arith.addi %mul3A_293, %add3A_294 : i32
      %get3A_296 = arith.index_cast %add3A_295 : i32 to index
      %get3A_297 = memref.load %arg3[%get3A_296] : memref<2560xi32, #tpu.memory_space<smem>>
      %lt3A_298 = arith.constant 2048 : i32
      %lt3A_299 = arith.cmpi slt, %get3A_297, %lt3A_298 : i32
      %jit3A_300 = arith.constant 0 : i32
      %select_n3A_301 = arith.select %lt3A_299, %get3A_297, %jit3A_300 : i32
      %dma_start3A_302 = arith.constant 17 : i32
      %dma_start3A_303 = arith.constant 0 : i32
      %dma_start3A_304 = tpu.memref_slice %arg13[%dma_start3A_302, %dma_start3A_303] : memref<40x1024xf32, #tpu.memory_space<vmem>> -> memref<1x1024xf32, #tpu.memory_space<vmem>>
      %dma_start3A_305 = tpu.memref_squeeze %dma_start3A_304 : memref<1x1024xf32, #tpu.memory_space<vmem>> -> memref<1024xf32, #tpu.memory_space<vmem>>
      %dma_start3A_306 = arith.constant 0 : i32
      %dma_start3A_307 = tpu.memref_slice %arg6[%select_n3A_301, %dma_start3A_306] : memref<2048x1024xf32, #tpu.memory_space<hbm>> -> memref<1x1024xf32, #tpu.memory_space<hbm>>
      %dma_start3A_308 = tpu.memref_squeeze %dma_start3A_307 : memref<1x1024xf32, #tpu.memory_space<hbm>> -> memref<1024xf32, #tpu.memory_space<hbm>>
      tpu.enqueue_dma source(%dma_start3A_308 : memref<1024xf32, #tpu.memory_space<hbm>>) target(%dma_start3A_305 : memref<1024xf32, #tpu.memory_space<vmem>>) target_semaphore(%arg16 : memref<!tpu.dma_semaphore, #tpu.memory_space<semaphore_mem>>)
      %mul3A_309 = arith.constant 40 : i32
      %mul3A_310 = arith.muli %get3A_7, %mul3A_309 : i32
      %add3A_311 = arith.constant 18 : i32
      %add3A_312 = arith.addi %mul3A_310, %add3A_311 : i32
      %get3A_313 = arith.index_cast %add3A_312 : i32 to index
      %get3A_314 = memref.load %arg3[%get3A_313] : memref<2560xi32, #tpu.memory_space<smem>>
      %lt3A_315 = arith.constant 2048 : i32
      %lt3A_316 = arith.cmpi slt, %get3A_314, %lt3A_315 : i32
      %jit3A_317 = arith.constant 0 : i32
      %select_n3A_318 = arith.select %lt3A_316, %get3A_314, %jit3A_317 : i32
      %dma_start3A_319 = arith.constant 18 : i32
      %dma_start3A_320 = arith.constant 0 : i32
      %dma_start3A_321 = tpu.memref_slice %arg13[%dma_start3A_319, %dma_start3A_320] : memref<40x1024xf32, #tpu.memory_space<vmem>> -> memref<1x1024xf32, #tpu.memory_space<vmem>>
      %dma_start3A_322 = tpu.memref_squeeze %dma_start3A_321 : memref<1x1024xf32, #tpu.memory_space<vmem>> -> memref<1024xf32, #tpu.memory_space<vmem>>
      %dma_start3A_323 = arith.constant 0 : i32
      %dma_start3A_324 = tpu.memref_slice %arg6[%select_n3A_318, %dma_start3A_323] : memref<2048x1024xf32, #tpu.memory_space<hbm>> -> memref<1x1024xf32, #tpu.memory_space<hbm>>
      %dma_start3A_325 = tpu.memref_squeeze %dma_start3A_324 : memref<1x1024xf32, #tpu.memory_space<hbm>> -> memref<1024xf32, #tpu.memory_space<hbm>>
      tpu.enqueue_dma source(%dma_start3A_325 : memref<1024xf32, #tpu.memory_space<hbm>>) target(%dma_start3A_322 : memref<1024xf32, #tpu.memory_space<vmem>>) target_semaphore(%arg16 : memref<!tpu.dma_semaphore, #tpu.memory_space<semaphore_mem>>)
      %mul3A_326 = arith.constant 40 : i32
      %mul3A_327 = arith.muli %get3A_7, %mul3A_326 : i32
      %add3A_328 = arith.constant 19 : i32
      %add3A_329 = arith.addi %mul3A_327, %add3A_328 : i32
      %get3A_330 = arith.index_cast %add3A_329 : i32 to index
      %get3A_331 = memref.load %arg3[%get3A_330] : memref<2560xi32, #tpu.memory_space<smem>>
      %lt3A_332 = arith.constant 2048 : i32
      %lt3A_333 = arith.cmpi slt, %get3A_331, %lt3A_332 : i32
      %jit3A_334 = arith.constant 0 : i32
      %select_n3A_335 = arith.select %lt3A_333, %get3A_331, %jit3A_334 : i32
      %dma_start3A_336 = arith.constant 19 : i32
      %dma_start3A_337 = arith.constant 0 : i32
      %dma_start3A_338 = tpu.memref_slice %arg13[%dma_start3A_336, %dma_start3A_337] : memref<40x1024xf32, #tpu.memory_space<vmem>> -> memref<1x1024xf32, #tpu.memory_space<vmem>>
      %dma_start3A_339 = tpu.memref_squeeze %dma_start3A_338 : memref<1x1024xf32, #tpu.memory_space<vmem>> -> memref<1024xf32, #tpu.memory_space<vmem>>
      %dma_start3A_340 = arith.constant 0 : i32
      %dma_start3A_341 = tpu.memref_slice %arg6[%select_n3A_335, %dma_start3A_340] : memref<2048x1024xf32, #tpu.memory_space<hbm>> -> memref<1x1024xf32, #tpu.memory_space<hbm>>
      %dma_start3A_342 = tpu.memref_squeeze %dma_start3A_341 : memref<1x1024xf32, #tpu.memory_space<hbm>> -> memref<1024xf32, #tpu.memory_space<hbm>>
      tpu.enqueue_dma source(%dma_start3A_342 : memref<1024xf32, #tpu.memory_space<hbm>>) target(%dma_start3A_339 : memref<1024xf32, #tpu.memory_space<vmem>>) target_semaphore(%arg16 : memref<!tpu.dma_semaphore, #tpu.memory_space<semaphore_mem>>)
      %mul3A_343 = arith.constant 40 : i32
      %mul3A_344 = arith.muli %get3A_7, %mul3A_343 : i32
      %add3A_345 = arith.constant 20 : i32
      %add3A_346 = arith.addi %mul3A_344, %add3A_345 : i32
      %get3A_347 = arith.index_cast %add3A_346 : i32 to index
      %get3A_348 = memref.load %arg3[%get3A_347] : memref<2560xi32, #tpu.memory_space<smem>>
      %lt3A_349 = arith.constant 2048 : i32
      %lt3A_350 = arith.cmpi slt, %get3A_348, %lt3A_349 : i32
      %jit3A_351 = arith.constant 0 : i32
      %select_n3A_352 = arith.select %lt3A_350, %get3A_348, %jit3A_351 : i32
      %dma_start3A_353 = arith.constant 20 : i32
      %dma_start3A_354 = arith.constant 0 : i32
      %dma_start3A_355 = tpu.memref_slice %arg13[%dma_start3A_353, %dma_start3A_354] : memref<40x1024xf32, #tpu.memory_space<vmem>> -> memref<1x1024xf32, #tpu.memory_space<vmem>>
      %dma_start3A_356 = tpu.memref_squeeze %dma_start3A_355 : memref<1x1024xf32, #tpu.memory_space<vmem>> -> memref<1024xf32, #tpu.memory_space<vmem>>
      %dma_start3A_357 = arith.constant 0 : i32
      %dma_start3A_358 = tpu.memref_slice %arg6[%select_n3A_352, %dma_start3A_357] : memref<2048x1024xf32, #tpu.memory_space<hbm>> -> memref<1x1024xf32, #tpu.memory_space<hbm>>
      %dma_start3A_359 = tpu.memref_squeeze %dma_start3A_358 : memref<1x1024xf32, #tpu.memory_space<hbm>> -> memref<1024xf32, #tpu.memory_space<hbm>>
      tpu.enqueue_dma source(%dma_start3A_359 : memref<1024xf32, #tpu.memory_space<hbm>>) target(%dma_start3A_356 : memref<1024xf32, #tpu.memory_space<vmem>>) target_semaphore(%arg16 : memref<!tpu.dma_semaphore, #tpu.memory_space<semaphore_mem>>)
      %mul3A_360 = arith.constant 40 : i32
      %mul3A_361 = arith.muli %get3A_7, %mul3A_360 : i32
      %add3A_362 = arith.constant 21 : i32
      %add3A_363 = arith.addi %mul3A_361, %add3A_362 : i32
      %get3A_364 = arith.index_cast %add3A_363 : i32 to index
      %get3A_365 = memref.load %arg3[%get3A_364] : memref<2560xi32, #tpu.memory_space<smem>>
      %lt3A_366 = arith.constant 2048 : i32
      %lt3A_367 = arith.cmpi slt, %get3A_365, %lt3A_366 : i32
      %jit3A_368 = arith.constant 0 : i32
      %select_n3A_369 = arith.select %lt3A_367, %get3A_365, %jit3A_368 : i32
      %dma_start3A_370 = arith.constant 21 : i32
      %dma_start3A_371 = arith.constant 0 : i32
      %dma_start3A_372 = tpu.memref_slice %arg13[%dma_start3A_370, %dma_start3A_371] : memref<40x1024xf32, #tpu.memory_space<vmem>> -> memref<1x1024xf32, #tpu.memory_space<vmem>>
      %dma_start3A_373 = tpu.memref_squeeze %dma_start3A_372 : memref<1x1024xf32, #tpu.memory_space<vmem>> -> memref<1024xf32, #tpu.memory_space<vmem>>
      %dma_start3A_374 = arith.constant 0 : i32
      %dma_start3A_375 = tpu.memref_slice %arg6[%select_n3A_369, %dma_start3A_374] : memref<2048x1024xf32, #tpu.memory_space<hbm>> -> memref<1x1024xf32, #tpu.memory_space<hbm>>
      %dma_start3A_376 = tpu.memref_squeeze %dma_start3A_375 : memref<1x1024xf32, #tpu.memory_space<hbm>> -> memref<1024xf32, #tpu.memory_space<hbm>>
      tpu.enqueue_dma source(%dma_start3A_376 : memref<1024xf32, #tpu.memory_space<hbm>>) target(%dma_start3A_373 : memref<1024xf32, #tpu.memory_space<vmem>>) target_semaphore(%arg16 : memref<!tpu.dma_semaphore, #tpu.memory_space<semaphore_mem>>)
      %mul3A_377 = arith.constant 40 : i32
      %mul3A_378 = arith.muli %get3A_7, %mul3A_377 : i32
      %add3A_379 = arith.constant 22 : i32
      %add3A_380 = arith.addi %mul3A_378, %add3A_379 : i32
      %get3A_381 = arith.index_cast %add3A_380 : i32 to index
      %get3A_382 = memref.load %arg3[%get3A_381] : memref<2560xi32, #tpu.memory_space<smem>>
      %lt3A_383 = arith.constant 2048 : i32
      %lt3A_384 = arith.cmpi slt, %get3A_382, %lt3A_383 : i32
      %jit3A_385 = arith.constant 0 : i32
      %select_n3A_386 = arith.select %lt3A_384, %get3A_382, %jit3A_385 : i32
      %dma_start3A_387 = arith.constant 22 : i32
      %dma_start3A_388 = arith.constant 0 : i32
      %dma_start3A_389 = tpu.memref_slice %arg13[%dma_start3A_387, %dma_start3A_388] : memref<40x1024xf32, #tpu.memory_space<vmem>> -> memref<1x1024xf32, #tpu.memory_space<vmem>>
      %dma_start3A_390 = tpu.memref_squeeze %dma_start3A_389 : memref<1x1024xf32, #tpu.memory_space<vmem>> -> memref<1024xf32, #tpu.memory_space<vmem>>
      %dma_start3A_391 = arith.constant 0 : i32
      %dma_start3A_392 = tpu.memref_slice %arg6[%select_n3A_386, %dma_start3A_391] : memref<2048x1024xf32, #tpu.memory_space<hbm>> -> memref<1x1024xf32, #tpu.memory_space<hbm>>
      %dma_start3A_393 = tpu.memref_squeeze %dma_start3A_392 : memref<1x1024xf32, #tpu.memory_space<hbm>> -> memref<1024xf32, #tpu.memory_space<hbm>>
      tpu.enqueue_dma source(%dma_start3A_393 : memref<1024xf32, #tpu.memory_space<hbm>>) target(%dma_start3A_390 : memref<1024xf32, #tpu.memory_space<vmem>>) target_semaphore(%arg16 : memref<!tpu.dma_semaphore, #tpu.memory_space<semaphore_mem>>)
      %mul3A_394 = arith.constant 40 : i32
      %mul3A_395 = arith.muli %get3A_7, %mul3A_394 : i32
      %add3A_396 = arith.constant 23 : i32
      %add3A_397 = arith.addi %mul3A_395, %add3A_396 : i32
      %get3A_398 = arith.index_cast %add3A_397 : i32 to index
      %get3A_399 = memref.load %arg3[%get3A_398] : memref<2560xi32, #tpu.memory_space<smem>>
      %lt3A_400 = arith.constant 2048 : i32
      %lt3A_401 = arith.cmpi slt, %get3A_399, %lt3A_400 : i32
      %jit3A_402 = arith.constant 0 : i32
      %select_n3A_403 = arith.select %lt3A_401, %get3A_399, %jit3A_402 : i32
      %dma_start3A_404 = arith.constant 23 : i32
      %dma_start3A_405 = arith.constant 0 : i32
      %dma_start3A_406 = tpu.memref_slice %arg13[%dma_start3A_404, %dma_start3A_405] : memref<40x1024xf32, #tpu.memory_space<vmem>> -> memref<1x1024xf32, #tpu.memory_space<vmem>>
      %dma_start3A_407 = tpu.memref_squeeze %dma_start3A_406 : memref<1x1024xf32, #tpu.memory_space<vmem>> -> memref<1024xf32, #tpu.memory_space<vmem>>
      %dma_start3A_408 = arith.constant 0 : i32
      %dma_start3A_409 = tpu.memref_slice %arg6[%select_n3A_403, %dma_start3A_408] : memref<2048x1024xf32, #tpu.memory_space<hbm>> -> memref<1x1024xf32, #tpu.memory_space<hbm>>
      %dma_start3A_410 = tpu.memref_squeeze %dma_start3A_409 : memref<1x1024xf32, #tpu.memory_space<hbm>> -> memref<1024xf32, #tpu.memory_space<hbm>>
      tpu.enqueue_dma source(%dma_start3A_410 : memref<1024xf32, #tpu.memory_space<hbm>>) target(%dma_start3A_407 : memref<1024xf32, #tpu.memory_space<vmem>>) target_semaphore(%arg16 : memref<!tpu.dma_semaphore, #tpu.memory_space<semaphore_mem>>)
      %mul3A_411 = arith.constant 40 : i32
      %mul3A_412 = arith.muli %get3A_7, %mul3A_411 : i32
      %add3A_413 = arith.constant 24 : i32
      %add3A_414 = arith.addi %mul3A_412, %add3A_413 : i32
      %get3A_415 = arith.index_cast %add3A_414 : i32 to index
      %get3A_416 = memref.load %arg3[%get3A_415] : memref<2560xi32, #tpu.memory_space<smem>>
      %lt3A_417 = arith.constant 2048 : i32
      %lt3A_418 = arith.cmpi slt, %get3A_416, %lt3A_417 : i32
      %jit3A_419 = arith.constant 0 : i32
      %select_n3A_420 = arith.select %lt3A_418, %get3A_416, %jit3A_419 : i32
      %dma_start3A_421 = arith.constant 24 : i32
      %dma_start3A_422 = arith.constant 0 : i32
      %dma_start3A_423 = tpu.memref_slice %arg13[%dma_start3A_421, %dma_start3A_422] : memref<40x1024xf32, #tpu.memory_space<vmem>> -> memref<1x1024xf32, #tpu.memory_space<vmem>>
      %dma_start3A_424 = tpu.memref_squeeze %dma_start3A_423 : memref<1x1024xf32, #tpu.memory_space<vmem>> -> memref<1024xf32, #tpu.memory_space<vmem>>
      %dma_start3A_425 = arith.constant 0 : i32
      %dma_start3A_426 = tpu.memref_slice %arg6[%select_n3A_420, %dma_start3A_425] : memref<2048x1024xf32, #tpu.memory_space<hbm>> -> memref<1x1024xf32, #tpu.memory_space<hbm>>
      %dma_start3A_427 = tpu.memref_squeeze %dma_start3A_426 : memref<1x1024xf32, #tpu.memory_space<hbm>> -> memref<1024xf32, #tpu.memory_space<hbm>>
      tpu.enqueue_dma source(%dma_start3A_427 : memref<1024xf32, #tpu.memory_space<hbm>>) target(%dma_start3A_424 : memref<1024xf32, #tpu.memory_space<vmem>>) target_semaphore(%arg16 : memref<!tpu.dma_semaphore, #tpu.memory_space<semaphore_mem>>)
      %mul3A_428 = arith.constant 40 : i32
      %mul3A_429 = arith.muli %get3A_7, %mul3A_428 : i32
      %add3A_430 = arith.constant 25 : i32
      %add3A_431 = arith.addi %mul3A_429, %add3A_430 : i32
      %get3A_432 = arith.index_cast %add3A_431 : i32 to index
      %get3A_433 = memref.load %arg3[%get3A_432] : memref<2560xi32, #tpu.memory_space<smem>>
      %lt3A_434 = arith.constant 2048 : i32
      %lt3A_435 = arith.cmpi slt, %get3A_433, %lt3A_434 : i32
      %jit3A_436 = arith.constant 0 : i32
      %select_n3A_437 = arith.select %lt3A_435, %get3A_433, %jit3A_436 : i32
      %dma_start3A_438 = arith.constant 25 : i32
      %dma_start3A_439 = arith.constant 0 : i32
      %dma_start3A_440 = tpu.memref_slice %arg13[%dma_start3A_438, %dma_start3A_439] : memref<40x1024xf32, #tpu.memory_space<vmem>> -> memref<1x1024xf32, #tpu.memory_space<vmem>>
      %dma_start3A_441 = tpu.memref_squeeze %dma_start3A_440 : memref<1x1024xf32, #tpu.memory_space<vmem>> -> memref<1024xf32, #tpu.memory_space<vmem>>
      %dma_start3A_442 = arith.constant 0 : i32
      %dma_start3A_443 = tpu.memref_slice %arg6[%select_n3A_437, %dma_start3A_442] : memref<2048x1024xf32, #tpu.memory_space<hbm>> -> memref<1x1024xf32, #tpu.memory_space<hbm>>
      %dma_start3A_444 = tpu.memref_squeeze %dma_start3A_443 : memref<1x1024xf32, #tpu.memory_space<hbm>> -> memref<1024xf32, #tpu.memory_space<hbm>>
      tpu.enqueue_dma source(%dma_start3A_444 : memref<1024xf32, #tpu.memory_space<hbm>>) target(%dma_start3A_441 : memref<1024xf32, #tpu.memory_space<vmem>>) target_semaphore(%arg16 : memref<!tpu.dma_semaphore, #tpu.memory_space<semaphore_mem>>)
      %mul3A_445 = arith.constant 40 : i32
      %mul3A_446 = arith.muli %get3A_7, %mul3A_445 : i32
      %add3A_447 = arith.constant 26 : i32
      %add3A_448 = arith.addi %mul3A_446, %add3A_447 : i32
      %get3A_449 = arith.index_cast %add3A_448 : i32 to index
      %get3A_450 = memref.load %arg3[%get3A_449] : memref<2560xi32, #tpu.memory_space<smem>>
      %lt3A_451 = arith.constant 2048 : i32
      %lt3A_452 = arith.cmpi slt, %get3A_450, %lt3A_451 : i32
      %jit3A_453 = arith.constant 0 : i32
      %select_n3A_454 = arith.select %lt3A_452, %get3A_450, %jit3A_453 : i32
      %dma_start3A_455 = arith.constant 26 : i32
      %dma_start3A_456 = arith.constant 0 : i32
      %dma_start3A_457 = tpu.memref_slice %arg13[%dma_start3A_455, %dma_start3A_456] : memref<40x1024xf32, #tpu.memory_space<vmem>> -> memref<1x1024xf32, #tpu.memory_space<vmem>>
      %dma_start3A_458 = tpu.memref_squeeze %dma_start3A_457 : memref<1x1024xf32, #tpu.memory_space<vmem>> -> memref<1024xf32, #tpu.memory_space<vmem>>
      %dma_start3A_459 = arith.constant 0 : i32
      %dma_start3A_460 = tpu.memref_slice %arg6[%select_n3A_454, %dma_start3A_459] : memref<2048x1024xf32, #tpu.memory_space<hbm>> -> memref<1x1024xf32, #tpu.memory_space<hbm>>
      %dma_start3A_461 = tpu.memref_squeeze %dma_start3A_460 : memref<1x1024xf32, #tpu.memory_space<hbm>> -> memref<1024xf32, #tpu.memory_space<hbm>>
      tpu.enqueue_dma source(%dma_start3A_461 : memref<1024xf32, #tpu.memory_space<hbm>>) target(%dma_start3A_458 : memref<1024xf32, #tpu.memory_space<vmem>>) target_semaphore(%arg16 : memref<!tpu.dma_semaphore, #tpu.memory_space<semaphore_mem>>)
      %mul3A_462 = arith.constant 40 : i32
      %mul3A_463 = arith.muli %get3A_7, %mul3A_462 : i32
      %add3A_464 = arith.constant 27 : i32
      %add3A_465 = arith.addi %mul3A_463, %add3A_464 : i32
      %get3A_466 = arith.index_cast %add3A_465 : i32 to index
      %get3A_467 = memref.load %arg3[%get3A_466] : memref<2560xi32, #tpu.memory_space<smem>>
      %lt3A_468 = arith.constant 2048 : i32
      %lt3A_469 = arith.cmpi slt, %get3A_467, %lt3A_468 : i32
      %jit3A_470 = arith.constant 0 : i32
      %select_n3A_471 = arith.select %lt3A_469, %get3A_467, %jit3A_470 : i32
      %dma_start3A_472 = arith.constant 27 : i32
      %dma_start3A_473 = arith.constant 0 : i32
      %dma_start3A_474 = tpu.memref_slice %arg13[%dma_start3A_472, %dma_start3A_473] : memref<40x1024xf32, #tpu.memory_space<vmem>> -> memref<1x1024xf32, #tpu.memory_space<vmem>>
      %dma_start3A_475 = tpu.memref_squeeze %dma_start3A_474 : memref<1x1024xf32, #tpu.memory_space<vmem>> -> memref<1024xf32, #tpu.memory_space<vmem>>
      %dma_start3A_476 = arith.constant 0 : i32
      %dma_start3A_477 = tpu.memref_slice %arg6[%select_n3A_471, %dma_start3A_476] : memref<2048x1024xf32, #tpu.memory_space<hbm>> -> memref<1x1024xf32, #tpu.memory_space<hbm>>
      %dma_start3A_478 = tpu.memref_squeeze %dma_start3A_477 : memref<1x1024xf32, #tpu.memory_space<hbm>> -> memref<1024xf32, #tpu.memory_space<hbm>>
      tpu.enqueue_dma source(%dma_start3A_478 : memref<1024xf32, #tpu.memory_space<hbm>>) target(%dma_start3A_475 : memref<1024xf32, #tpu.memory_space<vmem>>) target_semaphore(%arg16 : memref<!tpu.dma_semaphore, #tpu.memory_space<semaphore_mem>>)
      %mul3A_479 = arith.constant 40 : i32
      %mul3A_480 = arith.muli %get3A_7, %mul3A_479 : i32
      %add3A_481 = arith.constant 28 : i32
      %add3A_482 = arith.addi %mul3A_480, %add3A_481 : i32
      %get3A_483 = arith.index_cast %add3A_482 : i32 to index
      %get3A_484 = memref.load %arg3[%get3A_483] : memref<2560xi32, #tpu.memory_space<smem>>
      %lt3A_485 = arith.constant 2048 : i32
      %lt3A_486 = arith.cmpi slt, %get3A_484, %lt3A_485 : i32
      %jit3A_487 = arith.constant 0 : i32
      %select_n3A_488 = arith.select %lt3A_486, %get3A_484, %jit3A_487 : i32
      %dma_start3A_489 = arith.constant 28 : i32
      %dma_start3A_490 = arith.constant 0 : i32
      %dma_start3A_491 = tpu.memref_slice %arg13[%dma_start3A_489, %dma_start3A_490] : memref<40x1024xf32, #tpu.memory_space<vmem>> -> memref<1x1024xf32, #tpu.memory_space<vmem>>
      %dma_start3A_492 = tpu.memref_squeeze %dma_start3A_491 : memref<1x1024xf32, #tpu.memory_space<vmem>> -> memref<1024xf32, #tpu.memory_space<vmem>>
      %dma_start3A_493 = arith.constant 0 : i32
      %dma_start3A_494 = tpu.memref_slice %arg6[%select_n3A_488, %dma_start3A_493] : memref<2048x1024xf32, #tpu.memory_space<hbm>> -> memref<1x1024xf32, #tpu.memory_space<hbm>>
      %dma_start3A_495 = tpu.memref_squeeze %dma_start3A_494 : memref<1x1024xf32, #tpu.memory_space<hbm>> -> memref<1024xf32, #tpu.memory_space<hbm>>
      tpu.enqueue_dma source(%dma_start3A_495 : memref<1024xf32, #tpu.memory_space<hbm>>) target(%dma_start3A_492 : memref<1024xf32, #tpu.memory_space<vmem>>) target_semaphore(%arg16 : memref<!tpu.dma_semaphore, #tpu.memory_space<semaphore_mem>>)
      %mul3A_496 = arith.constant 40 : i32
      %mul3A_497 = arith.muli %get3A_7, %mul3A_496 : i32
      %add3A_498 = arith.constant 29 : i32
      %add3A_499 = arith.addi %mul3A_497, %add3A_498 : i32
      %get3A_500 = arith.index_cast %add3A_499 : i32 to index
      %get3A_501 = memref.load %arg3[%get3A_500] : memref<2560xi32, #tpu.memory_space<smem>>
      %lt3A_502 = arith.constant 2048 : i32
      %lt3A_503 = arith.cmpi slt, %get3A_501, %lt3A_502 : i32
      %jit3A_504 = arith.constant 0 : i32
      %select_n3A_505 = arith.select %lt3A_503, %get3A_501, %jit3A_504 : i32
      %dma_start3A_506 = arith.constant 29 : i32
      %dma_start3A_507 = arith.constant 0 : i32
      %dma_start3A_508 = tpu.memref_slice %arg13[%dma_start3A_506, %dma_start3A_507] : memref<40x1024xf32, #tpu.memory_space<vmem>> -> memref<1x1024xf32, #tpu.memory_space<vmem>>
      %dma_start3A_509 = tpu.memref_squeeze %dma_start3A_508 : memref<1x1024xf32, #tpu.memory_space<vmem>> -> memref<1024xf32, #tpu.memory_space<vmem>>
      %dma_start3A_510 = arith.constant 0 : i32
      %dma_start3A_511 = tpu.memref_slice %arg6[%select_n3A_505, %dma_start3A_510] : memref<2048x1024xf32, #tpu.memory_space<hbm>> -> memref<1x1024xf32, #tpu.memory_space<hbm>>
      %dma_start3A_512 = tpu.memref_squeeze %dma_start3A_511 : memref<1x1024xf32, #tpu.memory_space<hbm>> -> memref<1024xf32, #tpu.memory_space<hbm>>
      tpu.enqueue_dma source(%dma_start3A_512 : memref<1024xf32, #tpu.memory_space<hbm>>) target(%dma_start3A_509 : memref<1024xf32, #tpu.memory_space<vmem>>) target_semaphore(%arg16 : memref<!tpu.dma_semaphore, #tpu.memory_space<semaphore_mem>>)
      %mul3A_513 = arith.constant 40 : i32
      %mul3A_514 = arith.muli %get3A_7, %mul3A_513 : i32
      %add3A_515 = arith.constant 30 : i32
      %add3A_516 = arith.addi %mul3A_514, %add3A_515 : i32
      %get3A_517 = arith.index_cast %add3A_516 : i32 to index
      %get3A_518 = memref.load %arg3[%get3A_517] : memref<2560xi32, #tpu.memory_space<smem>>
      %lt3A_519 = arith.constant 2048 : i32
      %lt3A_520 = arith.cmpi slt, %get3A_518, %lt3A_519 : i32
      %jit3A_521 = arith.constant 0 : i32
      %select_n3A_522 = arith.select %lt3A_520, %get3A_518, %jit3A_521 : i32
      %dma_start3A_523 = arith.constant 30 : i32
      %dma_start3A_524 = arith.constant 0 : i32
      %dma_start3A_525 = tpu.memref_slice %arg13[%dma_start3A_523, %dma_start3A_524] : memref<40x1024xf32, #tpu.memory_space<vmem>> -> memref<1x1024xf32, #tpu.memory_space<vmem>>
      %dma_start3A_526 = tpu.memref_squeeze %dma_start3A_525 : memref<1x1024xf32, #tpu.memory_space<vmem>> -> memref<1024xf32, #tpu.memory_space<vmem>>
      %dma_start3A_527 = arith.constant 0 : i32
      %dma_start3A_528 = tpu.memref_slice %arg6[%select_n3A_522, %dma_start3A_527] : memref<2048x1024xf32, #tpu.memory_space<hbm>> -> memref<1x1024xf32, #tpu.memory_space<hbm>>
      %dma_start3A_529 = tpu.memref_squeeze %dma_start3A_528 : memref<1x1024xf32, #tpu.memory_space<hbm>> -> memref<1024xf32, #tpu.memory_space<hbm>>
      tpu.enqueue_dma source(%dma_start3A_529 : memref<1024xf32, #tpu.memory_space<hbm>>) target(%dma_start3A_526 : memref<1024xf32, #tpu.memory_space<vmem>>) target_semaphore(%arg16 : memref<!tpu.dma_semaphore, #tpu.memory_space<semaphore_mem>>)
      %mul3A_530 = arith.constant 40 : i32
      %mul3A_531 = arith.muli %get3A_7, %mul3A_530 : i32
      %add3A_532 = arith.constant 31 : i32
      %add3A_533 = arith.addi %mul3A_531, %add3A_532 : i32
      %get3A_534 = arith.index_cast %add3A_533 : i32 to index
      %get3A_535 = memref.load %arg3[%get3A_534] : memref<2560xi32, #tpu.memory_space<smem>>
      %lt3A_536 = arith.constant 2048 : i32
      %lt3A_537 = arith.cmpi slt, %get3A_535, %lt3A_536 : i32
      %jit3A_538 = arith.constant 0 : i32
      %select_n3A_539 = arith.select %lt3A_537, %get3A_535, %jit3A_538 : i32
      %dma_start3A_540 = arith.constant 31 : i32
      %dma_start3A_541 = arith.constant 0 : i32
      %dma_start3A_542 = tpu.memref_slice %arg13[%dma_start3A_540, %dma_start3A_541] : memref<40x1024xf32, #tpu.memory_space<vmem>> -> memref<1x1024xf32, #tpu.memory_space<vmem>>
      %dma_start3A_543 = tpu.memref_squeeze %dma_start3A_542 : memref<1x1024xf32, #tpu.memory_space<vmem>> -> memref<1024xf32, #tpu.memory_space<vmem>>
      %dma_start3A_544 = arith.constant 0 : i32
      %dma_start3A_545 = tpu.memref_slice %arg6[%select_n3A_539, %dma_start3A_544] : memref<2048x1024xf32, #tpu.memory_space<hbm>> -> memref<1x1024xf32, #tpu.memory_space<hbm>>
      %dma_start3A_546 = tpu.memref_squeeze %dma_start3A_545 : memref<1x1024xf32, #tpu.memory_space<hbm>> -> memref<1024xf32, #tpu.memory_space<hbm>>
      tpu.enqueue_dma source(%dma_start3A_546 : memref<1024xf32, #tpu.memory_space<hbm>>) target(%dma_start3A_543 : memref<1024xf32, #tpu.memory_space<vmem>>) target_semaphore(%arg16 : memref<!tpu.dma_semaphore, #tpu.memory_space<semaphore_mem>>)
      %mul3A_547 = arith.constant 40 : i32
      %mul3A_548 = arith.muli %get3A_7, %mul3A_547 : i32
      %add3A_549 = arith.constant 32 : i32
      %add3A_550 = arith.addi %mul3A_548, %add3A_549 : i32
      %get3A_551 = arith.index_cast %add3A_550 : i32 to index
      %get3A_552 = memref.load %arg3[%get3A_551] : memref<2560xi32, #tpu.memory_space<smem>>
      %lt3A_553 = arith.constant 2048 : i32
      %lt3A_554 = arith.cmpi slt, %get3A_552, %lt3A_553 : i32
      %jit3A_555 = arith.constant 0 : i32
      %select_n3A_556 = arith.select %lt3A_554, %get3A_552, %jit3A_555 : i32
      %dma_start3A_557 = arith.constant 32 : i32
      %dma_start3A_558 = arith.constant 0 : i32
      %dma_start3A_559 = tpu.memref_slice %arg13[%dma_start3A_557, %dma_start3A_558] : memref<40x1024xf32, #tpu.memory_space<vmem>> -> memref<1x1024xf32, #tpu.memory_space<vmem>>
      %dma_start3A_560 = tpu.memref_squeeze %dma_start3A_559 : memref<1x1024xf32, #tpu.memory_space<vmem>> -> memref<1024xf32, #tpu.memory_space<vmem>>
      %dma_start3A_561 = arith.constant 0 : i32
      %dma_start3A_562 = tpu.memref_slice %arg6[%select_n3A_556, %dma_start3A_561] : memref<2048x1024xf32, #tpu.memory_space<hbm>> -> memref<1x1024xf32, #tpu.memory_space<hbm>>
      %dma_start3A_563 = tpu.memref_squeeze %dma_start3A_562 : memref<1x1024xf32, #tpu.memory_space<hbm>> -> memref<1024xf32, #tpu.memory_space<hbm>>
      tpu.enqueue_dma source(%dma_start3A_563 : memref<1024xf32, #tpu.memory_space<hbm>>) target(%dma_start3A_560 : memref<1024xf32, #tpu.memory_space<vmem>>) target_semaphore(%arg16 : memref<!tpu.dma_semaphore, #tpu.memory_space<semaphore_mem>>)
      %mul3A_564 = arith.constant 40 : i32
      %mul3A_565 = arith.muli %get3A_7, %mul3A_564 : i32
      %add3A_566 = arith.constant 33 : i32
      %add3A_567 = arith.addi %mul3A_565, %add3A_566 : i32
      %get3A_568 = arith.index_cast %add3A_567 : i32 to index
      %get3A_569 = memref.load %arg3[%get3A_568] : memref<2560xi32, #tpu.memory_space<smem>>
      %lt3A_570 = arith.constant 2048 : i32
      %lt3A_571 = arith.cmpi slt, %get3A_569, %lt3A_570 : i32
      %jit3A_572 = arith.constant 0 : i32
      %select_n3A_573 = arith.select %lt3A_571, %get3A_569, %jit3A_572 : i32
      %dma_start3A_574 = arith.constant 33 : i32
      %dma_start3A_575 = arith.constant 0 : i32
      %dma_start3A_576 = tpu.memref_slice %arg13[%dma_start3A_574, %dma_start3A_575] : memref<40x1024xf32, #tpu.memory_space<vmem>> -> memref<1x1024xf32, #tpu.memory_space<vmem>>
      %dma_start3A_577 = tpu.memref_squeeze %dma_start3A_576 : memref<1x1024xf32, #tpu.memory_space<vmem>> -> memref<1024xf32, #tpu.memory_space<vmem>>
      %dma_start3A_578 = arith.constant 0 : i32
      %dma_start3A_579 = tpu.memref_slice %arg6[%select_n3A_573, %dma_start3A_578] : memref<2048x1024xf32, #tpu.memory_space<hbm>> -> memref<1x1024xf32, #tpu.memory_space<hbm>>
      %dma_start3A_580 = tpu.memref_squeeze %dma_start3A_579 : memref<1x1024xf32, #tpu.memory_space<hbm>> -> memref<1024xf32, #tpu.memory_space<hbm>>
      tpu.enqueue_dma source(%dma_start3A_580 : memref<1024xf32, #tpu.memory_space<hbm>>) target(%dma_start3A_577 : memref<1024xf32, #tpu.memory_space<vmem>>) target_semaphore(%arg16 : memref<!tpu.dma_semaphore, #tpu.memory_space<semaphore_mem>>)
      %mul3A_581 = arith.constant 40 : i32
      %mul3A_582 = arith.muli %get3A_7, %mul3A_581 : i32
      %add3A_583 = arith.constant 34 : i32
      %add3A_584 = arith.addi %mul3A_582, %add3A_583 : i32
      %get3A_585 = arith.index_cast %add3A_584 : i32 to index
      %get3A_586 = memref.load %arg3[%get3A_585] : memref<2560xi32, #tpu.memory_space<smem>>
      %lt3A_587 = arith.constant 2048 : i32
      %lt3A_588 = arith.cmpi slt, %get3A_586, %lt3A_587 : i32
      %jit3A_589 = arith.constant 0 : i32
      %select_n3A_590 = arith.select %lt3A_588, %get3A_586, %jit3A_589 : i32
      %dma_start3A_591 = arith.constant 34 : i32
      %dma_start3A_592 = arith.constant 0 : i32
      %dma_start3A_593 = tpu.memref_slice %arg13[%dma_start3A_591, %dma_start3A_592] : memref<40x1024xf32, #tpu.memory_space<vmem>> -> memref<1x1024xf32, #tpu.memory_space<vmem>>
      %dma_start3A_594 = tpu.memref_squeeze %dma_start3A_593 : memref<1x1024xf32, #tpu.memory_space<vmem>> -> memref<1024xf32, #tpu.memory_space<vmem>>
      %dma_start3A_595 = arith.constant 0 : i32
      %dma_start3A_596 = tpu.memref_slice %arg6[%select_n3A_590, %dma_start3A_595] : memref<2048x1024xf32, #tpu.memory_space<hbm>> -> memref<1x1024xf32, #tpu.memory_space<hbm>>
      %dma_start3A_597 = tpu.memref_squeeze %dma_start3A_596 : memref<1x1024xf32, #tpu.memory_space<hbm>> -> memref<1024xf32, #tpu.memory_space<hbm>>
      tpu.enqueue_dma source(%dma_start3A_597 : memref<1024xf32, #tpu.memory_space<hbm>>) target(%dma_start3A_594 : memref<1024xf32, #tpu.memory_space<vmem>>) target_semaphore(%arg16 : memref<!tpu.dma_semaphore, #tpu.memory_space<semaphore_mem>>)
      %mul3A_598 = arith.constant 40 : i32
      %mul3A_599 = arith.muli %get3A_7, %mul3A_598 : i32
      %add3A_600 = arith.constant 35 : i32
      %add3A_601 = arith.addi %mul3A_599, %add3A_600 : i32
      %get3A_602 = arith.index_cast %add3A_601 : i32 to index
      %get3A_603 = memref.load %arg3[%get3A_602] : memref<2560xi32, #tpu.memory_space<smem>>
      %lt3A_604 = arith.constant 2048 : i32
      %lt3A_605 = arith.cmpi slt, %get3A_603, %lt3A_604 : i32
      %jit3A_606 = arith.constant 0 : i32
      %select_n3A_607 = arith.select %lt3A_605, %get3A_603, %jit3A_606 : i32
      %dma_start3A_608 = arith.constant 35 : i32
      %dma_start3A_609 = arith.constant 0 : i32
      %dma_start3A_610 = tpu.memref_slice %arg13[%dma_start3A_608, %dma_start3A_609] : memref<40x1024xf32, #tpu.memory_space<vmem>> -> memref<1x1024xf32, #tpu.memory_space<vmem>>
      %dma_start3A_611 = tpu.memref_squeeze %dma_start3A_610 : memref<1x1024xf32, #tpu.memory_space<vmem>> -> memref<1024xf32, #tpu.memory_space<vmem>>
      %dma_start3A_612 = arith.constant 0 : i32
      %dma_start3A_613 = tpu.memref_slice %arg6[%select_n3A_607, %dma_start3A_612] : memref<2048x1024xf32, #tpu.memory_space<hbm>> -> memref<1x1024xf32, #tpu.memory_space<hbm>>
      %dma_start3A_614 = tpu.memref_squeeze %dma_start3A_613 : memref<1x1024xf32, #tpu.memory_space<hbm>> -> memref<1024xf32, #tpu.memory_space<hbm>>
      tpu.enqueue_dma source(%dma_start3A_614 : memref<1024xf32, #tpu.memory_space<hbm>>) target(%dma_start3A_611 : memref<1024xf32, #tpu.memory_space<vmem>>) target_semaphore(%arg16 : memref<!tpu.dma_semaphore, #tpu.memory_space<semaphore_mem>>)
      %mul3A_615 = arith.constant 40 : i32
      %mul3A_616 = arith.muli %get3A_7, %mul3A_615 : i32
      %add3A_617 = arith.constant 36 : i32
      %add3A_618 = arith.addi %mul3A_616, %add3A_617 : i32
      %get3A_619 = arith.index_cast %add3A_618 : i32 to index
      %get3A_620 = memref.load %arg3[%get3A_619] : memref<2560xi32, #tpu.memory_space<smem>>
      %lt3A_621 = arith.constant 2048 : i32
      %lt3A_622 = arith.cmpi slt, %get3A_620, %lt3A_621 : i32
      %jit3A_623 = arith.constant 0 : i32
      %select_n3A_624 = arith.select %lt3A_622, %get3A_620, %jit3A_623 : i32
      %dma_start3A_625 = arith.constant 36 : i32
      %dma_start3A_626 = arith.constant 0 : i32
      %dma_start3A_627 = tpu.memref_slice %arg13[%dma_start3A_625, %dma_start3A_626] : memref<40x1024xf32, #tpu.memory_space<vmem>> -> memref<1x1024xf32, #tpu.memory_space<vmem>>
      %dma_start3A_628 = tpu.memref_squeeze %dma_start3A_627 : memref<1x1024xf32, #tpu.memory_space<vmem>> -> memref<1024xf32, #tpu.memory_space<vmem>>
      %dma_start3A_629 = arith.constant 0 : i32
      %dma_start3A_630 = tpu.memref_slice %arg6[%select_n3A_624, %dma_start3A_629] : memref<2048x1024xf32, #tpu.memory_space<hbm>> -> memref<1x1024xf32, #tpu.memory_space<hbm>>
      %dma_start3A_631 = tpu.memref_squeeze %dma_start3A_630 : memref<1x1024xf32, #tpu.memory_space<hbm>> -> memref<1024xf32, #tpu.memory_space<hbm>>
      tpu.enqueue_dma source(%dma_start3A_631 : memref<1024xf32, #tpu.memory_space<hbm>>) target(%dma_start3A_628 : memref<1024xf32, #tpu.memory_space<vmem>>) target_semaphore(%arg16 : memref<!tpu.dma_semaphore, #tpu.memory_space<semaphore_mem>>)
      %mul3A_632 = arith.constant 40 : i32
      %mul3A_633 = arith.muli %get3A_7, %mul3A_632 : i32
      %add3A_634 = arith.constant 37 : i32
      %add3A_635 = arith.addi %mul3A_633, %add3A_634 : i32
      %get3A_636 = arith.index_cast %add3A_635 : i32 to index
      %get3A_637 = memref.load %arg3[%get3A_636] : memref<2560xi32, #tpu.memory_space<smem>>
      %lt3A_638 = arith.constant 2048 : i32
      %lt3A_639 = arith.cmpi slt, %get3A_637, %lt3A_638 : i32
      %jit3A_640 = arith.constant 0 : i32
      %select_n3A_641 = arith.select %lt3A_639, %get3A_637, %jit3A_640 : i32
      %dma_start3A_642 = arith.constant 37 : i32
      %dma_start3A_643 = arith.constant 0 : i32
      %dma_start3A_644 = tpu.memref_slice %arg13[%dma_start3A_642, %dma_start3A_643] : memref<40x1024xf32, #tpu.memory_space<vmem>> -> memref<1x1024xf32, #tpu.memory_space<vmem>>
      %dma_start3A_645 = tpu.memref_squeeze %dma_start3A_644 : memref<1x1024xf32, #tpu.memory_space<vmem>> -> memref<1024xf32, #tpu.memory_space<vmem>>
      %dma_start3A_646 = arith.constant 0 : i32
      %dma_start3A_647 = tpu.memref_slice %arg6[%select_n3A_641, %dma_start3A_646] : memref<2048x1024xf32, #tpu.memory_space<hbm>> -> memref<1x1024xf32, #tpu.memory_space<hbm>>
      %dma_start3A_648 = tpu.memref_squeeze %dma_start3A_647 : memref<1x1024xf32, #tpu.memory_space<hbm>> -> memref<1024xf32, #tpu.memory_space<hbm>>
      tpu.enqueue_dma source(%dma_start3A_648 : memref<1024xf32, #tpu.memory_space<hbm>>) target(%dma_start3A_645 : memref<1024xf32, #tpu.memory_space<vmem>>) target_semaphore(%arg16 : memref<!tpu.dma_semaphore, #tpu.memory_space<semaphore_mem>>)
      %mul3A_649 = arith.constant 40 : i32
      %mul3A_650 = arith.muli %get3A_7, %mul3A_649 : i32
      %add3A_651 = arith.constant 38 : i32
      %add3A_652 = arith.addi %mul3A_650, %add3A_651 : i32
      %get3A_653 = arith.index_cast %add3A_652 : i32 to index
      %get3A_654 = memref.load %arg3[%get3A_653] : memref<2560xi32, #tpu.memory_space<smem>>
      %lt3A_655 = arith.constant 2048 : i32
      %lt3A_656 = arith.cmpi slt, %get3A_654, %lt3A_655 : i32
      %jit3A_657 = arith.constant 0 : i32
      %select_n3A_658 = arith.select %lt3A_656, %get3A_654, %jit3A_657 : i32
      %dma_start3A_659 = arith.constant 38 : i32
      %dma_start3A_660 = arith.constant 0 : i32
      %dma_start3A_661 = tpu.memref_slice %arg13[%dma_start3A_659, %dma_start3A_660] : memref<40x1024xf32, #tpu.memory_space<vmem>> -> memref<1x1024xf32, #tpu.memory_space<vmem>>
      %dma_start3A_662 = tpu.memref_squeeze %dma_start3A_661 : memref<1x1024xf32, #tpu.memory_space<vmem>> -> memref<1024xf32, #tpu.memory_space<vmem>>
      %dma_start3A_663 = arith.constant 0 : i32
      %dma_start3A_664 = tpu.memref_slice %arg6[%select_n3A_658, %dma_start3A_663] : memref<2048x1024xf32, #tpu.memory_space<hbm>> -> memref<1x1024xf32, #tpu.memory_space<hbm>>
      %dma_start3A_665 = tpu.memref_squeeze %dma_start3A_664 : memref<1x1024xf32, #tpu.memory_space<hbm>> -> memref<1024xf32, #tpu.memory_space<hbm>>
      tpu.enqueue_dma source(%dma_start3A_665 : memref<1024xf32, #tpu.memory_space<hbm>>) target(%dma_start3A_662 : memref<1024xf32, #tpu.memory_space<vmem>>) target_semaphore(%arg16 : memref<!tpu.dma_semaphore, #tpu.memory_space<semaphore_mem>>)
      %mul3A_666 = arith.constant 40 : i32
      %mul3A_667 = arith.muli %get3A_7, %mul3A_666 : i32
      %add3A_668 = arith.constant 39 : i32
      %add3A_669 = arith.addi %mul3A_667, %add3A_668 : i32
      %get3A_670 = arith.index_cast %add3A_669 : i32 to index
      %get3A_671 = memref.load %arg3[%get3A_670] : memref<2560xi32, #tpu.memory_space<smem>>
      %lt3A_672 = arith.constant 2048 : i32
      %lt3A_673 = arith.cmpi slt, %get3A_671, %lt3A_672 : i32
      %jit3A_674 = arith.constant 0 : i32
      %select_n3A_675 = arith.select %lt3A_673, %get3A_671, %jit3A_674 : i32
      %dma_start3A_676 = arith.constant 39 : i32
      %dma_start3A_677 = arith.constant 0 : i32
      %dma_start3A_678 = tpu.memref_slice %arg13[%dma_start3A_676, %dma_start3A_677] : memref<40x1024xf32, #tpu.memory_space<vmem>> -> memref<1x1024xf32, #tpu.memory_space<vmem>>
      %dma_start3A_679 = tpu.memref_squeeze %dma_start3A_678 : memref<1x1024xf32, #tpu.memory_space<vmem>> -> memref<1024xf32, #tpu.memory_space<vmem>>
      %dma_start3A_680 = arith.constant 0 : i32
      %dma_start3A_681 = tpu.memref_slice %arg6[%select_n3A_675, %dma_start3A_680] : memref<2048x1024xf32, #tpu.memory_space<hbm>> -> memref<1x1024xf32, #tpu.memory_space<hbm>>
      %dma_start3A_682 = tpu.memref_squeeze %dma_start3A_681 : memref<1x1024xf32, #tpu.memory_space<hbm>> -> memref<1024xf32, #tpu.memory_space<hbm>>
      tpu.enqueue_dma source(%dma_start3A_682 : memref<1024xf32, #tpu.memory_space<hbm>>) target(%dma_start3A_679 : memref<1024xf32, #tpu.memory_space<vmem>>) target_semaphore(%arg16 : memref<!tpu.dma_semaphore, #tpu.memory_space<semaphore_mem>>)
      %dma_wait3A = arith.constant 0 : i32
      %dma_wait3A_683 = arith.constant 0 : i32
      %dma_wait3A_684 = tpu.memref_slice %arg13[%dma_wait3A, %dma_wait3A_683] : memref<40x1024xf32, #tpu.memory_space<vmem>> -> memref<1x1024xf32, #tpu.memory_space<vmem>>
      %dma_wait3A_685 = tpu.memref_squeeze %dma_wait3A_684 : memref<1x1024xf32, #tpu.memory_space<vmem>> -> memref<1024xf32, #tpu.memory_space<vmem>>
      %dma_wait3A_686 = arith.constant 0 : i32
      %dma_wait3A_687 = tpu.memref_slice %arg6[%select_n3A, %dma_wait3A_686] : memref<2048x1024xf32, #tpu.memory_space<hbm>> -> memref<1x1024xf32, #tpu.memory_space<hbm>>
      %dma_wait3A_688 = tpu.memref_squeeze %dma_wait3A_687 : memref<1x1024xf32, #tpu.memory_space<hbm>> -> memref<1024xf32, #tpu.memory_space<hbm>>
      tpu.wait_dma2 semaphore(%arg16 : memref<!tpu.dma_semaphore, #tpu.memory_space<semaphore_mem>>) src(%dma_wait3A_688 : memref<1024xf32, #tpu.memory_space<hbm>>) dst(%dma_wait3A_685 : memref<1024xf32, #tpu.memory_space<vmem>>)
      %dma_wait3A_689 = arith.constant 1 : i32
      %dma_wait3A_690 = arith.constant 0 : i32
      %dma_wait3A_691 = tpu.memref_slice %arg13[%dma_wait3A_689, %dma_wait3A_690] : memref<40x1024xf32, #tpu.memory_space<vmem>> -> memref<1x1024xf32, #tpu.memory_space<vmem>>
      %dma_wait3A_692 = tpu.memref_squeeze %dma_wait3A_691 : memref<1x1024xf32, #tpu.memory_space<vmem>> -> memref<1024xf32, #tpu.memory_space<vmem>>
      %dma_wait3A_693 = arith.constant 0 : i32
      %dma_wait3A_694 = tpu.memref_slice %arg6[%select_n3A_29, %dma_wait3A_693] : memref<2048x1024xf32, #tpu.memory_space<hbm>> -> memref<1x1024xf32, #tpu.memory_space<hbm>>
      %dma_wait3A_695 = tpu.memref_squeeze %dma_wait3A_694 : memref<1x1024xf32, #tpu.memory_space<hbm>> -> memref<1024xf32, #tpu.memory_space<hbm>>
      tpu.wait_dma2 semaphore(%arg16 : memref<!tpu.dma_semaphore, #tpu.memory_space<semaphore_mem>>) src(%dma_wait3A_695 : memref<1024xf32, #tpu.memory_space<hbm>>) dst(%dma_wait3A_692 : memref<1024xf32, #tpu.memory_space<vmem>>)
      %dma_wait3A_696 = arith.constant 2 : i32
      %dma_wait3A_697 = arith.constant 0 : i32
      %dma_wait3A_698 = tpu.memref_slice %arg13[%dma_wait3A_696, %dma_wait3A_697] : memref<40x1024xf32, #tpu.memory_space<vmem>> -> memref<1x1024xf32, #tpu.memory_space<vmem>>
      %dma_wait3A_699 = tpu.memref_squeeze %dma_wait3A_698 : memref<1x1024xf32, #tpu.memory_space<vmem>> -> memref<1024xf32, #tpu.memory_space<vmem>>
      %dma_wait3A_700 = arith.constant 0 : i32
      %dma_wait3A_701 = tpu.memref_slice %arg6[%select_n3A_46, %dma_wait3A_700] : memref<2048x1024xf32, #tpu.memory_space<hbm>> -> memref<1x1024xf32, #tpu.memory_space<hbm>>
      %dma_wait3A_702 = tpu.memref_squeeze %dma_wait3A_701 : memref<1x1024xf32, #tpu.memory_space<hbm>> -> memref<1024xf32, #tpu.memory_space<hbm>>
      tpu.wait_dma2 semaphore(%arg16 : memref<!tpu.dma_semaphore, #tpu.memory_space<semaphore_mem>>) src(%dma_wait3A_702 : memref<1024xf32, #tpu.memory_space<hbm>>) dst(%dma_wait3A_699 : memref<1024xf32, #tpu.memory_space<vmem>>)
      %dma_wait3A_703 = arith.constant 3 : i32
      %dma_wait3A_704 = arith.constant 0 : i32
      %dma_wait3A_705 = tpu.memref_slice %arg13[%dma_wait3A_703, %dma_wait3A_704] : memref<40x1024xf32, #tpu.memory_space<vmem>> -> memref<1x1024xf32, #tpu.memory_space<vmem>>
      %dma_wait3A_706 = tpu.memref_squeeze %dma_wait3A_705 : memref<1x1024xf32, #tpu.memory_space<vmem>> -> memref<1024xf32, #tpu.memory_space<vmem>>
      %dma_wait3A_707 = arith.constant 0 : i32
      %dma_wait3A_708 = tpu.memref_slice %arg6[%select_n3A_63, %dma_wait3A_707] : memref<2048x1024xf32, #tpu.memory_space<hbm>> -> memref<1x1024xf32, #tpu.memory_space<hbm>>
      %dma_wait3A_709 = tpu.memref_squeeze %dma_wait3A_708 : memref<1x1024xf32, #tpu.memory_space<hbm>> -> memref<1024xf32, #tpu.memory_space<hbm>>
      tpu.wait_dma2 semaphore(%arg16 : memref<!tpu.dma_semaphore, #tpu.memory_space<semaphore_mem>>) src(%dma_wait3A_709 : memref<1024xf32, #tpu.memory_space<hbm>>) dst(%dma_wait3A_706 : memref<1024xf32, #tpu.memory_space<vmem>>)
      %dma_wait3A_710 = arith.constant 4 : i32
      %dma_wait3A_711 = arith.constant 0 : i32
      %dma_wait3A_712 = tpu.memref_slice %arg13[%dma_wait3A_710, %dma_wait3A_711] : memref<40x1024xf32, #tpu.memory_space<vmem>> -> memref<1x1024xf32, #tpu.memory_space<vmem>>
      %dma_wait3A_713 = tpu.memref_squeeze %dma_wait3A_712 : memref<1x1024xf32, #tpu.memory_space<vmem>> -> memref<1024xf32, #tpu.memory_space<vmem>>
      %dma_wait3A_714 = arith.constant 0 : i32
      %dma_wait3A_715 = tpu.memref_slice %arg6[%select_n3A_80, %dma_wait3A_714] : memref<2048x1024xf32, #tpu.memory_space<hbm>> -> memref<1x1024xf32, #tpu.memory_space<hbm>>
      %dma_wait3A_716 = tpu.memref_squeeze %dma_wait3A_715 : memref<1x1024xf32, #tpu.memory_space<hbm>> -> memref<1024xf32, #tpu.memory_space<hbm>>
      tpu.wait_dma2 semaphore(%arg16 : memref<!tpu.dma_semaphore, #tpu.memory_space<semaphore_mem>>) src(%dma_wait3A_716 : memref<1024xf32, #tpu.memory_space<hbm>>) dst(%dma_wait3A_713 : memref<1024xf32, #tpu.memory_space<vmem>>)
      %dma_wait3A_717 = arith.constant 5 : i32
      %dma_wait3A_718 = arith.constant 0 : i32
      %dma_wait3A_719 = tpu.memref_slice %arg13[%dma_wait3A_717, %dma_wait3A_718] : memref<40x1024xf32, #tpu.memory_space<vmem>> -> memref<1x1024xf32, #tpu.memory_space<vmem>>
      %dma_wait3A_720 = tpu.memref_squeeze %dma_wait3A_719 : memref<1x1024xf32, #tpu.memory_space<vmem>> -> memref<1024xf32, #tpu.memory_space<vmem>>
      %dma_wait3A_721 = arith.constant 0 : i32
      %dma_wait3A_722 = tpu.memref_slice %arg6[%select_n3A_97, %dma_wait3A_721] : memref<2048x1024xf32, #tpu.memory_space<hbm>> -> memref<1x1024xf32, #tpu.memory_space<hbm>>
      %dma_wait3A_723 = tpu.memref_squeeze %dma_wait3A_722 : memref<1x1024xf32, #tpu.memory_space<hbm>> -> memref<1024xf32, #tpu.memory_space<hbm>>
      tpu.wait_dma2 semaphore(%arg16 : memref<!tpu.dma_semaphore, #tpu.memory_space<semaphore_mem>>) src(%dma_wait3A_723 : memref<1024xf32, #tpu.memory_space<hbm>>) dst(%dma_wait3A_720 : memref<1024xf32, #tpu.memory_space<vmem>>)
      %dma_wait3A_724 = arith.constant 6 : i32
      %dma_wait3A_725 = arith.constant 0 : i32
      %dma_wait3A_726 = tpu.memref_slice %arg13[%dma_wait3A_724, %dma_wait3A_725] : memref<40x1024xf32, #tpu.memory_space<vmem>> -> memref<1x1024xf32, #tpu.memory_space<vmem>>
      %dma_wait3A_727 = tpu.memref_squeeze %dma_wait3A_726 : memref<1x1024xf32, #tpu.memory_space<vmem>> -> memref<1024xf32, #tpu.memory_space<vmem>>
      %dma_wait3A_728 = arith.constant 0 : i32
      %dma_wait3A_729 = tpu.memref_slice %arg6[%select_n3A_114, %dma_wait3A_728] : memref<2048x1024xf32, #tpu.memory_space<hbm>> -> memref<1x1024xf32, #tpu.memory_space<hbm>>
      %dma_wait3A_730 = tpu.memref_squeeze %dma_wait3A_729 : memref<1x1024xf32, #tpu.memory_space<hbm>> -> memref<1024xf32, #tpu.memory_space<hbm>>
      tpu.wait_dma2 semaphore(%arg16 : memref<!tpu.dma_semaphore, #tpu.memory_space<semaphore_mem>>) src(%dma_wait3A_730 : memref<1024xf32, #tpu.memory_space<hbm>>) dst(%dma_wait3A_727 : memref<1024xf32, #tpu.memory_space<vmem>>)
      %dma_wait3A_731 = arith.constant 7 : i32
      %dma_wait3A_732 = arith.constant 0 : i32
      %dma_wait3A_733 = tpu.memref_slice %arg13[%dma_wait3A_731, %dma_wait3A_732] : memref<40x1024xf32, #tpu.memory_space<vmem>> -> memref<1x1024xf32, #tpu.memory_space<vmem>>
      %dma_wait3A_734 = tpu.memref_squeeze %dma_wait3A_733 : memref<1x1024xf32, #tpu.memory_space<vmem>> -> memref<1024xf32, #tpu.memory_space<vmem>>
      %dma_wait3A_735 = arith.constant 0 : i32
      %dma_wait3A_736 = tpu.memref_slice %arg6[%select_n3A_131, %dma_wait3A_735] : memref<2048x1024xf32, #tpu.memory_space<hbm>> -> memref<1x1024xf32, #tpu.memory_space<hbm>>
      %dma_wait3A_737 = tpu.memref_squeeze %dma_wait3A_736 : memref<1x1024xf32, #tpu.memory_space<hbm>> -> memref<1024xf32, #tpu.memory_space<hbm>>
      tpu.wait_dma2 semaphore(%arg16 : memref<!tpu.dma_semaphore, #tpu.memory_space<semaphore_mem>>) src(%dma_wait3A_737 : memref<1024xf32, #tpu.memory_space<hbm>>) dst(%dma_wait3A_734 : memref<1024xf32, #tpu.memory_space<vmem>>)
      %dma_wait3A_738 = arith.constant 8 : i32
      %dma_wait3A_739 = arith.constant 0 : i32
      %dma_wait3A_740 = tpu.memref_slice %arg13[%dma_wait3A_738, %dma_wait3A_739] : memref<40x1024xf32, #tpu.memory_space<vmem>> -> memref<1x1024xf32, #tpu.memory_space<vmem>>
      %dma_wait3A_741 = tpu.memref_squeeze %dma_wait3A_740 : memref<1x1024xf32, #tpu.memory_space<vmem>> -> memref<1024xf32, #tpu.memory_space<vmem>>
      %dma_wait3A_742 = arith.constant 0 : i32
      %dma_wait3A_743 = tpu.memref_slice %arg6[%select_n3A_148, %dma_wait3A_742] : memref<2048x1024xf32, #tpu.memory_space<hbm>> -> memref<1x1024xf32, #tpu.memory_space<hbm>>
      %dma_wait3A_744 = tpu.memref_squeeze %dma_wait3A_743 : memref<1x1024xf32, #tpu.memory_space<hbm>> -> memref<1024xf32, #tpu.memory_space<hbm>>
      tpu.wait_dma2 semaphore(%arg16 : memref<!tpu.dma_semaphore, #tpu.memory_space<semaphore_mem>>) src(%dma_wait3A_744 : memref<1024xf32, #tpu.memory_space<hbm>>) dst(%dma_wait3A_741 : memref<1024xf32, #tpu.memory_space<vmem>>)
      %dma_wait3A_745 = arith.constant 9 : i32
      %dma_wait3A_746 = arith.constant 0 : i32
      %dma_wait3A_747 = tpu.memref_slice %arg13[%dma_wait3A_745, %dma_wait3A_746] : memref<40x1024xf32, #tpu.memory_space<vmem>> -> memref<1x1024xf32, #tpu.memory_space<vmem>>
      %dma_wait3A_748 = tpu.memref_squeeze %dma_wait3A_747 : memref<1x1024xf32, #tpu.memory_space<vmem>> -> memref<1024xf32, #tpu.memory_space<vmem>>
      %dma_wait3A_749 = arith.constant 0 : i32
      %dma_wait3A_750 = tpu.memref_slice %arg6[%select_n3A_165, %dma_wait3A_749] : memref<2048x1024xf32, #tpu.memory_space<hbm>> -> memref<1x1024xf32, #tpu.memory_space<hbm>>
      %dma_wait3A_751 = tpu.memref_squeeze %dma_wait3A_750 : memref<1x1024xf32, #tpu.memory_space<hbm>> -> memref<1024xf32, #tpu.memory_space<hbm>>
      tpu.wait_dma2 semaphore(%arg16 : memref<!tpu.dma_semaphore, #tpu.memory_space<semaphore_mem>>) src(%dma_wait3A_751 : memref<1024xf32, #tpu.memory_space<hbm>>) dst(%dma_wait3A_748 : memref<1024xf32, #tpu.memory_space<vmem>>)
      %dma_wait3A_752 = arith.constant 10 : i32
      %dma_wait3A_753 = arith.constant 0 : i32
      %dma_wait3A_754 = tpu.memref_slice %arg13[%dma_wait3A_752, %dma_wait3A_753] : memref<40x1024xf32, #tpu.memory_space<vmem>> -> memref<1x1024xf32, #tpu.memory_space<vmem>>
      %dma_wait3A_755 = tpu.memref_squeeze %dma_wait3A_754 : memref<1x1024xf32, #tpu.memory_space<vmem>> -> memref<1024xf32, #tpu.memory_space<vmem>>
      %dma_wait3A_756 = arith.constant 0 : i32
      %dma_wait3A_757 = tpu.memref_slice %arg6[%select_n3A_182, %dma_wait3A_756] : memref<2048x1024xf32, #tpu.memory_space<hbm>> -> memref<1x1024xf32, #tpu.memory_space<hbm>>
      %dma_wait3A_758 = tpu.memref_squeeze %dma_wait3A_757 : memref<1x1024xf32, #tpu.memory_space<hbm>> -> memref<1024xf32, #tpu.memory_space<hbm>>
      tpu.wait_dma2 semaphore(%arg16 : memref<!tpu.dma_semaphore, #tpu.memory_space<semaphore_mem>>) src(%dma_wait3A_758 : memref<1024xf32, #tpu.memory_space<hbm>>) dst(%dma_wait3A_755 : memref<1024xf32, #tpu.memory_space<vmem>>)
      %dma_wait3A_759 = arith.constant 11 : i32
      %dma_wait3A_760 = arith.constant 0 : i32
      %dma_wait3A_761 = tpu.memref_slice %arg13[%dma_wait3A_759, %dma_wait3A_760] : memref<40x1024xf32, #tpu.memory_space<vmem>> -> memref<1x1024xf32, #tpu.memory_space<vmem>>
      %dma_wait3A_762 = tpu.memref_squeeze %dma_wait3A_761 : memref<1x1024xf32, #tpu.memory_space<vmem>> -> memref<1024xf32, #tpu.memory_space<vmem>>
      %dma_wait3A_763 = arith.constant 0 : i32
      %dma_wait3A_764 = tpu.memref_slice %arg6[%select_n3A_199, %dma_wait3A_763] : memref<2048x1024xf32, #tpu.memory_space<hbm>> -> memref<1x1024xf32, #tpu.memory_space<hbm>>
      %dma_wait3A_765 = tpu.memref_squeeze %dma_wait3A_764 : memref<1x1024xf32, #tpu.memory_space<hbm>> -> memref<1024xf32, #tpu.memory_space<hbm>>
      tpu.wait_dma2 semaphore(%arg16 : memref<!tpu.dma_semaphore, #tpu.memory_space<semaphore_mem>>) src(%dma_wait3A_765 : memref<1024xf32, #tpu.memory_space<hbm>>) dst(%dma_wait3A_762 : memref<1024xf32, #tpu.memory_space<vmem>>)
      %dma_wait3A_766 = arith.constant 12 : i32
      %dma_wait3A_767 = arith.constant 0 : i32
      %dma_wait3A_768 = tpu.memref_slice %arg13[%dma_wait3A_766, %dma_wait3A_767] : memref<40x1024xf32, #tpu.memory_space<vmem>> -> memref<1x1024xf32, #tpu.memory_space<vmem>>
      %dma_wait3A_769 = tpu.memref_squeeze %dma_wait3A_768 : memref<1x1024xf32, #tpu.memory_space<vmem>> -> memref<1024xf32, #tpu.memory_space<vmem>>
      %dma_wait3A_770 = arith.constant 0 : i32
      %dma_wait3A_771 = tpu.memref_slice %arg6[%select_n3A_216, %dma_wait3A_770] : memref<2048x1024xf32, #tpu.memory_space<hbm>> -> memref<1x1024xf32, #tpu.memory_space<hbm>>
      %dma_wait3A_772 = tpu.memref_squeeze %dma_wait3A_771 : memref<1x1024xf32, #tpu.memory_space<hbm>> -> memref<1024xf32, #tpu.memory_space<hbm>>
      tpu.wait_dma2 semaphore(%arg16 : memref<!tpu.dma_semaphore, #tpu.memory_space<semaphore_mem>>) src(%dma_wait3A_772 : memref<1024xf32, #tpu.memory_space<hbm>>) dst(%dma_wait3A_769 : memref<1024xf32, #tpu.memory_space<vmem>>)
      %dma_wait3A_773 = arith.constant 13 : i32
      %dma_wait3A_774 = arith.constant 0 : i32
      %dma_wait3A_775 = tpu.memref_slice %arg13[%dma_wait3A_773, %dma_wait3A_774] : memref<40x1024xf32, #tpu.memory_space<vmem>> -> memref<1x1024xf32, #tpu.memory_space<vmem>>
      %dma_wait3A_776 = tpu.memref_squeeze %dma_wait3A_775 : memref<1x1024xf32, #tpu.memory_space<vmem>> -> memref<1024xf32, #tpu.memory_space<vmem>>
      %dma_wait3A_777 = arith.constant 0 : i32
      %dma_wait3A_778 = tpu.memref_slice %arg6[%select_n3A_233, %dma_wait3A_777] : memref<2048x1024xf32, #tpu.memory_space<hbm>> -> memref<1x1024xf32, #tpu.memory_space<hbm>>
      %dma_wait3A_779 = tpu.memref_squeeze %dma_wait3A_778 : memref<1x1024xf32, #tpu.memory_space<hbm>> -> memref<1024xf32, #tpu.memory_space<hbm>>
      tpu.wait_dma2 semaphore(%arg16 : memref<!tpu.dma_semaphore, #tpu.memory_space<semaphore_mem>>) src(%dma_wait3A_779 : memref<1024xf32, #tpu.memory_space<hbm>>) dst(%dma_wait3A_776 : memref<1024xf32, #tpu.memory_space<vmem>>)
      %dma_wait3A_780 = arith.constant 14 : i32
      %dma_wait3A_781 = arith.constant 0 : i32
      %dma_wait3A_782 = tpu.memref_slice %arg13[%dma_wait3A_780, %dma_wait3A_781] : memref<40x1024xf32, #tpu.memory_space<vmem>> -> memref<1x1024xf32, #tpu.memory_space<vmem>>
      %dma_wait3A_783 = tpu.memref_squeeze %dma_wait3A_782 : memref<1x1024xf32, #tpu.memory_space<vmem>> -> memref<1024xf32, #tpu.memory_space<vmem>>
      %dma_wait3A_784 = arith.constant 0 : i32
      %dma_wait3A_785 = tpu.memref_slice %arg6[%select_n3A_250, %dma_wait3A_784] : memref<2048x1024xf32, #tpu.memory_space<hbm>> -> memref<1x1024xf32, #tpu.memory_space<hbm>>
      %dma_wait3A_786 = tpu.memref_squeeze %dma_wait3A_785 : memref<1x1024xf32, #tpu.memory_space<hbm>> -> memref<1024xf32, #tpu.memory_space<hbm>>
      tpu.wait_dma2 semaphore(%arg16 : memref<!tpu.dma_semaphore, #tpu.memory_space<semaphore_mem>>) src(%dma_wait3A_786 : memref<1024xf32, #tpu.memory_space<hbm>>) dst(%dma_wait3A_783 : memref<1024xf32, #tpu.memory_space<vmem>>)
      %dma_wait3A_787 = arith.constant 15 : i32
      %dma_wait3A_788 = arith.constant 0 : i32
      %dma_wait3A_789 = tpu.memref_slice %arg13[%dma_wait3A_787, %dma_wait3A_788] : memref<40x1024xf32, #tpu.memory_space<vmem>> -> memref<1x1024xf32, #tpu.memory_space<vmem>>
      %dma_wait3A_790 = tpu.memref_squeeze %dma_wait3A_789 : memref<1x1024xf32, #tpu.memory_space<vmem>> -> memref<1024xf32, #tpu.memory_space<vmem>>
      %dma_wait3A_791 = arith.constant 0 : i32
      %dma_wait3A_792 = tpu.memref_slice %arg6[%select_n3A_267, %dma_wait3A_791] : memref<2048x1024xf32, #tpu.memory_space<hbm>> -> memref<1x1024xf32, #tpu.memory_space<hbm>>
      %dma_wait3A_793 = tpu.memref_squeeze %dma_wait3A_792 : memref<1x1024xf32, #tpu.memory_space<hbm>> -> memref<1024xf32, #tpu.memory_space<hbm>>
      tpu.wait_dma2 semaphore(%arg16 : memref<!tpu.dma_semaphore, #tpu.memory_space<semaphore_mem>>) src(%dma_wait3A_793 : memref<1024xf32, #tpu.memory_space<hbm>>) dst(%dma_wait3A_790 : memref<1024xf32, #tpu.memory_space<vmem>>)
      %dma_wait3A_794 = arith.constant 16 : i32
      %dma_wait3A_795 = arith.constant 0 : i32
      %dma_wait3A_796 = tpu.memref_slice %arg13[%dma_wait3A_794, %dma_wait3A_795] : memref<40x1024xf32, #tpu.memory_space<vmem>> -> memref<1x1024xf32, #tpu.memory_space<vmem>>
      %dma_wait3A_797 = tpu.memref_squeeze %dma_wait3A_796 : memref<1x1024xf32, #tpu.memory_space<vmem>> -> memref<1024xf32, #tpu.memory_space<vmem>>
      %dma_wait3A_798 = arith.constant 0 : i32
      %dma_wait3A_799 = tpu.memref_slice %arg6[%select_n3A_284, %dma_wait3A_798] : memref<2048x1024xf32, #tpu.memory_space<hbm>> -> memref<1x1024xf32, #tpu.memory_space<hbm>>
      %dma_wait3A_800 = tpu.memref_squeeze %dma_wait3A_799 : memref<1x1024xf32, #tpu.memory_space<hbm>> -> memref<1024xf32, #tpu.memory_space<hbm>>
      tpu.wait_dma2 semaphore(%arg16 : memref<!tpu.dma_semaphore, #tpu.memory_space<semaphore_mem>>) src(%dma_wait3A_800 : memref<1024xf32, #tpu.memory_space<hbm>>) dst(%dma_wait3A_797 : memref<1024xf32, #tpu.memory_space<vmem>>)
      %dma_wait3A_801 = arith.constant 17 : i32
      %dma_wait3A_802 = arith.constant 0 : i32
      %dma_wait3A_803 = tpu.memref_slice %arg13[%dma_wait3A_801, %dma_wait3A_802] : memref<40x1024xf32, #tpu.memory_space<vmem>> -> memref<1x1024xf32, #tpu.memory_space<vmem>>
      %dma_wait3A_804 = tpu.memref_squeeze %dma_wait3A_803 : memref<1x1024xf32, #tpu.memory_space<vmem>> -> memref<1024xf32, #tpu.memory_space<vmem>>
      %dma_wait3A_805 = arith.constant 0 : i32
      %dma_wait3A_806 = tpu.memref_slice %arg6[%select_n3A_301, %dma_wait3A_805] : memref<2048x1024xf32, #tpu.memory_space<hbm>> -> memref<1x1024xf32, #tpu.memory_space<hbm>>
      %dma_wait3A_807 = tpu.memref_squeeze %dma_wait3A_806 : memref<1x1024xf32, #tpu.memory_space<hbm>> -> memref<1024xf32, #tpu.memory_space<hbm>>
      tpu.wait_dma2 semaphore(%arg16 : memref<!tpu.dma_semaphore, #tpu.memory_space<semaphore_mem>>) src(%dma_wait3A_807 : memref<1024xf32, #tpu.memory_space<hbm>>) dst(%dma_wait3A_804 : memref<1024xf32, #tpu.memory_space<vmem>>)
      %dma_wait3A_808 = arith.constant 18 : i32
      %dma_wait3A_809 = arith.constant 0 : i32
      %dma_wait3A_810 = tpu.memref_slice %arg13[%dma_wait3A_808, %dma_wait3A_809] : memref<40x1024xf32, #tpu.memory_space<vmem>> -> memref<1x1024xf32, #tpu.memory_space<vmem>>
      %dma_wait3A_811 = tpu.memref_squeeze %dma_wait3A_810 : memref<1x1024xf32, #tpu.memory_space<vmem>> -> memref<1024xf32, #tpu.memory_space<vmem>>
      %dma_wait3A_812 = arith.constant 0 : i32
      %dma_wait3A_813 = tpu.memref_slice %arg6[%select_n3A_318, %dma_wait3A_812] : memref<2048x1024xf32, #tpu.memory_space<hbm>> -> memref<1x1024xf32, #tpu.memory_space<hbm>>
      %dma_wait3A_814 = tpu.memref_squeeze %dma_wait3A_813 : memref<1x1024xf32, #tpu.memory_space<hbm>> -> memref<1024xf32, #tpu.memory_space<hbm>>
      tpu.wait_dma2 semaphore(%arg16 : memref<!tpu.dma_semaphore, #tpu.memory_space<semaphore_mem>>) src(%dma_wait3A_814 : memref<1024xf32, #tpu.memory_space<hbm>>) dst(%dma_wait3A_811 : memref<1024xf32, #tpu.memory_space<vmem>>)
      %dma_wait3A_815 = arith.constant 19 : i32
      %dma_wait3A_816 = arith.constant 0 : i32
      %dma_wait3A_817 = tpu.memref_slice %arg13[%dma_wait3A_815, %dma_wait3A_816] : memref<40x1024xf32, #tpu.memory_space<vmem>> -> memref<1x1024xf32, #tpu.memory_space<vmem>>
      %dma_wait3A_818 = tpu.memref_squeeze %dma_wait3A_817 : memref<1x1024xf32, #tpu.memory_space<vmem>> -> memref<1024xf32, #tpu.memory_space<vmem>>
      %dma_wait3A_819 = arith.constant 0 : i32
      %dma_wait3A_820 = tpu.memref_slice %arg6[%select_n3A_335, %dma_wait3A_819] : memref<2048x1024xf32, #tpu.memory_space<hbm>> -> memref<1x1024xf32, #tpu.memory_space<hbm>>
      %dma_wait3A_821 = tpu.memref_squeeze %dma_wait3A_820 : memref<1x1024xf32, #tpu.memory_space<hbm>> -> memref<1024xf32, #tpu.memory_space<hbm>>
      tpu.wait_dma2 semaphore(%arg16 : memref<!tpu.dma_semaphore, #tpu.memory_space<semaphore_mem>>) src(%dma_wait3A_821 : memref<1024xf32, #tpu.memory_space<hbm>>) dst(%dma_wait3A_818 : memref<1024xf32, #tpu.memory_space<vmem>>)
      %dma_wait3A_822 = arith.constant 20 : i32
      %dma_wait3A_823 = arith.constant 0 : i32
      %dma_wait3A_824 = tpu.memref_slice %arg13[%dma_wait3A_822, %dma_wait3A_823] : memref<40x1024xf32, #tpu.memory_space<vmem>> -> memref<1x1024xf32, #tpu.memory_space<vmem>>
      %dma_wait3A_825 = tpu.memref_squeeze %dma_wait3A_824 : memref<1x1024xf32, #tpu.memory_space<vmem>> -> memref<1024xf32, #tpu.memory_space<vmem>>
      %dma_wait3A_826 = arith.constant 0 : i32
      %dma_wait3A_827 = tpu.memref_slice %arg6[%select_n3A_352, %dma_wait3A_826] : memref<2048x1024xf32, #tpu.memory_space<hbm>> -> memref<1x1024xf32, #tpu.memory_space<hbm>>
      %dma_wait3A_828 = tpu.memref_squeeze %dma_wait3A_827 : memref<1x1024xf32, #tpu.memory_space<hbm>> -> memref<1024xf32, #tpu.memory_space<hbm>>
      tpu.wait_dma2 semaphore(%arg16 : memref<!tpu.dma_semaphore, #tpu.memory_space<semaphore_mem>>) src(%dma_wait3A_828 : memref<1024xf32, #tpu.memory_space<hbm>>) dst(%dma_wait3A_825 : memref<1024xf32, #tpu.memory_space<vmem>>)
      %dma_wait3A_829 = arith.constant 21 : i32
      %dma_wait3A_830 = arith.constant 0 : i32
      %dma_wait3A_831 = tpu.memref_slice %arg13[%dma_wait3A_829, %dma_wait3A_830] : memref<40x1024xf32, #tpu.memory_space<vmem>> -> memref<1x1024xf32, #tpu.memory_space<vmem>>
      %dma_wait3A_832 = tpu.memref_squeeze %dma_wait3A_831 : memref<1x1024xf32, #tpu.memory_space<vmem>> -> memref<1024xf32, #tpu.memory_space<vmem>>
      %dma_wait3A_833 = arith.constant 0 : i32
      %dma_wait3A_834 = tpu.memref_slice %arg6[%select_n3A_369, %dma_wait3A_833] : memref<2048x1024xf32, #tpu.memory_space<hbm>> -> memref<1x1024xf32, #tpu.memory_space<hbm>>
      %dma_wait3A_835 = tpu.memref_squeeze %dma_wait3A_834 : memref<1x1024xf32, #tpu.memory_space<hbm>> -> memref<1024xf32, #tpu.memory_space<hbm>>
      tpu.wait_dma2 semaphore(%arg16 : memref<!tpu.dma_semaphore, #tpu.memory_space<semaphore_mem>>) src(%dma_wait3A_835 : memref<1024xf32, #tpu.memory_space<hbm>>) dst(%dma_wait3A_832 : memref<1024xf32, #tpu.memory_space<vmem>>)
      %dma_wait3A_836 = arith.constant 22 : i32
      %dma_wait3A_837 = arith.constant 0 : i32
      %dma_wait3A_838 = tpu.memref_slice %arg13[%dma_wait3A_836, %dma_wait3A_837] : memref<40x1024xf32, #tpu.memory_space<vmem>> -> memref<1x1024xf32, #tpu.memory_space<vmem>>
      %dma_wait3A_839 = tpu.memref_squeeze %dma_wait3A_838 : memref<1x1024xf32, #tpu.memory_space<vmem>> -> memref<1024xf32, #tpu.memory_space<vmem>>
      %dma_wait3A_840 = arith.constant 0 : i32
      %dma_wait3A_841 = tpu.memref_slice %arg6[%select_n3A_386, %dma_wait3A_840] : memref<2048x1024xf32, #tpu.memory_space<hbm>> -> memref<1x1024xf32, #tpu.memory_space<hbm>>
      %dma_wait3A_842 = tpu.memref_squeeze %dma_wait3A_841 : memref<1x1024xf32, #tpu.memory_space<hbm>> -> memref<1024xf32, #tpu.memory_space<hbm>>
      tpu.wait_dma2 semaphore(%arg16 : memref<!tpu.dma_semaphore, #tpu.memory_space<semaphore_mem>>) src(%dma_wait3A_842 : memref<1024xf32, #tpu.memory_space<hbm>>) dst(%dma_wait3A_839 : memref<1024xf32, #tpu.memory_space<vmem>>)
      %dma_wait3A_843 = arith.constant 23 : i32
      %dma_wait3A_844 = arith.constant 0 : i32
      %dma_wait3A_845 = tpu.memref_slice %arg13[%dma_wait3A_843, %dma_wait3A_844] : memref<40x1024xf32, #tpu.memory_space<vmem>> -> memref<1x1024xf32, #tpu.memory_space<vmem>>
      %dma_wait3A_846 = tpu.memref_squeeze %dma_wait3A_845 : memref<1x1024xf32, #tpu.memory_space<vmem>> -> memref<1024xf32, #tpu.memory_space<vmem>>
      %dma_wait3A_847 = arith.constant 0 : i32
      %dma_wait3A_848 = tpu.memref_slice %arg6[%select_n3A_403, %dma_wait3A_847] : memref<2048x1024xf32, #tpu.memory_space<hbm>> -> memref<1x1024xf32, #tpu.memory_space<hbm>>
      %dma_wait3A_849 = tpu.memref_squeeze %dma_wait3A_848 : memref<1x1024xf32, #tpu.memory_space<hbm>> -> memref<1024xf32, #tpu.memory_space<hbm>>
      tpu.wait_dma2 semaphore(%arg16 : memref<!tpu.dma_semaphore, #tpu.memory_space<semaphore_mem>>) src(%dma_wait3A_849 : memref<1024xf32, #tpu.memory_space<hbm>>) dst(%dma_wait3A_846 : memref<1024xf32, #tpu.memory_space<vmem>>)
      %dma_wait3A_850 = arith.constant 24 : i32
      %dma_wait3A_851 = arith.constant 0 : i32
      %dma_wait3A_852 = tpu.memref_slice %arg13[%dma_wait3A_850, %dma_wait3A_851] : memref<40x1024xf32, #tpu.memory_space<vmem>> -> memref<1x1024xf32, #tpu.memory_space<vmem>>
      %dma_wait3A_853 = tpu.memref_squeeze %dma_wait3A_852 : memref<1x1024xf32, #tpu.memory_space<vmem>> -> memref<1024xf32, #tpu.memory_space<vmem>>
      %dma_wait3A_854 = arith.constant 0 : i32
      %dma_wait3A_855 = tpu.memref_slice %arg6[%select_n3A_420, %dma_wait3A_854] : memref<2048x1024xf32, #tpu.memory_space<hbm>> -> memref<1x1024xf32, #tpu.memory_space<hbm>>
      %dma_wait3A_856 = tpu.memref_squeeze %dma_wait3A_855 : memref<1x1024xf32, #tpu.memory_space<hbm>> -> memref<1024xf32, #tpu.memory_space<hbm>>
      tpu.wait_dma2 semaphore(%arg16 : memref<!tpu.dma_semaphore, #tpu.memory_space<semaphore_mem>>) src(%dma_wait3A_856 : memref<1024xf32, #tpu.memory_space<hbm>>) dst(%dma_wait3A_853 : memref<1024xf32, #tpu.memory_space<vmem>>)
      %dma_wait3A_857 = arith.constant 25 : i32
      %dma_wait3A_858 = arith.constant 0 : i32
      %dma_wait3A_859 = tpu.memref_slice %arg13[%dma_wait3A_857, %dma_wait3A_858] : memref<40x1024xf32, #tpu.memory_space<vmem>> -> memref<1x1024xf32, #tpu.memory_space<vmem>>
      %dma_wait3A_860 = tpu.memref_squeeze %dma_wait3A_859 : memref<1x1024xf32, #tpu.memory_space<vmem>> -> memref<1024xf32, #tpu.memory_space<vmem>>
      %dma_wait3A_861 = arith.constant 0 : i32
      %dma_wait3A_862 = tpu.memref_slice %arg6[%select_n3A_437, %dma_wait3A_861] : memref<2048x1024xf32, #tpu.memory_space<hbm>> -> memref<1x1024xf32, #tpu.memory_space<hbm>>
      %dma_wait3A_863 = tpu.memref_squeeze %dma_wait3A_862 : memref<1x1024xf32, #tpu.memory_space<hbm>> -> memref<1024xf32, #tpu.memory_space<hbm>>
      tpu.wait_dma2 semaphore(%arg16 : memref<!tpu.dma_semaphore, #tpu.memory_space<semaphore_mem>>) src(%dma_wait3A_863 : memref<1024xf32, #tpu.memory_space<hbm>>) dst(%dma_wait3A_860 : memref<1024xf32, #tpu.memory_space<vmem>>)
      %dma_wait3A_864 = arith.constant 26 : i32
      %dma_wait3A_865 = arith.constant 0 : i32
      %dma_wait3A_866 = tpu.memref_slice %arg13[%dma_wait3A_864, %dma_wait3A_865] : memref<40x1024xf32, #tpu.memory_space<vmem>> -> memref<1x1024xf32, #tpu.memory_space<vmem>>
      %dma_wait3A_867 = tpu.memref_squeeze %dma_wait3A_866 : memref<1x1024xf32, #tpu.memory_space<vmem>> -> memref<1024xf32, #tpu.memory_space<vmem>>
      %dma_wait3A_868 = arith.constant 0 : i32
      %dma_wait3A_869 = tpu.memref_slice %arg6[%select_n3A_454, %dma_wait3A_868] : memref<2048x1024xf32, #tpu.memory_space<hbm>> -> memref<1x1024xf32, #tpu.memory_space<hbm>>
      %dma_wait3A_870 = tpu.memref_squeeze %dma_wait3A_869 : memref<1x1024xf32, #tpu.memory_space<hbm>> -> memref<1024xf32, #tpu.memory_space<hbm>>
      tpu.wait_dma2 semaphore(%arg16 : memref<!tpu.dma_semaphore, #tpu.memory_space<semaphore_mem>>) src(%dma_wait3A_870 : memref<1024xf32, #tpu.memory_space<hbm>>) dst(%dma_wait3A_867 : memref<1024xf32, #tpu.memory_space<vmem>>)
      %dma_wait3A_871 = arith.constant 27 : i32
      %dma_wait3A_872 = arith.constant 0 : i32
      %dma_wait3A_873 = tpu.memref_slice %arg13[%dma_wait3A_871, %dma_wait3A_872] : memref<40x1024xf32, #tpu.memory_space<vmem>> -> memref<1x1024xf32, #tpu.memory_space<vmem>>
      %dma_wait3A_874 = tpu.memref_squeeze %dma_wait3A_873 : memref<1x1024xf32, #tpu.memory_space<vmem>> -> memref<1024xf32, #tpu.memory_space<vmem>>
      %dma_wait3A_875 = arith.constant 0 : i32
      %dma_wait3A_876 = tpu.memref_slice %arg6[%select_n3A_471, %dma_wait3A_875] : memref<2048x1024xf32, #tpu.memory_space<hbm>> -> memref<1x1024xf32, #tpu.memory_space<hbm>>
      %dma_wait3A_877 = tpu.memref_squeeze %dma_wait3A_876 : memref<1x1024xf32, #tpu.memory_space<hbm>> -> memref<1024xf32, #tpu.memory_space<hbm>>
      tpu.wait_dma2 semaphore(%arg16 : memref<!tpu.dma_semaphore, #tpu.memory_space<semaphore_mem>>) src(%dma_wait3A_877 : memref<1024xf32, #tpu.memory_space<hbm>>) dst(%dma_wait3A_874 : memref<1024xf32, #tpu.memory_space<vmem>>)
      %dma_wait3A_878 = arith.constant 28 : i32
      %dma_wait3A_879 = arith.constant 0 : i32
      %dma_wait3A_880 = tpu.memref_slice %arg13[%dma_wait3A_878, %dma_wait3A_879] : memref<40x1024xf32, #tpu.memory_space<vmem>> -> memref<1x1024xf32, #tpu.memory_space<vmem>>
      %dma_wait3A_881 = tpu.memref_squeeze %dma_wait3A_880 : memref<1x1024xf32, #tpu.memory_space<vmem>> -> memref<1024xf32, #tpu.memory_space<vmem>>
      %dma_wait3A_882 = arith.constant 0 : i32
      %dma_wait3A_883 = tpu.memref_slice %arg6[%select_n3A_488, %dma_wait3A_882] : memref<2048x1024xf32, #tpu.memory_space<hbm>> -> memref<1x1024xf32, #tpu.memory_space<hbm>>
      %dma_wait3A_884 = tpu.memref_squeeze %dma_wait3A_883 : memref<1x1024xf32, #tpu.memory_space<hbm>> -> memref<1024xf32, #tpu.memory_space<hbm>>
      tpu.wait_dma2 semaphore(%arg16 : memref<!tpu.dma_semaphore, #tpu.memory_space<semaphore_mem>>) src(%dma_wait3A_884 : memref<1024xf32, #tpu.memory_space<hbm>>) dst(%dma_wait3A_881 : memref<1024xf32, #tpu.memory_space<vmem>>)
      %dma_wait3A_885 = arith.constant 29 : i32
      %dma_wait3A_886 = arith.constant 0 : i32
      %dma_wait3A_887 = tpu.memref_slice %arg13[%dma_wait3A_885, %dma_wait3A_886] : memref<40x1024xf32, #tpu.memory_space<vmem>> -> memref<1x1024xf32, #tpu.memory_space<vmem>>
      %dma_wait3A_888 = tpu.memref_squeeze %dma_wait3A_887 : memref<1x1024xf32, #tpu.memory_space<vmem>> -> memref<1024xf32, #tpu.memory_space<vmem>>
      %dma_wait3A_889 = arith.constant 0 : i32
      %dma_wait3A_890 = tpu.memref_slice %arg6[%select_n3A_505, %dma_wait3A_889] : memref<2048x1024xf32, #tpu.memory_space<hbm>> -> memref<1x1024xf32, #tpu.memory_space<hbm>>
      %dma_wait3A_891 = tpu.memref_squeeze %dma_wait3A_890 : memref<1x1024xf32, #tpu.memory_space<hbm>> -> memref<1024xf32, #tpu.memory_space<hbm>>
      tpu.wait_dma2 semaphore(%arg16 : memref<!tpu.dma_semaphore, #tpu.memory_space<semaphore_mem>>) src(%dma_wait3A_891 : memref<1024xf32, #tpu.memory_space<hbm>>) dst(%dma_wait3A_888 : memref<1024xf32, #tpu.memory_space<vmem>>)
      %dma_wait3A_892 = arith.constant 30 : i32
      %dma_wait3A_893 = arith.constant 0 : i32
      %dma_wait3A_894 = tpu.memref_slice %arg13[%dma_wait3A_892, %dma_wait3A_893] : memref<40x1024xf32, #tpu.memory_space<vmem>> -> memref<1x1024xf32, #tpu.memory_space<vmem>>
      %dma_wait3A_895 = tpu.memref_squeeze %dma_wait3A_894 : memref<1x1024xf32, #tpu.memory_space<vmem>> -> memref<1024xf32, #tpu.memory_space<vmem>>
      %dma_wait3A_896 = arith.constant 0 : i32
      %dma_wait3A_897 = tpu.memref_slice %arg6[%select_n3A_522, %dma_wait3A_896] : memref<2048x1024xf32, #tpu.memory_space<hbm>> -> memref<1x1024xf32, #tpu.memory_space<hbm>>
      %dma_wait3A_898 = tpu.memref_squeeze %dma_wait3A_897 : memref<1x1024xf32, #tpu.memory_space<hbm>> -> memref<1024xf32, #tpu.memory_space<hbm>>
      tpu.wait_dma2 semaphore(%arg16 : memref<!tpu.dma_semaphore, #tpu.memory_space<semaphore_mem>>) src(%dma_wait3A_898 : memref<1024xf32, #tpu.memory_space<hbm>>) dst(%dma_wait3A_895 : memref<1024xf32, #tpu.memory_space<vmem>>)
      %dma_wait3A_899 = arith.constant 31 : i32
      %dma_wait3A_900 = arith.constant 0 : i32
      %dma_wait3A_901 = tpu.memref_slice %arg13[%dma_wait3A_899, %dma_wait3A_900] : memref<40x1024xf32, #tpu.memory_space<vmem>> -> memref<1x1024xf32, #tpu.memory_space<vmem>>
      %dma_wait3A_902 = tpu.memref_squeeze %dma_wait3A_901 : memref<1x1024xf32, #tpu.memory_space<vmem>> -> memref<1024xf32, #tpu.memory_space<vmem>>
      %dma_wait3A_903 = arith.constant 0 : i32
      %dma_wait3A_904 = tpu.memref_slice %arg6[%select_n3A_539, %dma_wait3A_903] : memref<2048x1024xf32, #tpu.memory_space<hbm>> -> memref<1x1024xf32, #tpu.memory_space<hbm>>
      %dma_wait3A_905 = tpu.memref_squeeze %dma_wait3A_904 : memref<1x1024xf32, #tpu.memory_space<hbm>> -> memref<1024xf32, #tpu.memory_space<hbm>>
      tpu.wait_dma2 semaphore(%arg16 : memref<!tpu.dma_semaphore, #tpu.memory_space<semaphore_mem>>) src(%dma_wait3A_905 : memref<1024xf32, #tpu.memory_space<hbm>>) dst(%dma_wait3A_902 : memref<1024xf32, #tpu.memory_space<vmem>>)
      %dma_wait3A_906 = arith.constant 32 : i32
      %dma_wait3A_907 = arith.constant 0 : i32
      %dma_wait3A_908 = tpu.memref_slice %arg13[%dma_wait3A_906, %dma_wait3A_907] : memref<40x1024xf32, #tpu.memory_space<vmem>> -> memref<1x1024xf32, #tpu.memory_space<vmem>>
      %dma_wait3A_909 = tpu.memref_squeeze %dma_wait3A_908 : memref<1x1024xf32, #tpu.memory_space<vmem>> -> memref<1024xf32, #tpu.memory_space<vmem>>
      %dma_wait3A_910 = arith.constant 0 : i32
      %dma_wait3A_911 = tpu.memref_slice %arg6[%select_n3A_556, %dma_wait3A_910] : memref<2048x1024xf32, #tpu.memory_space<hbm>> -> memref<1x1024xf32, #tpu.memory_space<hbm>>
      %dma_wait3A_912 = tpu.memref_squeeze %dma_wait3A_911 : memref<1x1024xf32, #tpu.memory_space<hbm>> -> memref<1024xf32, #tpu.memory_space<hbm>>
      tpu.wait_dma2 semaphore(%arg16 : memref<!tpu.dma_semaphore, #tpu.memory_space<semaphore_mem>>) src(%dma_wait3A_912 : memref<1024xf32, #tpu.memory_space<hbm>>) dst(%dma_wait3A_909 : memref<1024xf32, #tpu.memory_space<vmem>>)
      %dma_wait3A_913 = arith.constant 33 : i32
      %dma_wait3A_914 = arith.constant 0 : i32
      %dma_wait3A_915 = tpu.memref_slice %arg13[%dma_wait3A_913, %dma_wait3A_914] : memref<40x1024xf32, #tpu.memory_space<vmem>> -> memref<1x1024xf32, #tpu.memory_space<vmem>>
      %dma_wait3A_916 = tpu.memref_squeeze %dma_wait3A_915 : memref<1x1024xf32, #tpu.memory_space<vmem>> -> memref<1024xf32, #tpu.memory_space<vmem>>
      %dma_wait3A_917 = arith.constant 0 : i32
      %dma_wait3A_918 = tpu.memref_slice %arg6[%select_n3A_573, %dma_wait3A_917] : memref<2048x1024xf32, #tpu.memory_space<hbm>> -> memref<1x1024xf32, #tpu.memory_space<hbm>>
      %dma_wait3A_919 = tpu.memref_squeeze %dma_wait3A_918 : memref<1x1024xf32, #tpu.memory_space<hbm>> -> memref<1024xf32, #tpu.memory_space<hbm>>
      tpu.wait_dma2 semaphore(%arg16 : memref<!tpu.dma_semaphore, #tpu.memory_space<semaphore_mem>>) src(%dma_wait3A_919 : memref<1024xf32, #tpu.memory_space<hbm>>) dst(%dma_wait3A_916 : memref<1024xf32, #tpu.memory_space<vmem>>)
      %dma_wait3A_920 = arith.constant 34 : i32
      %dma_wait3A_921 = arith.constant 0 : i32
      %dma_wait3A_922 = tpu.memref_slice %arg13[%dma_wait3A_920, %dma_wait3A_921] : memref<40x1024xf32, #tpu.memory_space<vmem>> -> memref<1x1024xf32, #tpu.memory_space<vmem>>
      %dma_wait3A_923 = tpu.memref_squeeze %dma_wait3A_922 : memref<1x1024xf32, #tpu.memory_space<vmem>> -> memref<1024xf32, #tpu.memory_space<vmem>>
      %dma_wait3A_924 = arith.constant 0 : i32
      %dma_wait3A_925 = tpu.memref_slice %arg6[%select_n3A_590, %dma_wait3A_924] : memref<2048x1024xf32, #tpu.memory_space<hbm>> -> memref<1x1024xf32, #tpu.memory_space<hbm>>
      %dma_wait3A_926 = tpu.memref_squeeze %dma_wait3A_925 : memref<1x1024xf32, #tpu.memory_space<hbm>> -> memref<1024xf32, #tpu.memory_space<hbm>>
      tpu.wait_dma2 semaphore(%arg16 : memref<!tpu.dma_semaphore, #tpu.memory_space<semaphore_mem>>) src(%dma_wait3A_926 : memref<1024xf32, #tpu.memory_space<hbm>>) dst(%dma_wait3A_923 : memref<1024xf32, #tpu.memory_space<vmem>>)
      %dma_wait3A_927 = arith.constant 35 : i32
      %dma_wait3A_928 = arith.constant 0 : i32
      %dma_wait3A_929 = tpu.memref_slice %arg13[%dma_wait3A_927, %dma_wait3A_928] : memref<40x1024xf32, #tpu.memory_space<vmem>> -> memref<1x1024xf32, #tpu.memory_space<vmem>>
      %dma_wait3A_930 = tpu.memref_squeeze %dma_wait3A_929 : memref<1x1024xf32, #tpu.memory_space<vmem>> -> memref<1024xf32, #tpu.memory_space<vmem>>
      %dma_wait3A_931 = arith.constant 0 : i32
      %dma_wait3A_932 = tpu.memref_slice %arg6[%select_n3A_607, %dma_wait3A_931] : memref<2048x1024xf32, #tpu.memory_space<hbm>> -> memref<1x1024xf32, #tpu.memory_space<hbm>>
      %dma_wait3A_933 = tpu.memref_squeeze %dma_wait3A_932 : memref<1x1024xf32, #tpu.memory_space<hbm>> -> memref<1024xf32, #tpu.memory_space<hbm>>
      tpu.wait_dma2 semaphore(%arg16 : memref<!tpu.dma_semaphore, #tpu.memory_space<semaphore_mem>>) src(%dma_wait3A_933 : memref<1024xf32, #tpu.memory_space<hbm>>) dst(%dma_wait3A_930 : memref<1024xf32, #tpu.memory_space<vmem>>)
      %dma_wait3A_934 = arith.constant 36 : i32
      %dma_wait3A_935 = arith.constant 0 : i32
      %dma_wait3A_936 = tpu.memref_slice %arg13[%dma_wait3A_934, %dma_wait3A_935] : memref<40x1024xf32, #tpu.memory_space<vmem>> -> memref<1x1024xf32, #tpu.memory_space<vmem>>
      %dma_wait3A_937 = tpu.memref_squeeze %dma_wait3A_936 : memref<1x1024xf32, #tpu.memory_space<vmem>> -> memref<1024xf32, #tpu.memory_space<vmem>>
      %dma_wait3A_938 = arith.constant 0 : i32
      %dma_wait3A_939 = tpu.memref_slice %arg6[%select_n3A_624, %dma_wait3A_938] : memref<2048x1024xf32, #tpu.memory_space<hbm>> -> memref<1x1024xf32, #tpu.memory_space<hbm>>
      %dma_wait3A_940 = tpu.memref_squeeze %dma_wait3A_939 : memref<1x1024xf32, #tpu.memory_space<hbm>> -> memref<1024xf32, #tpu.memory_space<hbm>>
      tpu.wait_dma2 semaphore(%arg16 : memref<!tpu.dma_semaphore, #tpu.memory_space<semaphore_mem>>) src(%dma_wait3A_940 : memref<1024xf32, #tpu.memory_space<hbm>>) dst(%dma_wait3A_937 : memref<1024xf32, #tpu.memory_space<vmem>>)
      %dma_wait3A_941 = arith.constant 37 : i32
      %dma_wait3A_942 = arith.constant 0 : i32
      %dma_wait3A_943 = tpu.memref_slice %arg13[%dma_wait3A_941, %dma_wait3A_942] : memref<40x1024xf32, #tpu.memory_space<vmem>> -> memref<1x1024xf32, #tpu.memory_space<vmem>>
      %dma_wait3A_944 = tpu.memref_squeeze %dma_wait3A_943 : memref<1x1024xf32, #tpu.memory_space<vmem>> -> memref<1024xf32, #tpu.memory_space<vmem>>
      %dma_wait3A_945 = arith.constant 0 : i32
      %dma_wait3A_946 = tpu.memref_slice %arg6[%select_n3A_641, %dma_wait3A_945] : memref<2048x1024xf32, #tpu.memory_space<hbm>> -> memref<1x1024xf32, #tpu.memory_space<hbm>>
      %dma_wait3A_947 = tpu.memref_squeeze %dma_wait3A_946 : memref<1x1024xf32, #tpu.memory_space<hbm>> -> memref<1024xf32, #tpu.memory_space<hbm>>
      tpu.wait_dma2 semaphore(%arg16 : memref<!tpu.dma_semaphore, #tpu.memory_space<semaphore_mem>>) src(%dma_wait3A_947 : memref<1024xf32, #tpu.memory_space<hbm>>) dst(%dma_wait3A_944 : memref<1024xf32, #tpu.memory_space<vmem>>)
      %dma_wait3A_948 = arith.constant 38 : i32
      %dma_wait3A_949 = arith.constant 0 : i32
      %dma_wait3A_950 = tpu.memref_slice %arg13[%dma_wait3A_948, %dma_wait3A_949] : memref<40x1024xf32, #tpu.memory_space<vmem>> -> memref<1x1024xf32, #tpu.memory_space<vmem>>
      %dma_wait3A_951 = tpu.memref_squeeze %dma_wait3A_950 : memref<1x1024xf32, #tpu.memory_space<vmem>> -> memref<1024xf32, #tpu.memory_space<vmem>>
      %dma_wait3A_952 = arith.constant 0 : i32
      %dma_wait3A_953 = tpu.memref_slice %arg6[%select_n3A_658, %dma_wait3A_952] : memref<2048x1024xf32, #tpu.memory_space<hbm>> -> memref<1x1024xf32, #tpu.memory_space<hbm>>
      %dma_wait3A_954 = tpu.memref_squeeze %dma_wait3A_953 : memref<1x1024xf32, #tpu.memory_space<hbm>> -> memref<1024xf32, #tpu.memory_space<hbm>>
      tpu.wait_dma2 semaphore(%arg16 : memref<!tpu.dma_semaphore, #tpu.memory_space<semaphore_mem>>) src(%dma_wait3A_954 : memref<1024xf32, #tpu.memory_space<hbm>>) dst(%dma_wait3A_951 : memref<1024xf32, #tpu.memory_space<vmem>>)
      %dma_wait3A_955 = arith.constant 39 : i32
      %dma_wait3A_956 = arith.constant 0 : i32
      %dma_wait3A_957 = tpu.memref_slice %arg13[%dma_wait3A_955, %dma_wait3A_956] : memref<40x1024xf32, #tpu.memory_space<vmem>> -> memref<1x1024xf32, #tpu.memory_space<vmem>>
      %dma_wait3A_958 = tpu.memref_squeeze %dma_wait3A_957 : memref<1x1024xf32, #tpu.memory_space<vmem>> -> memref<1024xf32, #tpu.memory_space<vmem>>
      %dma_wait3A_959 = arith.constant 0 : i32
      %dma_wait3A_960 = tpu.memref_slice %arg6[%select_n3A_675, %dma_wait3A_959] : memref<2048x1024xf32, #tpu.memory_space<hbm>> -> memref<1x1024xf32, #tpu.memory_space<hbm>>
      %dma_wait3A_961 = tpu.memref_squeeze %dma_wait3A_960 : memref<1x1024xf32, #tpu.memory_space<hbm>> -> memref<1024xf32, #tpu.memory_space<hbm>>
      tpu.wait_dma2 semaphore(%arg16 : memref<!tpu.dma_semaphore, #tpu.memory_space<semaphore_mem>>) src(%dma_wait3A_961 : memref<1024xf32, #tpu.memory_space<hbm>>) dst(%dma_wait3A_958 : memref<1024xf32, #tpu.memory_space<vmem>>)
      %get3A_962 = arith.constant 0 : index
      %get3A_963 = arith.constant 0 : index
      %get3A_964 = vector.load %arg13[%get3A_962, %get3A_963] : memref<40x1024xf32, #tpu.memory_space<vmem>>, vector<40x1024xf32>
      %get3A_965 = arith.constant 0 : index
      %get3A_966 = arith.constant 0 : index
      %get3A_967 = arith.constant 0 : index
      %get3A_968 = vector.load %arg8[%get3A_965, %get3A_966, %get3A_967] : memref<1x704x1024xf32, #tpu.memory_space<vmem>>, vector<1x704x1024xf32>
      %get3A_969 = vector.shape_cast %get3A_968 : vector<1x704x1024xf32> to vector<704x1024xf32>
      %dot_general3A = arith.constant dense<0.000000e+00> : vector<40x704xf32>
      %dot_general3A_970 = tpu.matmul %get3A_964, %get3A_969, %dot_general3A {dimension_numbers = #tpu.dot_dimension_numbers<[1], [1], [0], [0], [0, 0, 1, 0], [], []>, transpose_lhs_hint = false} : vector<40x1024xf32>, vector<704x1024xf32>, vector<40x704xf32> -> vector<40x704xf32>
      %get3A_971 = arith.constant 0 : index
      %get3A_972 = arith.constant 0 : index
      %get3A_973 = arith.constant 0 : index
      %get3A_974 = vector.load %arg9[%get3A_971, %get3A_972, %get3A_973] : memref<1x704x1024xf32, #tpu.memory_space<vmem>>, vector<1x704x1024xf32>
      %get3A_975 = vector.shape_cast %get3A_974 : vector<1x704x1024xf32> to vector<704x1024xf32>
      %dot_general3A_976 = arith.constant dense<0.000000e+00> : vector<40x704xf32>
      %dot_general3A_977 = tpu.matmul %get3A_964, %get3A_975, %dot_general3A_976 {dimension_numbers = #tpu.dot_dimension_numbers<[1], [1], [0], [0], [0, 0, 1, 0], [], []>, transpose_lhs_hint = false} : vector<40x1024xf32>, vector<704x1024xf32>, vector<40x704xf32> -> vector<40x704xf32>
      %logistic3A = arith.negf %dot_general3A_970 : vector<40x704xf32>
      %logistic3A_978 = math.exp %logistic3A : vector<40x704xf32>
      %logistic3A_979 = arith.constant 1.000000e+00 : f32
      %logistic3A_980 = vector.broadcast %logistic3A_979 : f32 to vector<40x704xf32>
      %logistic3A_981 = arith.addf %logistic3A_980, %logistic3A_978 : vector<40x704xf32>
      %logistic3A_982 = arith.divf %logistic3A_980, %logistic3A_981 : vector<40x704xf32>
      %mul3A_983 = arith.mulf %dot_general3A_970, %logistic3A_982 : vector<40x704xf32>
      %mul3A_984 = arith.mulf %mul3A_983, %dot_general3A_977 : vector<40x704xf32>
      %get3A_985 = arith.constant 0 : index
      %get3A_986 = arith.constant 0 : index
      %get3A_987 = arith.constant 0 : index
      %get3A_988 = vector.load %arg10[%get3A_985, %get3A_986, %get3A_987] : memref<1x704x1024xf32, #tpu.memory_space<vmem>>, vector<1x704x1024xf32>
      %get3A_989 = vector.shape_cast %get3A_988 : vector<1x704x1024xf32> to vector<704x1024xf32>
      %dot_general3A_990 = arith.constant dense<0.000000e+00> : vector<40x1024xf32>
      %dot_general3A_991 = tpu.matmul %mul3A_984, %get3A_989, %dot_general3A_990 {dimension_numbers = #tpu.dot_dimension_numbers<[1], [0], [0], [1], [0, 0, 1, 1], [], []>, transpose_lhs_hint = false} : vector<40x704xf32>, vector<704x1024xf32>, vector<40x1024xf32> -> vector<40x1024xf32>
      %mul3A_992 = arith.constant 40 : i32
      %mul3A_993 = arith.muli %get3A_7, %mul3A_992 : i32
      %get3A_994 = arith.index_cast %mul3A_993 : i32 to index
      %get3A_995 = arith.constant 0 : index
      %get3A_996 = vector.load %arg7[%get3A_994, %get3A_995] : memref<2560x1xf32, #tpu.memory_space<vmem>>, vector<40x1xf32>
      %mul3A_997 = vector.broadcast %get3A_996 : vector<40x1xf32> to vector<40x1024xf32>
      %mul3A_998 = arith.mulf %dot_general3A_991, %mul3A_997 : vector<40x1024xf32>
      %swap3A = arith.constant 0 : index
      %swap3A_999 = arith.constant 0 : index
      %swap3A_1000 = vector.load %arg14[%swap3A, %swap3A_999] : memref<40x1024xf32, #tpu.memory_space<vmem>>, vector<40x1024xf32>
      tpu.vector_store %arg14[%swap3A, %swap3A_999], %mul3A_998 {strides = array<i32>} : memref<40x1024xf32, #tpu.memory_space<vmem>>, vector<40x1024xf32>,
      %mul3A_1001 = arith.constant 40 : i32
      %mul3A_1002 = arith.muli %get3A_7, %mul3A_1001 : i32
      %add3A_1003 = arith.constant 0 : i32
      %add3A_1004 = arith.addi %mul3A_1002, %add3A_1003 : i32
      %get3A_1005 = arith.index_cast %add3A_1004 : i32 to index
      %get3A_1006 = memref.load %arg3[%get3A_1005] : memref<2560xi32, #tpu.memory_space<smem>>
      %lt3A_1007 = arith.constant 2048 : i32
      %lt3A_1008 = arith.cmpi slt, %get3A_1006, %lt3A_1007 : i32
      %convert_element_type3A_1009 = arith.extui %lt3A_1008 : i1 to i32
      %cond3A_1010 = arith.constant 0 : i32
      %cond3A_1011 = arith.cmpi ne, %convert_element_type3A_1009, %cond3A_1010 : i32
      scf.if %cond3A_1011 {
        %dma_start3A_1441 = arith.constant 0 : i32
        %dma_start3A_1442 = arith.constant 0 : i32
        %dma_start3A_1443 = tpu.memref_slice %arg12[%get3A_1006, %dma_start3A_1442] : memref<2048x1024xf32, #tpu.memory_space<hbm>> -> memref<1x1024xf32, #tpu.memory_space<hbm>>
        %dma_start3A_1444 = tpu.memref_squeeze %dma_start3A_1443 : memref<1x1024xf32, #tpu.memory_space<hbm>> -> memref<1024xf32, #tpu.memory_space<hbm>>
        %dma_start3A_1445 = arith.constant 0 : i32
        %dma_start3A_1446 = tpu.memref_slice %arg14[%dma_start3A_1441, %dma_start3A_1445] : memref<40x1024xf32, #tpu.memory_space<vmem>> -> memref<1x1024xf32, #tpu.memory_space<vmem>>
        %dma_start3A_1447 = tpu.memref_squeeze %dma_start3A_1446 : memref<1x1024xf32, #tpu.memory_space<vmem>> -> memref<1024xf32, #tpu.memory_space<vmem>>
        tpu.enqueue_dma source(%dma_start3A_1447 : memref<1024xf32, #tpu.memory_space<vmem>>) target(%dma_start3A_1444 : memref<1024xf32, #tpu.memory_space<hbm>>) target_semaphore(%arg17 : memref<!tpu.dma_semaphore, #tpu.memory_space<semaphore_mem>>)
        %dma_wait3A_1448 = arith.constant 0 : i32
        %dma_wait3A_1449 = arith.constant 0 : i32
        %dma_wait3A_1450 = tpu.memref_slice %arg12[%get3A_1006, %dma_wait3A_1449] : memref<2048x1024xf32, #tpu.memory_space<hbm>> -> memref<1x1024xf32, #tpu.memory_space<hbm>>
        %dma_wait3A_1451 = tpu.memref_squeeze %dma_wait3A_1450 : memref<1x1024xf32, #tpu.memory_space<hbm>> -> memref<1024xf32, #tpu.memory_space<hbm>>
        %dma_wait3A_1452 = arith.constant 0 : i32
        %dma_wait3A_1453 = tpu.memref_slice %arg14[%dma_wait3A_1448, %dma_wait3A_1452] : memref<40x1024xf32, #tpu.memory_space<vmem>> -> memref<1x1024xf32, #tpu.memory_space<vmem>>
        %dma_wait3A_1454 = tpu.memref_squeeze %dma_wait3A_1453 : memref<1x1024xf32, #tpu.memory_space<vmem>> -> memref<1024xf32, #tpu.memory_space<vmem>>
        tpu.wait_dma2 semaphore(%arg17 : memref<!tpu.dma_semaphore, #tpu.memory_space<semaphore_mem>>) src(%dma_wait3A_1454 : memref<1024xf32, #tpu.memory_space<vmem>>) dst(%dma_wait3A_1451 : memref<1024xf32, #tpu.memory_space<hbm>>)
      } else {
      }
      %mul3A_1012 = arith.constant 40 : i32
      %mul3A_1013 = arith.muli %get3A_7, %mul3A_1012 : i32
      %add3A_1014 = arith.constant 1 : i32
      %add3A_1015 = arith.addi %mul3A_1013, %add3A_1014 : i32
      %get3A_1016 = arith.index_cast %add3A_1015 : i32 to index
      %get3A_1017 = memref.load %arg3[%get3A_1016] : memref<2560xi32, #tpu.memory_space<smem>>
      %lt3A_1018 = arith.constant 2048 : i32
      %lt3A_1019 = arith.cmpi slt, %get3A_1017, %lt3A_1018 : i32
      %convert_element_type3A_1020 = arith.extui %lt3A_1019 : i1 to i32
      %cond3A_1021 = arith.constant 0 : i32
      %cond3A_1022 = arith.cmpi ne, %convert_element_type3A_1020, %cond3A_1021 : i32
      scf.if %cond3A_1022 {
        %dma_start3A_1441 = arith.constant 1 : i32
        %dma_start3A_1442 = arith.constant 0 : i32
        %dma_start3A_1443 = tpu.memref_slice %arg12[%get3A_1017, %dma_start3A_1442] : memref<2048x1024xf32, #tpu.memory_space<hbm>> -> memref<1x1024xf32, #tpu.memory_space<hbm>>
        %dma_start3A_1444 = tpu.memref_squeeze %dma_start3A_1443 : memref<1x1024xf32, #tpu.memory_space<hbm>> -> memref<1024xf32, #tpu.memory_space<hbm>>
        %dma_start3A_1445 = arith.constant 0 : i32
        %dma_start3A_1446 = tpu.memref_slice %arg14[%dma_start3A_1441, %dma_start3A_1445] : memref<40x1024xf32, #tpu.memory_space<vmem>> -> memref<1x1024xf32, #tpu.memory_space<vmem>>
        %dma_start3A_1447 = tpu.memref_squeeze %dma_start3A_1446 : memref<1x1024xf32, #tpu.memory_space<vmem>> -> memref<1024xf32, #tpu.memory_space<vmem>>
        tpu.enqueue_dma source(%dma_start3A_1447 : memref<1024xf32, #tpu.memory_space<vmem>>) target(%dma_start3A_1444 : memref<1024xf32, #tpu.memory_space<hbm>>) target_semaphore(%arg17 : memref<!tpu.dma_semaphore, #tpu.memory_space<semaphore_mem>>)
        %dma_wait3A_1448 = arith.constant 1 : i32
        %dma_wait3A_1449 = arith.constant 0 : i32
        %dma_wait3A_1450 = tpu.memref_slice %arg12[%get3A_1017, %dma_wait3A_1449] : memref<2048x1024xf32, #tpu.memory_space<hbm>> -> memref<1x1024xf32, #tpu.memory_space<hbm>>
        %dma_wait3A_1451 = tpu.memref_squeeze %dma_wait3A_1450 : memref<1x1024xf32, #tpu.memory_space<hbm>> -> memref<1024xf32, #tpu.memory_space<hbm>>
        %dma_wait3A_1452 = arith.constant 0 : i32
        %dma_wait3A_1453 = tpu.memref_slice %arg14[%dma_wait3A_1448, %dma_wait3A_1452] : memref<40x1024xf32, #tpu.memory_space<vmem>> -> memref<1x1024xf32, #tpu.memory_space<vmem>>
        %dma_wait3A_1454 = tpu.memref_squeeze %dma_wait3A_1453 : memref<1x1024xf32, #tpu.memory_space<vmem>> -> memref<1024xf32, #tpu.memory_space<vmem>>
        tpu.wait_dma2 semaphore(%arg17 : memref<!tpu.dma_semaphore, #tpu.memory_space<semaphore_mem>>) src(%dma_wait3A_1454 : memref<1024xf32, #tpu.memory_space<vmem>>) dst(%dma_wait3A_1451 : memref<1024xf32, #tpu.memory_space<hbm>>)
      } else {
      }
      %mul3A_1023 = arith.constant 40 : i32
      %mul3A_1024 = arith.muli %get3A_7, %mul3A_1023 : i32
      %add3A_1025 = arith.constant 2 : i32
      %add3A_1026 = arith.addi %mul3A_1024, %add3A_1025 : i32
      %get3A_1027 = arith.index_cast %add3A_1026 : i32 to index
      %get3A_1028 = memref.load %arg3[%get3A_1027] : memref<2560xi32, #tpu.memory_space<smem>>
      %lt3A_1029 = arith.constant 2048 : i32
      %lt3A_1030 = arith.cmpi slt, %get3A_1028, %lt3A_1029 : i32
      %convert_element_type3A_1031 = arith.extui %lt3A_1030 : i1 to i32
      %cond3A_1032 = arith.constant 0 : i32
      %cond3A_1033 = arith.cmpi ne, %convert_element_type3A_1031, %cond3A_1032 : i32
      scf.if %cond3A_1033 {
        %dma_start3A_1441 = arith.constant 2 : i32
        %dma_start3A_1442 = arith.constant 0 : i32
        %dma_start3A_1443 = tpu.memref_slice %arg12[%get3A_1028, %dma_start3A_1442] : memref<2048x1024xf32, #tpu.memory_space<hbm>> -> memref<1x1024xf32, #tpu.memory_space<hbm>>
        %dma_start3A_1444 = tpu.memref_squeeze %dma_start3A_1443 : memref<1x1024xf32, #tpu.memory_space<hbm>> -> memref<1024xf32, #tpu.memory_space<hbm>>
        %dma_start3A_1445 = arith.constant 0 : i32
        %dma_start3A_1446 = tpu.memref_slice %arg14[%dma_start3A_1441, %dma_start3A_1445] : memref<40x1024xf32, #tpu.memory_space<vmem>> -> memref<1x1024xf32, #tpu.memory_space<vmem>>
        %dma_start3A_1447 = tpu.memref_squeeze %dma_start3A_1446 : memref<1x1024xf32, #tpu.memory_space<vmem>> -> memref<1024xf32, #tpu.memory_space<vmem>>
        tpu.enqueue_dma source(%dma_start3A_1447 : memref<1024xf32, #tpu.memory_space<vmem>>) target(%dma_start3A_1444 : memref<1024xf32, #tpu.memory_space<hbm>>) target_semaphore(%arg17 : memref<!tpu.dma_semaphore, #tpu.memory_space<semaphore_mem>>)
        %dma_wait3A_1448 = arith.constant 2 : i32
        %dma_wait3A_1449 = arith.constant 0 : i32
        %dma_wait3A_1450 = tpu.memref_slice %arg12[%get3A_1028, %dma_wait3A_1449] : memref<2048x1024xf32, #tpu.memory_space<hbm>> -> memref<1x1024xf32, #tpu.memory_space<hbm>>
        %dma_wait3A_1451 = tpu.memref_squeeze %dma_wait3A_1450 : memref<1x1024xf32, #tpu.memory_space<hbm>> -> memref<1024xf32, #tpu.memory_space<hbm>>
        %dma_wait3A_1452 = arith.constant 0 : i32
        %dma_wait3A_1453 = tpu.memref_slice %arg14[%dma_wait3A_1448, %dma_wait3A_1452] : memref<40x1024xf32, #tpu.memory_space<vmem>> -> memref<1x1024xf32, #tpu.memory_space<vmem>>
        %dma_wait3A_1454 = tpu.memref_squeeze %dma_wait3A_1453 : memref<1x1024xf32, #tpu.memory_space<vmem>> -> memref<1024xf32, #tpu.memory_space<vmem>>
        tpu.wait_dma2 semaphore(%arg17 : memref<!tpu.dma_semaphore, #tpu.memory_space<semaphore_mem>>) src(%dma_wait3A_1454 : memref<1024xf32, #tpu.memory_space<vmem>>) dst(%dma_wait3A_1451 : memref<1024xf32, #tpu.memory_space<hbm>>)
      } else {
      }
      %mul3A_1034 = arith.constant 40 : i32
      %mul3A_1035 = arith.muli %get3A_7, %mul3A_1034 : i32
      %add3A_1036 = arith.constant 3 : i32
      %add3A_1037 = arith.addi %mul3A_1035, %add3A_1036 : i32
      %get3A_1038 = arith.index_cast %add3A_1037 : i32 to index
      %get3A_1039 = memref.load %arg3[%get3A_1038] : memref<2560xi32, #tpu.memory_space<smem>>
      %lt3A_1040 = arith.constant 2048 : i32
      %lt3A_1041 = arith.cmpi slt, %get3A_1039, %lt3A_1040 : i32
      %convert_element_type3A_1042 = arith.extui %lt3A_1041 : i1 to i32
      %cond3A_1043 = arith.constant 0 : i32
      %cond3A_1044 = arith.cmpi ne, %convert_element_type3A_1042, %cond3A_1043 : i32
      scf.if %cond3A_1044 {
        %dma_start3A_1441 = arith.constant 3 : i32
        %dma_start3A_1442 = arith.constant 0 : i32
        %dma_start3A_1443 = tpu.memref_slice %arg12[%get3A_1039, %dma_start3A_1442] : memref<2048x1024xf32, #tpu.memory_space<hbm>> -> memref<1x1024xf32, #tpu.memory_space<hbm>>
        %dma_start3A_1444 = tpu.memref_squeeze %dma_start3A_1443 : memref<1x1024xf32, #tpu.memory_space<hbm>> -> memref<1024xf32, #tpu.memory_space<hbm>>
        %dma_start3A_1445 = arith.constant 0 : i32
        %dma_start3A_1446 = tpu.memref_slice %arg14[%dma_start3A_1441, %dma_start3A_1445] : memref<40x1024xf32, #tpu.memory_space<vmem>> -> memref<1x1024xf32, #tpu.memory_space<vmem>>
        %dma_start3A_1447 = tpu.memref_squeeze %dma_start3A_1446 : memref<1x1024xf32, #tpu.memory_space<vmem>> -> memref<1024xf32, #tpu.memory_space<vmem>>
        tpu.enqueue_dma source(%dma_start3A_1447 : memref<1024xf32, #tpu.memory_space<vmem>>) target(%dma_start3A_1444 : memref<1024xf32, #tpu.memory_space<hbm>>) target_semaphore(%arg17 : memref<!tpu.dma_semaphore, #tpu.memory_space<semaphore_mem>>)
        %dma_wait3A_1448 = arith.constant 3 : i32
        %dma_wait3A_1449 = arith.constant 0 : i32
        %dma_wait3A_1450 = tpu.memref_slice %arg12[%get3A_1039, %dma_wait3A_1449] : memref<2048x1024xf32, #tpu.memory_space<hbm>> -> memref<1x1024xf32, #tpu.memory_space<hbm>>
        %dma_wait3A_1451 = tpu.memref_squeeze %dma_wait3A_1450 : memref<1x1024xf32, #tpu.memory_space<hbm>> -> memref<1024xf32, #tpu.memory_space<hbm>>
        %dma_wait3A_1452 = arith.constant 0 : i32
        %dma_wait3A_1453 = tpu.memref_slice %arg14[%dma_wait3A_1448, %dma_wait3A_1452] : memref<40x1024xf32, #tpu.memory_space<vmem>> -> memref<1x1024xf32, #tpu.memory_space<vmem>>
        %dma_wait3A_1454 = tpu.memref_squeeze %dma_wait3A_1453 : memref<1x1024xf32, #tpu.memory_space<vmem>> -> memref<1024xf32, #tpu.memory_space<vmem>>
        tpu.wait_dma2 semaphore(%arg17 : memref<!tpu.dma_semaphore, #tpu.memory_space<semaphore_mem>>) src(%dma_wait3A_1454 : memref<1024xf32, #tpu.memory_space<vmem>>) dst(%dma_wait3A_1451 : memref<1024xf32, #tpu.memory_space<hbm>>)
      } else {
      }
      %mul3A_1045 = arith.constant 40 : i32
      %mul3A_1046 = arith.muli %get3A_7, %mul3A_1045 : i32
      %add3A_1047 = arith.constant 4 : i32
      %add3A_1048 = arith.addi %mul3A_1046, %add3A_1047 : i32
      %get3A_1049 = arith.index_cast %add3A_1048 : i32 to index
      %get3A_1050 = memref.load %arg3[%get3A_1049] : memref<2560xi32, #tpu.memory_space<smem>>
      %lt3A_1051 = arith.constant 2048 : i32
      %lt3A_1052 = arith.cmpi slt, %get3A_1050, %lt3A_1051 : i32
      %convert_element_type3A_1053 = arith.extui %lt3A_1052 : i1 to i32
      %cond3A_1054 = arith.constant 0 : i32
      %cond3A_1055 = arith.cmpi ne, %convert_element_type3A_1053, %cond3A_1054 : i32
      scf.if %cond3A_1055 {
        %dma_start3A_1441 = arith.constant 4 : i32
        %dma_start3A_1442 = arith.constant 0 : i32
        %dma_start3A_1443 = tpu.memref_slice %arg12[%get3A_1050, %dma_start3A_1442] : memref<2048x1024xf32, #tpu.memory_space<hbm>> -> memref<1x1024xf32, #tpu.memory_space<hbm>>
        %dma_start3A_1444 = tpu.memref_squeeze %dma_start3A_1443 : memref<1x1024xf32, #tpu.memory_space<hbm>> -> memref<1024xf32, #tpu.memory_space<hbm>>
        %dma_start3A_1445 = arith.constant 0 : i32
        %dma_start3A_1446 = tpu.memref_slice %arg14[%dma_start3A_1441, %dma_start3A_1445] : memref<40x1024xf32, #tpu.memory_space<vmem>> -> memref<1x1024xf32, #tpu.memory_space<vmem>>
        %dma_start3A_1447 = tpu.memref_squeeze %dma_start3A_1446 : memref<1x1024xf32, #tpu.memory_space<vmem>> -> memref<1024xf32, #tpu.memory_space<vmem>>
        tpu.enqueue_dma source(%dma_start3A_1447 : memref<1024xf32, #tpu.memory_space<vmem>>) target(%dma_start3A_1444 : memref<1024xf32, #tpu.memory_space<hbm>>) target_semaphore(%arg17 : memref<!tpu.dma_semaphore, #tpu.memory_space<semaphore_mem>>)
        %dma_wait3A_1448 = arith.constant 4 : i32
        %dma_wait3A_1449 = arith.constant 0 : i32
        %dma_wait3A_1450 = tpu.memref_slice %arg12[%get3A_1050, %dma_wait3A_1449] : memref<2048x1024xf32, #tpu.memory_space<hbm>> -> memref<1x1024xf32, #tpu.memory_space<hbm>>
        %dma_wait3A_1451 = tpu.memref_squeeze %dma_wait3A_1450 : memref<1x1024xf32, #tpu.memory_space<hbm>> -> memref<1024xf32, #tpu.memory_space<hbm>>
        %dma_wait3A_1452 = arith.constant 0 : i32
        %dma_wait3A_1453 = tpu.memref_slice %arg14[%dma_wait3A_1448, %dma_wait3A_1452] : memref<40x1024xf32, #tpu.memory_space<vmem>> -> memref<1x1024xf32, #tpu.memory_space<vmem>>
        %dma_wait3A_1454 = tpu.memref_squeeze %dma_wait3A_1453 : memref<1x1024xf32, #tpu.memory_space<vmem>> -> memref<1024xf32, #tpu.memory_space<vmem>>
        tpu.wait_dma2 semaphore(%arg17 : memref<!tpu.dma_semaphore, #tpu.memory_space<semaphore_mem>>) src(%dma_wait3A_1454 : memref<1024xf32, #tpu.memory_space<vmem>>) dst(%dma_wait3A_1451 : memref<1024xf32, #tpu.memory_space<hbm>>)
      } else {
      }
      %mul3A_1056 = arith.constant 40 : i32
      %mul3A_1057 = arith.muli %get3A_7, %mul3A_1056 : i32
      %add3A_1058 = arith.constant 5 : i32
      %add3A_1059 = arith.addi %mul3A_1057, %add3A_1058 : i32
      %get3A_1060 = arith.index_cast %add3A_1059 : i32 to index
      %get3A_1061 = memref.load %arg3[%get3A_1060] : memref<2560xi32, #tpu.memory_space<smem>>
      %lt3A_1062 = arith.constant 2048 : i32
      %lt3A_1063 = arith.cmpi slt, %get3A_1061, %lt3A_1062 : i32
      %convert_element_type3A_1064 = arith.extui %lt3A_1063 : i1 to i32
      %cond3A_1065 = arith.constant 0 : i32
      %cond3A_1066 = arith.cmpi ne, %convert_element_type3A_1064, %cond3A_1065 : i32
      scf.if %cond3A_1066 {
        %dma_start3A_1441 = arith.constant 5 : i32
        %dma_start3A_1442 = arith.constant 0 : i32
        %dma_start3A_1443 = tpu.memref_slice %arg12[%get3A_1061, %dma_start3A_1442] : memref<2048x1024xf32, #tpu.memory_space<hbm>> -> memref<1x1024xf32, #tpu.memory_space<hbm>>
        %dma_start3A_1444 = tpu.memref_squeeze %dma_start3A_1443 : memref<1x1024xf32, #tpu.memory_space<hbm>> -> memref<1024xf32, #tpu.memory_space<hbm>>
        %dma_start3A_1445 = arith.constant 0 : i32
        %dma_start3A_1446 = tpu.memref_slice %arg14[%dma_start3A_1441, %dma_start3A_1445] : memref<40x1024xf32, #tpu.memory_space<vmem>> -> memref<1x1024xf32, #tpu.memory_space<vmem>>
        %dma_start3A_1447 = tpu.memref_squeeze %dma_start3A_1446 : memref<1x1024xf32, #tpu.memory_space<vmem>> -> memref<1024xf32, #tpu.memory_space<vmem>>
        tpu.enqueue_dma source(%dma_start3A_1447 : memref<1024xf32, #tpu.memory_space<vmem>>) target(%dma_start3A_1444 : memref<1024xf32, #tpu.memory_space<hbm>>) target_semaphore(%arg17 : memref<!tpu.dma_semaphore, #tpu.memory_space<semaphore_mem>>)
        %dma_wait3A_1448 = arith.constant 5 : i32
        %dma_wait3A_1449 = arith.constant 0 : i32
        %dma_wait3A_1450 = tpu.memref_slice %arg12[%get3A_1061, %dma_wait3A_1449] : memref<2048x1024xf32, #tpu.memory_space<hbm>> -> memref<1x1024xf32, #tpu.memory_space<hbm>>
        %dma_wait3A_1451 = tpu.memref_squeeze %dma_wait3A_1450 : memref<1x1024xf32, #tpu.memory_space<hbm>> -> memref<1024xf32, #tpu.memory_space<hbm>>
        %dma_wait3A_1452 = arith.constant 0 : i32
        %dma_wait3A_1453 = tpu.memref_slice %arg14[%dma_wait3A_1448, %dma_wait3A_1452] : memref<40x1024xf32, #tpu.memory_space<vmem>> -> memref<1x1024xf32, #tpu.memory_space<vmem>>
        %dma_wait3A_1454 = tpu.memref_squeeze %dma_wait3A_1453 : memref<1x1024xf32, #tpu.memory_space<vmem>> -> memref<1024xf32, #tpu.memory_space<vmem>>
        tpu.wait_dma2 semaphore(%arg17 : memref<!tpu.dma_semaphore, #tpu.memory_space<semaphore_mem>>) src(%dma_wait3A_1454 : memref<1024xf32, #tpu.memory_space<vmem>>) dst(%dma_wait3A_1451 : memref<1024xf32, #tpu.memory_space<hbm>>)
      } else {
      }
      %mul3A_1067 = arith.constant 40 : i32
      %mul3A_1068 = arith.muli %get3A_7, %mul3A_1067 : i32
      %add3A_1069 = arith.constant 6 : i32
      %add3A_1070 = arith.addi %mul3A_1068, %add3A_1069 : i32
      %get3A_1071 = arith.index_cast %add3A_1070 : i32 to index
      %get3A_1072 = memref.load %arg3[%get3A_1071] : memref<2560xi32, #tpu.memory_space<smem>>
      %lt3A_1073 = arith.constant 2048 : i32
      %lt3A_1074 = arith.cmpi slt, %get3A_1072, %lt3A_1073 : i32
      %convert_element_type3A_1075 = arith.extui %lt3A_1074 : i1 to i32
      %cond3A_1076 = arith.constant 0 : i32
      %cond3A_1077 = arith.cmpi ne, %convert_element_type3A_1075, %cond3A_1076 : i32
      scf.if %cond3A_1077 {
        %dma_start3A_1441 = arith.constant 6 : i32
        %dma_start3A_1442 = arith.constant 0 : i32
        %dma_start3A_1443 = tpu.memref_slice %arg12[%get3A_1072, %dma_start3A_1442] : memref<2048x1024xf32, #tpu.memory_space<hbm>> -> memref<1x1024xf32, #tpu.memory_space<hbm>>
        %dma_start3A_1444 = tpu.memref_squeeze %dma_start3A_1443 : memref<1x1024xf32, #tpu.memory_space<hbm>> -> memref<1024xf32, #tpu.memory_space<hbm>>
        %dma_start3A_1445 = arith.constant 0 : i32
        %dma_start3A_1446 = tpu.memref_slice %arg14[%dma_start3A_1441, %dma_start3A_1445] : memref<40x1024xf32, #tpu.memory_space<vmem>> -> memref<1x1024xf32, #tpu.memory_space<vmem>>
        %dma_start3A_1447 = tpu.memref_squeeze %dma_start3A_1446 : memref<1x1024xf32, #tpu.memory_space<vmem>> -> memref<1024xf32, #tpu.memory_space<vmem>>
        tpu.enqueue_dma source(%dma_start3A_1447 : memref<1024xf32, #tpu.memory_space<vmem>>) target(%dma_start3A_1444 : memref<1024xf32, #tpu.memory_space<hbm>>) target_semaphore(%arg17 : memref<!tpu.dma_semaphore, #tpu.memory_space<semaphore_mem>>)
        %dma_wait3A_1448 = arith.constant 6 : i32
        %dma_wait3A_1449 = arith.constant 0 : i32
        %dma_wait3A_1450 = tpu.memref_slice %arg12[%get3A_1072, %dma_wait3A_1449] : memref<2048x1024xf32, #tpu.memory_space<hbm>> -> memref<1x1024xf32, #tpu.memory_space<hbm>>
        %dma_wait3A_1451 = tpu.memref_squeeze %dma_wait3A_1450 : memref<1x1024xf32, #tpu.memory_space<hbm>> -> memref<1024xf32, #tpu.memory_space<hbm>>
        %dma_wait3A_1452 = arith.constant 0 : i32
        %dma_wait3A_1453 = tpu.memref_slice %arg14[%dma_wait3A_1448, %dma_wait3A_1452] : memref<40x1024xf32, #tpu.memory_space<vmem>> -> memref<1x1024xf32, #tpu.memory_space<vmem>>
        %dma_wait3A_1454 = tpu.memref_squeeze %dma_wait3A_1453 : memref<1x1024xf32, #tpu.memory_space<vmem>> -> memref<1024xf32, #tpu.memory_space<vmem>>
        tpu.wait_dma2 semaphore(%arg17 : memref<!tpu.dma_semaphore, #tpu.memory_space<semaphore_mem>>) src(%dma_wait3A_1454 : memref<1024xf32, #tpu.memory_space<vmem>>) dst(%dma_wait3A_1451 : memref<1024xf32, #tpu.memory_space<hbm>>)
      } else {
      }
      %mul3A_1078 = arith.constant 40 : i32
      %mul3A_1079 = arith.muli %get3A_7, %mul3A_1078 : i32
      %add3A_1080 = arith.constant 7 : i32
      %add3A_1081 = arith.addi %mul3A_1079, %add3A_1080 : i32
      %get3A_1082 = arith.index_cast %add3A_1081 : i32 to index
      %get3A_1083 = memref.load %arg3[%get3A_1082] : memref<2560xi32, #tpu.memory_space<smem>>
      %lt3A_1084 = arith.constant 2048 : i32
      %lt3A_1085 = arith.cmpi slt, %get3A_1083, %lt3A_1084 : i32
      %convert_element_type3A_1086 = arith.extui %lt3A_1085 : i1 to i32
      %cond3A_1087 = arith.constant 0 : i32
      %cond3A_1088 = arith.cmpi ne, %convert_element_type3A_1086, %cond3A_1087 : i32
      scf.if %cond3A_1088 {
        %dma_start3A_1441 = arith.constant 7 : i32
        %dma_start3A_1442 = arith.constant 0 : i32
        %dma_start3A_1443 = tpu.memref_slice %arg12[%get3A_1083, %dma_start3A_1442] : memref<2048x1024xf32, #tpu.memory_space<hbm>> -> memref<1x1024xf32, #tpu.memory_space<hbm>>
        %dma_start3A_1444 = tpu.memref_squeeze %dma_start3A_1443 : memref<1x1024xf32, #tpu.memory_space<hbm>> -> memref<1024xf32, #tpu.memory_space<hbm>>
        %dma_start3A_1445 = arith.constant 0 : i32
        %dma_start3A_1446 = tpu.memref_slice %arg14[%dma_start3A_1441, %dma_start3A_1445] : memref<40x1024xf32, #tpu.memory_space<vmem>> -> memref<1x1024xf32, #tpu.memory_space<vmem>>
        %dma_start3A_1447 = tpu.memref_squeeze %dma_start3A_1446 : memref<1x1024xf32, #tpu.memory_space<vmem>> -> memref<1024xf32, #tpu.memory_space<vmem>>
        tpu.enqueue_dma source(%dma_start3A_1447 : memref<1024xf32, #tpu.memory_space<vmem>>) target(%dma_start3A_1444 : memref<1024xf32, #tpu.memory_space<hbm>>) target_semaphore(%arg17 : memref<!tpu.dma_semaphore, #tpu.memory_space<semaphore_mem>>)
        %dma_wait3A_1448 = arith.constant 7 : i32
        %dma_wait3A_1449 = arith.constant 0 : i32
        %dma_wait3A_1450 = tpu.memref_slice %arg12[%get3A_1083, %dma_wait3A_1449] : memref<2048x1024xf32, #tpu.memory_space<hbm>> -> memref<1x1024xf32, #tpu.memory_space<hbm>>
        %dma_wait3A_1451 = tpu.memref_squeeze %dma_wait3A_1450 : memref<1x1024xf32, #tpu.memory_space<hbm>> -> memref<1024xf32, #tpu.memory_space<hbm>>
        %dma_wait3A_1452 = arith.constant 0 : i32
        %dma_wait3A_1453 = tpu.memref_slice %arg14[%dma_wait3A_1448, %dma_wait3A_1452] : memref<40x1024xf32, #tpu.memory_space<vmem>> -> memref<1x1024xf32, #tpu.memory_space<vmem>>
        %dma_wait3A_1454 = tpu.memref_squeeze %dma_wait3A_1453 : memref<1x1024xf32, #tpu.memory_space<vmem>> -> memref<1024xf32, #tpu.memory_space<vmem>>
        tpu.wait_dma2 semaphore(%arg17 : memref<!tpu.dma_semaphore, #tpu.memory_space<semaphore_mem>>) src(%dma_wait3A_1454 : memref<1024xf32, #tpu.memory_space<vmem>>) dst(%dma_wait3A_1451 : memref<1024xf32, #tpu.memory_space<hbm>>)
      } else {
      }
      %mul3A_1089 = arith.constant 40 : i32
      %mul3A_1090 = arith.muli %get3A_7, %mul3A_1089 : i32
      %add3A_1091 = arith.constant 8 : i32
      %add3A_1092 = arith.addi %mul3A_1090, %add3A_1091 : i32
      %get3A_1093 = arith.index_cast %add3A_1092 : i32 to index
      %get3A_1094 = memref.load %arg3[%get3A_1093] : memref<2560xi32, #tpu.memory_space<smem>>
      %lt3A_1095 = arith.constant 2048 : i32
      %lt3A_1096 = arith.cmpi slt, %get3A_1094, %lt3A_1095 : i32
      %convert_element_type3A_1097 = arith.extui %lt3A_1096 : i1 to i32
      %cond3A_1098 = arith.constant 0 : i32
      %cond3A_1099 = arith.cmpi ne, %convert_element_type3A_1097, %cond3A_1098 : i32
      scf.if %cond3A_1099 {
        %dma_start3A_1441 = arith.constant 8 : i32
        %dma_start3A_1442 = arith.constant 0 : i32
        %dma_start3A_1443 = tpu.memref_slice %arg12[%get3A_1094, %dma_start3A_1442] : memref<2048x1024xf32, #tpu.memory_space<hbm>> -> memref<1x1024xf32, #tpu.memory_space<hbm>>
        %dma_start3A_1444 = tpu.memref_squeeze %dma_start3A_1443 : memref<1x1024xf32, #tpu.memory_space<hbm>> -> memref<1024xf32, #tpu.memory_space<hbm>>
        %dma_start3A_1445 = arith.constant 0 : i32
        %dma_start3A_1446 = tpu.memref_slice %arg14[%dma_start3A_1441, %dma_start3A_1445] : memref<40x1024xf32, #tpu.memory_space<vmem>> -> memref<1x1024xf32, #tpu.memory_space<vmem>>
        %dma_start3A_1447 = tpu.memref_squeeze %dma_start3A_1446 : memref<1x1024xf32, #tpu.memory_space<vmem>> -> memref<1024xf32, #tpu.memory_space<vmem>>
        tpu.enqueue_dma source(%dma_start3A_1447 : memref<1024xf32, #tpu.memory_space<vmem>>) target(%dma_start3A_1444 : memref<1024xf32, #tpu.memory_space<hbm>>) target_semaphore(%arg17 : memref<!tpu.dma_semaphore, #tpu.memory_space<semaphore_mem>>)
        %dma_wait3A_1448 = arith.constant 8 : i32
        %dma_wait3A_1449 = arith.constant 0 : i32
        %dma_wait3A_1450 = tpu.memref_slice %arg12[%get3A_1094, %dma_wait3A_1449] : memref<2048x1024xf32, #tpu.memory_space<hbm>> -> memref<1x1024xf32, #tpu.memory_space<hbm>>
        %dma_wait3A_1451 = tpu.memref_squeeze %dma_wait3A_1450 : memref<1x1024xf32, #tpu.memory_space<hbm>> -> memref<1024xf32, #tpu.memory_space<hbm>>
        %dma_wait3A_1452 = arith.constant 0 : i32
        %dma_wait3A_1453 = tpu.memref_slice %arg14[%dma_wait3A_1448, %dma_wait3A_1452] : memref<40x1024xf32, #tpu.memory_space<vmem>> -> memref<1x1024xf32, #tpu.memory_space<vmem>>
        %dma_wait3A_1454 = tpu.memref_squeeze %dma_wait3A_1453 : memref<1x1024xf32, #tpu.memory_space<vmem>> -> memref<1024xf32, #tpu.memory_space<vmem>>
        tpu.wait_dma2 semaphore(%arg17 : memref<!tpu.dma_semaphore, #tpu.memory_space<semaphore_mem>>) src(%dma_wait3A_1454 : memref<1024xf32, #tpu.memory_space<vmem>>) dst(%dma_wait3A_1451 : memref<1024xf32, #tpu.memory_space<hbm>>)
      } else {
      }
      %mul3A_1100 = arith.constant 40 : i32
      %mul3A_1101 = arith.muli %get3A_7, %mul3A_1100 : i32
      %add3A_1102 = arith.constant 9 : i32
      %add3A_1103 = arith.addi %mul3A_1101, %add3A_1102 : i32
      %get3A_1104 = arith.index_cast %add3A_1103 : i32 to index
      %get3A_1105 = memref.load %arg3[%get3A_1104] : memref<2560xi32, #tpu.memory_space<smem>>
      %lt3A_1106 = arith.constant 2048 : i32
      %lt3A_1107 = arith.cmpi slt, %get3A_1105, %lt3A_1106 : i32
      %convert_element_type3A_1108 = arith.extui %lt3A_1107 : i1 to i32
      %cond3A_1109 = arith.constant 0 : i32
      %cond3A_1110 = arith.cmpi ne, %convert_element_type3A_1108, %cond3A_1109 : i32
      scf.if %cond3A_1110 {
        %dma_start3A_1441 = arith.constant 9 : i32
        %dma_start3A_1442 = arith.constant 0 : i32
        %dma_start3A_1443 = tpu.memref_slice %arg12[%get3A_1105, %dma_start3A_1442] : memref<2048x1024xf32, #tpu.memory_space<hbm>> -> memref<1x1024xf32, #tpu.memory_space<hbm>>
        %dma_start3A_1444 = tpu.memref_squeeze %dma_start3A_1443 : memref<1x1024xf32, #tpu.memory_space<hbm>> -> memref<1024xf32, #tpu.memory_space<hbm>>
        %dma_start3A_1445 = arith.constant 0 : i32
        %dma_start3A_1446 = tpu.memref_slice %arg14[%dma_start3A_1441, %dma_start3A_1445] : memref<40x1024xf32, #tpu.memory_space<vmem>> -> memref<1x1024xf32, #tpu.memory_space<vmem>>
        %dma_start3A_1447 = tpu.memref_squeeze %dma_start3A_1446 : memref<1x1024xf32, #tpu.memory_space<vmem>> -> memref<1024xf32, #tpu.memory_space<vmem>>
        tpu.enqueue_dma source(%dma_start3A_1447 : memref<1024xf32, #tpu.memory_space<vmem>>) target(%dma_start3A_1444 : memref<1024xf32, #tpu.memory_space<hbm>>) target_semaphore(%arg17 : memref<!tpu.dma_semaphore, #tpu.memory_space<semaphore_mem>>)
        %dma_wait3A_1448 = arith.constant 9 : i32
        %dma_wait3A_1449 = arith.constant 0 : i32
        %dma_wait3A_1450 = tpu.memref_slice %arg12[%get3A_1105, %dma_wait3A_1449] : memref<2048x1024xf32, #tpu.memory_space<hbm>> -> memref<1x1024xf32, #tpu.memory_space<hbm>>
        %dma_wait3A_1451 = tpu.memref_squeeze %dma_wait3A_1450 : memref<1x1024xf32, #tpu.memory_space<hbm>> -> memref<1024xf32, #tpu.memory_space<hbm>>
        %dma_wait3A_1452 = arith.constant 0 : i32
        %dma_wait3A_1453 = tpu.memref_slice %arg14[%dma_wait3A_1448, %dma_wait3A_1452] : memref<40x1024xf32, #tpu.memory_space<vmem>> -> memref<1x1024xf32, #tpu.memory_space<vmem>>
        %dma_wait3A_1454 = tpu.memref_squeeze %dma_wait3A_1453 : memref<1x1024xf32, #tpu.memory_space<vmem>> -> memref<1024xf32, #tpu.memory_space<vmem>>
        tpu.wait_dma2 semaphore(%arg17 : memref<!tpu.dma_semaphore, #tpu.memory_space<semaphore_mem>>) src(%dma_wait3A_1454 : memref<1024xf32, #tpu.memory_space<vmem>>) dst(%dma_wait3A_1451 : memref<1024xf32, #tpu.memory_space<hbm>>)
      } else {
      }
      %mul3A_1111 = arith.constant 40 : i32
      %mul3A_1112 = arith.muli %get3A_7, %mul3A_1111 : i32
      %add3A_1113 = arith.constant 10 : i32
      %add3A_1114 = arith.addi %mul3A_1112, %add3A_1113 : i32
      %get3A_1115 = arith.index_cast %add3A_1114 : i32 to index
      %get3A_1116 = memref.load %arg3[%get3A_1115] : memref<2560xi32, #tpu.memory_space<smem>>
      %lt3A_1117 = arith.constant 2048 : i32
      %lt3A_1118 = arith.cmpi slt, %get3A_1116, %lt3A_1117 : i32
      %convert_element_type3A_1119 = arith.extui %lt3A_1118 : i1 to i32
      %cond3A_1120 = arith.constant 0 : i32
      %cond3A_1121 = arith.cmpi ne, %convert_element_type3A_1119, %cond3A_1120 : i32
      scf.if %cond3A_1121 {
        %dma_start3A_1441 = arith.constant 10 : i32
        %dma_start3A_1442 = arith.constant 0 : i32
        %dma_start3A_1443 = tpu.memref_slice %arg12[%get3A_1116, %dma_start3A_1442] : memref<2048x1024xf32, #tpu.memory_space<hbm>> -> memref<1x1024xf32, #tpu.memory_space<hbm>>
        %dma_start3A_1444 = tpu.memref_squeeze %dma_start3A_1443 : memref<1x1024xf32, #tpu.memory_space<hbm>> -> memref<1024xf32, #tpu.memory_space<hbm>>
        %dma_start3A_1445 = arith.constant 0 : i32
        %dma_start3A_1446 = tpu.memref_slice %arg14[%dma_start3A_1441, %dma_start3A_1445] : memref<40x1024xf32, #tpu.memory_space<vmem>> -> memref<1x1024xf32, #tpu.memory_space<vmem>>
        %dma_start3A_1447 = tpu.memref_squeeze %dma_start3A_1446 : memref<1x1024xf32, #tpu.memory_space<vmem>> -> memref<1024xf32, #tpu.memory_space<vmem>>
        tpu.enqueue_dma source(%dma_start3A_1447 : memref<1024xf32, #tpu.memory_space<vmem>>) target(%dma_start3A_1444 : memref<1024xf32, #tpu.memory_space<hbm>>) target_semaphore(%arg17 : memref<!tpu.dma_semaphore, #tpu.memory_space<semaphore_mem>>)
        %dma_wait3A_1448 = arith.constant 10 : i32
        %dma_wait3A_1449 = arith.constant 0 : i32
        %dma_wait3A_1450 = tpu.memref_slice %arg12[%get3A_1116, %dma_wait3A_1449] : memref<2048x1024xf32, #tpu.memory_space<hbm>> -> memref<1x1024xf32, #tpu.memory_space<hbm>>
        %dma_wait3A_1451 = tpu.memref_squeeze %dma_wait3A_1450 : memref<1x1024xf32, #tpu.memory_space<hbm>> -> memref<1024xf32, #tpu.memory_space<hbm>>
        %dma_wait3A_1452 = arith.constant 0 : i32
        %dma_wait3A_1453 = tpu.memref_slice %arg14[%dma_wait3A_1448, %dma_wait3A_1452] : memref<40x1024xf32, #tpu.memory_space<vmem>> -> memref<1x1024xf32, #tpu.memory_space<vmem>>
        %dma_wait3A_1454 = tpu.memref_squeeze %dma_wait3A_1453 : memref<1x1024xf32, #tpu.memory_space<vmem>> -> memref<1024xf32, #tpu.memory_space<vmem>>
        tpu.wait_dma2 semaphore(%arg17 : memref<!tpu.dma_semaphore, #tpu.memory_space<semaphore_mem>>) src(%dma_wait3A_1454 : memref<1024xf32, #tpu.memory_space<vmem>>) dst(%dma_wait3A_1451 : memref<1024xf32, #tpu.memory_space<hbm>>)
      } else {
      }
      %mul3A_1122 = arith.constant 40 : i32
      %mul3A_1123 = arith.muli %get3A_7, %mul3A_1122 : i32
      %add3A_1124 = arith.constant 11 : i32
      %add3A_1125 = arith.addi %mul3A_1123, %add3A_1124 : i32
      %get3A_1126 = arith.index_cast %add3A_1125 : i32 to index
      %get3A_1127 = memref.load %arg3[%get3A_1126] : memref<2560xi32, #tpu.memory_space<smem>>
      %lt3A_1128 = arith.constant 2048 : i32
      %lt3A_1129 = arith.cmpi slt, %get3A_1127, %lt3A_1128 : i32
      %convert_element_type3A_1130 = arith.extui %lt3A_1129 : i1 to i32
      %cond3A_1131 = arith.constant 0 : i32
      %cond3A_1132 = arith.cmpi ne, %convert_element_type3A_1130, %cond3A_1131 : i32
      scf.if %cond3A_1132 {
        %dma_start3A_1441 = arith.constant 11 : i32
        %dma_start3A_1442 = arith.constant 0 : i32
        %dma_start3A_1443 = tpu.memref_slice %arg12[%get3A_1127, %dma_start3A_1442] : memref<2048x1024xf32, #tpu.memory_space<hbm>> -> memref<1x1024xf32, #tpu.memory_space<hbm>>
        %dma_start3A_1444 = tpu.memref_squeeze %dma_start3A_1443 : memref<1x1024xf32, #tpu.memory_space<hbm>> -> memref<1024xf32, #tpu.memory_space<hbm>>
        %dma_start3A_1445 = arith.constant 0 : i32
        %dma_start3A_1446 = tpu.memref_slice %arg14[%dma_start3A_1441, %dma_start3A_1445] : memref<40x1024xf32, #tpu.memory_space<vmem>> -> memref<1x1024xf32, #tpu.memory_space<vmem>>
        %dma_start3A_1447 = tpu.memref_squeeze %dma_start3A_1446 : memref<1x1024xf32, #tpu.memory_space<vmem>> -> memref<1024xf32, #tpu.memory_space<vmem>>
        tpu.enqueue_dma source(%dma_start3A_1447 : memref<1024xf32, #tpu.memory_space<vmem>>) target(%dma_start3A_1444 : memref<1024xf32, #tpu.memory_space<hbm>>) target_semaphore(%arg17 : memref<!tpu.dma_semaphore, #tpu.memory_space<semaphore_mem>>)
        %dma_wait3A_1448 = arith.constant 11 : i32
        %dma_wait3A_1449 = arith.constant 0 : i32
        %dma_wait3A_1450 = tpu.memref_slice %arg12[%get3A_1127, %dma_wait3A_1449] : memref<2048x1024xf32, #tpu.memory_space<hbm>> -> memref<1x1024xf32, #tpu.memory_space<hbm>>
        %dma_wait3A_1451 = tpu.memref_squeeze %dma_wait3A_1450 : memref<1x1024xf32, #tpu.memory_space<hbm>> -> memref<1024xf32, #tpu.memory_space<hbm>>
        %dma_wait3A_1452 = arith.constant 0 : i32
        %dma_wait3A_1453 = tpu.memref_slice %arg14[%dma_wait3A_1448, %dma_wait3A_1452] : memref<40x1024xf32, #tpu.memory_space<vmem>> -> memref<1x1024xf32, #tpu.memory_space<vmem>>
        %dma_wait3A_1454 = tpu.memref_squeeze %dma_wait3A_1453 : memref<1x1024xf32, #tpu.memory_space<vmem>> -> memref<1024xf32, #tpu.memory_space<vmem>>
        tpu.wait_dma2 semaphore(%arg17 : memref<!tpu.dma_semaphore, #tpu.memory_space<semaphore_mem>>) src(%dma_wait3A_1454 : memref<1024xf32, #tpu.memory_space<vmem>>) dst(%dma_wait3A_1451 : memref<1024xf32, #tpu.memory_space<hbm>>)
      } else {
      }
      %mul3A_1133 = arith.constant 40 : i32
      %mul3A_1134 = arith.muli %get3A_7, %mul3A_1133 : i32
      %add3A_1135 = arith.constant 12 : i32
      %add3A_1136 = arith.addi %mul3A_1134, %add3A_1135 : i32
      %get3A_1137 = arith.index_cast %add3A_1136 : i32 to index
      %get3A_1138 = memref.load %arg3[%get3A_1137] : memref<2560xi32, #tpu.memory_space<smem>>
      %lt3A_1139 = arith.constant 2048 : i32
      %lt3A_1140 = arith.cmpi slt, %get3A_1138, %lt3A_1139 : i32
      %convert_element_type3A_1141 = arith.extui %lt3A_1140 : i1 to i32
      %cond3A_1142 = arith.constant 0 : i32
      %cond3A_1143 = arith.cmpi ne, %convert_element_type3A_1141, %cond3A_1142 : i32
      scf.if %cond3A_1143 {
        %dma_start3A_1441 = arith.constant 12 : i32
        %dma_start3A_1442 = arith.constant 0 : i32
        %dma_start3A_1443 = tpu.memref_slice %arg12[%get3A_1138, %dma_start3A_1442] : memref<2048x1024xf32, #tpu.memory_space<hbm>> -> memref<1x1024xf32, #tpu.memory_space<hbm>>
        %dma_start3A_1444 = tpu.memref_squeeze %dma_start3A_1443 : memref<1x1024xf32, #tpu.memory_space<hbm>> -> memref<1024xf32, #tpu.memory_space<hbm>>
        %dma_start3A_1445 = arith.constant 0 : i32
        %dma_start3A_1446 = tpu.memref_slice %arg14[%dma_start3A_1441, %dma_start3A_1445] : memref<40x1024xf32, #tpu.memory_space<vmem>> -> memref<1x1024xf32, #tpu.memory_space<vmem>>
        %dma_start3A_1447 = tpu.memref_squeeze %dma_start3A_1446 : memref<1x1024xf32, #tpu.memory_space<vmem>> -> memref<1024xf32, #tpu.memory_space<vmem>>
        tpu.enqueue_dma source(%dma_start3A_1447 : memref<1024xf32, #tpu.memory_space<vmem>>) target(%dma_start3A_1444 : memref<1024xf32, #tpu.memory_space<hbm>>) target_semaphore(%arg17 : memref<!tpu.dma_semaphore, #tpu.memory_space<semaphore_mem>>)
        %dma_wait3A_1448 = arith.constant 12 : i32
        %dma_wait3A_1449 = arith.constant 0 : i32
        %dma_wait3A_1450 = tpu.memref_slice %arg12[%get3A_1138, %dma_wait3A_1449] : memref<2048x1024xf32, #tpu.memory_space<hbm>> -> memref<1x1024xf32, #tpu.memory_space<hbm>>
        %dma_wait3A_1451 = tpu.memref_squeeze %dma_wait3A_1450 : memref<1x1024xf32, #tpu.memory_space<hbm>> -> memref<1024xf32, #tpu.memory_space<hbm>>
        %dma_wait3A_1452 = arith.constant 0 : i32
        %dma_wait3A_1453 = tpu.memref_slice %arg14[%dma_wait3A_1448, %dma_wait3A_1452] : memref<40x1024xf32, #tpu.memory_space<vmem>> -> memref<1x1024xf32, #tpu.memory_space<vmem>>
        %dma_wait3A_1454 = tpu.memref_squeeze %dma_wait3A_1453 : memref<1x1024xf32, #tpu.memory_space<vmem>> -> memref<1024xf32, #tpu.memory_space<vmem>>
        tpu.wait_dma2 semaphore(%arg17 : memref<!tpu.dma_semaphore, #tpu.memory_space<semaphore_mem>>) src(%dma_wait3A_1454 : memref<1024xf32, #tpu.memory_space<vmem>>) dst(%dma_wait3A_1451 : memref<1024xf32, #tpu.memory_space<hbm>>)
      } else {
      }
      %mul3A_1144 = arith.constant 40 : i32
      %mul3A_1145 = arith.muli %get3A_7, %mul3A_1144 : i32
      %add3A_1146 = arith.constant 13 : i32
      %add3A_1147 = arith.addi %mul3A_1145, %add3A_1146 : i32
      %get3A_1148 = arith.index_cast %add3A_1147 : i32 to index
      %get3A_1149 = memref.load %arg3[%get3A_1148] : memref<2560xi32, #tpu.memory_space<smem>>
      %lt3A_1150 = arith.constant 2048 : i32
      %lt3A_1151 = arith.cmpi slt, %get3A_1149, %lt3A_1150 : i32
      %convert_element_type3A_1152 = arith.extui %lt3A_1151 : i1 to i32
      %cond3A_1153 = arith.constant 0 : i32
      %cond3A_1154 = arith.cmpi ne, %convert_element_type3A_1152, %cond3A_1153 : i32
      scf.if %cond3A_1154 {
        %dma_start3A_1441 = arith.constant 13 : i32
        %dma_start3A_1442 = arith.constant 0 : i32
        %dma_start3A_1443 = tpu.memref_slice %arg12[%get3A_1149, %dma_start3A_1442] : memref<2048x1024xf32, #tpu.memory_space<hbm>> -> memref<1x1024xf32, #tpu.memory_space<hbm>>
        %dma_start3A_1444 = tpu.memref_squeeze %dma_start3A_1443 : memref<1x1024xf32, #tpu.memory_space<hbm>> -> memref<1024xf32, #tpu.memory_space<hbm>>
        %dma_start3A_1445 = arith.constant 0 : i32
        %dma_start3A_1446 = tpu.memref_slice %arg14[%dma_start3A_1441, %dma_start3A_1445] : memref<40x1024xf32, #tpu.memory_space<vmem>> -> memref<1x1024xf32, #tpu.memory_space<vmem>>
        %dma_start3A_1447 = tpu.memref_squeeze %dma_start3A_1446 : memref<1x1024xf32, #tpu.memory_space<vmem>> -> memref<1024xf32, #tpu.memory_space<vmem>>
        tpu.enqueue_dma source(%dma_start3A_1447 : memref<1024xf32, #tpu.memory_space<vmem>>) target(%dma_start3A_1444 : memref<1024xf32, #tpu.memory_space<hbm>>) target_semaphore(%arg17 : memref<!tpu.dma_semaphore, #tpu.memory_space<semaphore_mem>>)
        %dma_wait3A_1448 = arith.constant 13 : i32
        %dma_wait3A_1449 = arith.constant 0 : i32
        %dma_wait3A_1450 = tpu.memref_slice %arg12[%get3A_1149, %dma_wait3A_1449] : memref<2048x1024xf32, #tpu.memory_space<hbm>> -> memref<1x1024xf32, #tpu.memory_space<hbm>>
        %dma_wait3A_1451 = tpu.memref_squeeze %dma_wait3A_1450 : memref<1x1024xf32, #tpu.memory_space<hbm>> -> memref<1024xf32, #tpu.memory_space<hbm>>
        %dma_wait3A_1452 = arith.constant 0 : i32
        %dma_wait3A_1453 = tpu.memref_slice %arg14[%dma_wait3A_1448, %dma_wait3A_1452] : memref<40x1024xf32, #tpu.memory_space<vmem>> -> memref<1x1024xf32, #tpu.memory_space<vmem>>
        %dma_wait3A_1454 = tpu.memref_squeeze %dma_wait3A_1453 : memref<1x1024xf32, #tpu.memory_space<vmem>> -> memref<1024xf32, #tpu.memory_space<vmem>>
        tpu.wait_dma2 semaphore(%arg17 : memref<!tpu.dma_semaphore, #tpu.memory_space<semaphore_mem>>) src(%dma_wait3A_1454 : memref<1024xf32, #tpu.memory_space<vmem>>) dst(%dma_wait3A_1451 : memref<1024xf32, #tpu.memory_space<hbm>>)
      } else {
      }
      %mul3A_1155 = arith.constant 40 : i32
      %mul3A_1156 = arith.muli %get3A_7, %mul3A_1155 : i32
      %add3A_1157 = arith.constant 14 : i32
      %add3A_1158 = arith.addi %mul3A_1156, %add3A_1157 : i32
      %get3A_1159 = arith.index_cast %add3A_1158 : i32 to index
      %get3A_1160 = memref.load %arg3[%get3A_1159] : memref<2560xi32, #tpu.memory_space<smem>>
      %lt3A_1161 = arith.constant 2048 : i32
      %lt3A_1162 = arith.cmpi slt, %get3A_1160, %lt3A_1161 : i32
      %convert_element_type3A_1163 = arith.extui %lt3A_1162 : i1 to i32
      %cond3A_1164 = arith.constant 0 : i32
      %cond3A_1165 = arith.cmpi ne, %convert_element_type3A_1163, %cond3A_1164 : i32
      scf.if %cond3A_1165 {
        %dma_start3A_1441 = arith.constant 14 : i32
        %dma_start3A_1442 = arith.constant 0 : i32
        %dma_start3A_1443 = tpu.memref_slice %arg12[%get3A_1160, %dma_start3A_1442] : memref<2048x1024xf32, #tpu.memory_space<hbm>> -> memref<1x1024xf32, #tpu.memory_space<hbm>>
        %dma_start3A_1444 = tpu.memref_squeeze %dma_start3A_1443 : memref<1x1024xf32, #tpu.memory_space<hbm>> -> memref<1024xf32, #tpu.memory_space<hbm>>
        %dma_start3A_1445 = arith.constant 0 : i32
        %dma_start3A_1446 = tpu.memref_slice %arg14[%dma_start3A_1441, %dma_start3A_1445] : memref<40x1024xf32, #tpu.memory_space<vmem>> -> memref<1x1024xf32, #tpu.memory_space<vmem>>
        %dma_start3A_1447 = tpu.memref_squeeze %dma_start3A_1446 : memref<1x1024xf32, #tpu.memory_space<vmem>> -> memref<1024xf32, #tpu.memory_space<vmem>>
        tpu.enqueue_dma source(%dma_start3A_1447 : memref<1024xf32, #tpu.memory_space<vmem>>) target(%dma_start3A_1444 : memref<1024xf32, #tpu.memory_space<hbm>>) target_semaphore(%arg17 : memref<!tpu.dma_semaphore, #tpu.memory_space<semaphore_mem>>)
        %dma_wait3A_1448 = arith.constant 14 : i32
        %dma_wait3A_1449 = arith.constant 0 : i32
        %dma_wait3A_1450 = tpu.memref_slice %arg12[%get3A_1160, %dma_wait3A_1449] : memref<2048x1024xf32, #tpu.memory_space<hbm>> -> memref<1x1024xf32, #tpu.memory_space<hbm>>
        %dma_wait3A_1451 = tpu.memref_squeeze %dma_wait3A_1450 : memref<1x1024xf32, #tpu.memory_space<hbm>> -> memref<1024xf32, #tpu.memory_space<hbm>>
        %dma_wait3A_1452 = arith.constant 0 : i32
        %dma_wait3A_1453 = tpu.memref_slice %arg14[%dma_wait3A_1448, %dma_wait3A_1452] : memref<40x1024xf32, #tpu.memory_space<vmem>> -> memref<1x1024xf32, #tpu.memory_space<vmem>>
        %dma_wait3A_1454 = tpu.memref_squeeze %dma_wait3A_1453 : memref<1x1024xf32, #tpu.memory_space<vmem>> -> memref<1024xf32, #tpu.memory_space<vmem>>
        tpu.wait_dma2 semaphore(%arg17 : memref<!tpu.dma_semaphore, #tpu.memory_space<semaphore_mem>>) src(%dma_wait3A_1454 : memref<1024xf32, #tpu.memory_space<vmem>>) dst(%dma_wait3A_1451 : memref<1024xf32, #tpu.memory_space<hbm>>)
      } else {
      }
      %mul3A_1166 = arith.constant 40 : i32
      %mul3A_1167 = arith.muli %get3A_7, %mul3A_1166 : i32
      %add3A_1168 = arith.constant 15 : i32
      %add3A_1169 = arith.addi %mul3A_1167, %add3A_1168 : i32
      %get3A_1170 = arith.index_cast %add3A_1169 : i32 to index
      %get3A_1171 = memref.load %arg3[%get3A_1170] : memref<2560xi32, #tpu.memory_space<smem>>
      %lt3A_1172 = arith.constant 2048 : i32
      %lt3A_1173 = arith.cmpi slt, %get3A_1171, %lt3A_1172 : i32
      %convert_element_type3A_1174 = arith.extui %lt3A_1173 : i1 to i32
      %cond3A_1175 = arith.constant 0 : i32
      %cond3A_1176 = arith.cmpi ne, %convert_element_type3A_1174, %cond3A_1175 : i32
      scf.if %cond3A_1176 {
        %dma_start3A_1441 = arith.constant 15 : i32
        %dma_start3A_1442 = arith.constant 0 : i32
        %dma_start3A_1443 = tpu.memref_slice %arg12[%get3A_1171, %dma_start3A_1442] : memref<2048x1024xf32, #tpu.memory_space<hbm>> -> memref<1x1024xf32, #tpu.memory_space<hbm>>
        %dma_start3A_1444 = tpu.memref_squeeze %dma_start3A_1443 : memref<1x1024xf32, #tpu.memory_space<hbm>> -> memref<1024xf32, #tpu.memory_space<hbm>>
        %dma_start3A_1445 = arith.constant 0 : i32
        %dma_start3A_1446 = tpu.memref_slice %arg14[%dma_start3A_1441, %dma_start3A_1445] : memref<40x1024xf32, #tpu.memory_space<vmem>> -> memref<1x1024xf32, #tpu.memory_space<vmem>>
        %dma_start3A_1447 = tpu.memref_squeeze %dma_start3A_1446 : memref<1x1024xf32, #tpu.memory_space<vmem>> -> memref<1024xf32, #tpu.memory_space<vmem>>
        tpu.enqueue_dma source(%dma_start3A_1447 : memref<1024xf32, #tpu.memory_space<vmem>>) target(%dma_start3A_1444 : memref<1024xf32, #tpu.memory_space<hbm>>) target_semaphore(%arg17 : memref<!tpu.dma_semaphore, #tpu.memory_space<semaphore_mem>>)
        %dma_wait3A_1448 = arith.constant 15 : i32
        %dma_wait3A_1449 = arith.constant 0 : i32
        %dma_wait3A_1450 = tpu.memref_slice %arg12[%get3A_1171, %dma_wait3A_1449] : memref<2048x1024xf32, #tpu.memory_space<hbm>> -> memref<1x1024xf32, #tpu.memory_space<hbm>>
        %dma_wait3A_1451 = tpu.memref_squeeze %dma_wait3A_1450 : memref<1x1024xf32, #tpu.memory_space<hbm>> -> memref<1024xf32, #tpu.memory_space<hbm>>
        %dma_wait3A_1452 = arith.constant 0 : i32
        %dma_wait3A_1453 = tpu.memref_slice %arg14[%dma_wait3A_1448, %dma_wait3A_1452] : memref<40x1024xf32, #tpu.memory_space<vmem>> -> memref<1x1024xf32, #tpu.memory_space<vmem>>
        %dma_wait3A_1454 = tpu.memref_squeeze %dma_wait3A_1453 : memref<1x1024xf32, #tpu.memory_space<vmem>> -> memref<1024xf32, #tpu.memory_space<vmem>>
        tpu.wait_dma2 semaphore(%arg17 : memref<!tpu.dma_semaphore, #tpu.memory_space<semaphore_mem>>) src(%dma_wait3A_1454 : memref<1024xf32, #tpu.memory_space<vmem>>) dst(%dma_wait3A_1451 : memref<1024xf32, #tpu.memory_space<hbm>>)
      } else {
      }
      %mul3A_1177 = arith.constant 40 : i32
      %mul3A_1178 = arith.muli %get3A_7, %mul3A_1177 : i32
      %add3A_1179 = arith.constant 16 : i32
      %add3A_1180 = arith.addi %mul3A_1178, %add3A_1179 : i32
      %get3A_1181 = arith.index_cast %add3A_1180 : i32 to index
      %get3A_1182 = memref.load %arg3[%get3A_1181] : memref<2560xi32, #tpu.memory_space<smem>>
      %lt3A_1183 = arith.constant 2048 : i32
      %lt3A_1184 = arith.cmpi slt, %get3A_1182, %lt3A_1183 : i32
      %convert_element_type3A_1185 = arith.extui %lt3A_1184 : i1 to i32
      %cond3A_1186 = arith.constant 0 : i32
      %cond3A_1187 = arith.cmpi ne, %convert_element_type3A_1185, %cond3A_1186 : i32
      scf.if %cond3A_1187 {
        %dma_start3A_1441 = arith.constant 16 : i32
        %dma_start3A_1442 = arith.constant 0 : i32
        %dma_start3A_1443 = tpu.memref_slice %arg12[%get3A_1182, %dma_start3A_1442] : memref<2048x1024xf32, #tpu.memory_space<hbm>> -> memref<1x1024xf32, #tpu.memory_space<hbm>>
        %dma_start3A_1444 = tpu.memref_squeeze %dma_start3A_1443 : memref<1x1024xf32, #tpu.memory_space<hbm>> -> memref<1024xf32, #tpu.memory_space<hbm>>
        %dma_start3A_1445 = arith.constant 0 : i32
        %dma_start3A_1446 = tpu.memref_slice %arg14[%dma_start3A_1441, %dma_start3A_1445] : memref<40x1024xf32, #tpu.memory_space<vmem>> -> memref<1x1024xf32, #tpu.memory_space<vmem>>
        %dma_start3A_1447 = tpu.memref_squeeze %dma_start3A_1446 : memref<1x1024xf32, #tpu.memory_space<vmem>> -> memref<1024xf32, #tpu.memory_space<vmem>>
        tpu.enqueue_dma source(%dma_start3A_1447 : memref<1024xf32, #tpu.memory_space<vmem>>) target(%dma_start3A_1444 : memref<1024xf32, #tpu.memory_space<hbm>>) target_semaphore(%arg17 : memref<!tpu.dma_semaphore, #tpu.memory_space<semaphore_mem>>)
        %dma_wait3A_1448 = arith.constant 16 : i32
        %dma_wait3A_1449 = arith.constant 0 : i32
        %dma_wait3A_1450 = tpu.memref_slice %arg12[%get3A_1182, %dma_wait3A_1449] : memref<2048x1024xf32, #tpu.memory_space<hbm>> -> memref<1x1024xf32, #tpu.memory_space<hbm>>
        %dma_wait3A_1451 = tpu.memref_squeeze %dma_wait3A_1450 : memref<1x1024xf32, #tpu.memory_space<hbm>> -> memref<1024xf32, #tpu.memory_space<hbm>>
        %dma_wait3A_1452 = arith.constant 0 : i32
        %dma_wait3A_1453 = tpu.memref_slice %arg14[%dma_wait3A_1448, %dma_wait3A_1452] : memref<40x1024xf32, #tpu.memory_space<vmem>> -> memref<1x1024xf32, #tpu.memory_space<vmem>>
        %dma_wait3A_1454 = tpu.memref_squeeze %dma_wait3A_1453 : memref<1x1024xf32, #tpu.memory_space<vmem>> -> memref<1024xf32, #tpu.memory_space<vmem>>
        tpu.wait_dma2 semaphore(%arg17 : memref<!tpu.dma_semaphore, #tpu.memory_space<semaphore_mem>>) src(%dma_wait3A_1454 : memref<1024xf32, #tpu.memory_space<vmem>>) dst(%dma_wait3A_1451 : memref<1024xf32, #tpu.memory_space<hbm>>)
      } else {
      }
      %mul3A_1188 = arith.constant 40 : i32
      %mul3A_1189 = arith.muli %get3A_7, %mul3A_1188 : i32
      %add3A_1190 = arith.constant 17 : i32
      %add3A_1191 = arith.addi %mul3A_1189, %add3A_1190 : i32
      %get3A_1192 = arith.index_cast %add3A_1191 : i32 to index
      %get3A_1193 = memref.load %arg3[%get3A_1192] : memref<2560xi32, #tpu.memory_space<smem>>
      %lt3A_1194 = arith.constant 2048 : i32
      %lt3A_1195 = arith.cmpi slt, %get3A_1193, %lt3A_1194 : i32
      %convert_element_type3A_1196 = arith.extui %lt3A_1195 : i1 to i32
      %cond3A_1197 = arith.constant 0 : i32
      %cond3A_1198 = arith.cmpi ne, %convert_element_type3A_1196, %cond3A_1197 : i32
      scf.if %cond3A_1198 {
        %dma_start3A_1441 = arith.constant 17 : i32
        %dma_start3A_1442 = arith.constant 0 : i32
        %dma_start3A_1443 = tpu.memref_slice %arg12[%get3A_1193, %dma_start3A_1442] : memref<2048x1024xf32, #tpu.memory_space<hbm>> -> memref<1x1024xf32, #tpu.memory_space<hbm>>
        %dma_start3A_1444 = tpu.memref_squeeze %dma_start3A_1443 : memref<1x1024xf32, #tpu.memory_space<hbm>> -> memref<1024xf32, #tpu.memory_space<hbm>>
        %dma_start3A_1445 = arith.constant 0 : i32
        %dma_start3A_1446 = tpu.memref_slice %arg14[%dma_start3A_1441, %dma_start3A_1445] : memref<40x1024xf32, #tpu.memory_space<vmem>> -> memref<1x1024xf32, #tpu.memory_space<vmem>>
        %dma_start3A_1447 = tpu.memref_squeeze %dma_start3A_1446 : memref<1x1024xf32, #tpu.memory_space<vmem>> -> memref<1024xf32, #tpu.memory_space<vmem>>
        tpu.enqueue_dma source(%dma_start3A_1447 : memref<1024xf32, #tpu.memory_space<vmem>>) target(%dma_start3A_1444 : memref<1024xf32, #tpu.memory_space<hbm>>) target_semaphore(%arg17 : memref<!tpu.dma_semaphore, #tpu.memory_space<semaphore_mem>>)
        %dma_wait3A_1448 = arith.constant 17 : i32
        %dma_wait3A_1449 = arith.constant 0 : i32
        %dma_wait3A_1450 = tpu.memref_slice %arg12[%get3A_1193, %dma_wait3A_1449] : memref<2048x1024xf32, #tpu.memory_space<hbm>> -> memref<1x1024xf32, #tpu.memory_space<hbm>>
        %dma_wait3A_1451 = tpu.memref_squeeze %dma_wait3A_1450 : memref<1x1024xf32, #tpu.memory_space<hbm>> -> memref<1024xf32, #tpu.memory_space<hbm>>
        %dma_wait3A_1452 = arith.constant 0 : i32
        %dma_wait3A_1453 = tpu.memref_slice %arg14[%dma_wait3A_1448, %dma_wait3A_1452] : memref<40x1024xf32, #tpu.memory_space<vmem>> -> memref<1x1024xf32, #tpu.memory_space<vmem>>
        %dma_wait3A_1454 = tpu.memref_squeeze %dma_wait3A_1453 : memref<1x1024xf32, #tpu.memory_space<vmem>> -> memref<1024xf32, #tpu.memory_space<vmem>>
        tpu.wait_dma2 semaphore(%arg17 : memref<!tpu.dma_semaphore, #tpu.memory_space<semaphore_mem>>) src(%dma_wait3A_1454 : memref<1024xf32, #tpu.memory_space<vmem>>) dst(%dma_wait3A_1451 : memref<1024xf32, #tpu.memory_space<hbm>>)
      } else {
      }
      %mul3A_1199 = arith.constant 40 : i32
      %mul3A_1200 = arith.muli %get3A_7, %mul3A_1199 : i32
      %add3A_1201 = arith.constant 18 : i32
      %add3A_1202 = arith.addi %mul3A_1200, %add3A_1201 : i32
      %get3A_1203 = arith.index_cast %add3A_1202 : i32 to index
      %get3A_1204 = memref.load %arg3[%get3A_1203] : memref<2560xi32, #tpu.memory_space<smem>>
      %lt3A_1205 = arith.constant 2048 : i32
      %lt3A_1206 = arith.cmpi slt, %get3A_1204, %lt3A_1205 : i32
      %convert_element_type3A_1207 = arith.extui %lt3A_1206 : i1 to i32
      %cond3A_1208 = arith.constant 0 : i32
      %cond3A_1209 = arith.cmpi ne, %convert_element_type3A_1207, %cond3A_1208 : i32
      scf.if %cond3A_1209 {
        %dma_start3A_1441 = arith.constant 18 : i32
        %dma_start3A_1442 = arith.constant 0 : i32
        %dma_start3A_1443 = tpu.memref_slice %arg12[%get3A_1204, %dma_start3A_1442] : memref<2048x1024xf32, #tpu.memory_space<hbm>> -> memref<1x1024xf32, #tpu.memory_space<hbm>>
        %dma_start3A_1444 = tpu.memref_squeeze %dma_start3A_1443 : memref<1x1024xf32, #tpu.memory_space<hbm>> -> memref<1024xf32, #tpu.memory_space<hbm>>
        %dma_start3A_1445 = arith.constant 0 : i32
        %dma_start3A_1446 = tpu.memref_slice %arg14[%dma_start3A_1441, %dma_start3A_1445] : memref<40x1024xf32, #tpu.memory_space<vmem>> -> memref<1x1024xf32, #tpu.memory_space<vmem>>
        %dma_start3A_1447 = tpu.memref_squeeze %dma_start3A_1446 : memref<1x1024xf32, #tpu.memory_space<vmem>> -> memref<1024xf32, #tpu.memory_space<vmem>>
        tpu.enqueue_dma source(%dma_start3A_1447 : memref<1024xf32, #tpu.memory_space<vmem>>) target(%dma_start3A_1444 : memref<1024xf32, #tpu.memory_space<hbm>>) target_semaphore(%arg17 : memref<!tpu.dma_semaphore, #tpu.memory_space<semaphore_mem>>)
        %dma_wait3A_1448 = arith.constant 18 : i32
        %dma_wait3A_1449 = arith.constant 0 : i32
        %dma_wait3A_1450 = tpu.memref_slice %arg12[%get3A_1204, %dma_wait3A_1449] : memref<2048x1024xf32, #tpu.memory_space<hbm>> -> memref<1x1024xf32, #tpu.memory_space<hbm>>
        %dma_wait3A_1451 = tpu.memref_squeeze %dma_wait3A_1450 : memref<1x1024xf32, #tpu.memory_space<hbm>> -> memref<1024xf32, #tpu.memory_space<hbm>>
        %dma_wait3A_1452 = arith.constant 0 : i32
        %dma_wait3A_1453 = tpu.memref_slice %arg14[%dma_wait3A_1448, %dma_wait3A_1452] : memref<40x1024xf32, #tpu.memory_space<vmem>> -> memref<1x1024xf32, #tpu.memory_space<vmem>>
        %dma_wait3A_1454 = tpu.memref_squeeze %dma_wait3A_1453 : memref<1x1024xf32, #tpu.memory_space<vmem>> -> memref<1024xf32, #tpu.memory_space<vmem>>
        tpu.wait_dma2 semaphore(%arg17 : memref<!tpu.dma_semaphore, #tpu.memory_space<semaphore_mem>>) src(%dma_wait3A_1454 : memref<1024xf32, #tpu.memory_space<vmem>>) dst(%dma_wait3A_1451 : memref<1024xf32, #tpu.memory_space<hbm>>)
      } else {
      }
      %mul3A_1210 = arith.constant 40 : i32
      %mul3A_1211 = arith.muli %get3A_7, %mul3A_1210 : i32
      %add3A_1212 = arith.constant 19 : i32
      %add3A_1213 = arith.addi %mul3A_1211, %add3A_1212 : i32
      %get3A_1214 = arith.index_cast %add3A_1213 : i32 to index
      %get3A_1215 = memref.load %arg3[%get3A_1214] : memref<2560xi32, #tpu.memory_space<smem>>
      %lt3A_1216 = arith.constant 2048 : i32
      %lt3A_1217 = arith.cmpi slt, %get3A_1215, %lt3A_1216 : i32
      %convert_element_type3A_1218 = arith.extui %lt3A_1217 : i1 to i32
      %cond3A_1219 = arith.constant 0 : i32
      %cond3A_1220 = arith.cmpi ne, %convert_element_type3A_1218, %cond3A_1219 : i32
      scf.if %cond3A_1220 {
        %dma_start3A_1441 = arith.constant 19 : i32
        %dma_start3A_1442 = arith.constant 0 : i32
        %dma_start3A_1443 = tpu.memref_slice %arg12[%get3A_1215, %dma_start3A_1442] : memref<2048x1024xf32, #tpu.memory_space<hbm>> -> memref<1x1024xf32, #tpu.memory_space<hbm>>
        %dma_start3A_1444 = tpu.memref_squeeze %dma_start3A_1443 : memref<1x1024xf32, #tpu.memory_space<hbm>> -> memref<1024xf32, #tpu.memory_space<hbm>>
        %dma_start3A_1445 = arith.constant 0 : i32
        %dma_start3A_1446 = tpu.memref_slice %arg14[%dma_start3A_1441, %dma_start3A_1445] : memref<40x1024xf32, #tpu.memory_space<vmem>> -> memref<1x1024xf32, #tpu.memory_space<vmem>>
        %dma_start3A_1447 = tpu.memref_squeeze %dma_start3A_1446 : memref<1x1024xf32, #tpu.memory_space<vmem>> -> memref<1024xf32, #tpu.memory_space<vmem>>
        tpu.enqueue_dma source(%dma_start3A_1447 : memref<1024xf32, #tpu.memory_space<vmem>>) target(%dma_start3A_1444 : memref<1024xf32, #tpu.memory_space<hbm>>) target_semaphore(%arg17 : memref<!tpu.dma_semaphore, #tpu.memory_space<semaphore_mem>>)
        %dma_wait3A_1448 = arith.constant 19 : i32
        %dma_wait3A_1449 = arith.constant 0 : i32
        %dma_wait3A_1450 = tpu.memref_slice %arg12[%get3A_1215, %dma_wait3A_1449] : memref<2048x1024xf32, #tpu.memory_space<hbm>> -> memref<1x1024xf32, #tpu.memory_space<hbm>>
        %dma_wait3A_1451 = tpu.memref_squeeze %dma_wait3A_1450 : memref<1x1024xf32, #tpu.memory_space<hbm>> -> memref<1024xf32, #tpu.memory_space<hbm>>
        %dma_wait3A_1452 = arith.constant 0 : i32
        %dma_wait3A_1453 = tpu.memref_slice %arg14[%dma_wait3A_1448, %dma_wait3A_1452] : memref<40x1024xf32, #tpu.memory_space<vmem>> -> memref<1x1024xf32, #tpu.memory_space<vmem>>
        %dma_wait3A_1454 = tpu.memref_squeeze %dma_wait3A_1453 : memref<1x1024xf32, #tpu.memory_space<vmem>> -> memref<1024xf32, #tpu.memory_space<vmem>>
        tpu.wait_dma2 semaphore(%arg17 : memref<!tpu.dma_semaphore, #tpu.memory_space<semaphore_mem>>) src(%dma_wait3A_1454 : memref<1024xf32, #tpu.memory_space<vmem>>) dst(%dma_wait3A_1451 : memref<1024xf32, #tpu.memory_space<hbm>>)
      } else {
      }
      %mul3A_1221 = arith.constant 40 : i32
      %mul3A_1222 = arith.muli %get3A_7, %mul3A_1221 : i32
      %add3A_1223 = arith.constant 20 : i32
      %add3A_1224 = arith.addi %mul3A_1222, %add3A_1223 : i32
      %get3A_1225 = arith.index_cast %add3A_1224 : i32 to index
      %get3A_1226 = memref.load %arg3[%get3A_1225] : memref<2560xi32, #tpu.memory_space<smem>>
      %lt3A_1227 = arith.constant 2048 : i32
      %lt3A_1228 = arith.cmpi slt, %get3A_1226, %lt3A_1227 : i32
      %convert_element_type3A_1229 = arith.extui %lt3A_1228 : i1 to i32
      %cond3A_1230 = arith.constant 0 : i32
      %cond3A_1231 = arith.cmpi ne, %convert_element_type3A_1229, %cond3A_1230 : i32
      scf.if %cond3A_1231 {
        %dma_start3A_1441 = arith.constant 20 : i32
        %dma_start3A_1442 = arith.constant 0 : i32
        %dma_start3A_1443 = tpu.memref_slice %arg12[%get3A_1226, %dma_start3A_1442] : memref<2048x1024xf32, #tpu.memory_space<hbm>> -> memref<1x1024xf32, #tpu.memory_space<hbm>>
        %dma_start3A_1444 = tpu.memref_squeeze %dma_start3A_1443 : memref<1x1024xf32, #tpu.memory_space<hbm>> -> memref<1024xf32, #tpu.memory_space<hbm>>
        %dma_start3A_1445 = arith.constant 0 : i32
        %dma_start3A_1446 = tpu.memref_slice %arg14[%dma_start3A_1441, %dma_start3A_1445] : memref<40x1024xf32, #tpu.memory_space<vmem>> -> memref<1x1024xf32, #tpu.memory_space<vmem>>
        %dma_start3A_1447 = tpu.memref_squeeze %dma_start3A_1446 : memref<1x1024xf32, #tpu.memory_space<vmem>> -> memref<1024xf32, #tpu.memory_space<vmem>>
        tpu.enqueue_dma source(%dma_start3A_1447 : memref<1024xf32, #tpu.memory_space<vmem>>) target(%dma_start3A_1444 : memref<1024xf32, #tpu.memory_space<hbm>>) target_semaphore(%arg17 : memref<!tpu.dma_semaphore, #tpu.memory_space<semaphore_mem>>)
        %dma_wait3A_1448 = arith.constant 20 : i32
        %dma_wait3A_1449 = arith.constant 0 : i32
        %dma_wait3A_1450 = tpu.memref_slice %arg12[%get3A_1226, %dma_wait3A_1449] : memref<2048x1024xf32, #tpu.memory_space<hbm>> -> memref<1x1024xf32, #tpu.memory_space<hbm>>
        %dma_wait3A_1451 = tpu.memref_squeeze %dma_wait3A_1450 : memref<1x1024xf32, #tpu.memory_space<hbm>> -> memref<1024xf32, #tpu.memory_space<hbm>>
        %dma_wait3A_1452 = arith.constant 0 : i32
        %dma_wait3A_1453 = tpu.memref_slice %arg14[%dma_wait3A_1448, %dma_wait3A_1452] : memref<40x1024xf32, #tpu.memory_space<vmem>> -> memref<1x1024xf32, #tpu.memory_space<vmem>>
        %dma_wait3A_1454 = tpu.memref_squeeze %dma_wait3A_1453 : memref<1x1024xf32, #tpu.memory_space<vmem>> -> memref<1024xf32, #tpu.memory_space<vmem>>
        tpu.wait_dma2 semaphore(%arg17 : memref<!tpu.dma_semaphore, #tpu.memory_space<semaphore_mem>>) src(%dma_wait3A_1454 : memref<1024xf32, #tpu.memory_space<vmem>>) dst(%dma_wait3A_1451 : memref<1024xf32, #tpu.memory_space<hbm>>)
      } else {
      }
      %mul3A_1232 = arith.constant 40 : i32
      %mul3A_1233 = arith.muli %get3A_7, %mul3A_1232 : i32
      %add3A_1234 = arith.constant 21 : i32
      %add3A_1235 = arith.addi %mul3A_1233, %add3A_1234 : i32
      %get3A_1236 = arith.index_cast %add3A_1235 : i32 to index
      %get3A_1237 = memref.load %arg3[%get3A_1236] : memref<2560xi32, #tpu.memory_space<smem>>
      %lt3A_1238 = arith.constant 2048 : i32
      %lt3A_1239 = arith.cmpi slt, %get3A_1237, %lt3A_1238 : i32
      %convert_element_type3A_1240 = arith.extui %lt3A_1239 : i1 to i32
      %cond3A_1241 = arith.constant 0 : i32
      %cond3A_1242 = arith.cmpi ne, %convert_element_type3A_1240, %cond3A_1241 : i32
      scf.if %cond3A_1242 {
        %dma_start3A_1441 = arith.constant 21 : i32
        %dma_start3A_1442 = arith.constant 0 : i32
        %dma_start3A_1443 = tpu.memref_slice %arg12[%get3A_1237, %dma_start3A_1442] : memref<2048x1024xf32, #tpu.memory_space<hbm>> -> memref<1x1024xf32, #tpu.memory_space<hbm>>
        %dma_start3A_1444 = tpu.memref_squeeze %dma_start3A_1443 : memref<1x1024xf32, #tpu.memory_space<hbm>> -> memref<1024xf32, #tpu.memory_space<hbm>>
        %dma_start3A_1445 = arith.constant 0 : i32
        %dma_start3A_1446 = tpu.memref_slice %arg14[%dma_start3A_1441, %dma_start3A_1445] : memref<40x1024xf32, #tpu.memory_space<vmem>> -> memref<1x1024xf32, #tpu.memory_space<vmem>>
        %dma_start3A_1447 = tpu.memref_squeeze %dma_start3A_1446 : memref<1x1024xf32, #tpu.memory_space<vmem>> -> memref<1024xf32, #tpu.memory_space<vmem>>
        tpu.enqueue_dma source(%dma_start3A_1447 : memref<1024xf32, #tpu.memory_space<vmem>>) target(%dma_start3A_1444 : memref<1024xf32, #tpu.memory_space<hbm>>) target_semaphore(%arg17 : memref<!tpu.dma_semaphore, #tpu.memory_space<semaphore_mem>>)
        %dma_wait3A_1448 = arith.constant 21 : i32
        %dma_wait3A_1449 = arith.constant 0 : i32
        %dma_wait3A_1450 = tpu.memref_slice %arg12[%get3A_1237, %dma_wait3A_1449] : memref<2048x1024xf32, #tpu.memory_space<hbm>> -> memref<1x1024xf32, #tpu.memory_space<hbm>>
        %dma_wait3A_1451 = tpu.memref_squeeze %dma_wait3A_1450 : memref<1x1024xf32, #tpu.memory_space<hbm>> -> memref<1024xf32, #tpu.memory_space<hbm>>
        %dma_wait3A_1452 = arith.constant 0 : i32
        %dma_wait3A_1453 = tpu.memref_slice %arg14[%dma_wait3A_1448, %dma_wait3A_1452] : memref<40x1024xf32, #tpu.memory_space<vmem>> -> memref<1x1024xf32, #tpu.memory_space<vmem>>
        %dma_wait3A_1454 = tpu.memref_squeeze %dma_wait3A_1453 : memref<1x1024xf32, #tpu.memory_space<vmem>> -> memref<1024xf32, #tpu.memory_space<vmem>>
        tpu.wait_dma2 semaphore(%arg17 : memref<!tpu.dma_semaphore, #tpu.memory_space<semaphore_mem>>) src(%dma_wait3A_1454 : memref<1024xf32, #tpu.memory_space<vmem>>) dst(%dma_wait3A_1451 : memref<1024xf32, #tpu.memory_space<hbm>>)
      } else {
      }
      %mul3A_1243 = arith.constant 40 : i32
      %mul3A_1244 = arith.muli %get3A_7, %mul3A_1243 : i32
      %add3A_1245 = arith.constant 22 : i32
      %add3A_1246 = arith.addi %mul3A_1244, %add3A_1245 : i32
      %get3A_1247 = arith.index_cast %add3A_1246 : i32 to index
      %get3A_1248 = memref.load %arg3[%get3A_1247] : memref<2560xi32, #tpu.memory_space<smem>>
      %lt3A_1249 = arith.constant 2048 : i32
      %lt3A_1250 = arith.cmpi slt, %get3A_1248, %lt3A_1249 : i32
      %convert_element_type3A_1251 = arith.extui %lt3A_1250 : i1 to i32
      %cond3A_1252 = arith.constant 0 : i32
      %cond3A_1253 = arith.cmpi ne, %convert_element_type3A_1251, %cond3A_1252 : i32
      scf.if %cond3A_1253 {
        %dma_start3A_1441 = arith.constant 22 : i32
        %dma_start3A_1442 = arith.constant 0 : i32
        %dma_start3A_1443 = tpu.memref_slice %arg12[%get3A_1248, %dma_start3A_1442] : memref<2048x1024xf32, #tpu.memory_space<hbm>> -> memref<1x1024xf32, #tpu.memory_space<hbm>>
        %dma_start3A_1444 = tpu.memref_squeeze %dma_start3A_1443 : memref<1x1024xf32, #tpu.memory_space<hbm>> -> memref<1024xf32, #tpu.memory_space<hbm>>
        %dma_start3A_1445 = arith.constant 0 : i32
        %dma_start3A_1446 = tpu.memref_slice %arg14[%dma_start3A_1441, %dma_start3A_1445] : memref<40x1024xf32, #tpu.memory_space<vmem>> -> memref<1x1024xf32, #tpu.memory_space<vmem>>
        %dma_start3A_1447 = tpu.memref_squeeze %dma_start3A_1446 : memref<1x1024xf32, #tpu.memory_space<vmem>> -> memref<1024xf32, #tpu.memory_space<vmem>>
        tpu.enqueue_dma source(%dma_start3A_1447 : memref<1024xf32, #tpu.memory_space<vmem>>) target(%dma_start3A_1444 : memref<1024xf32, #tpu.memory_space<hbm>>) target_semaphore(%arg17 : memref<!tpu.dma_semaphore, #tpu.memory_space<semaphore_mem>>)
        %dma_wait3A_1448 = arith.constant 22 : i32
        %dma_wait3A_1449 = arith.constant 0 : i32
        %dma_wait3A_1450 = tpu.memref_slice %arg12[%get3A_1248, %dma_wait3A_1449] : memref<2048x1024xf32, #tpu.memory_space<hbm>> -> memref<1x1024xf32, #tpu.memory_space<hbm>>
        %dma_wait3A_1451 = tpu.memref_squeeze %dma_wait3A_1450 : memref<1x1024xf32, #tpu.memory_space<hbm>> -> memref<1024xf32, #tpu.memory_space<hbm>>
        %dma_wait3A_1452 = arith.constant 0 : i32
        %dma_wait3A_1453 = tpu.memref_slice %arg14[%dma_wait3A_1448, %dma_wait3A_1452] : memref<40x1024xf32, #tpu.memory_space<vmem>> -> memref<1x1024xf32, #tpu.memory_space<vmem>>
        %dma_wait3A_1454 = tpu.memref_squeeze %dma_wait3A_1453 : memref<1x1024xf32, #tpu.memory_space<vmem>> -> memref<1024xf32, #tpu.memory_space<vmem>>
        tpu.wait_dma2 semaphore(%arg17 : memref<!tpu.dma_semaphore, #tpu.memory_space<semaphore_mem>>) src(%dma_wait3A_1454 : memref<1024xf32, #tpu.memory_space<vmem>>) dst(%dma_wait3A_1451 : memref<1024xf32, #tpu.memory_space<hbm>>)
      } else {
      }
      %mul3A_1254 = arith.constant 40 : i32
      %mul3A_1255 = arith.muli %get3A_7, %mul3A_1254 : i32
      %add3A_1256 = arith.constant 23 : i32
      %add3A_1257 = arith.addi %mul3A_1255, %add3A_1256 : i32
      %get3A_1258 = arith.index_cast %add3A_1257 : i32 to index
      %get3A_1259 = memref.load %arg3[%get3A_1258] : memref<2560xi32, #tpu.memory_space<smem>>
      %lt3A_1260 = arith.constant 2048 : i32
      %lt3A_1261 = arith.cmpi slt, %get3A_1259, %lt3A_1260 : i32
      %convert_element_type3A_1262 = arith.extui %lt3A_1261 : i1 to i32
      %cond3A_1263 = arith.constant 0 : i32
      %cond3A_1264 = arith.cmpi ne, %convert_element_type3A_1262, %cond3A_1263 : i32
      scf.if %cond3A_1264 {
        %dma_start3A_1441 = arith.constant 23 : i32
        %dma_start3A_1442 = arith.constant 0 : i32
        %dma_start3A_1443 = tpu.memref_slice %arg12[%get3A_1259, %dma_start3A_1442] : memref<2048x1024xf32, #tpu.memory_space<hbm>> -> memref<1x1024xf32, #tpu.memory_space<hbm>>
        %dma_start3A_1444 = tpu.memref_squeeze %dma_start3A_1443 : memref<1x1024xf32, #tpu.memory_space<hbm>> -> memref<1024xf32, #tpu.memory_space<hbm>>
        %dma_start3A_1445 = arith.constant 0 : i32
        %dma_start3A_1446 = tpu.memref_slice %arg14[%dma_start3A_1441, %dma_start3A_1445] : memref<40x1024xf32, #tpu.memory_space<vmem>> -> memref<1x1024xf32, #tpu.memory_space<vmem>>
        %dma_start3A_1447 = tpu.memref_squeeze %dma_start3A_1446 : memref<1x1024xf32, #tpu.memory_space<vmem>> -> memref<1024xf32, #tpu.memory_space<vmem>>
        tpu.enqueue_dma source(%dma_start3A_1447 : memref<1024xf32, #tpu.memory_space<vmem>>) target(%dma_start3A_1444 : memref<1024xf32, #tpu.memory_space<hbm>>) target_semaphore(%arg17 : memref<!tpu.dma_semaphore, #tpu.memory_space<semaphore_mem>>)
        %dma_wait3A_1448 = arith.constant 23 : i32
        %dma_wait3A_1449 = arith.constant 0 : i32
        %dma_wait3A_1450 = tpu.memref_slice %arg12[%get3A_1259, %dma_wait3A_1449] : memref<2048x1024xf32, #tpu.memory_space<hbm>> -> memref<1x1024xf32, #tpu.memory_space<hbm>>
        %dma_wait3A_1451 = tpu.memref_squeeze %dma_wait3A_1450 : memref<1x1024xf32, #tpu.memory_space<hbm>> -> memref<1024xf32, #tpu.memory_space<hbm>>
        %dma_wait3A_1452 = arith.constant 0 : i32
        %dma_wait3A_1453 = tpu.memref_slice %arg14[%dma_wait3A_1448, %dma_wait3A_1452] : memref<40x1024xf32, #tpu.memory_space<vmem>> -> memref<1x1024xf32, #tpu.memory_space<vmem>>
        %dma_wait3A_1454 = tpu.memref_squeeze %dma_wait3A_1453 : memref<1x1024xf32, #tpu.memory_space<vmem>> -> memref<1024xf32, #tpu.memory_space<vmem>>
        tpu.wait_dma2 semaphore(%arg17 : memref<!tpu.dma_semaphore, #tpu.memory_space<semaphore_mem>>) src(%dma_wait3A_1454 : memref<1024xf32, #tpu.memory_space<vmem>>) dst(%dma_wait3A_1451 : memref<1024xf32, #tpu.memory_space<hbm>>)
      } else {
      }
      %mul3A_1265 = arith.constant 40 : i32
      %mul3A_1266 = arith.muli %get3A_7, %mul3A_1265 : i32
      %add3A_1267 = arith.constant 24 : i32
      %add3A_1268 = arith.addi %mul3A_1266, %add3A_1267 : i32
      %get3A_1269 = arith.index_cast %add3A_1268 : i32 to index
      %get3A_1270 = memref.load %arg3[%get3A_1269] : memref<2560xi32, #tpu.memory_space<smem>>
      %lt3A_1271 = arith.constant 2048 : i32
      %lt3A_1272 = arith.cmpi slt, %get3A_1270, %lt3A_1271 : i32
      %convert_element_type3A_1273 = arith.extui %lt3A_1272 : i1 to i32
      %cond3A_1274 = arith.constant 0 : i32
      %cond3A_1275 = arith.cmpi ne, %convert_element_type3A_1273, %cond3A_1274 : i32
      scf.if %cond3A_1275 {
        %dma_start3A_1441 = arith.constant 24 : i32
        %dma_start3A_1442 = arith.constant 0 : i32
        %dma_start3A_1443 = tpu.memref_slice %arg12[%get3A_1270, %dma_start3A_1442] : memref<2048x1024xf32, #tpu.memory_space<hbm>> -> memref<1x1024xf32, #tpu.memory_space<hbm>>
        %dma_start3A_1444 = tpu.memref_squeeze %dma_start3A_1443 : memref<1x1024xf32, #tpu.memory_space<hbm>> -> memref<1024xf32, #tpu.memory_space<hbm>>
        %dma_start3A_1445 = arith.constant 0 : i32
        %dma_start3A_1446 = tpu.memref_slice %arg14[%dma_start3A_1441, %dma_start3A_1445] : memref<40x1024xf32, #tpu.memory_space<vmem>> -> memref<1x1024xf32, #tpu.memory_space<vmem>>
        %dma_start3A_1447 = tpu.memref_squeeze %dma_start3A_1446 : memref<1x1024xf32, #tpu.memory_space<vmem>> -> memref<1024xf32, #tpu.memory_space<vmem>>
        tpu.enqueue_dma source(%dma_start3A_1447 : memref<1024xf32, #tpu.memory_space<vmem>>) target(%dma_start3A_1444 : memref<1024xf32, #tpu.memory_space<hbm>>) target_semaphore(%arg17 : memref<!tpu.dma_semaphore, #tpu.memory_space<semaphore_mem>>)
        %dma_wait3A_1448 = arith.constant 24 : i32
        %dma_wait3A_1449 = arith.constant 0 : i32
        %dma_wait3A_1450 = tpu.memref_slice %arg12[%get3A_1270, %dma_wait3A_1449] : memref<2048x1024xf32, #tpu.memory_space<hbm>> -> memref<1x1024xf32, #tpu.memory_space<hbm>>
        %dma_wait3A_1451 = tpu.memref_squeeze %dma_wait3A_1450 : memref<1x1024xf32, #tpu.memory_space<hbm>> -> memref<1024xf32, #tpu.memory_space<hbm>>
        %dma_wait3A_1452 = arith.constant 0 : i32
        %dma_wait3A_1453 = tpu.memref_slice %arg14[%dma_wait3A_1448, %dma_wait3A_1452] : memref<40x1024xf32, #tpu.memory_space<vmem>> -> memref<1x1024xf32, #tpu.memory_space<vmem>>
        %dma_wait3A_1454 = tpu.memref_squeeze %dma_wait3A_1453 : memref<1x1024xf32, #tpu.memory_space<vmem>> -> memref<1024xf32, #tpu.memory_space<vmem>>
        tpu.wait_dma2 semaphore(%arg17 : memref<!tpu.dma_semaphore, #tpu.memory_space<semaphore_mem>>) src(%dma_wait3A_1454 : memref<1024xf32, #tpu.memory_space<vmem>>) dst(%dma_wait3A_1451 : memref<1024xf32, #tpu.memory_space<hbm>>)
      } else {
      }
      %mul3A_1276 = arith.constant 40 : i32
      %mul3A_1277 = arith.muli %get3A_7, %mul3A_1276 : i32
      %add3A_1278 = arith.constant 25 : i32
      %add3A_1279 = arith.addi %mul3A_1277, %add3A_1278 : i32
      %get3A_1280 = arith.index_cast %add3A_1279 : i32 to index
      %get3A_1281 = memref.load %arg3[%get3A_1280] : memref<2560xi32, #tpu.memory_space<smem>>
      %lt3A_1282 = arith.constant 2048 : i32
      %lt3A_1283 = arith.cmpi slt, %get3A_1281, %lt3A_1282 : i32
      %convert_element_type3A_1284 = arith.extui %lt3A_1283 : i1 to i32
      %cond3A_1285 = arith.constant 0 : i32
      %cond3A_1286 = arith.cmpi ne, %convert_element_type3A_1284, %cond3A_1285 : i32
      scf.if %cond3A_1286 {
        %dma_start3A_1441 = arith.constant 25 : i32
        %dma_start3A_1442 = arith.constant 0 : i32
        %dma_start3A_1443 = tpu.memref_slice %arg12[%get3A_1281, %dma_start3A_1442] : memref<2048x1024xf32, #tpu.memory_space<hbm>> -> memref<1x1024xf32, #tpu.memory_space<hbm>>
        %dma_start3A_1444 = tpu.memref_squeeze %dma_start3A_1443 : memref<1x1024xf32, #tpu.memory_space<hbm>> -> memref<1024xf32, #tpu.memory_space<hbm>>
        %dma_start3A_1445 = arith.constant 0 : i32
        %dma_start3A_1446 = tpu.memref_slice %arg14[%dma_start3A_1441, %dma_start3A_1445] : memref<40x1024xf32, #tpu.memory_space<vmem>> -> memref<1x1024xf32, #tpu.memory_space<vmem>>
        %dma_start3A_1447 = tpu.memref_squeeze %dma_start3A_1446 : memref<1x1024xf32, #tpu.memory_space<vmem>> -> memref<1024xf32, #tpu.memory_space<vmem>>
        tpu.enqueue_dma source(%dma_start3A_1447 : memref<1024xf32, #tpu.memory_space<vmem>>) target(%dma_start3A_1444 : memref<1024xf32, #tpu.memory_space<hbm>>) target_semaphore(%arg17 : memref<!tpu.dma_semaphore, #tpu.memory_space<semaphore_mem>>)
        %dma_wait3A_1448 = arith.constant 25 : i32
        %dma_wait3A_1449 = arith.constant 0 : i32
        %dma_wait3A_1450 = tpu.memref_slice %arg12[%get3A_1281, %dma_wait3A_1449] : memref<2048x1024xf32, #tpu.memory_space<hbm>> -> memref<1x1024xf32, #tpu.memory_space<hbm>>
        %dma_wait3A_1451 = tpu.memref_squeeze %dma_wait3A_1450 : memref<1x1024xf32, #tpu.memory_space<hbm>> -> memref<1024xf32, #tpu.memory_space<hbm>>
        %dma_wait3A_1452 = arith.constant 0 : i32
        %dma_wait3A_1453 = tpu.memref_slice %arg14[%dma_wait3A_1448, %dma_wait3A_1452] : memref<40x1024xf32, #tpu.memory_space<vmem>> -> memref<1x1024xf32, #tpu.memory_space<vmem>>
        %dma_wait3A_1454 = tpu.memref_squeeze %dma_wait3A_1453 : memref<1x1024xf32, #tpu.memory_space<vmem>> -> memref<1024xf32, #tpu.memory_space<vmem>>
        tpu.wait_dma2 semaphore(%arg17 : memref<!tpu.dma_semaphore, #tpu.memory_space<semaphore_mem>>) src(%dma_wait3A_1454 : memref<1024xf32, #tpu.memory_space<vmem>>) dst(%dma_wait3A_1451 : memref<1024xf32, #tpu.memory_space<hbm>>)
      } else {
      }
      %mul3A_1287 = arith.constant 40 : i32
      %mul3A_1288 = arith.muli %get3A_7, %mul3A_1287 : i32
      %add3A_1289 = arith.constant 26 : i32
      %add3A_1290 = arith.addi %mul3A_1288, %add3A_1289 : i32
      %get3A_1291 = arith.index_cast %add3A_1290 : i32 to index
      %get3A_1292 = memref.load %arg3[%get3A_1291] : memref<2560xi32, #tpu.memory_space<smem>>
      %lt3A_1293 = arith.constant 2048 : i32
      %lt3A_1294 = arith.cmpi slt, %get3A_1292, %lt3A_1293 : i32
      %convert_element_type3A_1295 = arith.extui %lt3A_1294 : i1 to i32
      %cond3A_1296 = arith.constant 0 : i32
      %cond3A_1297 = arith.cmpi ne, %convert_element_type3A_1295, %cond3A_1296 : i32
      scf.if %cond3A_1297 {
        %dma_start3A_1441 = arith.constant 26 : i32
        %dma_start3A_1442 = arith.constant 0 : i32
        %dma_start3A_1443 = tpu.memref_slice %arg12[%get3A_1292, %dma_start3A_1442] : memref<2048x1024xf32, #tpu.memory_space<hbm>> -> memref<1x1024xf32, #tpu.memory_space<hbm>>
        %dma_start3A_1444 = tpu.memref_squeeze %dma_start3A_1443 : memref<1x1024xf32, #tpu.memory_space<hbm>> -> memref<1024xf32, #tpu.memory_space<hbm>>
        %dma_start3A_1445 = arith.constant 0 : i32
        %dma_start3A_1446 = tpu.memref_slice %arg14[%dma_start3A_1441, %dma_start3A_1445] : memref<40x1024xf32, #tpu.memory_space<vmem>> -> memref<1x1024xf32, #tpu.memory_space<vmem>>
        %dma_start3A_1447 = tpu.memref_squeeze %dma_start3A_1446 : memref<1x1024xf32, #tpu.memory_space<vmem>> -> memref<1024xf32, #tpu.memory_space<vmem>>
        tpu.enqueue_dma source(%dma_start3A_1447 : memref<1024xf32, #tpu.memory_space<vmem>>) target(%dma_start3A_1444 : memref<1024xf32, #tpu.memory_space<hbm>>) target_semaphore(%arg17 : memref<!tpu.dma_semaphore, #tpu.memory_space<semaphore_mem>>)
        %dma_wait3A_1448 = arith.constant 26 : i32
        %dma_wait3A_1449 = arith.constant 0 : i32
        %dma_wait3A_1450 = tpu.memref_slice %arg12[%get3A_1292, %dma_wait3A_1449] : memref<2048x1024xf32, #tpu.memory_space<hbm>> -> memref<1x1024xf32, #tpu.memory_space<hbm>>
        %dma_wait3A_1451 = tpu.memref_squeeze %dma_wait3A_1450 : memref<1x1024xf32, #tpu.memory_space<hbm>> -> memref<1024xf32, #tpu.memory_space<hbm>>
        %dma_wait3A_1452 = arith.constant 0 : i32
        %dma_wait3A_1453 = tpu.memref_slice %arg14[%dma_wait3A_1448, %dma_wait3A_1452] : memref<40x1024xf32, #tpu.memory_space<vmem>> -> memref<1x1024xf32, #tpu.memory_space<vmem>>
        %dma_wait3A_1454 = tpu.memref_squeeze %dma_wait3A_1453 : memref<1x1024xf32, #tpu.memory_space<vmem>> -> memref<1024xf32, #tpu.memory_space<vmem>>
        tpu.wait_dma2 semaphore(%arg17 : memref<!tpu.dma_semaphore, #tpu.memory_space<semaphore_mem>>) src(%dma_wait3A_1454 : memref<1024xf32, #tpu.memory_space<vmem>>) dst(%dma_wait3A_1451 : memref<1024xf32, #tpu.memory_space<hbm>>)
      } else {
      }
      %mul3A_1298 = arith.constant 40 : i32
      %mul3A_1299 = arith.muli %get3A_7, %mul3A_1298 : i32
      %add3A_1300 = arith.constant 27 : i32
      %add3A_1301 = arith.addi %mul3A_1299, %add3A_1300 : i32
      %get3A_1302 = arith.index_cast %add3A_1301 : i32 to index
      %get3A_1303 = memref.load %arg3[%get3A_1302] : memref<2560xi32, #tpu.memory_space<smem>>
      %lt3A_1304 = arith.constant 2048 : i32
      %lt3A_1305 = arith.cmpi slt, %get3A_1303, %lt3A_1304 : i32
      %convert_element_type3A_1306 = arith.extui %lt3A_1305 : i1 to i32
      %cond3A_1307 = arith.constant 0 : i32
      %cond3A_1308 = arith.cmpi ne, %convert_element_type3A_1306, %cond3A_1307 : i32
      scf.if %cond3A_1308 {
        %dma_start3A_1441 = arith.constant 27 : i32
        %dma_start3A_1442 = arith.constant 0 : i32
        %dma_start3A_1443 = tpu.memref_slice %arg12[%get3A_1303, %dma_start3A_1442] : memref<2048x1024xf32, #tpu.memory_space<hbm>> -> memref<1x1024xf32, #tpu.memory_space<hbm>>
        %dma_start3A_1444 = tpu.memref_squeeze %dma_start3A_1443 : memref<1x1024xf32, #tpu.memory_space<hbm>> -> memref<1024xf32, #tpu.memory_space<hbm>>
        %dma_start3A_1445 = arith.constant 0 : i32
        %dma_start3A_1446 = tpu.memref_slice %arg14[%dma_start3A_1441, %dma_start3A_1445] : memref<40x1024xf32, #tpu.memory_space<vmem>> -> memref<1x1024xf32, #tpu.memory_space<vmem>>
        %dma_start3A_1447 = tpu.memref_squeeze %dma_start3A_1446 : memref<1x1024xf32, #tpu.memory_space<vmem>> -> memref<1024xf32, #tpu.memory_space<vmem>>
        tpu.enqueue_dma source(%dma_start3A_1447 : memref<1024xf32, #tpu.memory_space<vmem>>) target(%dma_start3A_1444 : memref<1024xf32, #tpu.memory_space<hbm>>) target_semaphore(%arg17 : memref<!tpu.dma_semaphore, #tpu.memory_space<semaphore_mem>>)
        %dma_wait3A_1448 = arith.constant 27 : i32
        %dma_wait3A_1449 = arith.constant 0 : i32
        %dma_wait3A_1450 = tpu.memref_slice %arg12[%get3A_1303, %dma_wait3A_1449] : memref<2048x1024xf32, #tpu.memory_space<hbm>> -> memref<1x1024xf32, #tpu.memory_space<hbm>>
        %dma_wait3A_1451 = tpu.memref_squeeze %dma_wait3A_1450 : memref<1x1024xf32, #tpu.memory_space<hbm>> -> memref<1024xf32, #tpu.memory_space<hbm>>
        %dma_wait3A_1452 = arith.constant 0 : i32
        %dma_wait3A_1453 = tpu.memref_slice %arg14[%dma_wait3A_1448, %dma_wait3A_1452] : memref<40x1024xf32, #tpu.memory_space<vmem>> -> memref<1x1024xf32, #tpu.memory_space<vmem>>
        %dma_wait3A_1454 = tpu.memref_squeeze %dma_wait3A_1453 : memref<1x1024xf32, #tpu.memory_space<vmem>> -> memref<1024xf32, #tpu.memory_space<vmem>>
        tpu.wait_dma2 semaphore(%arg17 : memref<!tpu.dma_semaphore, #tpu.memory_space<semaphore_mem>>) src(%dma_wait3A_1454 : memref<1024xf32, #tpu.memory_space<vmem>>) dst(%dma_wait3A_1451 : memref<1024xf32, #tpu.memory_space<hbm>>)
      } else {
      }
      %mul3A_1309 = arith.constant 40 : i32
      %mul3A_1310 = arith.muli %get3A_7, %mul3A_1309 : i32
      %add3A_1311 = arith.constant 28 : i32
      %add3A_1312 = arith.addi %mul3A_1310, %add3A_1311 : i32
      %get3A_1313 = arith.index_cast %add3A_1312 : i32 to index
      %get3A_1314 = memref.load %arg3[%get3A_1313] : memref<2560xi32, #tpu.memory_space<smem>>
      %lt3A_1315 = arith.constant 2048 : i32
      %lt3A_1316 = arith.cmpi slt, %get3A_1314, %lt3A_1315 : i32
      %convert_element_type3A_1317 = arith.extui %lt3A_1316 : i1 to i32
      %cond3A_1318 = arith.constant 0 : i32
      %cond3A_1319 = arith.cmpi ne, %convert_element_type3A_1317, %cond3A_1318 : i32
      scf.if %cond3A_1319 {
        %dma_start3A_1441 = arith.constant 28 : i32
        %dma_start3A_1442 = arith.constant 0 : i32
        %dma_start3A_1443 = tpu.memref_slice %arg12[%get3A_1314, %dma_start3A_1442] : memref<2048x1024xf32, #tpu.memory_space<hbm>> -> memref<1x1024xf32, #tpu.memory_space<hbm>>
        %dma_start3A_1444 = tpu.memref_squeeze %dma_start3A_1443 : memref<1x1024xf32, #tpu.memory_space<hbm>> -> memref<1024xf32, #tpu.memory_space<hbm>>
        %dma_start3A_1445 = arith.constant 0 : i32
        %dma_start3A_1446 = tpu.memref_slice %arg14[%dma_start3A_1441, %dma_start3A_1445] : memref<40x1024xf32, #tpu.memory_space<vmem>> -> memref<1x1024xf32, #tpu.memory_space<vmem>>
        %dma_start3A_1447 = tpu.memref_squeeze %dma_start3A_1446 : memref<1x1024xf32, #tpu.memory_space<vmem>> -> memref<1024xf32, #tpu.memory_space<vmem>>
        tpu.enqueue_dma source(%dma_start3A_1447 : memref<1024xf32, #tpu.memory_space<vmem>>) target(%dma_start3A_1444 : memref<1024xf32, #tpu.memory_space<hbm>>) target_semaphore(%arg17 : memref<!tpu.dma_semaphore, #tpu.memory_space<semaphore_mem>>)
        %dma_wait3A_1448 = arith.constant 28 : i32
        %dma_wait3A_1449 = arith.constant 0 : i32
        %dma_wait3A_1450 = tpu.memref_slice %arg12[%get3A_1314, %dma_wait3A_1449] : memref<2048x1024xf32, #tpu.memory_space<hbm>> -> memref<1x1024xf32, #tpu.memory_space<hbm>>
        %dma_wait3A_1451 = tpu.memref_squeeze %dma_wait3A_1450 : memref<1x1024xf32, #tpu.memory_space<hbm>> -> memref<1024xf32, #tpu.memory_space<hbm>>
        %dma_wait3A_1452 = arith.constant 0 : i32
        %dma_wait3A_1453 = tpu.memref_slice %arg14[%dma_wait3A_1448, %dma_wait3A_1452] : memref<40x1024xf32, #tpu.memory_space<vmem>> -> memref<1x1024xf32, #tpu.memory_space<vmem>>
        %dma_wait3A_1454 = tpu.memref_squeeze %dma_wait3A_1453 : memref<1x1024xf32, #tpu.memory_space<vmem>> -> memref<1024xf32, #tpu.memory_space<vmem>>
        tpu.wait_dma2 semaphore(%arg17 : memref<!tpu.dma_semaphore, #tpu.memory_space<semaphore_mem>>) src(%dma_wait3A_1454 : memref<1024xf32, #tpu.memory_space<vmem>>) dst(%dma_wait3A_1451 : memref<1024xf32, #tpu.memory_space<hbm>>)
      } else {
      }
      %mul3A_1320 = arith.constant 40 : i32
      %mul3A_1321 = arith.muli %get3A_7, %mul3A_1320 : i32
      %add3A_1322 = arith.constant 29 : i32
      %add3A_1323 = arith.addi %mul3A_1321, %add3A_1322 : i32
      %get3A_1324 = arith.index_cast %add3A_1323 : i32 to index
      %get3A_1325 = memref.load %arg3[%get3A_1324] : memref<2560xi32, #tpu.memory_space<smem>>
      %lt3A_1326 = arith.constant 2048 : i32
      %lt3A_1327 = arith.cmpi slt, %get3A_1325, %lt3A_1326 : i32
      %convert_element_type3A_1328 = arith.extui %lt3A_1327 : i1 to i32
      %cond3A_1329 = arith.constant 0 : i32
      %cond3A_1330 = arith.cmpi ne, %convert_element_type3A_1328, %cond3A_1329 : i32
      scf.if %cond3A_1330 {
        %dma_start3A_1441 = arith.constant 29 : i32
        %dma_start3A_1442 = arith.constant 0 : i32
        %dma_start3A_1443 = tpu.memref_slice %arg12[%get3A_1325, %dma_start3A_1442] : memref<2048x1024xf32, #tpu.memory_space<hbm>> -> memref<1x1024xf32, #tpu.memory_space<hbm>>
        %dma_start3A_1444 = tpu.memref_squeeze %dma_start3A_1443 : memref<1x1024xf32, #tpu.memory_space<hbm>> -> memref<1024xf32, #tpu.memory_space<hbm>>
        %dma_start3A_1445 = arith.constant 0 : i32
        %dma_start3A_1446 = tpu.memref_slice %arg14[%dma_start3A_1441, %dma_start3A_1445] : memref<40x1024xf32, #tpu.memory_space<vmem>> -> memref<1x1024xf32, #tpu.memory_space<vmem>>
        %dma_start3A_1447 = tpu.memref_squeeze %dma_start3A_1446 : memref<1x1024xf32, #tpu.memory_space<vmem>> -> memref<1024xf32, #tpu.memory_space<vmem>>
        tpu.enqueue_dma source(%dma_start3A_1447 : memref<1024xf32, #tpu.memory_space<vmem>>) target(%dma_start3A_1444 : memref<1024xf32, #tpu.memory_space<hbm>>) target_semaphore(%arg17 : memref<!tpu.dma_semaphore, #tpu.memory_space<semaphore_mem>>)
        %dma_wait3A_1448 = arith.constant 29 : i32
        %dma_wait3A_1449 = arith.constant 0 : i32
        %dma_wait3A_1450 = tpu.memref_slice %arg12[%get3A_1325, %dma_wait3A_1449] : memref<2048x1024xf32, #tpu.memory_space<hbm>> -> memref<1x1024xf32, #tpu.memory_space<hbm>>
        %dma_wait3A_1451 = tpu.memref_squeeze %dma_wait3A_1450 : memref<1x1024xf32, #tpu.memory_space<hbm>> -> memref<1024xf32, #tpu.memory_space<hbm>>
        %dma_wait3A_1452 = arith.constant 0 : i32
        %dma_wait3A_1453 = tpu.memref_slice %arg14[%dma_wait3A_1448, %dma_wait3A_1452] : memref<40x1024xf32, #tpu.memory_space<vmem>> -> memref<1x1024xf32, #tpu.memory_space<vmem>>
        %dma_wait3A_1454 = tpu.memref_squeeze %dma_wait3A_1453 : memref<1x1024xf32, #tpu.memory_space<vmem>> -> memref<1024xf32, #tpu.memory_space<vmem>>
        tpu.wait_dma2 semaphore(%arg17 : memref<!tpu.dma_semaphore, #tpu.memory_space<semaphore_mem>>) src(%dma_wait3A_1454 : memref<1024xf32, #tpu.memory_space<vmem>>) dst(%dma_wait3A_1451 : memref<1024xf32, #tpu.memory_space<hbm>>)
      } else {
      }
      %mul3A_1331 = arith.constant 40 : i32
      %mul3A_1332 = arith.muli %get3A_7, %mul3A_1331 : i32
      %add3A_1333 = arith.constant 30 : i32
      %add3A_1334 = arith.addi %mul3A_1332, %add3A_1333 : i32
      %get3A_1335 = arith.index_cast %add3A_1334 : i32 to index
      %get3A_1336 = memref.load %arg3[%get3A_1335] : memref<2560xi32, #tpu.memory_space<smem>>
      %lt3A_1337 = arith.constant 2048 : i32
      %lt3A_1338 = arith.cmpi slt, %get3A_1336, %lt3A_1337 : i32
      %convert_element_type3A_1339 = arith.extui %lt3A_1338 : i1 to i32
      %cond3A_1340 = arith.constant 0 : i32
      %cond3A_1341 = arith.cmpi ne, %convert_element_type3A_1339, %cond3A_1340 : i32
      scf.if %cond3A_1341 {
        %dma_start3A_1441 = arith.constant 30 : i32
        %dma_start3A_1442 = arith.constant 0 : i32
        %dma_start3A_1443 = tpu.memref_slice %arg12[%get3A_1336, %dma_start3A_1442] : memref<2048x1024xf32, #tpu.memory_space<hbm>> -> memref<1x1024xf32, #tpu.memory_space<hbm>>
        %dma_start3A_1444 = tpu.memref_squeeze %dma_start3A_1443 : memref<1x1024xf32, #tpu.memory_space<hbm>> -> memref<1024xf32, #tpu.memory_space<hbm>>
        %dma_start3A_1445 = arith.constant 0 : i32
        %dma_start3A_1446 = tpu.memref_slice %arg14[%dma_start3A_1441, %dma_start3A_1445] : memref<40x1024xf32, #tpu.memory_space<vmem>> -> memref<1x1024xf32, #tpu.memory_space<vmem>>
        %dma_start3A_1447 = tpu.memref_squeeze %dma_start3A_1446 : memref<1x1024xf32, #tpu.memory_space<vmem>> -> memref<1024xf32, #tpu.memory_space<vmem>>
        tpu.enqueue_dma source(%dma_start3A_1447 : memref<1024xf32, #tpu.memory_space<vmem>>) target(%dma_start3A_1444 : memref<1024xf32, #tpu.memory_space<hbm>>) target_semaphore(%arg17 : memref<!tpu.dma_semaphore, #tpu.memory_space<semaphore_mem>>)
        %dma_wait3A_1448 = arith.constant 30 : i32
        %dma_wait3A_1449 = arith.constant 0 : i32
        %dma_wait3A_1450 = tpu.memref_slice %arg12[%get3A_1336, %dma_wait3A_1449] : memref<2048x1024xf32, #tpu.memory_space<hbm>> -> memref<1x1024xf32, #tpu.memory_space<hbm>>
        %dma_wait3A_1451 = tpu.memref_squeeze %dma_wait3A_1450 : memref<1x1024xf32, #tpu.memory_space<hbm>> -> memref<1024xf32, #tpu.memory_space<hbm>>
        %dma_wait3A_1452 = arith.constant 0 : i32
        %dma_wait3A_1453 = tpu.memref_slice %arg14[%dma_wait3A_1448, %dma_wait3A_1452] : memref<40x1024xf32, #tpu.memory_space<vmem>> -> memref<1x1024xf32, #tpu.memory_space<vmem>>
        %dma_wait3A_1454 = tpu.memref_squeeze %dma_wait3A_1453 : memref<1x1024xf32, #tpu.memory_space<vmem>> -> memref<1024xf32, #tpu.memory_space<vmem>>
        tpu.wait_dma2 semaphore(%arg17 : memref<!tpu.dma_semaphore, #tpu.memory_space<semaphore_mem>>) src(%dma_wait3A_1454 : memref<1024xf32, #tpu.memory_space<vmem>>) dst(%dma_wait3A_1451 : memref<1024xf32, #tpu.memory_space<hbm>>)
      } else {
      }
      %mul3A_1342 = arith.constant 40 : i32
      %mul3A_1343 = arith.muli %get3A_7, %mul3A_1342 : i32
      %add3A_1344 = arith.constant 31 : i32
      %add3A_1345 = arith.addi %mul3A_1343, %add3A_1344 : i32
      %get3A_1346 = arith.index_cast %add3A_1345 : i32 to index
      %get3A_1347 = memref.load %arg3[%get3A_1346] : memref<2560xi32, #tpu.memory_space<smem>>
      %lt3A_1348 = arith.constant 2048 : i32
      %lt3A_1349 = arith.cmpi slt, %get3A_1347, %lt3A_1348 : i32
      %convert_element_type3A_1350 = arith.extui %lt3A_1349 : i1 to i32
      %cond3A_1351 = arith.constant 0 : i32
      %cond3A_1352 = arith.cmpi ne, %convert_element_type3A_1350, %cond3A_1351 : i32
      scf.if %cond3A_1352 {
        %dma_start3A_1441 = arith.constant 31 : i32
        %dma_start3A_1442 = arith.constant 0 : i32
        %dma_start3A_1443 = tpu.memref_slice %arg12[%get3A_1347, %dma_start3A_1442] : memref<2048x1024xf32, #tpu.memory_space<hbm>> -> memref<1x1024xf32, #tpu.memory_space<hbm>>
        %dma_start3A_1444 = tpu.memref_squeeze %dma_start3A_1443 : memref<1x1024xf32, #tpu.memory_space<hbm>> -> memref<1024xf32, #tpu.memory_space<hbm>>
        %dma_start3A_1445 = arith.constant 0 : i32
        %dma_start3A_1446 = tpu.memref_slice %arg14[%dma_start3A_1441, %dma_start3A_1445] : memref<40x1024xf32, #tpu.memory_space<vmem>> -> memref<1x1024xf32, #tpu.memory_space<vmem>>
        %dma_start3A_1447 = tpu.memref_squeeze %dma_start3A_1446 : memref<1x1024xf32, #tpu.memory_space<vmem>> -> memref<1024xf32, #tpu.memory_space<vmem>>
        tpu.enqueue_dma source(%dma_start3A_1447 : memref<1024xf32, #tpu.memory_space<vmem>>) target(%dma_start3A_1444 : memref<1024xf32, #tpu.memory_space<hbm>>) target_semaphore(%arg17 : memref<!tpu.dma_semaphore, #tpu.memory_space<semaphore_mem>>)
        %dma_wait3A_1448 = arith.constant 31 : i32
        %dma_wait3A_1449 = arith.constant 0 : i32
        %dma_wait3A_1450 = tpu.memref_slice %arg12[%get3A_1347, %dma_wait3A_1449] : memref<2048x1024xf32, #tpu.memory_space<hbm>> -> memref<1x1024xf32, #tpu.memory_space<hbm>>
        %dma_wait3A_1451 = tpu.memref_squeeze %dma_wait3A_1450 : memref<1x1024xf32, #tpu.memory_space<hbm>> -> memref<1024xf32, #tpu.memory_space<hbm>>
        %dma_wait3A_1452 = arith.constant 0 : i32
        %dma_wait3A_1453 = tpu.memref_slice %arg14[%dma_wait3A_1448, %dma_wait3A_1452] : memref<40x1024xf32, #tpu.memory_space<vmem>> -> memref<1x1024xf32, #tpu.memory_space<vmem>>
        %dma_wait3A_1454 = tpu.memref_squeeze %dma_wait3A_1453 : memref<1x1024xf32, #tpu.memory_space<vmem>> -> memref<1024xf32, #tpu.memory_space<vmem>>
        tpu.wait_dma2 semaphore(%arg17 : memref<!tpu.dma_semaphore, #tpu.memory_space<semaphore_mem>>) src(%dma_wait3A_1454 : memref<1024xf32, #tpu.memory_space<vmem>>) dst(%dma_wait3A_1451 : memref<1024xf32, #tpu.memory_space<hbm>>)
      } else {
      }
      %mul3A_1353 = arith.constant 40 : i32
      %mul3A_1354 = arith.muli %get3A_7, %mul3A_1353 : i32
      %add3A_1355 = arith.constant 32 : i32
      %add3A_1356 = arith.addi %mul3A_1354, %add3A_1355 : i32
      %get3A_1357 = arith.index_cast %add3A_1356 : i32 to index
      %get3A_1358 = memref.load %arg3[%get3A_1357] : memref<2560xi32, #tpu.memory_space<smem>>
      %lt3A_1359 = arith.constant 2048 : i32
      %lt3A_1360 = arith.cmpi slt, %get3A_1358, %lt3A_1359 : i32
      %convert_element_type3A_1361 = arith.extui %lt3A_1360 : i1 to i32
      %cond3A_1362 = arith.constant 0 : i32
      %cond3A_1363 = arith.cmpi ne, %convert_element_type3A_1361, %cond3A_1362 : i32
      scf.if %cond3A_1363 {
        %dma_start3A_1441 = arith.constant 32 : i32
        %dma_start3A_1442 = arith.constant 0 : i32
        %dma_start3A_1443 = tpu.memref_slice %arg12[%get3A_1358, %dma_start3A_1442] : memref<2048x1024xf32, #tpu.memory_space<hbm>> -> memref<1x1024xf32, #tpu.memory_space<hbm>>
        %dma_start3A_1444 = tpu.memref_squeeze %dma_start3A_1443 : memref<1x1024xf32, #tpu.memory_space<hbm>> -> memref<1024xf32, #tpu.memory_space<hbm>>
        %dma_start3A_1445 = arith.constant 0 : i32
        %dma_start3A_1446 = tpu.memref_slice %arg14[%dma_start3A_1441, %dma_start3A_1445] : memref<40x1024xf32, #tpu.memory_space<vmem>> -> memref<1x1024xf32, #tpu.memory_space<vmem>>
        %dma_start3A_1447 = tpu.memref_squeeze %dma_start3A_1446 : memref<1x1024xf32, #tpu.memory_space<vmem>> -> memref<1024xf32, #tpu.memory_space<vmem>>
        tpu.enqueue_dma source(%dma_start3A_1447 : memref<1024xf32, #tpu.memory_space<vmem>>) target(%dma_start3A_1444 : memref<1024xf32, #tpu.memory_space<hbm>>) target_semaphore(%arg17 : memref<!tpu.dma_semaphore, #tpu.memory_space<semaphore_mem>>)
        %dma_wait3A_1448 = arith.constant 32 : i32
        %dma_wait3A_1449 = arith.constant 0 : i32
        %dma_wait3A_1450 = tpu.memref_slice %arg12[%get3A_1358, %dma_wait3A_1449] : memref<2048x1024xf32, #tpu.memory_space<hbm>> -> memref<1x1024xf32, #tpu.memory_space<hbm>>
        %dma_wait3A_1451 = tpu.memref_squeeze %dma_wait3A_1450 : memref<1x1024xf32, #tpu.memory_space<hbm>> -> memref<1024xf32, #tpu.memory_space<hbm>>
        %dma_wait3A_1452 = arith.constant 0 : i32
        %dma_wait3A_1453 = tpu.memref_slice %arg14[%dma_wait3A_1448, %dma_wait3A_1452] : memref<40x1024xf32, #tpu.memory_space<vmem>> -> memref<1x1024xf32, #tpu.memory_space<vmem>>
        %dma_wait3A_1454 = tpu.memref_squeeze %dma_wait3A_1453 : memref<1x1024xf32, #tpu.memory_space<vmem>> -> memref<1024xf32, #tpu.memory_space<vmem>>
        tpu.wait_dma2 semaphore(%arg17 : memref<!tpu.dma_semaphore, #tpu.memory_space<semaphore_mem>>) src(%dma_wait3A_1454 : memref<1024xf32, #tpu.memory_space<vmem>>) dst(%dma_wait3A_1451 : memref<1024xf32, #tpu.memory_space<hbm>>)
      } else {
      }
      %mul3A_1364 = arith.constant 40 : i32
      %mul3A_1365 = arith.muli %get3A_7, %mul3A_1364 : i32
      %add3A_1366 = arith.constant 33 : i32
      %add3A_1367 = arith.addi %mul3A_1365, %add3A_1366 : i32
      %get3A_1368 = arith.index_cast %add3A_1367 : i32 to index
      %get3A_1369 = memref.load %arg3[%get3A_1368] : memref<2560xi32, #tpu.memory_space<smem>>
      %lt3A_1370 = arith.constant 2048 : i32
      %lt3A_1371 = arith.cmpi slt, %get3A_1369, %lt3A_1370 : i32
      %convert_element_type3A_1372 = arith.extui %lt3A_1371 : i1 to i32
      %cond3A_1373 = arith.constant 0 : i32
      %cond3A_1374 = arith.cmpi ne, %convert_element_type3A_1372, %cond3A_1373 : i32
      scf.if %cond3A_1374 {
        %dma_start3A_1441 = arith.constant 33 : i32
        %dma_start3A_1442 = arith.constant 0 : i32
        %dma_start3A_1443 = tpu.memref_slice %arg12[%get3A_1369, %dma_start3A_1442] : memref<2048x1024xf32, #tpu.memory_space<hbm>> -> memref<1x1024xf32, #tpu.memory_space<hbm>>
        %dma_start3A_1444 = tpu.memref_squeeze %dma_start3A_1443 : memref<1x1024xf32, #tpu.memory_space<hbm>> -> memref<1024xf32, #tpu.memory_space<hbm>>
        %dma_start3A_1445 = arith.constant 0 : i32
        %dma_start3A_1446 = tpu.memref_slice %arg14[%dma_start3A_1441, %dma_start3A_1445] : memref<40x1024xf32, #tpu.memory_space<vmem>> -> memref<1x1024xf32, #tpu.memory_space<vmem>>
        %dma_start3A_1447 = tpu.memref_squeeze %dma_start3A_1446 : memref<1x1024xf32, #tpu.memory_space<vmem>> -> memref<1024xf32, #tpu.memory_space<vmem>>
        tpu.enqueue_dma source(%dma_start3A_1447 : memref<1024xf32, #tpu.memory_space<vmem>>) target(%dma_start3A_1444 : memref<1024xf32, #tpu.memory_space<hbm>>) target_semaphore(%arg17 : memref<!tpu.dma_semaphore, #tpu.memory_space<semaphore_mem>>)
        %dma_wait3A_1448 = arith.constant 33 : i32
        %dma_wait3A_1449 = arith.constant 0 : i32
        %dma_wait3A_1450 = tpu.memref_slice %arg12[%get3A_1369, %dma_wait3A_1449] : memref<2048x1024xf32, #tpu.memory_space<hbm>> -> memref<1x1024xf32, #tpu.memory_space<hbm>>
        %dma_wait3A_1451 = tpu.memref_squeeze %dma_wait3A_1450 : memref<1x1024xf32, #tpu.memory_space<hbm>> -> memref<1024xf32, #tpu.memory_space<hbm>>
        %dma_wait3A_1452 = arith.constant 0 : i32
        %dma_wait3A_1453 = tpu.memref_slice %arg14[%dma_wait3A_1448, %dma_wait3A_1452] : memref<40x1024xf32, #tpu.memory_space<vmem>> -> memref<1x1024xf32, #tpu.memory_space<vmem>>
        %dma_wait3A_1454 = tpu.memref_squeeze %dma_wait3A_1453 : memref<1x1024xf32, #tpu.memory_space<vmem>> -> memref<1024xf32, #tpu.memory_space<vmem>>
        tpu.wait_dma2 semaphore(%arg17 : memref<!tpu.dma_semaphore, #tpu.memory_space<semaphore_mem>>) src(%dma_wait3A_1454 : memref<1024xf32, #tpu.memory_space<vmem>>) dst(%dma_wait3A_1451 : memref<1024xf32, #tpu.memory_space<hbm>>)
      } else {
      }
      %mul3A_1375 = arith.constant 40 : i32
      %mul3A_1376 = arith.muli %get3A_7, %mul3A_1375 : i32
      %add3A_1377 = arith.constant 34 : i32
      %add3A_1378 = arith.addi %mul3A_1376, %add3A_1377 : i32
      %get3A_1379 = arith.index_cast %add3A_1378 : i32 to index
      %get3A_1380 = memref.load %arg3[%get3A_1379] : memref<2560xi32, #tpu.memory_space<smem>>
      %lt3A_1381 = arith.constant 2048 : i32
      %lt3A_1382 = arith.cmpi slt, %get3A_1380, %lt3A_1381 : i32
      %convert_element_type3A_1383 = arith.extui %lt3A_1382 : i1 to i32
      %cond3A_1384 = arith.constant 0 : i32
      %cond3A_1385 = arith.cmpi ne, %convert_element_type3A_1383, %cond3A_1384 : i32
      scf.if %cond3A_1385 {
        %dma_start3A_1441 = arith.constant 34 : i32
        %dma_start3A_1442 = arith.constant 0 : i32
        %dma_start3A_1443 = tpu.memref_slice %arg12[%get3A_1380, %dma_start3A_1442] : memref<2048x1024xf32, #tpu.memory_space<hbm>> -> memref<1x1024xf32, #tpu.memory_space<hbm>>
        %dma_start3A_1444 = tpu.memref_squeeze %dma_start3A_1443 : memref<1x1024xf32, #tpu.memory_space<hbm>> -> memref<1024xf32, #tpu.memory_space<hbm>>
        %dma_start3A_1445 = arith.constant 0 : i32
        %dma_start3A_1446 = tpu.memref_slice %arg14[%dma_start3A_1441, %dma_start3A_1445] : memref<40x1024xf32, #tpu.memory_space<vmem>> -> memref<1x1024xf32, #tpu.memory_space<vmem>>
        %dma_start3A_1447 = tpu.memref_squeeze %dma_start3A_1446 : memref<1x1024xf32, #tpu.memory_space<vmem>> -> memref<1024xf32, #tpu.memory_space<vmem>>
        tpu.enqueue_dma source(%dma_start3A_1447 : memref<1024xf32, #tpu.memory_space<vmem>>) target(%dma_start3A_1444 : memref<1024xf32, #tpu.memory_space<hbm>>) target_semaphore(%arg17 : memref<!tpu.dma_semaphore, #tpu.memory_space<semaphore_mem>>)
        %dma_wait3A_1448 = arith.constant 34 : i32
        %dma_wait3A_1449 = arith.constant 0 : i32
        %dma_wait3A_1450 = tpu.memref_slice %arg12[%get3A_1380, %dma_wait3A_1449] : memref<2048x1024xf32, #tpu.memory_space<hbm>> -> memref<1x1024xf32, #tpu.memory_space<hbm>>
        %dma_wait3A_1451 = tpu.memref_squeeze %dma_wait3A_1450 : memref<1x1024xf32, #tpu.memory_space<hbm>> -> memref<1024xf32, #tpu.memory_space<hbm>>
        %dma_wait3A_1452 = arith.constant 0 : i32
        %dma_wait3A_1453 = tpu.memref_slice %arg14[%dma_wait3A_1448, %dma_wait3A_1452] : memref<40x1024xf32, #tpu.memory_space<vmem>> -> memref<1x1024xf32, #tpu.memory_space<vmem>>
        %dma_wait3A_1454 = tpu.memref_squeeze %dma_wait3A_1453 : memref<1x1024xf32, #tpu.memory_space<vmem>> -> memref<1024xf32, #tpu.memory_space<vmem>>
        tpu.wait_dma2 semaphore(%arg17 : memref<!tpu.dma_semaphore, #tpu.memory_space<semaphore_mem>>) src(%dma_wait3A_1454 : memref<1024xf32, #tpu.memory_space<vmem>>) dst(%dma_wait3A_1451 : memref<1024xf32, #tpu.memory_space<hbm>>)
      } else {
      }
      %mul3A_1386 = arith.constant 40 : i32
      %mul3A_1387 = arith.muli %get3A_7, %mul3A_1386 : i32
      %add3A_1388 = arith.constant 35 : i32
      %add3A_1389 = arith.addi %mul3A_1387, %add3A_1388 : i32
      %get3A_1390 = arith.index_cast %add3A_1389 : i32 to index
      %get3A_1391 = memref.load %arg3[%get3A_1390] : memref<2560xi32, #tpu.memory_space<smem>>
      %lt3A_1392 = arith.constant 2048 : i32
      %lt3A_1393 = arith.cmpi slt, %get3A_1391, %lt3A_1392 : i32
      %convert_element_type3A_1394 = arith.extui %lt3A_1393 : i1 to i32
      %cond3A_1395 = arith.constant 0 : i32
      %cond3A_1396 = arith.cmpi ne, %convert_element_type3A_1394, %cond3A_1395 : i32
      scf.if %cond3A_1396 {
        %dma_start3A_1441 = arith.constant 35 : i32
        %dma_start3A_1442 = arith.constant 0 : i32
        %dma_start3A_1443 = tpu.memref_slice %arg12[%get3A_1391, %dma_start3A_1442] : memref<2048x1024xf32, #tpu.memory_space<hbm>> -> memref<1x1024xf32, #tpu.memory_space<hbm>>
        %dma_start3A_1444 = tpu.memref_squeeze %dma_start3A_1443 : memref<1x1024xf32, #tpu.memory_space<hbm>> -> memref<1024xf32, #tpu.memory_space<hbm>>
        %dma_start3A_1445 = arith.constant 0 : i32
        %dma_start3A_1446 = tpu.memref_slice %arg14[%dma_start3A_1441, %dma_start3A_1445] : memref<40x1024xf32, #tpu.memory_space<vmem>> -> memref<1x1024xf32, #tpu.memory_space<vmem>>
        %dma_start3A_1447 = tpu.memref_squeeze %dma_start3A_1446 : memref<1x1024xf32, #tpu.memory_space<vmem>> -> memref<1024xf32, #tpu.memory_space<vmem>>
        tpu.enqueue_dma source(%dma_start3A_1447 : memref<1024xf32, #tpu.memory_space<vmem>>) target(%dma_start3A_1444 : memref<1024xf32, #tpu.memory_space<hbm>>) target_semaphore(%arg17 : memref<!tpu.dma_semaphore, #tpu.memory_space<semaphore_mem>>)
        %dma_wait3A_1448 = arith.constant 35 : i32
        %dma_wait3A_1449 = arith.constant 0 : i32
        %dma_wait3A_1450 = tpu.memref_slice %arg12[%get3A_1391, %dma_wait3A_1449] : memref<2048x1024xf32, #tpu.memory_space<hbm>> -> memref<1x1024xf32, #tpu.memory_space<hbm>>
        %dma_wait3A_1451 = tpu.memref_squeeze %dma_wait3A_1450 : memref<1x1024xf32, #tpu.memory_space<hbm>> -> memref<1024xf32, #tpu.memory_space<hbm>>
        %dma_wait3A_1452 = arith.constant 0 : i32
        %dma_wait3A_1453 = tpu.memref_slice %arg14[%dma_wait3A_1448, %dma_wait3A_1452] : memref<40x1024xf32, #tpu.memory_space<vmem>> -> memref<1x1024xf32, #tpu.memory_space<vmem>>
        %dma_wait3A_1454 = tpu.memref_squeeze %dma_wait3A_1453 : memref<1x1024xf32, #tpu.memory_space<vmem>> -> memref<1024xf32, #tpu.memory_space<vmem>>
        tpu.wait_dma2 semaphore(%arg17 : memref<!tpu.dma_semaphore, #tpu.memory_space<semaphore_mem>>) src(%dma_wait3A_1454 : memref<1024xf32, #tpu.memory_space<vmem>>) dst(%dma_wait3A_1451 : memref<1024xf32, #tpu.memory_space<hbm>>)
      } else {
      }
      %mul3A_1397 = arith.constant 40 : i32
      %mul3A_1398 = arith.muli %get3A_7, %mul3A_1397 : i32
      %add3A_1399 = arith.constant 36 : i32
      %add3A_1400 = arith.addi %mul3A_1398, %add3A_1399 : i32
      %get3A_1401 = arith.index_cast %add3A_1400 : i32 to index
      %get3A_1402 = memref.load %arg3[%get3A_1401] : memref<2560xi32, #tpu.memory_space<smem>>
      %lt3A_1403 = arith.constant 2048 : i32
      %lt3A_1404 = arith.cmpi slt, %get3A_1402, %lt3A_1403 : i32
      %convert_element_type3A_1405 = arith.extui %lt3A_1404 : i1 to i32
      %cond3A_1406 = arith.constant 0 : i32
      %cond3A_1407 = arith.cmpi ne, %convert_element_type3A_1405, %cond3A_1406 : i32
      scf.if %cond3A_1407 {
        %dma_start3A_1441 = arith.constant 36 : i32
        %dma_start3A_1442 = arith.constant 0 : i32
        %dma_start3A_1443 = tpu.memref_slice %arg12[%get3A_1402, %dma_start3A_1442] : memref<2048x1024xf32, #tpu.memory_space<hbm>> -> memref<1x1024xf32, #tpu.memory_space<hbm>>
        %dma_start3A_1444 = tpu.memref_squeeze %dma_start3A_1443 : memref<1x1024xf32, #tpu.memory_space<hbm>> -> memref<1024xf32, #tpu.memory_space<hbm>>
        %dma_start3A_1445 = arith.constant 0 : i32
        %dma_start3A_1446 = tpu.memref_slice %arg14[%dma_start3A_1441, %dma_start3A_1445] : memref<40x1024xf32, #tpu.memory_space<vmem>> -> memref<1x1024xf32, #tpu.memory_space<vmem>>
        %dma_start3A_1447 = tpu.memref_squeeze %dma_start3A_1446 : memref<1x1024xf32, #tpu.memory_space<vmem>> -> memref<1024xf32, #tpu.memory_space<vmem>>
        tpu.enqueue_dma source(%dma_start3A_1447 : memref<1024xf32, #tpu.memory_space<vmem>>) target(%dma_start3A_1444 : memref<1024xf32, #tpu.memory_space<hbm>>) target_semaphore(%arg17 : memref<!tpu.dma_semaphore, #tpu.memory_space<semaphore_mem>>)
        %dma_wait3A_1448 = arith.constant 36 : i32
        %dma_wait3A_1449 = arith.constant 0 : i32
        %dma_wait3A_1450 = tpu.memref_slice %arg12[%get3A_1402, %dma_wait3A_1449] : memref<2048x1024xf32, #tpu.memory_space<hbm>> -> memref<1x1024xf32, #tpu.memory_space<hbm>>
        %dma_wait3A_1451 = tpu.memref_squeeze %dma_wait3A_1450 : memref<1x1024xf32, #tpu.memory_space<hbm>> -> memref<1024xf32, #tpu.memory_space<hbm>>
        %dma_wait3A_1452 = arith.constant 0 : i32
        %dma_wait3A_1453 = tpu.memref_slice %arg14[%dma_wait3A_1448, %dma_wait3A_1452] : memref<40x1024xf32, #tpu.memory_space<vmem>> -> memref<1x1024xf32, #tpu.memory_space<vmem>>
        %dma_wait3A_1454 = tpu.memref_squeeze %dma_wait3A_1453 : memref<1x1024xf32, #tpu.memory_space<vmem>> -> memref<1024xf32, #tpu.memory_space<vmem>>
        tpu.wait_dma2 semaphore(%arg17 : memref<!tpu.dma_semaphore, #tpu.memory_space<semaphore_mem>>) src(%dma_wait3A_1454 : memref<1024xf32, #tpu.memory_space<vmem>>) dst(%dma_wait3A_1451 : memref<1024xf32, #tpu.memory_space<hbm>>)
      } else {
      }
      %mul3A_1408 = arith.constant 40 : i32
      %mul3A_1409 = arith.muli %get3A_7, %mul3A_1408 : i32
      %add3A_1410 = arith.constant 37 : i32
      %add3A_1411 = arith.addi %mul3A_1409, %add3A_1410 : i32
      %get3A_1412 = arith.index_cast %add3A_1411 : i32 to index
      %get3A_1413 = memref.load %arg3[%get3A_1412] : memref<2560xi32, #tpu.memory_space<smem>>
      %lt3A_1414 = arith.constant 2048 : i32
      %lt3A_1415 = arith.cmpi slt, %get3A_1413, %lt3A_1414 : i32
      %convert_element_type3A_1416 = arith.extui %lt3A_1415 : i1 to i32
      %cond3A_1417 = arith.constant 0 : i32
      %cond3A_1418 = arith.cmpi ne, %convert_element_type3A_1416, %cond3A_1417 : i32
      scf.if %cond3A_1418 {
        %dma_start3A_1441 = arith.constant 37 : i32
        %dma_start3A_1442 = arith.constant 0 : i32
        %dma_start3A_1443 = tpu.memref_slice %arg12[%get3A_1413, %dma_start3A_1442] : memref<2048x1024xf32, #tpu.memory_space<hbm>> -> memref<1x1024xf32, #tpu.memory_space<hbm>>
        %dma_start3A_1444 = tpu.memref_squeeze %dma_start3A_1443 : memref<1x1024xf32, #tpu.memory_space<hbm>> -> memref<1024xf32, #tpu.memory_space<hbm>>
        %dma_start3A_1445 = arith.constant 0 : i32
        %dma_start3A_1446 = tpu.memref_slice %arg14[%dma_start3A_1441, %dma_start3A_1445] : memref<40x1024xf32, #tpu.memory_space<vmem>> -> memref<1x1024xf32, #tpu.memory_space<vmem>>
        %dma_start3A_1447 = tpu.memref_squeeze %dma_start3A_1446 : memref<1x1024xf32, #tpu.memory_space<vmem>> -> memref<1024xf32, #tpu.memory_space<vmem>>
        tpu.enqueue_dma source(%dma_start3A_1447 : memref<1024xf32, #tpu.memory_space<vmem>>) target(%dma_start3A_1444 : memref<1024xf32, #tpu.memory_space<hbm>>) target_semaphore(%arg17 : memref<!tpu.dma_semaphore, #tpu.memory_space<semaphore_mem>>)
        %dma_wait3A_1448 = arith.constant 37 : i32
        %dma_wait3A_1449 = arith.constant 0 : i32
        %dma_wait3A_1450 = tpu.memref_slice %arg12[%get3A_1413, %dma_wait3A_1449] : memref<2048x1024xf32, #tpu.memory_space<hbm>> -> memref<1x1024xf32, #tpu.memory_space<hbm>>
        %dma_wait3A_1451 = tpu.memref_squeeze %dma_wait3A_1450 : memref<1x1024xf32, #tpu.memory_space<hbm>> -> memref<1024xf32, #tpu.memory_space<hbm>>
        %dma_wait3A_1452 = arith.constant 0 : i32
        %dma_wait3A_1453 = tpu.memref_slice %arg14[%dma_wait3A_1448, %dma_wait3A_1452] : memref<40x1024xf32, #tpu.memory_space<vmem>> -> memref<1x1024xf32, #tpu.memory_space<vmem>>
        %dma_wait3A_1454 = tpu.memref_squeeze %dma_wait3A_1453 : memref<1x1024xf32, #tpu.memory_space<vmem>> -> memref<1024xf32, #tpu.memory_space<vmem>>
        tpu.wait_dma2 semaphore(%arg17 : memref<!tpu.dma_semaphore, #tpu.memory_space<semaphore_mem>>) src(%dma_wait3A_1454 : memref<1024xf32, #tpu.memory_space<vmem>>) dst(%dma_wait3A_1451 : memref<1024xf32, #tpu.memory_space<hbm>>)
      } else {
      }
      %mul3A_1419 = arith.constant 40 : i32
      %mul3A_1420 = arith.muli %get3A_7, %mul3A_1419 : i32
      %add3A_1421 = arith.constant 38 : i32
      %add3A_1422 = arith.addi %mul3A_1420, %add3A_1421 : i32
      %get3A_1423 = arith.index_cast %add3A_1422 : i32 to index
      %get3A_1424 = memref.load %arg3[%get3A_1423] : memref<2560xi32, #tpu.memory_space<smem>>
      %lt3A_1425 = arith.constant 2048 : i32
      %lt3A_1426 = arith.cmpi slt, %get3A_1424, %lt3A_1425 : i32
      %convert_element_type3A_1427 = arith.extui %lt3A_1426 : i1 to i32
      %cond3A_1428 = arith.constant 0 : i32
      %cond3A_1429 = arith.cmpi ne, %convert_element_type3A_1427, %cond3A_1428 : i32
      scf.if %cond3A_1429 {
        %dma_start3A_1441 = arith.constant 38 : i32
        %dma_start3A_1442 = arith.constant 0 : i32
        %dma_start3A_1443 = tpu.memref_slice %arg12[%get3A_1424, %dma_start3A_1442] : memref<2048x1024xf32, #tpu.memory_space<hbm>> -> memref<1x1024xf32, #tpu.memory_space<hbm>>
        %dma_start3A_1444 = tpu.memref_squeeze %dma_start3A_1443 : memref<1x1024xf32, #tpu.memory_space<hbm>> -> memref<1024xf32, #tpu.memory_space<hbm>>
        %dma_start3A_1445 = arith.constant 0 : i32
        %dma_start3A_1446 = tpu.memref_slice %arg14[%dma_start3A_1441, %dma_start3A_1445] : memref<40x1024xf32, #tpu.memory_space<vmem>> -> memref<1x1024xf32, #tpu.memory_space<vmem>>
        %dma_start3A_1447 = tpu.memref_squeeze %dma_start3A_1446 : memref<1x1024xf32, #tpu.memory_space<vmem>> -> memref<1024xf32, #tpu.memory_space<vmem>>
        tpu.enqueue_dma source(%dma_start3A_1447 : memref<1024xf32, #tpu.memory_space<vmem>>) target(%dma_start3A_1444 : memref<1024xf32, #tpu.memory_space<hbm>>) target_semaphore(%arg17 : memref<!tpu.dma_semaphore, #tpu.memory_space<semaphore_mem>>)
        %dma_wait3A_1448 = arith.constant 38 : i32
        %dma_wait3A_1449 = arith.constant 0 : i32
        %dma_wait3A_1450 = tpu.memref_slice %arg12[%get3A_1424, %dma_wait3A_1449] : memref<2048x1024xf32, #tpu.memory_space<hbm>> -> memref<1x1024xf32, #tpu.memory_space<hbm>>
        %dma_wait3A_1451 = tpu.memref_squeeze %dma_wait3A_1450 : memref<1x1024xf32, #tpu.memory_space<hbm>> -> memref<1024xf32, #tpu.memory_space<hbm>>
        %dma_wait3A_1452 = arith.constant 0 : i32
        %dma_wait3A_1453 = tpu.memref_slice %arg14[%dma_wait3A_1448, %dma_wait3A_1452] : memref<40x1024xf32, #tpu.memory_space<vmem>> -> memref<1x1024xf32, #tpu.memory_space<vmem>>
        %dma_wait3A_1454 = tpu.memref_squeeze %dma_wait3A_1453 : memref<1x1024xf32, #tpu.memory_space<vmem>> -> memref<1024xf32, #tpu.memory_space<vmem>>
        tpu.wait_dma2 semaphore(%arg17 : memref<!tpu.dma_semaphore, #tpu.memory_space<semaphore_mem>>) src(%dma_wait3A_1454 : memref<1024xf32, #tpu.memory_space<vmem>>) dst(%dma_wait3A_1451 : memref<1024xf32, #tpu.memory_space<hbm>>)
      } else {
      }
      %mul3A_1430 = arith.constant 40 : i32
      %mul3A_1431 = arith.muli %get3A_7, %mul3A_1430 : i32
      %add3A_1432 = arith.constant 39 : i32
      %add3A_1433 = arith.addi %mul3A_1431, %add3A_1432 : i32
      %get3A_1434 = arith.index_cast %add3A_1433 : i32 to index
      %get3A_1435 = memref.load %arg3[%get3A_1434] : memref<2560xi32, #tpu.memory_space<smem>>
      %lt3A_1436 = arith.constant 2048 : i32
      %lt3A_1437 = arith.cmpi slt, %get3A_1435, %lt3A_1436 : i32
      %convert_element_type3A_1438 = arith.extui %lt3A_1437 : i1 to i32
      %cond3A_1439 = arith.constant 0 : i32
      %cond3A_1440 = arith.cmpi ne, %convert_element_type3A_1438, %cond3A_1439 : i32
      scf.if %cond3A_1440 {
        %dma_start3A_1441 = arith.constant 39 : i32
        %dma_start3A_1442 = arith.constant 0 : i32
        %dma_start3A_1443 = tpu.memref_slice %arg12[%get3A_1435, %dma_start3A_1442] : memref<2048x1024xf32, #tpu.memory_space<hbm>> -> memref<1x1024xf32, #tpu.memory_space<hbm>>
        %dma_start3A_1444 = tpu.memref_squeeze %dma_start3A_1443 : memref<1x1024xf32, #tpu.memory_space<hbm>> -> memref<1024xf32, #tpu.memory_space<hbm>>
        %dma_start3A_1445 = arith.constant 0 : i32
        %dma_start3A_1446 = tpu.memref_slice %arg14[%dma_start3A_1441, %dma_start3A_1445] : memref<40x1024xf32, #tpu.memory_space<vmem>> -> memref<1x1024xf32, #tpu.memory_space<vmem>>
        %dma_start3A_1447 = tpu.memref_squeeze %dma_start3A_1446 : memref<1x1024xf32, #tpu.memory_space<vmem>> -> memref<1024xf32, #tpu.memory_space<vmem>>
        tpu.enqueue_dma source(%dma_start3A_1447 : memref<1024xf32, #tpu.memory_space<vmem>>) target(%dma_start3A_1444 : memref<1024xf32, #tpu.memory_space<hbm>>) target_semaphore(%arg17 : memref<!tpu.dma_semaphore, #tpu.memory_space<semaphore_mem>>)
        %dma_wait3A_1448 = arith.constant 39 : i32
        %dma_wait3A_1449 = arith.constant 0 : i32
        %dma_wait3A_1450 = tpu.memref_slice %arg12[%get3A_1435, %dma_wait3A_1449] : memref<2048x1024xf32, #tpu.memory_space<hbm>> -> memref<1x1024xf32, #tpu.memory_space<hbm>>
        %dma_wait3A_1451 = tpu.memref_squeeze %dma_wait3A_1450 : memref<1x1024xf32, #tpu.memory_space<hbm>> -> memref<1024xf32, #tpu.memory_space<hbm>>
        %dma_wait3A_1452 = arith.constant 0 : i32
        %dma_wait3A_1453 = tpu.memref_slice %arg14[%dma_wait3A_1448, %dma_wait3A_1452] : memref<40x1024xf32, #tpu.memory_space<vmem>> -> memref<1x1024xf32, #tpu.memory_space<vmem>>
        %dma_wait3A_1454 = tpu.memref_squeeze %dma_wait3A_1453 : memref<1x1024xf32, #tpu.memory_space<vmem>> -> memref<1024xf32, #tpu.memory_space<vmem>>
        tpu.wait_dma2 semaphore(%arg17 : memref<!tpu.dma_semaphore, #tpu.memory_space<semaphore_mem>>) src(%dma_wait3A_1454 : memref<1024xf32, #tpu.memory_space<vmem>>) dst(%dma_wait3A_1451 : memref<1024xf32, #tpu.memory_space<hbm>>)
      } else {
      }
    } else {
    }
    return
  }
  func.func @transform_1(%arg0: i32, %arg1: memref<64xi32, #tpu.memory_space<smem>>, %arg2: memref<1xi32, #tpu.memory_space<smem>>, %arg3: memref<2560xi32, #tpu.memory_space<smem>>, %arg4: memref<2048xi32, #tpu.memory_space<smem>>, %arg5: memref<1xi32, #tpu.memory_space<smem>>) -> (i32, i32) {
    %c0_i32 = arith.constant 0 : i32
    %c0_i32_0 = arith.constant 0 : i32
    %c0_i32_1 = arith.constant 0 : i32
    return %c0_i32, %c0_i32_0 : i32, i32
  }
  func.func @transform_2(%arg0: i32, %arg1: memref<64xi32, #tpu.memory_space<smem>>, %arg2: memref<1xi32, #tpu.memory_space<smem>>, %arg3: memref<2560xi32, #tpu.memory_space<smem>>, %arg4: memref<2048xi32, #tpu.memory_space<smem>>, %arg5: memref<1xi32, #tpu.memory_space<smem>>) -> (i32, i32, i32) {
    %get3A = arith.index_cast %arg0 : i32 to index
    %get3A_0 = memref.load %arg1[%get3A] : memref<64xi32, #tpu.memory_space<smem>>
    %c0_i32 = arith.constant 0 : i32
    %c0_i32_1 = arith.constant 0 : i32
    %c0_i32_2 = arith.constant 0 : i32
    return %get3A_0, %c0_i32, %c0_i32_1 : i32, i32, i32
  }
  func.func @transform_3(%arg0: i32, %arg1: memref<64xi32, #tpu.memory_space<smem>>, %arg2: memref<1xi32, #tpu.memory_space<smem>>, %arg3: memref<2560xi32, #tpu.memory_space<smem>>, %arg4: memref<2048xi32, #tpu.memory_space<smem>>, %arg5: memref<1xi32, #tpu.memory_space<smem>>) -> (i32, i32, i32) {
    %get3A = arith.index_cast %arg0 : i32 to index
    %get3A_0 = memref.load %arg1[%get3A] : memref<64xi32, #tpu.memory_space<smem>>
    %c0_i32 = arith.constant 0 : i32
    %c0_i32_1 = arith.constant 0 : i32
    %c0_i32_2 = arith.constant 0 : i32
    return %get3A_0, %c0_i32, %c0_i32_1 : i32, i32, i32
  }
  func.func @transform_4(%arg0: i32, %arg1: memref<64xi32, #tpu.memory_space<smem>>, %arg2: memref<1xi32, #tpu.memory_space<smem>>, %arg3: memref<2560xi32, #tpu.memory_space<smem>>, %arg4: memref<2048xi32, #tpu.memory_space<smem>>, %arg5: memref<1xi32, #tpu.memory_space<smem>>) -> (i32, i32, i32) {
    %get3A = arith.index_cast %arg0 : i32 to index
    %get3A_0 = memref.load %arg1[%get3A] : memref<64xi32, #tpu.memory_space<smem>>
    %c0_i32 = arith.constant 0 : i32
    %c0_i32_1 = arith.constant 0 : i32
    %c0_i32_2 = arith.constant 0 : i32
    return %get3A_0, %c0_i32, %c0_i32_1 : i32, i32, i32
  }
}

</mosaic_0001>

<sc_bundles>
// kernel: kernel.5.cloned.1.call-start
scs
__scs_entry_jumppad:
0x0: {  	(pc) =	sbr.rel $0x88, $3  }
0x1: {  	(tag) =	ssettag $0x0;
	lr =	simm.s32 $0x1  }
0x2: {  	[smem:$0x3F9C] =	sst lr;
	_ =	strace $0xD0000000  }
0x3: {  	_ = 	snop  }
0x4: {  	_ = 	snop  }
0x5: {  	_ = 	snop  }
0x6: {  	_ = 	snop  }
0x7: {  	_ = 	snop  }
__scs_overlays_trampoline_lowered:
0x8: {  	[smem:$0x3FAB] =	sst s0  }
0x9: {  	[smem:$0x3FAC] =	sst s1  }
0xa: {  	[smem:$0x3FAD] =	sst s2  }
0xb: {  	[smem:$0x3FAE] =	sst s3  }
0xc: {  	[smem:$0x3FAF] =	sst s4  }
0xd: {  	[smem:$0x3FB0] =	sst s5  }
0xe: {  	[smem:$0x3FB1] =	sst s6  }
0xf: {  	[smem:$0x3FB2] =	sst s7  }
0x10: {  	[smem:$0x3FB3] =	sst s8  }
0x11: {  	[smem:$0x3FB4] =	sst s9;
	s0 =	simm.s32 @!p0 $0x0  }
0x12: {  	s1 =	sld [smem:$0x3F9A];
	s0 =	simm.s32 @p0 $0x1  }
0x13: {  	[smem:$0x3FB5] =	sst s0;
	s0 =	simm.s32 @!p1 $0x0  }
0x14: {  	s2 =	sld [smem:$0x3F99];
	s0 =	simm.s32 @p1 $0x1  }
0x15: {  	[smem:$0x3FB6] =	sst s0;
	s0 =	simm.s32 @!p2 $0x0  }
0x16: {  	s3 =	sld [smem:$0x3FDB];
	s0 =	simm.s32 @p2 $0x1  }
0x17: {  	s4 =	simm.s32 $0x1BF5;
	[smem:$0x3FB8] =	sst s0  }
0x18: {  	s0 =	sld [smem:$0x3F9B];
	_ =	swait.ge [sflag:s4], $0x0  }
0x19: {  	s7 =	sld [smem:$0x3F9C]  }
0x1a: {  	s8 =	sadd.s32 $0xFFFFE003, lr  }
0x1b: {  	s9 =	sadd.s32 $0xFFFFFEF7, lr;
	s5 =	simm.s32 $0xFFFFFFFF;
	p2 =	slt.u32 s8, $0xFFFFF086  }
0x1c: {  	p1 =	slt.u32 s9, $0xF7A;
	s5 =	simm.s32 @!p2 $0x0  }
0x1d: {  	s5 =	simm.s32 @p1 $0x1;
	p0 =	seq.s32 s7, s2  }
0x1e: {  	s7 =	smul.u32 @!p0 $0xF7A, s2;
	p2 =	seq.s32 @!p0 s5, $0x0  }
0x1f: {  	s9 =	smul.u32 $0xF7A, s1;
	s8 =	simm.s32 @!p0 $0x1BF5;
	p2 =	por !p2, p0  }
0x20: {  	[sflag:s8] =	ssyncset.s32 @!p0 $0xFFFFF086;
	s6 =	sadd.s32 @!p0 s3, s7;
	s7 =	simm.s32 @!p0 $0x108  }
0x21: {  	s3 =	sadd.s32 s3, s9;
	s6 =	sadd.s32 @!p0 $0x88, s6;
	s7 =	simm.s32 @p2 $0x1082  }
0x22: {  	[simem:s7], [sflag:s8] =	dma.local @!p0 [hbm:s6], $0xF7A  }
0x23: {  	s9 =	sor.u32 $0xD0000000, s2;
	s6 =	simm.s32 $0x108;
	_ =	swait.ge @!p0 [sflag:s8], $0x0  }
0x24: {  	s3 =	sadd.s32 $0x88, s3;
	s6 =	simm.s32 @!p1 $0x1082;
	[sflag:s4] =	ssyncset.s32 $0xFFFFF086  }
0x25: {  	[simem:s6], [sflag:s4] =	dma.local [hbm:s3], $0xF7A  }
0x26: {  	[smem:$0x3F9C] =	sst s1;
	(tag) =	ssettag s2;
	_ =	strace s9  }
0x27: {  	s1 =	sld [smem:$0x3FAC]  }
0x28: {  	s2 =	sld [smem:$0x3FAD]  }
0x29: {  	s4 =	sld [smem:$0x3FAF]  }
0x2a: {  	p0 =	seq.s32 s5, $0x0;
	s5 =	sld [smem:$0x3FB0]  }
0x2b: {  	s6 =	sld [smem:$0x3FB1]  }
0x2c: {  	s7 =	sld [smem:$0x3FB2]  }
0x2d: {  	s3 =	simm.s32 $0x108;
	s8 =	sld [smem:$0x3FB3]  }
0x2e: {  	s3 =	simm.s32 @!p0 $0x1082;
	s9 =	sld [smem:$0x3FB4]  }
0x2f: {  	lr =	sadd.s32 s0, s3;
	s0 =	sld [smem:$0x3FAB]  }
0x30: {  	s3 =	sld [smem:$0x3FAE]  }
0x31: {  	[smem:$0x3FB7] =	sst s10  }
0x32: {  	s10 =	sld [smem:$0x3FB5];
	_ =	sdelay $0x3  }
0x33: {  	p0 =	seq.s32 s10, $0x1;
	s10 =	sld [smem:$0x3FB7];
	_ =	sdelay $0x3  }
0x34: {  	[smem:$0x3FB7] =	sst s10  }
0x35: {  	s10 =	sld [smem:$0x3FB6];
	_ =	sdelay $0x3  }
0x36: {  	p1 =	seq.s32 s10, $0x1;
	s10 =	sld [smem:$0x3FB7];
	_ =	sdelay $0x3  }
0x37: {  	[smem:$0x3FB7] =	sst s10  }
0x38: {  	s10 =	sld [smem:$0x3FB8]  }
0x39: {  	_ = 	snop;
	(pc) =	sbr.ind lr, $3  }
0x3a: {  	_ = 	snop  }
0x3b: {  	_ = 	snop  }
0x3c: {  	p2 =	seq.s32 s10, $0x1;
	s10 =	sld [smem:$0x3FB7]  }
0x3d: {  	_ =	shalt  }
0x3e: {  	_ =	shalt  }
0x3f: {  	_ =	shalt  }
0x40: {  	_ =	shalt  }
0x41: {  	_ =	shalt  }
0x42: {  	_ =	shalt  }
0x43: {  	_ =	shalt  }
0x44: {  	_ =	shalt  }
0x45: {  	_ =	shalt  }
0x46: {  	_ =	shalt  }
0x47: {  	_ =	shalt  }
0x48: {  	_ =	shalt  }
0x49: {  	_ =	shalt  }
0x4a: {  	_ =	shalt  }
0x4b: {  	_ =	shalt  }
0x4c: {  	_ =	shalt  }
0x4d: {  	_ =	shalt  }
0x4e: {  	_ =	shalt  }
0x4f: {  	_ =	shalt  }
0x50: {  	_ =	shalt  }
0x51: {  	_ =	shalt  }
0x52: {  	_ =	shalt  }
0x53: {  	_ =	shalt  }
0x54: {  	_ =	shalt  }
0x55: {  	_ =	shalt  }
0x56: {  	_ =	shalt  }
0x57: {  	_ =	shalt  }
0x58: {  	_ =	shalt  }
0x59: {  	_ =	shalt  }
0x5a: {  	_ =	shalt  }
0x5b: {  	_ =	shalt  }
0x5c: {  	_ =	shalt  }
0x5d: {  	_ =	shalt  }
0x5e: {  	_ =	shalt  }
0x5f: {  	_ =	shalt  }
0x60: {  	_ =	shalt  }
0x61: {  	_ =	shalt  }
0x62: {  	_ =	shalt  }
0x63: {  	_ =	shalt  }
0x64: {  	_ =	shalt  }
0x65: {  	_ =	shalt  }
0x66: {  	_ =	shalt  }
0x67: {  	_ =	shalt  }
0x68: {  	_ =	shalt  }
0x69: {  	_ =	shalt  }
0x6a: {  	_ =	shalt  }
0x6b: {  	_ =	shalt  }
0x6c: {  	_ =	shalt  }
0x6d: {  	_ =	shalt  }
0x6e: {  	_ =	shalt  }
0x6f: {  	_ =	shalt  }
0x70: {  	_ =	shalt  }
0x71: {  	_ =	shalt  }
0x72: {  	_ =	shalt  }
0x73: {  	_ =	shalt  }
0x74: {  	_ =	shalt  }
0x75: {  	_ =	shalt  }
0x76: {  	_ =	shalt  }
0x77: {  	_ =	shalt  }
0x78: {  	_ =	shalt  }
0x79: {  	_ =	shalt  }
0x7a: {  	_ =	shalt  }
0x7b: {  	_ =	shalt  }
0x7c: {  	_ =	shalt  }
0x7d: {  	_ =	shalt  }
0x7e: {  	_ =	shalt  }
0x7f: {  	_ =	shalt  }
0x80: {  	_ =	shalt  }
0x81: {  	_ =	shalt  }
0x82: {  	_ =	shalt  }
0x83: {  	_ =	shalt  }
0x84: {  	_ =	shalt  }
0x85: {  	_ =	shalt  }
0x86: {  	_ =	shalt  }
0x87: {  	_ =	shalt  }
.Lfunc_end0:
.L_simem_size_0:
called_computation_lowered:
.L_overlay_start_0:
0x88: {  	s2 =	sld [smem:$0x3FD9]  }
0x89: {  	s3 =	sld [smem:$0x3FFE];
	_ =	sdelay $0x1  }
0x8a: {  	s1 =	srdreg.scid  }
0x8b: {  	s0 =	sand.u32 $0x1, s1  }
0x8c: {  	s18 =	sshll.u32 s0, $0xA;
	s2 =	sadd.s32 s3, s2  }
0x8d: {  	s2 =	sadd.s32 s2, s18  }
0x8e: {  	[smem:$0x3FC3] =	sst s2  }
0x8f: {  	_ = 	snop  }
0x90: {  	s2 =	sld [smem:$0x3FC9]  }
0x91: {  	s19 =	sld [smem:$0x3FD0];
	(tm) =	ssettm $0x1  }
0x92: {  	s4 =	sld [smem:$0x3FFB];
	_ =	sdelay $0x3  }
0x93: {  	_ =	strace s4  }
0x94: {  	s4 =	sld [smem:$0x3FFC];
	_ =	sdelay $0x3  }
0x95: {  	_ =	strace s4  }
0x96: {  	s4 =	sld [smem:$0x3FFD];
	_ =	sdelay $0x3  }
0x97: {  	_ =	strace s4  }
0x98: {  	_ =	strace $0x8FFFFFFF  }
0x99: {  	s20 =	sld [smem:$0x3FDB];
	_ =	sdelay $0x1  }
0x9a: {  	s5 =	simm.s32 $_scs_section_size  }
0x9b: {  	s6 =	simm.s32 $_size__tile_overlayer_lowered;
	s7 =	simm.s32 $_tile_overlayer_lowered  }
0x9c: {  	s23 =	simm.s32 $0x1BFF;
	s22 =	sshll.u32 s7, $0x1;
	s4 =	sadd.s32 s5, s20  }
0x9d: {  	s8 =	simm.s32 $0x0;
	s21 =	sshll.u32 s6, $0x1;
	s6 =	sadd.s32 s22, s4  }
0x9e: {  	[timem:s8], [sflag:s23] =	dma.local [hbm:s6], s21  }
0x9f: {  	_ =	swait.ge [sflag:s23], s21  }
0xa0: {  	s5 =	ssub.s32 $0x0, s21;
	[sflag:s23] =	ssyncset.done $0x0  }
0xa1: {  	[sflag:s23] =	ssyncadd.s32 s5;
	_ =	sdelay $0x1  }
0xa2: {  	s24 =	simm.s32 $0x1B8B  }
0xa3: {  	_ =	swait.ge [sflag:s24], $0x1  }
0xa4: {  	[sflag:s24] =	ssyncset.done $0x0  }
0xa5: {  	s25 =	simm.s32 $0x1B8E;
	[sflag:s24] =	ssyncadd.s32 $0xFFFFFFFF  }
0xa6: {  	s26 =	simm.s32 $execute0_lowered;
	[smem:$0x3FD2] =	sst s25  }
0xa7: {  	s5 =	sshll.u32 s26, $0x1;
	_ =	strace $0x80000046;
	[dreg:$0x1] =	wrdreg $0xFFFFFFFF  }
0xa8: {  	s28 =	simm.s32 $_size_execute0_lowered;
	s4 =	sadd.s32 s4, s5;
	[dreg:$0x0] =	wrdreg $0x0  }
0xa9: {  	s5 =	sshll.u32 s28, $0x1;
	[dreg:$0x2] =	wrdreg s4  }
0xaa: {  	[dreg:$0x3] =	wrdreg s5  }
0xab: {  	[dreg:$0x4] =	wrdreg $0xC0  }
0xac: {  	_ =	task [dreg:s8], $0x5FFFF  }
0xad: {  	[dreg:$0x1] =	wrdreg $0xFFFFFFFF  }
0xae: {  	[dreg:$0x0] =	wrdreg $0x60  }
0xaf: {  	[dreg:$0x2] =	wrdreg s2  }
0xb0: {  	[dreg:$0x3] =	wrdreg s19  }
0xb1: {  	[dreg:$0x4] =	wrdreg $0x9  }
0xb2: {  	_ =	task.clear_ibuf [dreg:s8], $0x5FFFF;
	_ =	strace $0x90000046  }
0xb3: {  	s29 =	simm.s32 $0x9;
	_ =	strace $0x80000048  }
0xb4: {  	_ =	swait.ge [sflag:s29], $0x1  }
0xb5: {  	[sflag:s29] =	ssyncadd.s32 $0xFFFFFFFF  }
0xb6: {  	_ =	strace $0x90000048  }
0xb7: {  	_ =	sfence  }
0xb8: {  	s30 =	sld [smem:$0x0];
	_ =	sdelay $0x2  }
0xb9: {  	s31 =	sshll.u32 s1, $0xD;
	s1 =	sshrl.u32 s1, $0x2  }
0xba: {  	s3 =	sand.u32 $0x4000, s31;
	s1 =	sadd.s32 s1, s30  }
0xbb: {  	s0 =	sor.u32 s3, s0;
	s1 =	sshll.u32 s1, $0x11  }
0xbc: {  	s0 =	sor.u32 s1, s0  }
0xbd: {  	s0 =	sadd.s32 $0x8F2B, s0  }
0xbe: {  	[sflag:s0] =	ssyncadd.remote.s32 $0x1  }
0xbf: {  	_ =	sfence.sel $0xFFFF  }
0xc0: {  	[dreg:$0x0] =	wrdreg $0xFFFFFFFF;
	(pc) =	sbr.abs _section_cstart, $3  }
0xc1: {  	[dreg:$0x1] =	wrdreg $0xFFFFFFFF  }
0xc2: {  	_ =	task.clear_ibuf [dreg:s8], $0x2FFFF;
	_ =	strace $0x9FFFFFFF  }
0xc3: {  	(tm) =	ssettm $0x7FFFFFFF  }
tec
execute0_lowered:
.L_overlay_start_1:
0x0: {  	(tag) =	ssettag $0x1  }
0x1: {  	s3 =	rddreg [dreg:$0x0]  }
0x2: {  	s5 =	rddreg [dreg:$0x1]  }
0x3: {  	s0 =	rddreg [dreg:$0x2];
	s4 =	srdreg.scid  }
0x4: {  	s2 =	simm.s32 $0x0;
	s1 =	stileid.u32;
	s4 =	sand.u32 $0x1, s4  }
0x5: {  	s7 =	sshll.u32 s1, $0xD;
	s6 =	sshll.u32 s4, $0x11;
	s30 =	ssub.s32 $0x2, s4  }
0x6: {  	[smem:$0x7FF] =	sst s2;
	s6 =	sor.u32 s7, s6;
	s8 =	sshrl.u32 s30, $0x1  }
0x7: {  	_ =	strace $0x80000047;
	s4 =	sadd.s32 s3, s6;
	s7 =	ssub.s32 s30, s8  }
0x8: {  	[tilespmem:s2], [sflag:$0x1] =	stream.linear.gather [hbm4b:s4+s2], $0x10000, $0x38;
	[tilespmem:$0x10000] =	vst v63  }
0x9: {  	s3 =	simm.s32 $0x1;
	s31 =	smax.u32 s7, $0x1  }
0xa: {  	_ =	swait.ge [sflag:s3], $0x10000;
	p0 =	sne.s32 s31, $0x1  }
.Ltmp0:
0xb: {  	[sflag:s3] =	ssyncset.done $0x0;
	(pc) =	sbr.rel @!p0 .LBB2_2-.Ltmp0, $4  }
0xc: {  	s5 =	sadd.s32 s5, s6;
	[sflag:s3] =	ssyncadd.s32 $0xFFFF0000  }
0xd: {  	[hbm4b:s5+s2] =	stream.linear.scatter [tilespmem:s2], [sflag:$0x1], $0x10000, $0x38;
	[tilespmem:$0x10000] =	vst v63  }
0xe: {  	_ =	swait.ge [sflag:s3], $0x10000  }
0xf: {  	s6 =	sadd.s32 $0xFFFFFFFF, s31;
	[sflag:s3] =	ssyncset.done $0x0  }
.LBB2_1:
0x10: {  	p0 =	sne.s32 s6, $0x1;
	s6 =	sadd.s32 $0xFFFFFFFF, s6;
	[sflag:s3] =	ssyncadd.s32 $0xFFFF0000  }
0x11: {  	[tilespmem:s2], [sflag:$0x1] =	stream.linear.gather [hbm4b:s4+s2], $0x10000, $0x38;
	[tilespmem:$0x10000] =	vst v63  }
0x12: {  	_ =	swait.ge [sflag:s3], $0x10000  }
.Ltmp1:
0x13: {  	[sflag:s3] =	ssyncset.done $0x0;
	(pc) =	sbr.rel @p0 .LBB2_1-.Ltmp1, $4  }
0x14: {  	[sflag:s3] =	ssyncadd.s32 $0xFFFF0000  }
0x15: {  	[hbm4b:s5+s2] =	stream.linear.scatter [tilespmem:s2], [sflag:$0x1], $0x10000, $0x38;
	[tilespmem:$0x10000] =	vst v63  }
0x16: {  	_ =	swait.ge [sflag:s3], $0x10000  }
0x17: {  	[sflag:s3] =	ssyncset.done $0x0  }
.LBB2_2:
0x18: {  	[sflag:s3] =	ssyncadd.s32 $0xFFFF0000  }
0x19: {  	_ =	sfence.sel $0x180000  }
0x1a: {  	[bflag:$0x0] =	sbarrier.arrive $0xFFFF  }
0x1b: {  	p0 =	sne.s32 s1, $0x0;
	_ =	strace $0x90000047  }
0x1c: {  	s0 =	sadd.s32 @!p0 $0x100000, s0;
	[bflag:$0x2] =	sbarrier.arrive $0xFFFF  }
0x1d: {  	[sflag:s0] =	ssyncadd.tile.s32 @!p0 $0x1;
	_ =	shalt  }
.Lfunc_end2:
_tile_overlayer_lowered:
.L_overlay_start_2:
0x1e: {  	(tag) =	ssettag $0x2  }
0x1f: {  	s0 =	rddreg [dreg:$0x0];
	s2 =	stileid.u32  }
0x20: {  	s1 =	rddreg [dreg:$0x1];
	p0 =	sne.s32 s2, $0x0  }
0x21: {  	s3 =	rddreg [dreg:$0x2];
	[bflag:$0x3] =	sbarrier.arrive $0xFFFF;
	s2 =	simm.s32 @!p0 $0x1C01  }
0x22: {  	[timem:s3], [sflag:s2] =	dma.local @!p0 [hbm:s0], s1  }
0x23: {  	s0 =	simm.s32 @!p0 $0x1  }
0x24: {  	_ =	swait.ge @!p0 [sflag:s0], s1  }
0x25: {  	s1 =	ssub.s32 @!p0 $0x0, s1;
	[sflag:s0] =	ssyncset.done @!p0 $0x0  }
0x26: {  	[sflag:s0] =	ssyncadd.s32 @!p0 s1  }
0x27: {  	[bflag:$0x3] =	sbarrier.arrive $0xFFFF  }
0x28: {  	_ =	shalt  }

</sc_bundles>
